<compile_context>
chip_gen: v7x
topology: tpu7x:2x2x1
jax: 0.10.2.dev20260603
libtpu: 0.0.44.dev20260713+nightly
codegen_flags: <defaults>
</compile_context>

<pallas_src>
import functools

import jax
import jax.numpy as jnp
from jax import lax
from jax.experimental import pallas as pl
from jax.experimental.pallas import tpu as pltpu
from jax.experimental.pallas import tpu_sc as plsc

NC = 2
NS = 16
NW = NC * NS




def _tc1_body(x_ref, w0_ref, b0_ref, h_ref):
    h_ref[...] = jax.nn.relu(
        jnp.dot(x_ref[...], w0_ref[...], preferred_element_type=jnp.float32,
                precision=lax.Precision.HIGHEST)
        + b0_ref[...]
    )


def _tc2_body(h_ref, p_ref, wroot_ref, we_ref, bconv_ref, out_ref):
    a = p_ref[0] + p_ref[1]
    out_ref[...] = (
        jnp.dot(h_ref[...], wroot_ref[...], preferred_element_type=jnp.float32,
                precision=lax.Precision.HIGHEST)
        + jnp.dot(a, we_ref[...], preferred_element_type=jnp.float32,
                precision=lax.Precision.HIGHEST)
        + bconv_ref[...]
    )


def _tc3_body(emb_ref, w1_ref, b1_ref, w2_ref, b2_ref, out_ref):
    ee = jax.nn.relu(
        jnp.dot(emb_ref[...], w1_ref[...], preferred_element_type=jnp.float32)
        + b1_ref[...]
    )
    score_t = lax.dot_general(w2_ref[...], ee, (((0,), (1,)), ((), ())),
                              preferred_element_type=jnp.float32)
    out_ref[...] = score_t + b2_ref[...]



CHUNK = 128


NBUF = 8
PF = 4


def _sc_segsum_body(h_hbm, src2_hbm, dst2_hbm, part_hbm, *sc,
                    nch, rows_per_sub, rows_last):
    sidx_v, didx_v = sc[0], sc[1]
    rows = sc[2:2 + NBUF]
    zrow_v, acc_sh = sc[2 + NBUF], sc[3 + NBUF]
    gsem = sc[4 + NBUF:4 + 2 * NBUF]
    ssem = sc[4 + 2 * NBUF:4 + 3 * NBUF]
    cid = lax.axis_index("c")
    sid = lax.axis_index("s")
    wid = sid * NC + cid

    zchunk = zrow_v.shape[0]

    @pl.loop(0, zchunk)
    def _zero_buf(i):
        zrow_v[i, :] = jnp.zeros((16,), jnp.float32)

    @pl.loop(0, rows_per_sub // zchunk)
    def _zero_acc(k):
        pltpu.sync_copy(zrow_v, acc_sh.at[pl.ds(sid * rows_per_sub + k * zchunk, zchunk)])

    base = wid * nch
    pltpu.sync_copy(src2_hbm.at[pl.ds(base, nch)], sidx_v)
    pltpu.sync_copy(dst2_hbm.at[pl.ds(base, nch)], didx_v)
    plsc.subcore_barrier()

    def _wait_gather(j, b):
        pltpu.make_async_copy(h_hbm.at[sidx_v.at[j]], rows[b], gsem[b]).wait()

    def _wait_scatter(j, b):
        pltpu.make_async_copy(rows[b], acc_sh.at[didx_v.at[j]], ssem[b]).wait()

    def _step(j, b):
        _wait_gather(j, b)
        pltpu.async_copy(rows[b], acc_sh.at[didx_v.at[j]], ssem[b], add=True)
        b2 = (b + PF) % NBUF

        @pl.when(j >= PF)
        def _w():
            _wait_scatter(j, b2)

        pltpu.async_copy(h_hbm.at[sidx_v.at[j + PF]], rows[b2], gsem[b2])

    for k in range(PF):
        pltpu.async_copy(h_hbm.at[sidx_v.at[k]], rows[k], gsem[k])

    main_end = ((nch - PF - 1) // NBUF) * NBUF

    @pl.loop(0, main_end, step=NBUF)
    def _main(jj):
        for b in range(NBUF):
            _step(jj + b, b)

    for j in range(main_end, nch):
        b = j % NBUF
        _wait_gather(j, b)
        pltpu.async_copy(rows[b], acc_sh.at[didx_v.at[j]], ssem[b], add=True)
        if j >= PF:
            _wait_scatter(j, (j + PF) % NBUF)
        if j + PF < nch:
            b2 = (j + PF) % NBUF
            pltpu.async_copy(h_hbm.at[sidx_v.at[j + PF]], rows[b2], gsem[b2])
    for j in range(max(0, nch - PF), nch):
        _wait_scatter(j, j % NBUF)

    plsc.subcore_barrier()

    @pl.when(sid < NS - 1)
    def _full():
        pltpu.sync_copy(acc_sh.at[pl.ds(sid * rows_per_sub, rows_per_sub)],
                        part_hbm.at[cid, pl.ds(sid * rows_per_sub, rows_per_sub)])

    @pl.when(sid == NS - 1)
    def _clipped():
        pltpu.sync_copy(acc_sh.at[pl.ds((NS - 1) * rows_per_sub, rows_last)],
                        part_hbm.at[cid, pl.ds((NS - 1) * rows_per_sub, rows_last)])


def _sc_edgemul_body(out_hbm, src2_hbm, dst2_hbm, emb_hbm, *sc, nch):
    sidx_v, didx_v = sc[0], sc[1]
    srows = sc[2:2 + NBUF]
    drows = sc[2 + NBUF:2 + 2 * NBUF]
    gsS = sc[2 + 2 * NBUF:2 + 3 * NBUF]
    gsD = sc[2 + 3 * NBUF:2 + 4 * NBUF]
    wsem = sc[2 + 4 * NBUF:2 + 5 * NBUF]
    cid = lax.axis_index("c")
    sid = lax.axis_index("s")
    wid = sid * NC + cid

    base = wid * nch
    pltpu.sync_copy(src2_hbm.at[pl.ds(base, nch)], sidx_v)
    pltpu.sync_copy(dst2_hbm.at[pl.ds(base, nch)], didx_v)

    def _wr_dst(j):
        return emb_hbm.at[pl.ds((base + j) * CHUNK, CHUNK)]

    def _start_gathers(j, b):
        pltpu.async_copy(out_hbm.at[sidx_v.at[j]], srows[b], gsS[b])
        pltpu.async_copy(out_hbm.at[didx_v.at[j]], drows[b], gsD[b])

    def _wait_writeout(j, b):
        pltpu.make_async_copy(srows[b], _wr_dst(j), wsem[b]).wait()

    def _process(j, b):
        cur_s, cur_d = srows[b], drows[b]
        pltpu.make_async_copy(out_hbm.at[sidx_v.at[j]], cur_s, gsS[b]).wait()
        pltpu.make_async_copy(out_hbm.at[didx_v.at[j]], cur_d, gsD[b]).wait()

        @pl.loop(0, CHUNK, unroll=8)
        def _mul(r):
            cur_s[r, :] = cur_s[r, :] * cur_d[r, :]

        pltpu.async_copy(cur_s, _wr_dst(j), wsem[b])

    for k in range(PF):
        _start_gathers(k, k)

    main_end = ((nch - PF - 1) // NBUF) * NBUF

    @pl.loop(0, main_end, step=NBUF)
    def _main(jj):
        for b in range(NBUF):
            j = jj + b
            _process(j, b)
            b2 = (b + PF) % NBUF

            @pl.when(j >= PF)
            def _w():
                _wait_writeout(j, b2)

            _start_gathers(j + PF, b2)

    for j in range(main_end, nch):
        b = j % NBUF
        _process(j, b)
        if j >= PF:
            _wait_writeout(j, (j + PF) % NBUF)
        if j + PF < nch:
            _start_gathers(j + PF, (j + PF) % NBUF)
    for j in range(max(0, nch - PF), nch):
        _wait_writeout(j, j % NBUF)



def kernel(x, edge_index, W0, b0, We1, be1, We2, be2, Wroot, bconv, W1, b1,
           W2, b2):
    n, d = x.shape
    e = edge_index.shape[1]
    h_dim = W0.shape[1]

    e1 = jax.nn.relu(We1[0] + be1)
    w_e = (e1 @ We2 + be2).reshape(h_dim, h_dim)

    P = 128 // h_dim
    eyeP = jnp.eye(P, dtype=jnp.float32)
    W0big = jnp.kron(eyeP, W0)
    b0big = jnp.tile(b0, P).reshape(1, P * h_dim)
    Wrootbig = jnp.kron(eyeP, Wroot)
    Webig = jnp.kron(eyeP, w_e)
    bconvbig = jnp.tile(bconv, P).reshape(1, P * h_dim)
    W1big = jnp.kron(eyeP, W1)
    b1big = jnp.tile(b1, P).reshape(1, P * 8)
    W2big = jnp.kron(eyeP, W2)

    h_p = pl.pallas_call(
        _tc1_body,
        out_shape=jax.ShapeDtypeStruct((n // P, P * h_dim), jnp.float32),
    )(x.reshape(n // P, P * d), W0big, b0big)
    h = h_p.reshape(n, h_dim)

    chunks = -(-e // (CHUNK * NW)) * NW
    nch = chunks // NW
    pad_e = chunks * CHUNK - e
    src = edge_index[0]
    dst = edge_index[1]
    src2 = jnp.concatenate(
        [src, jnp.zeros((pad_e,), jnp.int32)]).reshape(chunks, CHUNK)
    dstA = jnp.concatenate(
        [dst, jnp.full((pad_e,), n, jnp.int32)]).reshape(chunks, CHUNK)
    dstB = jnp.concatenate(
        [dst, jnp.zeros((pad_e,), jnp.int32)]).reshape(chunks, CHUNK)
    rows_per_sub = -(-n // (8 * NS)) * 8
    npad = rows_per_sub * NS
    zchunk = rows_per_sub // 4
    mesh = plsc.VectorSubcoreMesh(core_axis_name="c", subcore_axis_name="s",
                                  num_cores=NC, num_subcores=NS)
    rows_last = n - rows_per_sub * (NS - 1)
    seg = functools.partial(_sc_segsum_body, nch=nch,
                            rows_per_sub=rows_per_sub, rows_last=rows_last)
    partials = pl.kernel(
        seg,
        out_type=jax.ShapeDtypeStruct((NC, n, h_dim), jnp.float32),
        mesh=mesh,
        scratch_types=(
            [pltpu.VMEM((nch, CHUNK), jnp.int32)] * 2
            + [pltpu.VMEM((CHUNK, h_dim), jnp.float32)] * NBUF
            + [pltpu.VMEM((zchunk, h_dim), jnp.float32),
               pltpu.VMEM_SHARED((npad, h_dim), jnp.float32)]
            + [pltpu.SemaphoreType.DMA] * (2 * NBUF)
        ),
        compiler_params=pltpu.CompilerParams(use_tc_tiling_on_sc=False),
    )(h, src2, dstA)

    part_p = partials.reshape(NC, n // P, P * h_dim)
    out_p = pl.pallas_call(
        _tc2_body,
        out_shape=jax.ShapeDtypeStruct((n // P, P * h_dim), jnp.float32),
    )(h_p, part_p, Wrootbig, Webig, bconvbig)
    out = out_p.reshape(n, h_dim)

    mul = functools.partial(_sc_edgemul_body, nch=nch)
    emb = pl.kernel(
        mul,
        out_type=jax.ShapeDtypeStruct((chunks * CHUNK, h_dim), jnp.float32),
        mesh=mesh,
        scratch_types=(
            [pltpu.VMEM((nch, CHUNK), jnp.int32)] * 2
            + [pltpu.VMEM((CHUNK, h_dim), jnp.float32)] * (2 * NBUF)
            + [pltpu.SemaphoreType.DMA] * (3 * NBUF)
        ),
        compiler_params=pltpu.CompilerParams(use_tc_tiling_on_sc=False),
    )(out, src2, dstB)

    ep = chunks * CHUNK // P
    emb_p = emb.reshape(ep, P * h_dim)
    blk = ep // 4
    score = pl.pallas_call(
        _tc3_body,
        grid=(ep // blk,),
        in_specs=[
            pl.BlockSpec((blk, P * h_dim), lambda i: (i, 0)),
            pl.BlockSpec((P * h_dim, P * 8), lambda i: (0, 0)),
            pl.BlockSpec((1, P * 8), lambda i: (0, 0)),
            pl.BlockSpec((P * 8, P), lambda i: (0, 0)),
            pl.BlockSpec((1, 1), lambda i: (0, 0)),
        ],
        out_specs=pl.BlockSpec((P, blk), lambda i: (0, i)),
        out_shape=jax.ShapeDtypeStruct((P, ep), jnp.float32),
    )(emb_p, W1big, b1big, W2big, b2.reshape(1, 1))

    return score.T.reshape(-1)[:e]

# --- scband reference (transcript-rebuilt; emitter-appended) ---
"""Pipeline reference for scband-cx-model-19636590478129 (READ-ONLY COPY).

The authoritative reference and input builder live on the scoring server;
editing this copy changes nothing except your own understanding.
"""

import jax, jax.numpy as jnp
import numpy as np

N = 10000   # n_nodes
E = 320000  # n_edges
D = 128     # d_feat (graph.x.size(-1))
H = 16      # h_dim


def setup_inputs(seed: int = 0) -> dict:
    key = jax.random.key(seed)
    ks = jax.random.split(key, 16)
    x = jax.random.normal(ks[0], (N, D), dtype=jnp.float32)
    edge_index = jax.random.randint(ks[1], (2, E), 0, N, dtype=jnp.int32)
    # lin0: D -> H
    W0 = jax.random.normal(ks[2], (D, H), dtype=jnp.float32) / np.sqrt(D)
    b0 = jnp.zeros((H,), dtype=jnp.float32)
    # edge_nn: Lin(1->H), ReLU, Lin(H->H*H)
    We1 = jax.random.normal(ks[3], (1, H), dtype=jnp.float32)
    be1 = jnp.zeros((H,), dtype=jnp.float32)
    We2 = jax.random.normal(ks[4], (H, H * H), dtype=jnp.float32) / np.sqrt(H)
    be2 = jnp.zeros((H * H,), dtype=jnp.float32)
    # NNConv root weight + bias (in_channels=H, out_channels=H)
    Wroot = jax.random.normal(ks[5], (H, H), dtype=jnp.float32) / np.sqrt(H)
    bconv = jnp.zeros((H,), dtype=jnp.float32)
    # lin1: H -> 8
    W1 = jax.random.normal(ks[6], (H, 8), dtype=jnp.float32) / np.sqrt(H)
    b1 = jnp.zeros((8,), dtype=jnp.float32)
    # lin2: 8 -> 1
    W2 = jax.random.normal(ks[7], (8, 1), dtype=jnp.float32) / np.sqrt(8)
    b2 = jnp.zeros((1,), dtype=jnp.float32)
    return {"x": x, "edge_index": edge_index, "W0": W0, "b0": b0,
            "We1": We1, "be1": be1, "We2": We2, "be2": be2,
            "Wroot": Wroot, "bconv": bconv, "W1": W1, "b1": b1,
            "W2": W2, "b2": b2}


def reference(x, edge_index, W0, b0, We1, be1, We2, be2, Wroot, bconv, W1, b1, W2, b2):
    # x = relu(lin0(flatten(x)))
    h = jax.nn.relu(x @ W0 + b0)
    # edge_attr = ones((E, 1))
    Ecur = edge_index.shape[1]
    edge_attr = jnp.ones((Ecur, 1), dtype=h.dtype)
    # NNConv: per-edge weight from edge_nn
    e1 = jax.nn.relu(edge_attr @ We1 + be1)          # [E, H]
    w = (e1 @ We2 + be2).reshape(Ecur, H, H)          # [E, H, H]
    src = edge_index[0]
    dst = edge_index[1]
    xj = h[src]                                       # gather [E, H]
    m = jnp.einsum('ef,efo->eo', xj, w)               # per-edge matmul [E, H]
    aggr = jax.ops.segment_sum(m, dst, num_segments=h.shape[0])  # scatter-add [N, H]
    out = h @ Wroot + aggr + bconv                    # NNConv root + bias
    # edge scoring head
    edge_emb = out[src] * out[dst]                    # gather-gather-mul [E, H]
    ee = jax.nn.relu(edge_emb @ W1 + b1)              # [E, 8]
    edge_score = (ee @ W2 + b2).reshape(-1)           # [E]
    return edge_score

if __name__ == "__main__":
    import jax
    _d = setup_inputs()
    print(jax.jit(kernel)(*tuple(_d.values())))

</pallas_src>

<mosaic_0001>
#map = affine_map<(d0, d1) -> (0, 0)>
#map1 = affine_map<(d0, d1) -> (0, 0, 0)>
module attributes {stable_mosaic.version = 14 : i64} {
  func.func @_sc_segsum_body(%arg0: i32, %arg1: i32, %arg2: memref<10000x16xf32, #tpu.memory_space<hbm>>, %arg3: memref<2528x128xi32, #tpu.memory_space<hbm>>, %arg4: memref<2528x128xi32, #tpu.memory_space<hbm>>, %arg5: memref<2x10000x16xf32, #tpu.memory_space<hbm>>, %arg6: memref<79x128xi32, #tpu.memory_space<vmem>>, %arg7: memref<79x128xi32, #tpu.memory_space<vmem>>, %arg8: memref<128x16xf32, #tpu.memory_space<vmem>>, %arg9: memref<128x16xf32, #tpu.memory_space<vmem>>, %arg10: memref<128x16xf32, #tpu.memory_space<vmem>>, %arg11: memref<128x16xf32, #tpu.memory_space<vmem>>, %arg12: memref<128x16xf32, #tpu.memory_space<vmem>>, %arg13: memref<128x16xf32, #tpu.memory_space<vmem>>, %arg14: memref<128x16xf32, #tpu.memory_space<vmem>>, %arg15: memref<128x16xf32, #tpu.memory_space<vmem>>, %arg16: memref<158x16xf32, #tpu.memory_space<vmem>>, %arg17: memref<10112x16xf32, #tpu.memory_space<vmem_shared>>, %arg18: memref<!tpu.dma_semaphore, #tpu.memory_space<semaphore_mem>>, %arg19: memref<!tpu.dma_semaphore, #tpu.memory_space<semaphore_mem>>, %arg20: memref<!tpu.dma_semaphore, #tpu.memory_space<semaphore_mem>>, %arg21: memref<!tpu.dma_semaphore, #tpu.memory_space<semaphore_mem>>, %arg22: memref<!tpu.dma_semaphore, #tpu.memory_space<semaphore_mem>>, %arg23: memref<!tpu.dma_semaphore, #tpu.memory_space<semaphore_mem>>, %arg24: memref<!tpu.dma_semaphore, #tpu.memory_space<semaphore_mem>>, %arg25: memref<!tpu.dma_semaphore, #tpu.memory_space<semaphore_mem>>, %arg26: memref<!tpu.dma_semaphore, #tpu.memory_space<semaphore_mem>>, %arg27: memref<!tpu.dma_semaphore, #tpu.memory_space<semaphore_mem>>, %arg28: memref<!tpu.dma_semaphore, #tpu.memory_space<semaphore_mem>>, %arg29: memref<!tpu.dma_semaphore, #tpu.memory_space<semaphore_mem>>, %arg30: memref<!tpu.dma_semaphore, #tpu.memory_space<semaphore_mem>>, %arg31: memref<!tpu.dma_semaphore, #tpu.memory_space<semaphore_mem>>, %arg32: memref<!tpu.dma_semaphore, #tpu.memory_space<semaphore_mem>>, %arg33: memref<!tpu.dma_semaphore, #tpu.memory_space<semaphore_mem>>) attributes {dimension_semantics = [#tpu.dimension_semantics<core_parallel>, #tpu.dimension_semantics<subcore_parallel>], iteration_bounds = array<i64: 2, 16>, scalar_prefetch = 0 : i64, scratch_operands = 28 : i64, tpu.core_type = #tpu.core_type<sc_vector_subcore>, window_params = [{transform_indices = #map}, {transform_indices = #map}, {transform_indices = #map}, {transform_indices = #map1}]} {
    %mul3A = arith.constant 2 : i32
    %mul3A_0 = arith.muli %arg1, %mul3A : i32
    %add3A = arith.addi %mul3A_0, %arg0 : i32
    %scan3A = arith.constant 0 : i32
    %scan3A_1 = arith.constant 158 : i32
    %scan3A_2 = arith.addi %scan3A, %scan3A_1 : i32
    %scan3A_3 = arith.constant 1 : i32
    scf.for %scan3A_246 = %scan3A to %scan3A_2 step %scan3A_3  : i32 {
      %mul3A_247 = arith.constant 1 : i32
      %mul3A_248 = arith.muli %scan3A_246, %mul3A_247 : i32
      %add3A_249 = arith.constant 0 : i32
      %add3A_250 = arith.addi %add3A_249, %mul3A_248 : i32
      %broadcast_in_dim3A = arith.constant 0.000000e+00 : f32
      %broadcast_in_dim3A_251 = vector.broadcast %broadcast_in_dim3A : f32 to vector<16xf32>
      %swap3A = arith.index_cast %add3A_250 : i32 to index
      %swap3A_252 = arith.constant 0 : index
      %swap3A_253 = tpu.vector_load %arg16[%swap3A, %swap3A_252] {strides = array<i32>} : memref<158x16xf32, #tpu.memory_space<vmem>>, vector<1x16xf32>,
      %swap3A_254 = vector.shape_cast %swap3A_253 : vector<1x16xf32> to vector<16xf32>
      %swap3A_255 = vector.shape_cast %broadcast_in_dim3A_251 : vector<16xf32> to vector<1x16xf32>
      tpu.vector_store %arg16[%swap3A, %swap3A_252], %swap3A_255 {strides = array<i32>} : memref<158x16xf32, #tpu.memory_space<vmem>>, vector<1x16xf32>,
    }
    %scan3A_4 = arith.constant 158 : i32
    %scan3A_5 = arith.constant 0 : i32
    %scan3A_6 = arith.constant 4 : i32
    %scan3A_7 = arith.addi %scan3A_5, %scan3A_6 : i32
    %scan3A_8 = arith.constant 1 : i32
    scf.for %scan3A_246 = %scan3A_5 to %scan3A_7 step %scan3A_8  : i32 {
      %mul3A_247 = arith.constant 1 : i32
      %mul3A_248 = arith.muli %scan3A_246, %mul3A_247 : i32
      %add3A_249 = arith.constant 0 : i32
      %add3A_250 = arith.addi %add3A_249, %mul3A_248 : i32
      %mul3A_251 = arith.constant 632 : i32
      %mul3A_252 = arith.muli %arg1, %mul3A_251 : i32
      %mul3A_253 = arith.constant 158 : i32
      %mul3A_254 = arith.muli %add3A_250, %mul3A_253 : i32
      %add3A_255 = arith.addi %mul3A_252, %mul3A_254 : i32
      "tpu.region"() ({
        %run_scoped3A = tpu.sem_alloc : memref<!tpu.dma_semaphore, #tpu.memory_space<semaphore_mem>>
        %dma_start3A_256 = arith.constant 0 : i32
        %dma_start3A_257 = tpu.memref_slice %arg17[%add3A_255, %dma_start3A_256] : memref<10112x16xf32, #tpu.memory_space<vmem_shared>> -> memref<158x16xf32, #tpu.memory_space<vmem_shared>>
        %dma_start3A_258 = arith.constant 0 : i32
        %dma_start3A_259 = tpu.memref_slice %arg17[%add3A_255, %dma_start3A_258] : memref<10112x16xf32, #tpu.memory_space<vmem_shared>> -> memref<158x16xf32, #tpu.memory_space<vmem_shared>>
        tpu.enqueue_dma source(%arg16 : memref<158x16xf32, #tpu.memory_space<vmem>>) target(%dma_start3A_259 : memref<158x16xf32, #tpu.memory_space<vmem_shared>>) target_semaphore(%run_scoped3A : memref<!tpu.dma_semaphore, #tpu.memory_space<semaphore_mem>>)
        %dma_wait3A_260 = arith.constant 0 : i32
        %dma_wait3A_261 = tpu.memref_slice %arg17[%add3A_255, %dma_wait3A_260] : memref<10112x16xf32, #tpu.memory_space<vmem_shared>> -> memref<158x16xf32, #tpu.memory_space<vmem_shared>>
        %dma_wait3A_262 = arith.constant 0 : i32
        %dma_wait3A_263 = tpu.memref_slice %arg17[%add3A_255, %dma_wait3A_262] : memref<10112x16xf32, #tpu.memory_space<vmem_shared>> -> memref<158x16xf32, #tpu.memory_space<vmem_shared>>
        tpu.wait_dma2 semaphore(%run_scoped3A : memref<!tpu.dma_semaphore, #tpu.memory_space<semaphore_mem>>) src(%arg16 : memref<158x16xf32, #tpu.memory_space<vmem>>) dst(%dma_wait3A_263 : memref<158x16xf32, #tpu.memory_space<vmem_shared>>)
        tpu.yield
      }) : () -> ()
    }
    %scan3A_9 = arith.constant 4 : i32
    %mul3A_10 = arith.constant 79 : i32
    %mul3A_11 = arith.muli %add3A, %mul3A_10 : i32
    "tpu.region"() ({
      %run_scoped3A = tpu.sem_alloc : memref<!tpu.dma_semaphore, #tpu.memory_space<semaphore_mem>>
      %dma_start3A_246 = arith.constant 0 : i32
      %dma_start3A_247 = tpu.memref_slice %arg3[%mul3A_11, %dma_start3A_246] : memref<2528x128xi32, #tpu.memory_space<hbm>> -> memref<79x128xi32, #tpu.memory_space<hbm>>
      %dma_start3A_248 = arith.constant 0 : i32
      %dma_start3A_249 = tpu.memref_slice %arg3[%mul3A_11, %dma_start3A_248] : memref<2528x128xi32, #tpu.memory_space<hbm>> -> memref<79x128xi32, #tpu.memory_space<hbm>>
      tpu.enqueue_dma source(%dma_start3A_249 : memref<79x128xi32, #tpu.memory_space<hbm>>) target(%arg6 : memref<79x128xi32, #tpu.memory_space<vmem>>) target_semaphore(%run_scoped3A : memref<!tpu.dma_semaphore, #tpu.memory_space<semaphore_mem>>)
      %dma_wait3A_250 = arith.constant 0 : i32
      %dma_wait3A_251 = tpu.memref_slice %arg3[%mul3A_11, %dma_wait3A_250] : memref<2528x128xi32, #tpu.memory_space<hbm>> -> memref<79x128xi32, #tpu.memory_space<hbm>>
      %dma_wait3A_252 = arith.constant 0 : i32
      %dma_wait3A_253 = tpu.memref_slice %arg3[%mul3A_11, %dma_wait3A_252] : memref<2528x128xi32, #tpu.memory_space<hbm>> -> memref<79x128xi32, #tpu.memory_space<hbm>>
      tpu.wait_dma2 semaphore(%run_scoped3A : memref<!tpu.dma_semaphore, #tpu.memory_space<semaphore_mem>>) src(%dma_wait3A_253 : memref<79x128xi32, #tpu.memory_space<hbm>>) dst(%arg6 : memref<79x128xi32, #tpu.memory_space<vmem>>)
      tpu.yield
    }) : () -> ()
    "tpu.region"() ({
      %run_scoped3A = tpu.sem_alloc : memref<!tpu.dma_semaphore, #tpu.memory_space<semaphore_mem>>
      %dma_start3A_246 = arith.constant 0 : i32
      %dma_start3A_247 = tpu.memref_slice %arg4[%mul3A_11, %dma_start3A_246] : memref<2528x128xi32, #tpu.memory_space<hbm>> -> memref<79x128xi32, #tpu.memory_space<hbm>>
      %dma_start3A_248 = arith.constant 0 : i32
      %dma_start3A_249 = tpu.memref_slice %arg4[%mul3A_11, %dma_start3A_248] : memref<2528x128xi32, #tpu.memory_space<hbm>> -> memref<79x128xi32, #tpu.memory_space<hbm>>
      tpu.enqueue_dma source(%dma_start3A_249 : memref<79x128xi32, #tpu.memory_space<hbm>>) target(%arg7 : memref<79x128xi32, #tpu.memory_space<vmem>>) target_semaphore(%run_scoped3A : memref<!tpu.dma_semaphore, #tpu.memory_space<semaphore_mem>>)
      %dma_wait3A_250 = arith.constant 0 : i32
      %dma_wait3A_251 = tpu.memref_slice %arg4[%mul3A_11, %dma_wait3A_250] : memref<2528x128xi32, #tpu.memory_space<hbm>> -> memref<79x128xi32, #tpu.memory_space<hbm>>
      %dma_wait3A_252 = arith.constant 0 : i32
      %dma_wait3A_253 = tpu.memref_slice %arg4[%mul3A_11, %dma_wait3A_252] : memref<2528x128xi32, #tpu.memory_space<hbm>> -> memref<79x128xi32, #tpu.memory_space<hbm>>
      tpu.wait_dma2 semaphore(%run_scoped3A : memref<!tpu.dma_semaphore, #tpu.memory_space<semaphore_mem>>) src(%dma_wait3A_253 : memref<79x128xi32, #tpu.memory_space<hbm>>) dst(%arg7 : memref<79x128xi32, #tpu.memory_space<vmem>>)
      tpu.yield
    }) : () -> ()
    %barrier3A = arith.constant 0 : index
    tpu.barrier barrier_id(%barrier3A)
    %dma_start3A = arith.constant 0 : i32
    %dma_start3A_12 = arith.constant 0 : i32
    %dma_start3A_13 = tpu.memref_slice %arg6[%dma_start3A, %dma_start3A_12] : memref<79x128xi32, #tpu.memory_space<vmem>> -> memref<1x128xi32, #tpu.memory_space<vmem>>
    %dma_start3A_14 = tpu.memref_squeeze %dma_start3A_13 : memref<1x128xi32, #tpu.memory_space<vmem>> -> memref<128xi32, #tpu.memory_space<vmem>>
    %dma_start3A_15 = arith.constant 0 : i32
    %dma_start3A_16 = arith.constant 0 : i32
    %dma_start3A_17 = tpu.memref_slice %arg2[%dma_start3A_15, %dma_start3A_16] : memref<10000x16xf32, #tpu.memory_space<hbm>> -> memref<10000x16xf32, #tpu.memory_space<hbm>>
    tpu.enqueue_indirect_dma source(%dma_start3A_17 : memref<10000x16xf32, #tpu.memory_space<hbm>>) target(%arg8 : memref<128x16xf32, #tpu.memory_space<vmem>>) offsets(%dma_start3A_14 : memref<128xi32, #tpu.memory_space<vmem>>) semaphore(%arg18 : memref<!tpu.dma_semaphore, #tpu.memory_space<semaphore_mem>>)
    %dma_start3A_18 = arith.constant 1 : i32
    %dma_start3A_19 = arith.constant 0 : i32
    %dma_start3A_20 = tpu.memref_slice %arg6[%dma_start3A_18, %dma_start3A_19] : memref<79x128xi32, #tpu.memory_space<vmem>> -> memref<1x128xi32, #tpu.memory_space<vmem>>
    %dma_start3A_21 = tpu.memref_squeeze %dma_start3A_20 : memref<1x128xi32, #tpu.memory_space<vmem>> -> memref<128xi32, #tpu.memory_space<vmem>>
    %dma_start3A_22 = arith.constant 0 : i32
    %dma_start3A_23 = arith.constant 0 : i32
    %dma_start3A_24 = tpu.memref_slice %arg2[%dma_start3A_22, %dma_start3A_23] : memref<10000x16xf32, #tpu.memory_space<hbm>> -> memref<10000x16xf32, #tpu.memory_space<hbm>>
    tpu.enqueue_indirect_dma source(%dma_start3A_24 : memref<10000x16xf32, #tpu.memory_space<hbm>>) target(%arg9 : memref<128x16xf32, #tpu.memory_space<vmem>>) offsets(%dma_start3A_21 : memref<128xi32, #tpu.memory_space<vmem>>) semaphore(%arg19 : memref<!tpu.dma_semaphore, #tpu.memory_space<semaphore_mem>>)
    %dma_start3A_25 = arith.constant 2 : i32
    %dma_start3A_26 = arith.constant 0 : i32
    %dma_start3A_27 = tpu.memref_slice %arg6[%dma_start3A_25, %dma_start3A_26] : memref<79x128xi32, #tpu.memory_space<vmem>> -> memref<1x128xi32, #tpu.memory_space<vmem>>
    %dma_start3A_28 = tpu.memref_squeeze %dma_start3A_27 : memref<1x128xi32, #tpu.memory_space<vmem>> -> memref<128xi32, #tpu.memory_space<vmem>>
    %dma_start3A_29 = arith.constant 0 : i32
    %dma_start3A_30 = arith.constant 0 : i32
    %dma_start3A_31 = tpu.memref_slice %arg2[%dma_start3A_29, %dma_start3A_30] : memref<10000x16xf32, #tpu.memory_space<hbm>> -> memref<10000x16xf32, #tpu.memory_space<hbm>>
    tpu.enqueue_indirect_dma source(%dma_start3A_31 : memref<10000x16xf32, #tpu.memory_space<hbm>>) target(%arg10 : memref<128x16xf32, #tpu.memory_space<vmem>>) offsets(%dma_start3A_28 : memref<128xi32, #tpu.memory_space<vmem>>) semaphore(%arg20 : memref<!tpu.dma_semaphore, #tpu.memory_space<semaphore_mem>>)
    %dma_start3A_32 = arith.constant 3 : i32
    %dma_start3A_33 = arith.constant 0 : i32
    %dma_start3A_34 = tpu.memref_slice %arg6[%dma_start3A_32, %dma_start3A_33] : memref<79x128xi32, #tpu.memory_space<vmem>> -> memref<1x128xi32, #tpu.memory_space<vmem>>
    %dma_start3A_35 = tpu.memref_squeeze %dma_start3A_34 : memref<1x128xi32, #tpu.memory_space<vmem>> -> memref<128xi32, #tpu.memory_space<vmem>>
    %dma_start3A_36 = arith.constant 0 : i32
    %dma_start3A_37 = arith.constant 0 : i32
    %dma_start3A_38 = tpu.memref_slice %arg2[%dma_start3A_36, %dma_start3A_37] : memref<10000x16xf32, #tpu.memory_space<hbm>> -> memref<10000x16xf32, #tpu.memory_space<hbm>>
    tpu.enqueue_indirect_dma source(%dma_start3A_38 : memref<10000x16xf32, #tpu.memory_space<hbm>>) target(%arg11 : memref<128x16xf32, #tpu.memory_space<vmem>>) offsets(%dma_start3A_35 : memref<128xi32, #tpu.memory_space<vmem>>) semaphore(%arg21 : memref<!tpu.dma_semaphore, #tpu.memory_space<semaphore_mem>>)
    %scan3A_39 = arith.constant 0 : i32
    %scan3A_40 = arith.constant 9 : i32
    %scan3A_41 = arith.addi %scan3A_39, %scan3A_40 : i32
    %scan3A_42 = arith.constant 1 : i32
    scf.for %scan3A_246 = %scan3A_39 to %scan3A_41 step %scan3A_42  : i32 {
      %mul3A_247 = arith.constant 8 : i32
      %mul3A_248 = arith.muli %scan3A_246, %mul3A_247 : i32
      %add3A_249 = arith.constant 0 : i32
      %add3A_250 = arith.addi %add3A_249, %mul3A_248 : i32
      %add3A_251 = arith.constant 0 : i32
      %add3A_252 = arith.addi %add3A_250, %add3A_251 : i32
      %dma_wait3A_253 = arith.constant 0 : i32
      %dma_wait3A_254 = tpu.memref_slice %arg6[%add3A_252, %dma_wait3A_253] : memref<79x128xi32, #tpu.memory_space<vmem>> -> memref<1x128xi32, #tpu.memory_space<vmem>>
      %dma_wait3A_255 = tpu.memref_squeeze %dma_wait3A_254 : memref<1x128xi32, #tpu.memory_space<vmem>> -> memref<128xi32, #tpu.memory_space<vmem>>
      %dma_wait3A_256 = arith.constant 0 : i32
      %dma_wait3A_257 = arith.constant 0 : i32
      %dma_wait3A_258 = tpu.memref_slice %arg2[%dma_wait3A_256, %dma_wait3A_257] : memref<10000x16xf32, #tpu.memory_space<hbm>> -> memref<10000x16xf32, #tpu.memory_space<hbm>>
      tpu.wait_indirect_dma semaphore(%arg18 : memref<!tpu.dma_semaphore, #tpu.memory_space<semaphore_mem>>) src(%dma_wait3A_258 : memref<10000x16xf32, #tpu.memory_space<hbm>>) dst(%arg8 : memref<128x16xf32, #tpu.memory_space<vmem>>)
      %dma_start3A_259 = arith.constant 0 : i32
      %dma_start3A_260 = tpu.memref_slice %arg7[%add3A_252, %dma_start3A_259] : memref<79x128xi32, #tpu.memory_space<vmem>> -> memref<1x128xi32, #tpu.memory_space<vmem>>
      %dma_start3A_261 = tpu.memref_squeeze %dma_start3A_260 : memref<1x128xi32, #tpu.memory_space<vmem>> -> memref<128xi32, #tpu.memory_space<vmem>>
      %dma_start3A_262 = arith.constant 0 : i32
      %dma_start3A_263 = arith.constant 0 : i32
      %dma_start3A_264 = tpu.memref_slice %arg17[%dma_start3A_262, %dma_start3A_263] : memref<10112x16xf32, #tpu.memory_space<vmem_shared>> -> memref<10112x16xf32, #tpu.memory_space<vmem_shared>>
      tpu.enqueue_indirect_dma source(%arg8 : memref<128x16xf32, #tpu.memory_space<vmem>>) target(%dma_start3A_264 : memref<10112x16xf32, #tpu.memory_space<vmem_shared>>) offsets(%dma_start3A_261 : memref<128xi32, #tpu.memory_space<vmem>>) semaphore(%arg26 : memref<!tpu.dma_semaphore, #tpu.memory_space<semaphore_mem>>) {add = true}
      %ge3A = arith.constant 4 : i32
      %ge3A_265 = arith.cmpi sge, %add3A_252, %ge3A : i32
      %convert_element_type3A_266 = arith.extui %ge3A_265 : i1 to i32
      %cond3A_267 = arith.constant 0 : i32
      %cond3A_268 = arith.cmpi ne, %convert_element_type3A_266, %cond3A_267 : i32
      scf.if %cond3A_268 {
        %dma_wait3A_466 = arith.constant 0 : i32
        %dma_wait3A_467 = tpu.memref_slice %arg7[%add3A_252, %dma_wait3A_466] : memref<79x128xi32, #tpu.memory_space<vmem>> -> memref<1x128xi32, #tpu.memory_space<vmem>>
        %dma_wait3A_468 = tpu.memref_squeeze %dma_wait3A_467 : memref<1x128xi32, #tpu.memory_space<vmem>> -> memref<128xi32, #tpu.memory_space<vmem>>
        %dma_wait3A_469 = arith.constant 0 : i32
        %dma_wait3A_470 = arith.constant 0 : i32
        %dma_wait3A_471 = tpu.memref_slice %arg17[%dma_wait3A_469, %dma_wait3A_470] : memref<10112x16xf32, #tpu.memory_space<vmem_shared>> -> memref<10112x16xf32, #tpu.memory_space<vmem_shared>>
        tpu.wait_indirect_dma semaphore(%arg30 : memref<!tpu.dma_semaphore, #tpu.memory_space<semaphore_mem>>) src(%arg12 : memref<128x16xf32, #tpu.memory_space<vmem>>) dst(%dma_wait3A_471 : memref<10112x16xf32, #tpu.memory_space<vmem_shared>>)
      } else {
      }
      %add3A_269 = arith.constant 4 : i32
      %add3A_270 = arith.addi %add3A_252, %add3A_269 : i32
      %dma_start3A_271 = arith.constant 0 : i32
      %dma_start3A_272 = tpu.memref_slice %arg6[%add3A_270, %dma_start3A_271] : memref<79x128xi32, #tpu.memory_space<vmem>> -> memref<1x128xi32, #tpu.memory_space<vmem>>
      %dma_start3A_273 = tpu.memref_squeeze %dma_start3A_272 : memref<1x128xi32, #tpu.memory_space<vmem>> -> memref<128xi32, #tpu.memory_space<vmem>>
      %dma_start3A_274 = arith.constant 0 : i32
      %dma_start3A_275 = arith.constant 0 : i32
      %dma_start3A_276 = tpu.memref_slice %arg2[%dma_start3A_274, %dma_start3A_275] : memref<10000x16xf32, #tpu.memory_space<hbm>> -> memref<10000x16xf32, #tpu.memory_space<hbm>>
      tpu.enqueue_indirect_dma source(%dma_start3A_276 : memref<10000x16xf32, #tpu.memory_space<hbm>>) target(%arg12 : memref<128x16xf32, #tpu.memory_space<vmem>>) offsets(%dma_start3A_273 : memref<128xi32, #tpu.memory_space<vmem>>) semaphore(%arg22 : memref<!tpu.dma_semaphore, #tpu.memory_space<semaphore_mem>>)
      %add3A_277 = arith.constant 1 : i32
      %add3A_278 = arith.addi %add3A_250, %add3A_277 : i32
      %dma_wait3A_279 = arith.constant 0 : i32
      %dma_wait3A_280 = tpu.memref_slice %arg6[%add3A_278, %dma_wait3A_279] : memref<79x128xi32, #tpu.memory_space<vmem>> -> memref<1x128xi32, #tpu.memory_space<vmem>>
      %dma_wait3A_281 = tpu.memref_squeeze %dma_wait3A_280 : memref<1x128xi32, #tpu.memory_space<vmem>> -> memref<128xi32, #tpu.memory_space<vmem>>
      %dma_wait3A_282 = arith.constant 0 : i32
      %dma_wait3A_283 = arith.constant 0 : i32
      %dma_wait3A_284 = tpu.memref_slice %arg2[%dma_wait3A_282, %dma_wait3A_283] : memref<10000x16xf32, #tpu.memory_space<hbm>> -> memref<10000x16xf32, #tpu.memory_space<hbm>>
      tpu.wait_indirect_dma semaphore(%arg19 : memref<!tpu.dma_semaphore, #tpu.memory_space<semaphore_mem>>) src(%dma_wait3A_284 : memref<10000x16xf32, #tpu.memory_space<hbm>>) dst(%arg9 : memref<128x16xf32, #tpu.memory_space<vmem>>)
      %dma_start3A_285 = arith.constant 0 : i32
      %dma_start3A_286 = tpu.memref_slice %arg7[%add3A_278, %dma_start3A_285] : memref<79x128xi32, #tpu.memory_space<vmem>> -> memref<1x128xi32, #tpu.memory_space<vmem>>
      %dma_start3A_287 = tpu.memref_squeeze %dma_start3A_286 : memref<1x128xi32, #tpu.memory_space<vmem>> -> memref<128xi32, #tpu.memory_space<vmem>>
      %dma_start3A_288 = arith.constant 0 : i32
      %dma_start3A_289 = arith.constant 0 : i32
      %dma_start3A_290 = tpu.memref_slice %arg17[%dma_start3A_288, %dma_start3A_289] : memref<10112x16xf32, #tpu.memory_space<vmem_shared>> -> memref<10112x16xf32, #tpu.memory_space<vmem_shared>>
      tpu.enqueue_indirect_dma source(%arg9 : memref<128x16xf32, #tpu.memory_space<vmem>>) target(%dma_start3A_290 : memref<10112x16xf32, #tpu.memory_space<vmem_shared>>) offsets(%dma_start3A_287 : memref<128xi32, #tpu.memory_space<vmem>>) semaphore(%arg27 : memref<!tpu.dma_semaphore, #tpu.memory_space<semaphore_mem>>) {add = true}
      %ge3A_291 = arith.constant 4 : i32
      %ge3A_292 = arith.cmpi sge, %add3A_278, %ge3A_291 : i32
      %convert_element_type3A_293 = arith.extui %ge3A_292 : i1 to i32
      %cond3A_294 = arith.constant 0 : i32
      %cond3A_295 = arith.cmpi ne, %convert_element_type3A_293, %cond3A_294 : i32
      scf.if %cond3A_295 {
        %dma_wait3A_466 = arith.constant 0 : i32
        %dma_wait3A_467 = tpu.memref_slice %arg7[%add3A_278, %dma_wait3A_466] : memref<79x128xi32, #tpu.memory_space<vmem>> -> memref<1x128xi32, #tpu.memory_space<vmem>>
        %dma_wait3A_468 = tpu.memref_squeeze %dma_wait3A_467 : memref<1x128xi32, #tpu.memory_space<vmem>> -> memref<128xi32, #tpu.memory_space<vmem>>
        %dma_wait3A_469 = arith.constant 0 : i32
        %dma_wait3A_470 = arith.constant 0 : i32
        %dma_wait3A_471 = tpu.memref_slice %arg17[%dma_wait3A_469, %dma_wait3A_470] : memref<10112x16xf32, #tpu.memory_space<vmem_shared>> -> memref<10112x16xf32, #tpu.memory_space<vmem_shared>>
        tpu.wait_indirect_dma semaphore(%arg31 : memref<!tpu.dma_semaphore, #tpu.memory_space<semaphore_mem>>) src(%arg13 : memref<128x16xf32, #tpu.memory_space<vmem>>) dst(%dma_wait3A_471 : memref<10112x16xf32, #tpu.memory_space<vmem_shared>>)
      } else {
      }
      %add3A_296 = arith.constant 4 : i32
      %add3A_297 = arith.addi %add3A_278, %add3A_296 : i32
      %dma_start3A_298 = arith.constant 0 : i32
      %dma_start3A_299 = tpu.memref_slice %arg6[%add3A_297, %dma_start3A_298] : memref<79x128xi32, #tpu.memory_space<vmem>> -> memref<1x128xi32, #tpu.memory_space<vmem>>
      %dma_start3A_300 = tpu.memref_squeeze %dma_start3A_299 : memref<1x128xi32, #tpu.memory_space<vmem>> -> memref<128xi32, #tpu.memory_space<vmem>>
      %dma_start3A_301 = arith.constant 0 : i32
      %dma_start3A_302 = arith.constant 0 : i32
      %dma_start3A_303 = tpu.memref_slice %arg2[%dma_start3A_301, %dma_start3A_302] : memref<10000x16xf32, #tpu.memory_space<hbm>> -> memref<10000x16xf32, #tpu.memory_space<hbm>>
      tpu.enqueue_indirect_dma source(%dma_start3A_303 : memref<10000x16xf32, #tpu.memory_space<hbm>>) target(%arg13 : memref<128x16xf32, #tpu.memory_space<vmem>>) offsets(%dma_start3A_300 : memref<128xi32, #tpu.memory_space<vmem>>) semaphore(%arg23 : memref<!tpu.dma_semaphore, #tpu.memory_space<semaphore_mem>>)
      %add3A_304 = arith.constant 2 : i32
      %add3A_305 = arith.addi %add3A_250, %add3A_304 : i32
      %dma_wait3A_306 = arith.constant 0 : i32
      %dma_wait3A_307 = tpu.memref_slice %arg6[%add3A_305, %dma_wait3A_306] : memref<79x128xi32, #tpu.memory_space<vmem>> -> memref<1x128xi32, #tpu.memory_space<vmem>>
      %dma_wait3A_308 = tpu.memref_squeeze %dma_wait3A_307 : memref<1x128xi32, #tpu.memory_space<vmem>> -> memref<128xi32, #tpu.memory_space<vmem>>
      %dma_wait3A_309 = arith.constant 0 : i32
      %dma_wait3A_310 = arith.constant 0 : i32
      %dma_wait3A_311 = tpu.memref_slice %arg2[%dma_wait3A_309, %dma_wait3A_310] : memref<10000x16xf32, #tpu.memory_space<hbm>> -> memref<10000x16xf32, #tpu.memory_space<hbm>>
      tpu.wait_indirect_dma semaphore(%arg20 : memref<!tpu.dma_semaphore, #tpu.memory_space<semaphore_mem>>) src(%dma_wait3A_311 : memref<10000x16xf32, #tpu.memory_space<hbm>>) dst(%arg10 : memref<128x16xf32, #tpu.memory_space<vmem>>)
      %dma_start3A_312 = arith.constant 0 : i32
      %dma_start3A_313 = tpu.memref_slice %arg7[%add3A_305, %dma_start3A_312] : memref<79x128xi32, #tpu.memory_space<vmem>> -> memref<1x128xi32, #tpu.memory_space<vmem>>
      %dma_start3A_314 = tpu.memref_squeeze %dma_start3A_313 : memref<1x128xi32, #tpu.memory_space<vmem>> -> memref<128xi32, #tpu.memory_space<vmem>>
      %dma_start3A_315 = arith.constant 0 : i32
      %dma_start3A_316 = arith.constant 0 : i32
      %dma_start3A_317 = tpu.memref_slice %arg17[%dma_start3A_315, %dma_start3A_316] : memref<10112x16xf32, #tpu.memory_space<vmem_shared>> -> memref<10112x16xf32, #tpu.memory_space<vmem_shared>>
      tpu.enqueue_indirect_dma source(%arg10 : memref<128x16xf32, #tpu.memory_space<vmem>>) target(%dma_start3A_317 : memref<10112x16xf32, #tpu.memory_space<vmem_shared>>) offsets(%dma_start3A_314 : memref<128xi32, #tpu.memory_space<vmem>>) semaphore(%arg28 : memref<!tpu.dma_semaphore, #tpu.memory_space<semaphore_mem>>) {add = true}
      %ge3A_318 = arith.constant 4 : i32
      %ge3A_319 = arith.cmpi sge, %add3A_305, %ge3A_318 : i32
      %convert_element_type3A_320 = arith.extui %ge3A_319 : i1 to i32
      %cond3A_321 = arith.constant 0 : i32
      %cond3A_322 = arith.cmpi ne, %convert_element_type3A_320, %cond3A_321 : i32
      scf.if %cond3A_322 {
        %dma_wait3A_466 = arith.constant 0 : i32
        %dma_wait3A_467 = tpu.memref_slice %arg7[%add3A_305, %dma_wait3A_466] : memref<79x128xi32, #tpu.memory_space<vmem>> -> memref<1x128xi32, #tpu.memory_space<vmem>>
        %dma_wait3A_468 = tpu.memref_squeeze %dma_wait3A_467 : memref<1x128xi32, #tpu.memory_space<vmem>> -> memref<128xi32, #tpu.memory_space<vmem>>
        %dma_wait3A_469 = arith.constant 0 : i32
        %dma_wait3A_470 = arith.constant 0 : i32
        %dma_wait3A_471 = tpu.memref_slice %arg17[%dma_wait3A_469, %dma_wait3A_470] : memref<10112x16xf32, #tpu.memory_space<vmem_shared>> -> memref<10112x16xf32, #tpu.memory_space<vmem_shared>>
        tpu.wait_indirect_dma semaphore(%arg32 : memref<!tpu.dma_semaphore, #tpu.memory_space<semaphore_mem>>) src(%arg14 : memref<128x16xf32, #tpu.memory_space<vmem>>) dst(%dma_wait3A_471 : memref<10112x16xf32, #tpu.memory_space<vmem_shared>>)
      } else {
      }
      %add3A_323 = arith.constant 4 : i32
      %add3A_324 = arith.addi %add3A_305, %add3A_323 : i32
      %dma_start3A_325 = arith.constant 0 : i32
      %dma_start3A_326 = tpu.memref_slice %arg6[%add3A_324, %dma_start3A_325] : memref<79x128xi32, #tpu.memory_space<vmem>> -> memref<1x128xi32, #tpu.memory_space<vmem>>
      %dma_start3A_327 = tpu.memref_squeeze %dma_start3A_326 : memref<1x128xi32, #tpu.memory_space<vmem>> -> memref<128xi32, #tpu.memory_space<vmem>>
      %dma_start3A_328 = arith.constant 0 : i32
      %dma_start3A_329 = arith.constant 0 : i32
      %dma_start3A_330 = tpu.memref_slice %arg2[%dma_start3A_328, %dma_start3A_329] : memref<10000x16xf32, #tpu.memory_space<hbm>> -> memref<10000x16xf32, #tpu.memory_space<hbm>>
      tpu.enqueue_indirect_dma source(%dma_start3A_330 : memref<10000x16xf32, #tpu.memory_space<hbm>>) target(%arg14 : memref<128x16xf32, #tpu.memory_space<vmem>>) offsets(%dma_start3A_327 : memref<128xi32, #tpu.memory_space<vmem>>) semaphore(%arg24 : memref<!tpu.dma_semaphore, #tpu.memory_space<semaphore_mem>>)
      %add3A_331 = arith.constant 3 : i32
      %add3A_332 = arith.addi %add3A_250, %add3A_331 : i32
      %dma_wait3A_333 = arith.constant 0 : i32
      %dma_wait3A_334 = tpu.memref_slice %arg6[%add3A_332, %dma_wait3A_333] : memref<79x128xi32, #tpu.memory_space<vmem>> -> memref<1x128xi32, #tpu.memory_space<vmem>>
      %dma_wait3A_335 = tpu.memref_squeeze %dma_wait3A_334 : memref<1x128xi32, #tpu.memory_space<vmem>> -> memref<128xi32, #tpu.memory_space<vmem>>
      %dma_wait3A_336 = arith.constant 0 : i32
      %dma_wait3A_337 = arith.constant 0 : i32
      %dma_wait3A_338 = tpu.memref_slice %arg2[%dma_wait3A_336, %dma_wait3A_337] : memref<10000x16xf32, #tpu.memory_space<hbm>> -> memref<10000x16xf32, #tpu.memory_space<hbm>>
      tpu.wait_indirect_dma semaphore(%arg21 : memref<!tpu.dma_semaphore, #tpu.memory_space<semaphore_mem>>) src(%dma_wait3A_338 : memref<10000x16xf32, #tpu.memory_space<hbm>>) dst(%arg11 : memref<128x16xf32, #tpu.memory_space<vmem>>)
      %dma_start3A_339 = arith.constant 0 : i32
      %dma_start3A_340 = tpu.memref_slice %arg7[%add3A_332, %dma_start3A_339] : memref<79x128xi32, #tpu.memory_space<vmem>> -> memref<1x128xi32, #tpu.memory_space<vmem>>
      %dma_start3A_341 = tpu.memref_squeeze %dma_start3A_340 : memref<1x128xi32, #tpu.memory_space<vmem>> -> memref<128xi32, #tpu.memory_space<vmem>>
      %dma_start3A_342 = arith.constant 0 : i32
      %dma_start3A_343 = arith.constant 0 : i32
      %dma_start3A_344 = tpu.memref_slice %arg17[%dma_start3A_342, %dma_start3A_343] : memref<10112x16xf32, #tpu.memory_space<vmem_shared>> -> memref<10112x16xf32, #tpu.memory_space<vmem_shared>>
      tpu.enqueue_indirect_dma source(%arg11 : memref<128x16xf32, #tpu.memory_space<vmem>>) target(%dma_start3A_344 : memref<10112x16xf32, #tpu.memory_space<vmem_shared>>) offsets(%dma_start3A_341 : memref<128xi32, #tpu.memory_space<vmem>>) semaphore(%arg29 : memref<!tpu.dma_semaphore, #tpu.memory_space<semaphore_mem>>) {add = true}
      %ge3A_345 = arith.constant 4 : i32
      %ge3A_346 = arith.cmpi sge, %add3A_332, %ge3A_345 : i32
      %convert_element_type3A_347 = arith.extui %ge3A_346 : i1 to i32
      %cond3A_348 = arith.constant 0 : i32
      %cond3A_349 = arith.cmpi ne, %convert_element_type3A_347, %cond3A_348 : i32
      scf.if %cond3A_349 {
        %dma_wait3A_466 = arith.constant 0 : i32
        %dma_wait3A_467 = tpu.memref_slice %arg7[%add3A_332, %dma_wait3A_466] : memref<79x128xi32, #tpu.memory_space<vmem>> -> memref<1x128xi32, #tpu.memory_space<vmem>>
        %dma_wait3A_468 = tpu.memref_squeeze %dma_wait3A_467 : memref<1x128xi32, #tpu.memory_space<vmem>> -> memref<128xi32, #tpu.memory_space<vmem>>
        %dma_wait3A_469 = arith.constant 0 : i32
        %dma_wait3A_470 = arith.constant 0 : i32
        %dma_wait3A_471 = tpu.memref_slice %arg17[%dma_wait3A_469, %dma_wait3A_470] : memref<10112x16xf32, #tpu.memory_space<vmem_shared>> -> memref<10112x16xf32, #tpu.memory_space<vmem_shared>>
        tpu.wait_indirect_dma semaphore(%arg33 : memref<!tpu.dma_semaphore, #tpu.memory_space<semaphore_mem>>) src(%arg15 : memref<128x16xf32, #tpu.memory_space<vmem>>) dst(%dma_wait3A_471 : memref<10112x16xf32, #tpu.memory_space<vmem_shared>>)
      } else {
      }
      %add3A_350 = arith.constant 4 : i32
      %add3A_351 = arith.addi %add3A_332, %add3A_350 : i32
      %dma_start3A_352 = arith.constant 0 : i32
      %dma_start3A_353 = tpu.memref_slice %arg6[%add3A_351, %dma_start3A_352] : memref<79x128xi32, #tpu.memory_space<vmem>> -> memref<1x128xi32, #tpu.memory_space<vmem>>
      %dma_start3A_354 = tpu.memref_squeeze %dma_start3A_353 : memref<1x128xi32, #tpu.memory_space<vmem>> -> memref<128xi32, #tpu.memory_space<vmem>>
      %dma_start3A_355 = arith.constant 0 : i32
      %dma_start3A_356 = arith.constant 0 : i32
      %dma_start3A_357 = tpu.memref_slice %arg2[%dma_start3A_355, %dma_start3A_356] : memref<10000x16xf32, #tpu.memory_space<hbm>> -> memref<10000x16xf32, #tpu.memory_space<hbm>>
      tpu.enqueue_indirect_dma source(%dma_start3A_357 : memref<10000x16xf32, #tpu.memory_space<hbm>>) target(%arg15 : memref<128x16xf32, #tpu.memory_space<vmem>>) offsets(%dma_start3A_354 : memref<128xi32, #tpu.memory_space<vmem>>) semaphore(%arg25 : memref<!tpu.dma_semaphore, #tpu.memory_space<semaphore_mem>>)
      %add3A_358 = arith.constant 4 : i32
      %add3A_359 = arith.addi %add3A_250, %add3A_358 : i32
      %dma_wait3A_360 = arith.constant 0 : i32
      %dma_wait3A_361 = tpu.memref_slice %arg6[%add3A_359, %dma_wait3A_360] : memref<79x128xi32, #tpu.memory_space<vmem>> -> memref<1x128xi32, #tpu.memory_space<vmem>>
      %dma_wait3A_362 = tpu.memref_squeeze %dma_wait3A_361 : memref<1x128xi32, #tpu.memory_space<vmem>> -> memref<128xi32, #tpu.memory_space<vmem>>
      %dma_wait3A_363 = arith.constant 0 : i32
      %dma_wait3A_364 = arith.constant 0 : i32
      %dma_wait3A_365 = tpu.memref_slice %arg2[%dma_wait3A_363, %dma_wait3A_364] : memref<10000x16xf32, #tpu.memory_space<hbm>> -> memref<10000x16xf32, #tpu.memory_space<hbm>>
      tpu.wait_indirect_dma semaphore(%arg22 : memref<!tpu.dma_semaphore, #tpu.memory_space<semaphore_mem>>) src(%dma_wait3A_365 : memref<10000x16xf32, #tpu.memory_space<hbm>>) dst(%arg12 : memref<128x16xf32, #tpu.memory_space<vmem>>)
      %dma_start3A_366 = arith.constant 0 : i32
      %dma_start3A_367 = tpu.memref_slice %arg7[%add3A_359, %dma_start3A_366] : memref<79x128xi32, #tpu.memory_space<vmem>> -> memref<1x128xi32, #tpu.memory_space<vmem>>
      %dma_start3A_368 = tpu.memref_squeeze %dma_start3A_367 : memref<1x128xi32, #tpu.memory_space<vmem>> -> memref<128xi32, #tpu.memory_space<vmem>>
      %dma_start3A_369 = arith.constant 0 : i32
      %dma_start3A_370 = arith.constant 0 : i32
      %dma_start3A_371 = tpu.memref_slice %arg17[%dma_start3A_369, %dma_start3A_370] : memref<10112x16xf32, #tpu.memory_space<vmem_shared>> -> memref<10112x16xf32, #tpu.memory_space<vmem_shared>>
      tpu.enqueue_indirect_dma source(%arg12 : memref<128x16xf32, #tpu.memory_space<vmem>>) target(%dma_start3A_371 : memref<10112x16xf32, #tpu.memory_space<vmem_shared>>) offsets(%dma_start3A_368 : memref<128xi32, #tpu.memory_space<vmem>>) semaphore(%arg30 : memref<!tpu.dma_semaphore, #tpu.memory_space<semaphore_mem>>) {add = true}
      %ge3A_372 = arith.constant 4 : i32
      %ge3A_373 = arith.cmpi sge, %add3A_359, %ge3A_372 : i32
      %convert_element_type3A_374 = arith.extui %ge3A_373 : i1 to i32
      %cond3A_375 = arith.constant 0 : i32
      %cond3A_376 = arith.cmpi ne, %convert_element_type3A_374, %cond3A_375 : i32
      scf.if %cond3A_376 {
        %dma_wait3A_466 = arith.constant 0 : i32
        %dma_wait3A_467 = tpu.memref_slice %arg7[%add3A_359, %dma_wait3A_466] : memref<79x128xi32, #tpu.memory_space<vmem>> -> memref<1x128xi32, #tpu.memory_space<vmem>>
        %dma_wait3A_468 = tpu.memref_squeeze %dma_wait3A_467 : memref<1x128xi32, #tpu.memory_space<vmem>> -> memref<128xi32, #tpu.memory_space<vmem>>
        %dma_wait3A_469 = arith.constant 0 : i32
        %dma_wait3A_470 = arith.constant 0 : i32
        %dma_wait3A_471 = tpu.memref_slice %arg17[%dma_wait3A_469, %dma_wait3A_470] : memref<10112x16xf32, #tpu.memory_space<vmem_shared>> -> memref<10112x16xf32, #tpu.memory_space<vmem_shared>>
        tpu.wait_indirect_dma semaphore(%arg26 : memref<!tpu.dma_semaphore, #tpu.memory_space<semaphore_mem>>) src(%arg8 : memref<128x16xf32, #tpu.memory_space<vmem>>) dst(%dma_wait3A_471 : memref<10112x16xf32, #tpu.memory_space<vmem_shared>>)
      } else {
      }
      %add3A_377 = arith.constant 4 : i32
      %add3A_378 = arith.addi %add3A_359, %add3A_377 : i32
      %dma_start3A_379 = arith.constant 0 : i32
      %dma_start3A_380 = tpu.memref_slice %arg6[%add3A_378, %dma_start3A_379] : memref<79x128xi32, #tpu.memory_space<vmem>> -> memref<1x128xi32, #tpu.memory_space<vmem>>
      %dma_start3A_381 = tpu.memref_squeeze %dma_start3A_380 : memref<1x128xi32, #tpu.memory_space<vmem>> -> memref<128xi32, #tpu.memory_space<vmem>>
      %dma_start3A_382 = arith.constant 0 : i32
      %dma_start3A_383 = arith.constant 0 : i32
      %dma_start3A_384 = tpu.memref_slice %arg2[%dma_start3A_382, %dma_start3A_383] : memref<10000x16xf32, #tpu.memory_space<hbm>> -> memref<10000x16xf32, #tpu.memory_space<hbm>>
      tpu.enqueue_indirect_dma source(%dma_start3A_384 : memref<10000x16xf32, #tpu.memory_space<hbm>>) target(%arg8 : memref<128x16xf32, #tpu.memory_space<vmem>>) offsets(%dma_start3A_381 : memref<128xi32, #tpu.memory_space<vmem>>) semaphore(%arg18 : memref<!tpu.dma_semaphore, #tpu.memory_space<semaphore_mem>>)
      %add3A_385 = arith.constant 5 : i32
      %add3A_386 = arith.addi %add3A_250, %add3A_385 : i32
      %dma_wait3A_387 = arith.constant 0 : i32
      %dma_wait3A_388 = tpu.memref_slice %arg6[%add3A_386, %dma_wait3A_387] : memref<79x128xi32, #tpu.memory_space<vmem>> -> memref<1x128xi32, #tpu.memory_space<vmem>>
      %dma_wait3A_389 = tpu.memref_squeeze %dma_wait3A_388 : memref<1x128xi32, #tpu.memory_space<vmem>> -> memref<128xi32, #tpu.memory_space<vmem>>
      %dma_wait3A_390 = arith.constant 0 : i32
      %dma_wait3A_391 = arith.constant 0 : i32
      %dma_wait3A_392 = tpu.memref_slice %arg2[%dma_wait3A_390, %dma_wait3A_391] : memref<10000x16xf32, #tpu.memory_space<hbm>> -> memref<10000x16xf32, #tpu.memory_space<hbm>>
      tpu.wait_indirect_dma semaphore(%arg23 : memref<!tpu.dma_semaphore, #tpu.memory_space<semaphore_mem>>) src(%dma_wait3A_392 : memref<10000x16xf32, #tpu.memory_space<hbm>>) dst(%arg13 : memref<128x16xf32, #tpu.memory_space<vmem>>)
      %dma_start3A_393 = arith.constant 0 : i32
      %dma_start3A_394 = tpu.memref_slice %arg7[%add3A_386, %dma_start3A_393] : memref<79x128xi32, #tpu.memory_space<vmem>> -> memref<1x128xi32, #tpu.memory_space<vmem>>
      %dma_start3A_395 = tpu.memref_squeeze %dma_start3A_394 : memref<1x128xi32, #tpu.memory_space<vmem>> -> memref<128xi32, #tpu.memory_space<vmem>>
      %dma_start3A_396 = arith.constant 0 : i32
      %dma_start3A_397 = arith.constant 0 : i32
      %dma_start3A_398 = tpu.memref_slice %arg17[%dma_start3A_396, %dma_start3A_397] : memref<10112x16xf32, #tpu.memory_space<vmem_shared>> -> memref<10112x16xf32, #tpu.memory_space<vmem_shared>>
      tpu.enqueue_indirect_dma source(%arg13 : memref<128x16xf32, #tpu.memory_space<vmem>>) target(%dma_start3A_398 : memref<10112x16xf32, #tpu.memory_space<vmem_shared>>) offsets(%dma_start3A_395 : memref<128xi32, #tpu.memory_space<vmem>>) semaphore(%arg31 : memref<!tpu.dma_semaphore, #tpu.memory_space<semaphore_mem>>) {add = true}
      %ge3A_399 = arith.constant 4 : i32
      %ge3A_400 = arith.cmpi sge, %add3A_386, %ge3A_399 : i32
      %convert_element_type3A_401 = arith.extui %ge3A_400 : i1 to i32
      %cond3A_402 = arith.constant 0 : i32
      %cond3A_403 = arith.cmpi ne, %convert_element_type3A_401, %cond3A_402 : i32
      scf.if %cond3A_403 {
        %dma_wait3A_466 = arith.constant 0 : i32
        %dma_wait3A_467 = tpu.memref_slice %arg7[%add3A_386, %dma_wait3A_466] : memref<79x128xi32, #tpu.memory_space<vmem>> -> memref<1x128xi32, #tpu.memory_space<vmem>>
        %dma_wait3A_468 = tpu.memref_squeeze %dma_wait3A_467 : memref<1x128xi32, #tpu.memory_space<vmem>> -> memref<128xi32, #tpu.memory_space<vmem>>
        %dma_wait3A_469 = arith.constant 0 : i32
        %dma_wait3A_470 = arith.constant 0 : i32
        %dma_wait3A_471 = tpu.memref_slice %arg17[%dma_wait3A_469, %dma_wait3A_470] : memref<10112x16xf32, #tpu.memory_space<vmem_shared>> -> memref<10112x16xf32, #tpu.memory_space<vmem_shared>>
        tpu.wait_indirect_dma semaphore(%arg27 : memref<!tpu.dma_semaphore, #tpu.memory_space<semaphore_mem>>) src(%arg9 : memref<128x16xf32, #tpu.memory_space<vmem>>) dst(%dma_wait3A_471 : memref<10112x16xf32, #tpu.memory_space<vmem_shared>>)
      } else {
      }
      %add3A_404 = arith.constant 4 : i32
      %add3A_405 = arith.addi %add3A_386, %add3A_404 : i32
      %dma_start3A_406 = arith.constant 0 : i32
      %dma_start3A_407 = tpu.memref_slice %arg6[%add3A_405, %dma_start3A_406] : memref<79x128xi32, #tpu.memory_space<vmem>> -> memref<1x128xi32, #tpu.memory_space<vmem>>
      %dma_start3A_408 = tpu.memref_squeeze %dma_start3A_407 : memref<1x128xi32, #tpu.memory_space<vmem>> -> memref<128xi32, #tpu.memory_space<vmem>>
      %dma_start3A_409 = arith.constant 0 : i32
      %dma_start3A_410 = arith.constant 0 : i32
      %dma_start3A_411 = tpu.memref_slice %arg2[%dma_start3A_409, %dma_start3A_410] : memref<10000x16xf32, #tpu.memory_space<hbm>> -> memref<10000x16xf32, #tpu.memory_space<hbm>>
      tpu.enqueue_indirect_dma source(%dma_start3A_411 : memref<10000x16xf32, #tpu.memory_space<hbm>>) target(%arg9 : memref<128x16xf32, #tpu.memory_space<vmem>>) offsets(%dma_start3A_408 : memref<128xi32, #tpu.memory_space<vmem>>) semaphore(%arg19 : memref<!tpu.dma_semaphore, #tpu.memory_space<semaphore_mem>>)
      %add3A_412 = arith.constant 6 : i32
      %add3A_413 = arith.addi %add3A_250, %add3A_412 : i32
      %dma_wait3A_414 = arith.constant 0 : i32
      %dma_wait3A_415 = tpu.memref_slice %arg6[%add3A_413, %dma_wait3A_414] : memref<79x128xi32, #tpu.memory_space<vmem>> -> memref<1x128xi32, #tpu.memory_space<vmem>>
      %dma_wait3A_416 = tpu.memref_squeeze %dma_wait3A_415 : memref<1x128xi32, #tpu.memory_space<vmem>> -> memref<128xi32, #tpu.memory_space<vmem>>
      %dma_wait3A_417 = arith.constant 0 : i32
      %dma_wait3A_418 = arith.constant 0 : i32
      %dma_wait3A_419 = tpu.memref_slice %arg2[%dma_wait3A_417, %dma_wait3A_418] : memref<10000x16xf32, #tpu.memory_space<hbm>> -> memref<10000x16xf32, #tpu.memory_space<hbm>>
      tpu.wait_indirect_dma semaphore(%arg24 : memref<!tpu.dma_semaphore, #tpu.memory_space<semaphore_mem>>) src(%dma_wait3A_419 : memref<10000x16xf32, #tpu.memory_space<hbm>>) dst(%arg14 : memref<128x16xf32, #tpu.memory_space<vmem>>)
      %dma_start3A_420 = arith.constant 0 : i32
      %dma_start3A_421 = tpu.memref_slice %arg7[%add3A_413, %dma_start3A_420] : memref<79x128xi32, #tpu.memory_space<vmem>> -> memref<1x128xi32, #tpu.memory_space<vmem>>
      %dma_start3A_422 = tpu.memref_squeeze %dma_start3A_421 : memref<1x128xi32, #tpu.memory_space<vmem>> -> memref<128xi32, #tpu.memory_space<vmem>>
      %dma_start3A_423 = arith.constant 0 : i32
      %dma_start3A_424 = arith.constant 0 : i32
      %dma_start3A_425 = tpu.memref_slice %arg17[%dma_start3A_423, %dma_start3A_424] : memref<10112x16xf32, #tpu.memory_space<vmem_shared>> -> memref<10112x16xf32, #tpu.memory_space<vmem_shared>>
      tpu.enqueue_indirect_dma source(%arg14 : memref<128x16xf32, #tpu.memory_space<vmem>>) target(%dma_start3A_425 : memref<10112x16xf32, #tpu.memory_space<vmem_shared>>) offsets(%dma_start3A_422 : memref<128xi32, #tpu.memory_space<vmem>>) semaphore(%arg32 : memref<!tpu.dma_semaphore, #tpu.memory_space<semaphore_mem>>) {add = true}
      %ge3A_426 = arith.constant 4 : i32
      %ge3A_427 = arith.cmpi sge, %add3A_413, %ge3A_426 : i32
      %convert_element_type3A_428 = arith.extui %ge3A_427 : i1 to i32
      %cond3A_429 = arith.constant 0 : i32
      %cond3A_430 = arith.cmpi ne, %convert_element_type3A_428, %cond3A_429 : i32
      scf.if %cond3A_430 {
        %dma_wait3A_466 = arith.constant 0 : i32
        %dma_wait3A_467 = tpu.memref_slice %arg7[%add3A_413, %dma_wait3A_466] : memref<79x128xi32, #tpu.memory_space<vmem>> -> memref<1x128xi32, #tpu.memory_space<vmem>>
        %dma_wait3A_468 = tpu.memref_squeeze %dma_wait3A_467 : memref<1x128xi32, #tpu.memory_space<vmem>> -> memref<128xi32, #tpu.memory_space<vmem>>
        %dma_wait3A_469 = arith.constant 0 : i32
        %dma_wait3A_470 = arith.constant 0 : i32
        %dma_wait3A_471 = tpu.memref_slice %arg17[%dma_wait3A_469, %dma_wait3A_470] : memref<10112x16xf32, #tpu.memory_space<vmem_shared>> -> memref<10112x16xf32, #tpu.memory_space<vmem_shared>>
        tpu.wait_indirect_dma semaphore(%arg28 : memref<!tpu.dma_semaphore, #tpu.memory_space<semaphore_mem>>) src(%arg10 : memref<128x16xf32, #tpu.memory_space<vmem>>) dst(%dma_wait3A_471 : memref<10112x16xf32, #tpu.memory_space<vmem_shared>>)
      } else {
      }
      %add3A_431 = arith.constant 4 : i32
      %add3A_432 = arith.addi %add3A_413, %add3A_431 : i32
      %dma_start3A_433 = arith.constant 0 : i32
      %dma_start3A_434 = tpu.memref_slice %arg6[%add3A_432, %dma_start3A_433] : memref<79x128xi32, #tpu.memory_space<vmem>> -> memref<1x128xi32, #tpu.memory_space<vmem>>
      %dma_start3A_435 = tpu.memref_squeeze %dma_start3A_434 : memref<1x128xi32, #tpu.memory_space<vmem>> -> memref<128xi32, #tpu.memory_space<vmem>>
      %dma_start3A_436 = arith.constant 0 : i32
      %dma_start3A_437 = arith.constant 0 : i32
      %dma_start3A_438 = tpu.memref_slice %arg2[%dma_start3A_436, %dma_start3A_437] : memref<10000x16xf32, #tpu.memory_space<hbm>> -> memref<10000x16xf32, #tpu.memory_space<hbm>>
      tpu.enqueue_indirect_dma source(%dma_start3A_438 : memref<10000x16xf32, #tpu.memory_space<hbm>>) target(%arg10 : memref<128x16xf32, #tpu.memory_space<vmem>>) offsets(%dma_start3A_435 : memref<128xi32, #tpu.memory_space<vmem>>) semaphore(%arg20 : memref<!tpu.dma_semaphore, #tpu.memory_space<semaphore_mem>>)
      %add3A_439 = arith.constant 7 : i32
      %add3A_440 = arith.addi %add3A_250, %add3A_439 : i32
      %dma_wait3A_441 = arith.constant 0 : i32
      %dma_wait3A_442 = tpu.memref_slice %arg6[%add3A_440, %dma_wait3A_441] : memref<79x128xi32, #tpu.memory_space<vmem>> -> memref<1x128xi32, #tpu.memory_space<vmem>>
      %dma_wait3A_443 = tpu.memref_squeeze %dma_wait3A_442 : memref<1x128xi32, #tpu.memory_space<vmem>> -> memref<128xi32, #tpu.memory_space<vmem>>
      %dma_wait3A_444 = arith.constant 0 : i32
      %dma_wait3A_445 = arith.constant 0 : i32
      %dma_wait3A_446 = tpu.memref_slice %arg2[%dma_wait3A_444, %dma_wait3A_445] : memref<10000x16xf32, #tpu.memory_space<hbm>> -> memref<10000x16xf32, #tpu.memory_space<hbm>>
      tpu.wait_indirect_dma semaphore(%arg25 : memref<!tpu.dma_semaphore, #tpu.memory_space<semaphore_mem>>) src(%dma_wait3A_446 : memref<10000x16xf32, #tpu.memory_space<hbm>>) dst(%arg15 : memref<128x16xf32, #tpu.memory_space<vmem>>)
      %dma_start3A_447 = arith.constant 0 : i32
      %dma_start3A_448 = tpu.memref_slice %arg7[%add3A_440, %dma_start3A_447] : memref<79x128xi32, #tpu.memory_space<vmem>> -> memref<1x128xi32, #tpu.memory_space<vmem>>
      %dma_start3A_449 = tpu.memref_squeeze %dma_start3A_448 : memref<1x128xi32, #tpu.memory_space<vmem>> -> memref<128xi32, #tpu.memory_space<vmem>>
      %dma_start3A_450 = arith.constant 0 : i32
      %dma_start3A_451 = arith.constant 0 : i32
      %dma_start3A_452 = tpu.memref_slice %arg17[%dma_start3A_450, %dma_start3A_451] : memref<10112x16xf32, #tpu.memory_space<vmem_shared>> -> memref<10112x16xf32, #tpu.memory_space<vmem_shared>>
      tpu.enqueue_indirect_dma source(%arg15 : memref<128x16xf32, #tpu.memory_space<vmem>>) target(%dma_start3A_452 : memref<10112x16xf32, #tpu.memory_space<vmem_shared>>) offsets(%dma_start3A_449 : memref<128xi32, #tpu.memory_space<vmem>>) semaphore(%arg33 : memref<!tpu.dma_semaphore, #tpu.memory_space<semaphore_mem>>) {add = true}
      %ge3A_453 = arith.constant 4 : i32
      %ge3A_454 = arith.cmpi sge, %add3A_440, %ge3A_453 : i32
      %convert_element_type3A_455 = arith.extui %ge3A_454 : i1 to i32
      %cond3A_456 = arith.constant 0 : i32
      %cond3A_457 = arith.cmpi ne, %convert_element_type3A_455, %cond3A_456 : i32
      scf.if %cond3A_457 {
        %dma_wait3A_466 = arith.constant 0 : i32
        %dma_wait3A_467 = tpu.memref_slice %arg7[%add3A_440, %dma_wait3A_466] : memref<79x128xi32, #tpu.memory_space<vmem>> -> memref<1x128xi32, #tpu.memory_space<vmem>>
        %dma_wait3A_468 = tpu.memref_squeeze %dma_wait3A_467 : memref<1x128xi32, #tpu.memory_space<vmem>> -> memref<128xi32, #tpu.memory_space<vmem>>
        %dma_wait3A_469 = arith.constant 0 : i32
        %dma_wait3A_470 = arith.constant 0 : i32
        %dma_wait3A_471 = tpu.memref_slice %arg17[%dma_wait3A_469, %dma_wait3A_470] : memref<10112x16xf32, #tpu.memory_space<vmem_shared>> -> memref<10112x16xf32, #tpu.memory_space<vmem_shared>>
        tpu.wait_indirect_dma semaphore(%arg29 : memref<!tpu.dma_semaphore, #tpu.memory_space<semaphore_mem>>) src(%arg11 : memref<128x16xf32, #tpu.memory_space<vmem>>) dst(%dma_wait3A_471 : memref<10112x16xf32, #tpu.memory_space<vmem_shared>>)
      } else {
      }
      %add3A_458 = arith.constant 4 : i32
      %add3A_459 = arith.addi %add3A_440, %add3A_458 : i32
      %dma_start3A_460 = arith.constant 0 : i32
      %dma_start3A_461 = tpu.memref_slice %arg6[%add3A_459, %dma_start3A_460] : memref<79x128xi32, #tpu.memory_space<vmem>> -> memref<1x128xi32, #tpu.memory_space<vmem>>
      %dma_start3A_462 = tpu.memref_squeeze %dma_start3A_461 : memref<1x128xi32, #tpu.memory_space<vmem>> -> memref<128xi32, #tpu.memory_space<vmem>>
      %dma_start3A_463 = arith.constant 0 : i32
      %dma_start3A_464 = arith.constant 0 : i32
      %dma_start3A_465 = tpu.memref_slice %arg2[%dma_start3A_463, %dma_start3A_464] : memref<10000x16xf32, #tpu.memory_space<hbm>> -> memref<10000x16xf32, #tpu.memory_space<hbm>>
      tpu.enqueue_indirect_dma source(%dma_start3A_465 : memref<10000x16xf32, #tpu.memory_space<hbm>>) target(%arg11 : memref<128x16xf32, #tpu.memory_space<vmem>>) offsets(%dma_start3A_462 : memref<128xi32, #tpu.memory_space<vmem>>) semaphore(%arg21 : memref<!tpu.dma_semaphore, #tpu.memory_space<semaphore_mem>>)
    }
    %scan3A_43 = arith.constant 9 : i32
    %dma_wait3A = arith.constant 72 : i32
    %dma_wait3A_44 = arith.constant 0 : i32
    %dma_wait3A_45 = tpu.memref_slice %arg6[%dma_wait3A, %dma_wait3A_44] : memref<79x128xi32, #tpu.memory_space<vmem>> -> memref<1x128xi32, #tpu.memory_space<vmem>>
    %dma_wait3A_46 = tpu.memref_squeeze %dma_wait3A_45 : memref<1x128xi32, #tpu.memory_space<vmem>> -> memref<128xi32, #tpu.memory_space<vmem>>
    %dma_wait3A_47 = arith.constant 0 : i32
    %dma_wait3A_48 = arith.constant 0 : i32
    %dma_wait3A_49 = tpu.memref_slice %arg2[%dma_wait3A_47, %dma_wait3A_48] : memref<10000x16xf32, #tpu.memory_space<hbm>> -> memref<10000x16xf32, #tpu.memory_space<hbm>>
    tpu.wait_indirect_dma semaphore(%arg18 : memref<!tpu.dma_semaphore, #tpu.memory_space<semaphore_mem>>) src(%dma_wait3A_49 : memref<10000x16xf32, #tpu.memory_space<hbm>>) dst(%arg8 : memref<128x16xf32, #tpu.memory_space<vmem>>)
    %dma_start3A_50 = arith.constant 72 : i32
    %dma_start3A_51 = arith.constant 0 : i32
    %dma_start3A_52 = tpu.memref_slice %arg7[%dma_start3A_50, %dma_start3A_51] : memref<79x128xi32, #tpu.memory_space<vmem>> -> memref<1x128xi32, #tpu.memory_space<vmem>>
    %dma_start3A_53 = tpu.memref_squeeze %dma_start3A_52 : memref<1x128xi32, #tpu.memory_space<vmem>> -> memref<128xi32, #tpu.memory_space<vmem>>
    %dma_start3A_54 = arith.constant 0 : i32
    %dma_start3A_55 = arith.constant 0 : i32
    %dma_start3A_56 = tpu.memref_slice %arg17[%dma_start3A_54, %dma_start3A_55] : memref<10112x16xf32, #tpu.memory_space<vmem_shared>> -> memref<10112x16xf32, #tpu.memory_space<vmem_shared>>
    tpu.enqueue_indirect_dma source(%arg8 : memref<128x16xf32, #tpu.memory_space<vmem>>) target(%dma_start3A_56 : memref<10112x16xf32, #tpu.memory_space<vmem_shared>>) offsets(%dma_start3A_53 : memref<128xi32, #tpu.memory_space<vmem>>) semaphore(%arg26 : memref<!tpu.dma_semaphore, #tpu.memory_space<semaphore_mem>>) {add = true}
    %dma_wait3A_57 = arith.constant 72 : i32
    %dma_wait3A_58 = arith.constant 0 : i32
    %dma_wait3A_59 = tpu.memref_slice %arg7[%dma_wait3A_57, %dma_wait3A_58] : memref<79x128xi32, #tpu.memory_space<vmem>> -> memref<1x128xi32, #tpu.memory_space<vmem>>
    %dma_wait3A_60 = tpu.memref_squeeze %dma_wait3A_59 : memref<1x128xi32, #tpu.memory_space<vmem>> -> memref<128xi32, #tpu.memory_space<vmem>>
    %dma_wait3A_61 = arith.constant 0 : i32
    %dma_wait3A_62 = arith.constant 0 : i32
    %dma_wait3A_63 = tpu.memref_slice %arg17[%dma_wait3A_61, %dma_wait3A_62] : memref<10112x16xf32, #tpu.memory_space<vmem_shared>> -> memref<10112x16xf32, #tpu.memory_space<vmem_shared>>
    tpu.wait_indirect_dma semaphore(%arg30 : memref<!tpu.dma_semaphore, #tpu.memory_space<semaphore_mem>>) src(%arg12 : memref<128x16xf32, #tpu.memory_space<vmem>>) dst(%dma_wait3A_63 : memref<10112x16xf32, #tpu.memory_space<vmem_shared>>)
    %dma_start3A_64 = arith.constant 76 : i32
    %dma_start3A_65 = arith.constant 0 : i32
    %dma_start3A_66 = tpu.memref_slice %arg6[%dma_start3A_64, %dma_start3A_65] : memref<79x128xi32, #tpu.memory_space<vmem>> -> memref<1x128xi32, #tpu.memory_space<vmem>>
    %dma_start3A_67 = tpu.memref_squeeze %dma_start3A_66 : memref<1x128xi32, #tpu.memory_space<vmem>> -> memref<128xi32, #tpu.memory_space<vmem>>
    %dma_start3A_68 = arith.constant 0 : i32
    %dma_start3A_69 = arith.constant 0 : i32
    %dma_start3A_70 = tpu.memref_slice %arg2[%dma_start3A_68, %dma_start3A_69] : memref<10000x16xf32, #tpu.memory_space<hbm>> -> memref<10000x16xf32, #tpu.memory_space<hbm>>
    tpu.enqueue_indirect_dma source(%dma_start3A_70 : memref<10000x16xf32, #tpu.memory_space<hbm>>) target(%arg12 : memref<128x16xf32, #tpu.memory_space<vmem>>) offsets(%dma_start3A_67 : memref<128xi32, #tpu.memory_space<vmem>>) semaphore(%arg22 : memref<!tpu.dma_semaphore, #tpu.memory_space<semaphore_mem>>)
    %dma_wait3A_71 = arith.constant 73 : i32
    %dma_wait3A_72 = arith.constant 0 : i32
    %dma_wait3A_73 = tpu.memref_slice %arg6[%dma_wait3A_71, %dma_wait3A_72] : memref<79x128xi32, #tpu.memory_space<vmem>> -> memref<1x128xi32, #tpu.memory_space<vmem>>
    %dma_wait3A_74 = tpu.memref_squeeze %dma_wait3A_73 : memref<1x128xi32, #tpu.memory_space<vmem>> -> memref<128xi32, #tpu.memory_space<vmem>>
    %dma_wait3A_75 = arith.constant 0 : i32
    %dma_wait3A_76 = arith.constant 0 : i32
    %dma_wait3A_77 = tpu.memref_slice %arg2[%dma_wait3A_75, %dma_wait3A_76] : memref<10000x16xf32, #tpu.memory_space<hbm>> -> memref<10000x16xf32, #tpu.memory_space<hbm>>
    tpu.wait_indirect_dma semaphore(%arg19 : memref<!tpu.dma_semaphore, #tpu.memory_space<semaphore_mem>>) src(%dma_wait3A_77 : memref<10000x16xf32, #tpu.memory_space<hbm>>) dst(%arg9 : memref<128x16xf32, #tpu.memory_space<vmem>>)
    %dma_start3A_78 = arith.constant 73 : i32
    %dma_start3A_79 = arith.constant 0 : i32
    %dma_start3A_80 = tpu.memref_slice %arg7[%dma_start3A_78, %dma_start3A_79] : memref<79x128xi32, #tpu.memory_space<vmem>> -> memref<1x128xi32, #tpu.memory_space<vmem>>
    %dma_start3A_81 = tpu.memref_squeeze %dma_start3A_80 : memref<1x128xi32, #tpu.memory_space<vmem>> -> memref<128xi32, #tpu.memory_space<vmem>>
    %dma_start3A_82 = arith.constant 0 : i32
    %dma_start3A_83 = arith.constant 0 : i32
    %dma_start3A_84 = tpu.memref_slice %arg17[%dma_start3A_82, %dma_start3A_83] : memref<10112x16xf32, #tpu.memory_space<vmem_shared>> -> memref<10112x16xf32, #tpu.memory_space<vmem_shared>>
    tpu.enqueue_indirect_dma source(%arg9 : memref<128x16xf32, #tpu.memory_space<vmem>>) target(%dma_start3A_84 : memref<10112x16xf32, #tpu.memory_space<vmem_shared>>) offsets(%dma_start3A_81 : memref<128xi32, #tpu.memory_space<vmem>>) semaphore(%arg27 : memref<!tpu.dma_semaphore, #tpu.memory_space<semaphore_mem>>) {add = true}
    %dma_wait3A_85 = arith.constant 73 : i32
    %dma_wait3A_86 = arith.constant 0 : i32
    %dma_wait3A_87 = tpu.memref_slice %arg7[%dma_wait3A_85, %dma_wait3A_86] : memref<79x128xi32, #tpu.memory_space<vmem>> -> memref<1x128xi32, #tpu.memory_space<vmem>>
    %dma_wait3A_88 = tpu.memref_squeeze %dma_wait3A_87 : memref<1x128xi32, #tpu.memory_space<vmem>> -> memref<128xi32, #tpu.memory_space<vmem>>
    %dma_wait3A_89 = arith.constant 0 : i32
    %dma_wait3A_90 = arith.constant 0 : i32
    %dma_wait3A_91 = tpu.memref_slice %arg17[%dma_wait3A_89, %dma_wait3A_90] : memref<10112x16xf32, #tpu.memory_space<vmem_shared>> -> memref<10112x16xf32, #tpu.memory_space<vmem_shared>>
    tpu.wait_indirect_dma semaphore(%arg31 : memref<!tpu.dma_semaphore, #tpu.memory_space<semaphore_mem>>) src(%arg13 : memref<128x16xf32, #tpu.memory_space<vmem>>) dst(%dma_wait3A_91 : memref<10112x16xf32, #tpu.memory_space<vmem_shared>>)
    %dma_start3A_92 = arith.constant 77 : i32
    %dma_start3A_93 = arith.constant 0 : i32
    %dma_start3A_94 = tpu.memref_slice %arg6[%dma_start3A_92, %dma_start3A_93] : memref<79x128xi32, #tpu.memory_space<vmem>> -> memref<1x128xi32, #tpu.memory_space<vmem>>
    %dma_start3A_95 = tpu.memref_squeeze %dma_start3A_94 : memref<1x128xi32, #tpu.memory_space<vmem>> -> memref<128xi32, #tpu.memory_space<vmem>>
    %dma_start3A_96 = arith.constant 0 : i32
    %dma_start3A_97 = arith.constant 0 : i32
    %dma_start3A_98 = tpu.memref_slice %arg2[%dma_start3A_96, %dma_start3A_97] : memref<10000x16xf32, #tpu.memory_space<hbm>> -> memref<10000x16xf32, #tpu.memory_space<hbm>>
    tpu.enqueue_indirect_dma source(%dma_start3A_98 : memref<10000x16xf32, #tpu.memory_space<hbm>>) target(%arg13 : memref<128x16xf32, #tpu.memory_space<vmem>>) offsets(%dma_start3A_95 : memref<128xi32, #tpu.memory_space<vmem>>) semaphore(%arg23 : memref<!tpu.dma_semaphore, #tpu.memory_space<semaphore_mem>>)
    %dma_wait3A_99 = arith.constant 74 : i32
    %dma_wait3A_100 = arith.constant 0 : i32
    %dma_wait3A_101 = tpu.memref_slice %arg6[%dma_wait3A_99, %dma_wait3A_100] : memref<79x128xi32, #tpu.memory_space<vmem>> -> memref<1x128xi32, #tpu.memory_space<vmem>>
    %dma_wait3A_102 = tpu.memref_squeeze %dma_wait3A_101 : memref<1x128xi32, #tpu.memory_space<vmem>> -> memref<128xi32, #tpu.memory_space<vmem>>
    %dma_wait3A_103 = arith.constant 0 : i32
    %dma_wait3A_104 = arith.constant 0 : i32
    %dma_wait3A_105 = tpu.memref_slice %arg2[%dma_wait3A_103, %dma_wait3A_104] : memref<10000x16xf32, #tpu.memory_space<hbm>> -> memref<10000x16xf32, #tpu.memory_space<hbm>>
    tpu.wait_indirect_dma semaphore(%arg20 : memref<!tpu.dma_semaphore, #tpu.memory_space<semaphore_mem>>) src(%dma_wait3A_105 : memref<10000x16xf32, #tpu.memory_space<hbm>>) dst(%arg10 : memref<128x16xf32, #tpu.memory_space<vmem>>)
    %dma_start3A_106 = arith.constant 74 : i32
    %dma_start3A_107 = arith.constant 0 : i32
    %dma_start3A_108 = tpu.memref_slice %arg7[%dma_start3A_106, %dma_start3A_107] : memref<79x128xi32, #tpu.memory_space<vmem>> -> memref<1x128xi32, #tpu.memory_space<vmem>>
    %dma_start3A_109 = tpu.memref_squeeze %dma_start3A_108 : memref<1x128xi32, #tpu.memory_space<vmem>> -> memref<128xi32, #tpu.memory_space<vmem>>
    %dma_start3A_110 = arith.constant 0 : i32
    %dma_start3A_111 = arith.constant 0 : i32
    %dma_start3A_112 = tpu.memref_slice %arg17[%dma_start3A_110, %dma_start3A_111] : memref<10112x16xf32, #tpu.memory_space<vmem_shared>> -> memref<10112x16xf32, #tpu.memory_space<vmem_shared>>
    tpu.enqueue_indirect_dma source(%arg10 : memref<128x16xf32, #tpu.memory_space<vmem>>) target(%dma_start3A_112 : memref<10112x16xf32, #tpu.memory_space<vmem_shared>>) offsets(%dma_start3A_109 : memref<128xi32, #tpu.memory_space<vmem>>) semaphore(%arg28 : memref<!tpu.dma_semaphore, #tpu.memory_space<semaphore_mem>>) {add = true}
    %dma_wait3A_113 = arith.constant 74 : i32
    %dma_wait3A_114 = arith.constant 0 : i32
    %dma_wait3A_115 = tpu.memref_slice %arg7[%dma_wait3A_113, %dma_wait3A_114] : memref<79x128xi32, #tpu.memory_space<vmem>> -> memref<1x128xi32, #tpu.memory_space<vmem>>
    %dma_wait3A_116 = tpu.memref_squeeze %dma_wait3A_115 : memref<1x128xi32, #tpu.memory_space<vmem>> -> memref<128xi32, #tpu.memory_space<vmem>>
    %dma_wait3A_117 = arith.constant 0 : i32
    %dma_wait3A_118 = arith.constant 0 : i32
    %dma_wait3A_119 = tpu.memref_slice %arg17[%dma_wait3A_117, %dma_wait3A_118] : memref<10112x16xf32, #tpu.memory_space<vmem_shared>> -> memref<10112x16xf32, #tpu.memory_space<vmem_shared>>
    tpu.wait_indirect_dma semaphore(%arg32 : memref<!tpu.dma_semaphore, #tpu.memory_space<semaphore_mem>>) src(%arg14 : memref<128x16xf32, #tpu.memory_space<vmem>>) dst(%dma_wait3A_119 : memref<10112x16xf32, #tpu.memory_space<vmem_shared>>)
    %dma_start3A_120 = arith.constant 78 : i32
    %dma_start3A_121 = arith.constant 0 : i32
    %dma_start3A_122 = tpu.memref_slice %arg6[%dma_start3A_120, %dma_start3A_121] : memref<79x128xi32, #tpu.memory_space<vmem>> -> memref<1x128xi32, #tpu.memory_space<vmem>>
    %dma_start3A_123 = tpu.memref_squeeze %dma_start3A_122 : memref<1x128xi32, #tpu.memory_space<vmem>> -> memref<128xi32, #tpu.memory_space<vmem>>
    %dma_start3A_124 = arith.constant 0 : i32
    %dma_start3A_125 = arith.constant 0 : i32
    %dma_start3A_126 = tpu.memref_slice %arg2[%dma_start3A_124, %dma_start3A_125] : memref<10000x16xf32, #tpu.memory_space<hbm>> -> memref<10000x16xf32, #tpu.memory_space<hbm>>
    tpu.enqueue_indirect_dma source(%dma_start3A_126 : memref<10000x16xf32, #tpu.memory_space<hbm>>) target(%arg14 : memref<128x16xf32, #tpu.memory_space<vmem>>) offsets(%dma_start3A_123 : memref<128xi32, #tpu.memory_space<vmem>>) semaphore(%arg24 : memref<!tpu.dma_semaphore, #tpu.memory_space<semaphore_mem>>)
    %dma_wait3A_127 = arith.constant 75 : i32
    %dma_wait3A_128 = arith.constant 0 : i32
    %dma_wait3A_129 = tpu.memref_slice %arg6[%dma_wait3A_127, %dma_wait3A_128] : memref<79x128xi32, #tpu.memory_space<vmem>> -> memref<1x128xi32, #tpu.memory_space<vmem>>
    %dma_wait3A_130 = tpu.memref_squeeze %dma_wait3A_129 : memref<1x128xi32, #tpu.memory_space<vmem>> -> memref<128xi32, #tpu.memory_space<vmem>>
    %dma_wait3A_131 = arith.constant 0 : i32
    %dma_wait3A_132 = arith.constant 0 : i32
    %dma_wait3A_133 = tpu.memref_slice %arg2[%dma_wait3A_131, %dma_wait3A_132] : memref<10000x16xf32, #tpu.memory_space<hbm>> -> memref<10000x16xf32, #tpu.memory_space<hbm>>
    tpu.wait_indirect_dma semaphore(%arg21 : memref<!tpu.dma_semaphore, #tpu.memory_space<semaphore_mem>>) src(%dma_wait3A_133 : memref<10000x16xf32, #tpu.memory_space<hbm>>) dst(%arg11 : memref<128x16xf32, #tpu.memory_space<vmem>>)
    %dma_start3A_134 = arith.constant 75 : i32
    %dma_start3A_135 = arith.constant 0 : i32
    %dma_start3A_136 = tpu.memref_slice %arg7[%dma_start3A_134, %dma_start3A_135] : memref<79x128xi32, #tpu.memory_space<vmem>> -> memref<1x128xi32, #tpu.memory_space<vmem>>
    %dma_start3A_137 = tpu.memref_squeeze %dma_start3A_136 : memref<1x128xi32, #tpu.memory_space<vmem>> -> memref<128xi32, #tpu.memory_space<vmem>>
    %dma_start3A_138 = arith.constant 0 : i32
    %dma_start3A_139 = arith.constant 0 : i32
    %dma_start3A_140 = tpu.memref_slice %arg17[%dma_start3A_138, %dma_start3A_139] : memref<10112x16xf32, #tpu.memory_space<vmem_shared>> -> memref<10112x16xf32, #tpu.memory_space<vmem_shared>>
    tpu.enqueue_indirect_dma source(%arg11 : memref<128x16xf32, #tpu.memory_space<vmem>>) target(%dma_start3A_140 : memref<10112x16xf32, #tpu.memory_space<vmem_shared>>) offsets(%dma_start3A_137 : memref<128xi32, #tpu.memory_space<vmem>>) semaphore(%arg29 : memref<!tpu.dma_semaphore, #tpu.memory_space<semaphore_mem>>) {add = true}
    %dma_wait3A_141 = arith.constant 75 : i32
    %dma_wait3A_142 = arith.constant 0 : i32
    %dma_wait3A_143 = tpu.memref_slice %arg7[%dma_wait3A_141, %dma_wait3A_142] : memref<79x128xi32, #tpu.memory_space<vmem>> -> memref<1x128xi32, #tpu.memory_space<vmem>>
    %dma_wait3A_144 = tpu.memref_squeeze %dma_wait3A_143 : memref<1x128xi32, #tpu.memory_space<vmem>> -> memref<128xi32, #tpu.memory_space<vmem>>
    %dma_wait3A_145 = arith.constant 0 : i32
    %dma_wait3A_146 = arith.constant 0 : i32
    %dma_wait3A_147 = tpu.memref_slice %arg17[%dma_wait3A_145, %dma_wait3A_146] : memref<10112x16xf32, #tpu.memory_space<vmem_shared>> -> memref<10112x16xf32, #tpu.memory_space<vmem_shared>>
    tpu.wait_indirect_dma semaphore(%arg33 : memref<!tpu.dma_semaphore, #tpu.memory_space<semaphore_mem>>) src(%arg15 : memref<128x16xf32, #tpu.memory_space<vmem>>) dst(%dma_wait3A_147 : memref<10112x16xf32, #tpu.memory_space<vmem_shared>>)
    %dma_wait3A_148 = arith.constant 76 : i32
    %dma_wait3A_149 = arith.constant 0 : i32
    %dma_wait3A_150 = tpu.memref_slice %arg6[%dma_wait3A_148, %dma_wait3A_149] : memref<79x128xi32, #tpu.memory_space<vmem>> -> memref<1x128xi32, #tpu.memory_space<vmem>>
    %dma_wait3A_151 = tpu.memref_squeeze %dma_wait3A_150 : memref<1x128xi32, #tpu.memory_space<vmem>> -> memref<128xi32, #tpu.memory_space<vmem>>
    %dma_wait3A_152 = arith.constant 0 : i32
    %dma_wait3A_153 = arith.constant 0 : i32
    %dma_wait3A_154 = tpu.memref_slice %arg2[%dma_wait3A_152, %dma_wait3A_153] : memref<10000x16xf32, #tpu.memory_space<hbm>> -> memref<10000x16xf32, #tpu.memory_space<hbm>>
    tpu.wait_indirect_dma semaphore(%arg22 : memref<!tpu.dma_semaphore, #tpu.memory_space<semaphore_mem>>) src(%dma_wait3A_154 : memref<10000x16xf32, #tpu.memory_space<hbm>>) dst(%arg12 : memref<128x16xf32, #tpu.memory_space<vmem>>)
    %dma_start3A_155 = arith.constant 76 : i32
    %dma_start3A_156 = arith.constant 0 : i32
    %dma_start3A_157 = tpu.memref_slice %arg7[%dma_start3A_155, %dma_start3A_156] : memref<79x128xi32, #tpu.memory_space<vmem>> -> memref<1x128xi32, #tpu.memory_space<vmem>>
    %dma_start3A_158 = tpu.memref_squeeze %dma_start3A_157 : memref<1x128xi32, #tpu.memory_space<vmem>> -> memref<128xi32, #tpu.memory_space<vmem>>
    %dma_start3A_159 = arith.constant 0 : i32
    %dma_start3A_160 = arith.constant 0 : i32
    %dma_start3A_161 = tpu.memref_slice %arg17[%dma_start3A_159, %dma_start3A_160] : memref<10112x16xf32, #tpu.memory_space<vmem_shared>> -> memref<10112x16xf32, #tpu.memory_space<vmem_shared>>
    tpu.enqueue_indirect_dma source(%arg12 : memref<128x16xf32, #tpu.memory_space<vmem>>) target(%dma_start3A_161 : memref<10112x16xf32, #tpu.memory_space<vmem_shared>>) offsets(%dma_start3A_158 : memref<128xi32, #tpu.memory_space<vmem>>) semaphore(%arg30 : memref<!tpu.dma_semaphore, #tpu.memory_space<semaphore_mem>>) {add = true}
    %dma_wait3A_162 = arith.constant 76 : i32
    %dma_wait3A_163 = arith.constant 0 : i32
    %dma_wait3A_164 = tpu.memref_slice %arg7[%dma_wait3A_162, %dma_wait3A_163] : memref<79x128xi32, #tpu.memory_space<vmem>> -> memref<1x128xi32, #tpu.memory_space<vmem>>
    %dma_wait3A_165 = tpu.memref_squeeze %dma_wait3A_164 : memref<1x128xi32, #tpu.memory_space<vmem>> -> memref<128xi32, #tpu.memory_space<vmem>>
    %dma_wait3A_166 = arith.constant 0 : i32
    %dma_wait3A_167 = arith.constant 0 : i32
    %dma_wait3A_168 = tpu.memref_slice %arg17[%dma_wait3A_166, %dma_wait3A_167] : memref<10112x16xf32, #tpu.memory_space<vmem_shared>> -> memref<10112x16xf32, #tpu.memory_space<vmem_shared>>
    tpu.wait_indirect_dma semaphore(%arg26 : memref<!tpu.dma_semaphore, #tpu.memory_space<semaphore_mem>>) src(%arg8 : memref<128x16xf32, #tpu.memory_space<vmem>>) dst(%dma_wait3A_168 : memref<10112x16xf32, #tpu.memory_space<vmem_shared>>)
    %dma_wait3A_169 = arith.constant 77 : i32
    %dma_wait3A_170 = arith.constant 0 : i32
    %dma_wait3A_171 = tpu.memref_slice %arg6[%dma_wait3A_169, %dma_wait3A_170] : memref<79x128xi32, #tpu.memory_space<vmem>> -> memref<1x128xi32, #tpu.memory_space<vmem>>
    %dma_wait3A_172 = tpu.memref_squeeze %dma_wait3A_171 : memref<1x128xi32, #tpu.memory_space<vmem>> -> memref<128xi32, #tpu.memory_space<vmem>>
    %dma_wait3A_173 = arith.constant 0 : i32
    %dma_wait3A_174 = arith.constant 0 : i32
    %dma_wait3A_175 = tpu.memref_slice %arg2[%dma_wait3A_173, %dma_wait3A_174] : memref<10000x16xf32, #tpu.memory_space<hbm>> -> memref<10000x16xf32, #tpu.memory_space<hbm>>
    tpu.wait_indirect_dma semaphore(%arg23 : memref<!tpu.dma_semaphore, #tpu.memory_space<semaphore_mem>>) src(%dma_wait3A_175 : memref<10000x16xf32, #tpu.memory_space<hbm>>) dst(%arg13 : memref<128x16xf32, #tpu.memory_space<vmem>>)
    %dma_start3A_176 = arith.constant 77 : i32
    %dma_start3A_177 = arith.constant 0 : i32
    %dma_start3A_178 = tpu.memref_slice %arg7[%dma_start3A_176, %dma_start3A_177] : memref<79x128xi32, #tpu.memory_space<vmem>> -> memref<1x128xi32, #tpu.memory_space<vmem>>
    %dma_start3A_179 = tpu.memref_squeeze %dma_start3A_178 : memref<1x128xi32, #tpu.memory_space<vmem>> -> memref<128xi32, #tpu.memory_space<vmem>>
    %dma_start3A_180 = arith.constant 0 : i32
    %dma_start3A_181 = arith.constant 0 : i32
    %dma_start3A_182 = tpu.memref_slice %arg17[%dma_start3A_180, %dma_start3A_181] : memref<10112x16xf32, #tpu.memory_space<vmem_shared>> -> memref<10112x16xf32, #tpu.memory_space<vmem_shared>>
    tpu.enqueue_indirect_dma source(%arg13 : memref<128x16xf32, #tpu.memory_space<vmem>>) target(%dma_start3A_182 : memref<10112x16xf32, #tpu.memory_space<vmem_shared>>) offsets(%dma_start3A_179 : memref<128xi32, #tpu.memory_space<vmem>>) semaphore(%arg31 : memref<!tpu.dma_semaphore, #tpu.memory_space<semaphore_mem>>) {add = true}
    %dma_wait3A_183 = arith.constant 77 : i32
    %dma_wait3A_184 = arith.constant 0 : i32
    %dma_wait3A_185 = tpu.memref_slice %arg7[%dma_wait3A_183, %dma_wait3A_184] : memref<79x128xi32, #tpu.memory_space<vmem>> -> memref<1x128xi32, #tpu.memory_space<vmem>>
    %dma_wait3A_186 = tpu.memref_squeeze %dma_wait3A_185 : memref<1x128xi32, #tpu.memory_space<vmem>> -> memref<128xi32, #tpu.memory_space<vmem>>
    %dma_wait3A_187 = arith.constant 0 : i32
    %dma_wait3A_188 = arith.constant 0 : i32
    %dma_wait3A_189 = tpu.memref_slice %arg17[%dma_wait3A_187, %dma_wait3A_188] : memref<10112x16xf32, #tpu.memory_space<vmem_shared>> -> memref<10112x16xf32, #tpu.memory_space<vmem_shared>>
    tpu.wait_indirect_dma semaphore(%arg27 : memref<!tpu.dma_semaphore, #tpu.memory_space<semaphore_mem>>) src(%arg9 : memref<128x16xf32, #tpu.memory_space<vmem>>) dst(%dma_wait3A_189 : memref<10112x16xf32, #tpu.memory_space<vmem_shared>>)
    %dma_wait3A_190 = arith.constant 78 : i32
    %dma_wait3A_191 = arith.constant 0 : i32
    %dma_wait3A_192 = tpu.memref_slice %arg6[%dma_wait3A_190, %dma_wait3A_191] : memref<79x128xi32, #tpu.memory_space<vmem>> -> memref<1x128xi32, #tpu.memory_space<vmem>>
    %dma_wait3A_193 = tpu.memref_squeeze %dma_wait3A_192 : memref<1x128xi32, #tpu.memory_space<vmem>> -> memref<128xi32, #tpu.memory_space<vmem>>
    %dma_wait3A_194 = arith.constant 0 : i32
    %dma_wait3A_195 = arith.constant 0 : i32
    %dma_wait3A_196 = tpu.memref_slice %arg2[%dma_wait3A_194, %dma_wait3A_195] : memref<10000x16xf32, #tpu.memory_space<hbm>> -> memref<10000x16xf32, #tpu.memory_space<hbm>>
    tpu.wait_indirect_dma semaphore(%arg24 : memref<!tpu.dma_semaphore, #tpu.memory_space<semaphore_mem>>) src(%dma_wait3A_196 : memref<10000x16xf32, #tpu.memory_space<hbm>>) dst(%arg14 : memref<128x16xf32, #tpu.memory_space<vmem>>)
    %dma_start3A_197 = arith.constant 78 : i32
    %dma_start3A_198 = arith.constant 0 : i32
    %dma_start3A_199 = tpu.memref_slice %arg7[%dma_start3A_197, %dma_start3A_198] : memref<79x128xi32, #tpu.memory_space<vmem>> -> memref<1x128xi32, #tpu.memory_space<vmem>>
    %dma_start3A_200 = tpu.memref_squeeze %dma_start3A_199 : memref<1x128xi32, #tpu.memory_space<vmem>> -> memref<128xi32, #tpu.memory_space<vmem>>
    %dma_start3A_201 = arith.constant 0 : i32
    %dma_start3A_202 = arith.constant 0 : i32
    %dma_start3A_203 = tpu.memref_slice %arg17[%dma_start3A_201, %dma_start3A_202] : memref<10112x16xf32, #tpu.memory_space<vmem_shared>> -> memref<10112x16xf32, #tpu.memory_space<vmem_shared>>
    tpu.enqueue_indirect_dma source(%arg14 : memref<128x16xf32, #tpu.memory_space<vmem>>) target(%dma_start3A_203 : memref<10112x16xf32, #tpu.memory_space<vmem_shared>>) offsets(%dma_start3A_200 : memref<128xi32, #tpu.memory_space<vmem>>) semaphore(%arg32 : memref<!tpu.dma_semaphore, #tpu.memory_space<semaphore_mem>>) {add = true}
    %dma_wait3A_204 = arith.constant 78 : i32
    %dma_wait3A_205 = arith.constant 0 : i32
    %dma_wait3A_206 = tpu.memref_slice %arg7[%dma_wait3A_204, %dma_wait3A_205] : memref<79x128xi32, #tpu.memory_space<vmem>> -> memref<1x128xi32, #tpu.memory_space<vmem>>
    %dma_wait3A_207 = tpu.memref_squeeze %dma_wait3A_206 : memref<1x128xi32, #tpu.memory_space<vmem>> -> memref<128xi32, #tpu.memory_space<vmem>>
    %dma_wait3A_208 = arith.constant 0 : i32
    %dma_wait3A_209 = arith.constant 0 : i32
    %dma_wait3A_210 = tpu.memref_slice %arg17[%dma_wait3A_208, %dma_wait3A_209] : memref<10112x16xf32, #tpu.memory_space<vmem_shared>> -> memref<10112x16xf32, #tpu.memory_space<vmem_shared>>
    tpu.wait_indirect_dma semaphore(%arg28 : memref<!tpu.dma_semaphore, #tpu.memory_space<semaphore_mem>>) src(%arg10 : memref<128x16xf32, #tpu.memory_space<vmem>>) dst(%dma_wait3A_210 : memref<10112x16xf32, #tpu.memory_space<vmem_shared>>)
    %dma_wait3A_211 = arith.constant 75 : i32
    %dma_wait3A_212 = arith.constant 0 : i32
    %dma_wait3A_213 = tpu.memref_slice %arg7[%dma_wait3A_211, %dma_wait3A_212] : memref<79x128xi32, #tpu.memory_space<vmem>> -> memref<1x128xi32, #tpu.memory_space<vmem>>
    %dma_wait3A_214 = tpu.memref_squeeze %dma_wait3A_213 : memref<1x128xi32, #tpu.memory_space<vmem>> -> memref<128xi32, #tpu.memory_space<vmem>>
    %dma_wait3A_215 = arith.constant 0 : i32
    %dma_wait3A_216 = arith.constant 0 : i32
    %dma_wait3A_217 = tpu.memref_slice %arg17[%dma_wait3A_215, %dma_wait3A_216] : memref<10112x16xf32, #tpu.memory_space<vmem_shared>> -> memref<10112x16xf32, #tpu.memory_space<vmem_shared>>
    tpu.wait_indirect_dma semaphore(%arg29 : memref<!tpu.dma_semaphore, #tpu.memory_space<semaphore_mem>>) src(%arg11 : memref<128x16xf32, #tpu.memory_space<vmem>>) dst(%dma_wait3A_217 : memref<10112x16xf32, #tpu.memory_space<vmem_shared>>)
    %dma_wait3A_218 = arith.constant 76 : i32
    %dma_wait3A_219 = arith.constant 0 : i32
    %dma_wait3A_220 = tpu.memref_slice %arg7[%dma_wait3A_218, %dma_wait3A_219] : memref<79x128xi32, #tpu.memory_space<vmem>> -> memref<1x128xi32, #tpu.memory_space<vmem>>
    %dma_wait3A_221 = tpu.memref_squeeze %dma_wait3A_220 : memref<1x128xi32, #tpu.memory_space<vmem>> -> memref<128xi32, #tpu.memory_space<vmem>>
    %dma_wait3A_222 = arith.constant 0 : i32
    %dma_wait3A_223 = arith.constant 0 : i32
    %dma_wait3A_224 = tpu.memref_slice %arg17[%dma_wait3A_222, %dma_wait3A_223] : memref<10112x16xf32, #tpu.memory_space<vmem_shared>> -> memref<10112x16xf32, #tpu.memory_space<vmem_shared>>
    tpu.wait_indirect_dma semaphore(%arg30 : memref<!tpu.dma_semaphore, #tpu.memory_space<semaphore_mem>>) src(%arg12 : memref<128x16xf32, #tpu.memory_space<vmem>>) dst(%dma_wait3A_224 : memref<10112x16xf32, #tpu.memory_space<vmem_shared>>)
    %dma_wait3A_225 = arith.constant 77 : i32
    %dma_wait3A_226 = arith.constant 0 : i32
    %dma_wait3A_227 = tpu.memref_slice %arg7[%dma_wait3A_225, %dma_wait3A_226] : memref<79x128xi32, #tpu.memory_space<vmem>> -> memref<1x128xi32, #tpu.memory_space<vmem>>
    %dma_wait3A_228 = tpu.memref_squeeze %dma_wait3A_227 : memref<1x128xi32, #tpu.memory_space<vmem>> -> memref<128xi32, #tpu.memory_space<vmem>>
    %dma_wait3A_229 = arith.constant 0 : i32
    %dma_wait3A_230 = arith.constant 0 : i32
    %dma_wait3A_231 = tpu.memref_slice %arg17[%dma_wait3A_229, %dma_wait3A_230] : memref<10112x16xf32, #tpu.memory_space<vmem_shared>> -> memref<10112x16xf32, #tpu.memory_space<vmem_shared>>
    tpu.wait_indirect_dma semaphore(%arg31 : memref<!tpu.dma_semaphore, #tpu.memory_space<semaphore_mem>>) src(%arg13 : memref<128x16xf32, #tpu.memory_space<vmem>>) dst(%dma_wait3A_231 : memref<10112x16xf32, #tpu.memory_space<vmem_shared>>)
    %dma_wait3A_232 = arith.constant 78 : i32
    %dma_wait3A_233 = arith.constant 0 : i32
    %dma_wait3A_234 = tpu.memref_slice %arg7[%dma_wait3A_232, %dma_wait3A_233] : memref<79x128xi32, #tpu.memory_space<vmem>> -> memref<1x128xi32, #tpu.memory_space<vmem>>
    %dma_wait3A_235 = tpu.memref_squeeze %dma_wait3A_234 : memref<1x128xi32, #tpu.memory_space<vmem>> -> memref<128xi32, #tpu.memory_space<vmem>>
    %dma_wait3A_236 = arith.constant 0 : i32
    %dma_wait3A_237 = arith.constant 0 : i32
    %dma_wait3A_238 = tpu.memref_slice %arg17[%dma_wait3A_236, %dma_wait3A_237] : memref<10112x16xf32, #tpu.memory_space<vmem_shared>> -> memref<10112x16xf32, #tpu.memory_space<vmem_shared>>
    tpu.wait_indirect_dma semaphore(%arg32 : memref<!tpu.dma_semaphore, #tpu.memory_space<semaphore_mem>>) src(%arg14 : memref<128x16xf32, #tpu.memory_space<vmem>>) dst(%dma_wait3A_238 : memref<10112x16xf32, #tpu.memory_space<vmem_shared>>)
    %barrier3A_239 = arith.constant 0 : index
    tpu.barrier barrier_id(%barrier3A_239)
    %lt3A = arith.constant 15 : i32
    %lt3A_240 = arith.cmpi slt, %arg1, %lt3A : i32
    %convert_element_type3A = arith.extui %lt3A_240 : i1 to i32
    %cond3A = arith.constant 0 : i32
    %cond3A_241 = arith.cmpi ne, %convert_element_type3A, %cond3A : i32
    scf.if %cond3A_241 {
      %mul3A_246 = arith.constant 632 : i32
      %mul3A_247 = arith.muli %arg1, %mul3A_246 : i32
      %mul3A_248 = arith.constant 632 : i32
      %mul3A_249 = arith.muli %arg1, %mul3A_248 : i32
      "tpu.region"() ({
        %run_scoped3A = tpu.sem_alloc : memref<!tpu.dma_semaphore, #tpu.memory_space<semaphore_mem>>
        %dma_start3A_250 = arith.constant 0 : i32
        %dma_start3A_251 = tpu.memref_slice %arg5[%arg0, %mul3A_249, %dma_start3A_250] : memref<2x10000x16xf32, #tpu.memory_space<hbm>> -> memref<1x632x16xf32, #tpu.memory_space<hbm>>
        %dma_start3A_252 = tpu.memref_squeeze %dma_start3A_251 : memref<1x632x16xf32, #tpu.memory_space<hbm>> -> memref<632x16xf32, #tpu.memory_space<hbm>>
        %dma_start3A_253 = arith.constant 0 : i32
        %dma_start3A_254 = tpu.memref_slice %arg17[%mul3A_247, %dma_start3A_253] : memref<10112x16xf32, #tpu.memory_space<vmem_shared>> -> memref<632x16xf32, #tpu.memory_space<vmem_shared>>
        tpu.enqueue_dma source(%dma_start3A_254 : memref<632x16xf32, #tpu.memory_space<vmem_shared>>) target(%dma_start3A_252 : memref<632x16xf32, #tpu.memory_space<hbm>>) target_semaphore(%run_scoped3A : memref<!tpu.dma_semaphore, #tpu.memory_space<semaphore_mem>>)
        %dma_wait3A_255 = arith.constant 0 : i32
        %dma_wait3A_256 = tpu.memref_slice %arg5[%arg0, %mul3A_249, %dma_wait3A_255] : memref<2x10000x16xf32, #tpu.memory_space<hbm>> -> memref<1x632x16xf32, #tpu.memory_space<hbm>>
        %dma_wait3A_257 = tpu.memref_squeeze %dma_wait3A_256 : memref<1x632x16xf32, #tpu.memory_space<hbm>> -> memref<632x16xf32, #tpu.memory_space<hbm>>
        %dma_wait3A_258 = arith.constant 0 : i32
        %dma_wait3A_259 = tpu.memref_slice %arg17[%mul3A_247, %dma_wait3A_258] : memref<10112x16xf32, #tpu.memory_space<vmem_shared>> -> memref<632x16xf32, #tpu.memory_space<vmem_shared>>
        tpu.wait_dma2 semaphore(%run_scoped3A : memref<!tpu.dma_semaphore, #tpu.memory_space<semaphore_mem>>) src(%dma_wait3A_259 : memref<632x16xf32, #tpu.memory_space<vmem_shared>>) dst(%dma_wait3A_257 : memref<632x16xf32, #tpu.memory_space<hbm>>)
        tpu.yield
      }) : () -> ()
    } else {
    }
    %eq3A = arith.constant 15 : i32
    %eq3A_242 = arith.cmpi eq, %arg1, %eq3A : i32
    %convert_element_type3A_243 = arith.extui %eq3A_242 : i1 to i32
    %cond3A_244 = arith.constant 0 : i32
    %cond3A_245 = arith.cmpi ne, %convert_element_type3A_243, %cond3A_244 : i32
    scf.if %cond3A_245 {
      "tpu.region"() ({
        %run_scoped3A = tpu.sem_alloc : memref<!tpu.dma_semaphore, #tpu.memory_space<semaphore_mem>>
        %dma_start3A_246 = arith.constant 9480 : i32
        %dma_start3A_247 = arith.constant 0 : i32
        %dma_start3A_248 = tpu.memref_slice %arg5[%arg0, %dma_start3A_246, %dma_start3A_247] : memref<2x10000x16xf32, #tpu.memory_space<hbm>> -> memref<1x520x16xf32, #tpu.memory_space<hbm>>
        %dma_start3A_249 = tpu.memref_squeeze %dma_start3A_248 : memref<1x520x16xf32, #tpu.memory_space<hbm>> -> memref<520x16xf32, #tpu.memory_space<hbm>>
        %dma_start3A_250 = arith.constant 9480 : i32
        %dma_start3A_251 = arith.constant 0 : i32
        %dma_start3A_252 = tpu.memref_slice %arg17[%dma_start3A_250, %dma_start3A_251] : memref<10112x16xf32, #tpu.memory_space<vmem_shared>> -> memref<520x16xf32, #tpu.memory_space<vmem_shared>>
        tpu.enqueue_dma source(%dma_start3A_252 : memref<520x16xf32, #tpu.memory_space<vmem_shared>>) target(%dma_start3A_249 : memref<520x16xf32, #tpu.memory_space<hbm>>) target_semaphore(%run_scoped3A : memref<!tpu.dma_semaphore, #tpu.memory_space<semaphore_mem>>)
        %dma_wait3A_253 = arith.constant 9480 : i32
        %dma_wait3A_254 = arith.constant 0 : i32
        %dma_wait3A_255 = tpu.memref_slice %arg5[%arg0, %dma_wait3A_253, %dma_wait3A_254] : memref<2x10000x16xf32, #tpu.memory_space<hbm>> -> memref<1x520x16xf32, #tpu.memory_space<hbm>>
        %dma_wait3A_256 = tpu.memref_squeeze %dma_wait3A_255 : memref<1x520x16xf32, #tpu.memory_space<hbm>> -> memref<520x16xf32, #tpu.memory_space<hbm>>
        %dma_wait3A_257 = arith.constant 9480 : i32
        %dma_wait3A_258 = arith.constant 0 : i32
        %dma_wait3A_259 = tpu.memref_slice %arg17[%dma_wait3A_257, %dma_wait3A_258] : memref<10112x16xf32, #tpu.memory_space<vmem_shared>> -> memref<520x16xf32, #tpu.memory_space<vmem_shared>>
        tpu.wait_dma2 semaphore(%run_scoped3A : memref<!tpu.dma_semaphore, #tpu.memory_space<semaphore_mem>>) src(%dma_wait3A_259 : memref<520x16xf32, #tpu.memory_space<vmem_shared>>) dst(%dma_wait3A_256 : memref<520x16xf32, #tpu.memory_space<hbm>>)
        tpu.yield
      }) : () -> ()
    } else {
    }
    return
  }
}

#map = affine_map<(d0, d1) -> (0, 0)>
module attributes {stable_mosaic.version = 14 : i64} {
  func.func @_sc_edgemul_body(%arg0: i32, %arg1: i32, %arg2: memref<10000x16xf32, #tpu.memory_space<hbm>>, %arg3: memref<2528x128xi32, #tpu.memory_space<hbm>>, %arg4: memref<2528x128xi32, #tpu.memory_space<hbm>>, %arg5: memref<323584x16xf32, #tpu.memory_space<hbm>>, %arg6: memref<79x128xi32, #tpu.memory_space<vmem>>, %arg7: memref<79x128xi32, #tpu.memory_space<vmem>>, %arg8: memref<128x16xf32, #tpu.memory_space<vmem>>, %arg9: memref<128x16xf32, #tpu.memory_space<vmem>>, %arg10: memref<128x16xf32, #tpu.memory_space<vmem>>, %arg11: memref<128x16xf32, #tpu.memory_space<vmem>>, %arg12: memref<128x16xf32, #tpu.memory_space<vmem>>, %arg13: memref<128x16xf32, #tpu.memory_space<vmem>>, %arg14: memref<128x16xf32, #tpu.memory_space<vmem>>, %arg15: memref<128x16xf32, #tpu.memory_space<vmem>>, %arg16: memref<128x16xf32, #tpu.memory_space<vmem>>, %arg17: memref<128x16xf32, #tpu.memory_space<vmem>>, %arg18: memref<128x16xf32, #tpu.memory_space<vmem>>, %arg19: memref<128x16xf32, #tpu.memory_space<vmem>>, %arg20: memref<128x16xf32, #tpu.memory_space<vmem>>, %arg21: memref<128x16xf32, #tpu.memory_space<vmem>>, %arg22: memref<128x16xf32, #tpu.memory_space<vmem>>, %arg23: memref<128x16xf32, #tpu.memory_space<vmem>>, %arg24: memref<!tpu.dma_semaphore, #tpu.memory_space<semaphore_mem>>, %arg25: memref<!tpu.dma_semaphore, #tpu.memory_space<semaphore_mem>>, %arg26: memref<!tpu.dma_semaphore, #tpu.memory_space<semaphore_mem>>, %arg27: memref<!tpu.dma_semaphore, #tpu.memory_space<semaphore_mem>>, %arg28: memref<!tpu.dma_semaphore, #tpu.memory_space<semaphore_mem>>, %arg29: memref<!tpu.dma_semaphore, #tpu.memory_space<semaphore_mem>>, %arg30: memref<!tpu.dma_semaphore, #tpu.memory_space<semaphore_mem>>, %arg31: memref<!tpu.dma_semaphore, #tpu.memory_space<semaphore_mem>>, %arg32: memref<!tpu.dma_semaphore, #tpu.memory_space<semaphore_mem>>, %arg33: memref<!tpu.dma_semaphore, #tpu.memory_space<semaphore_mem>>, %arg34: memref<!tpu.dma_semaphore, #tpu.memory_space<semaphore_mem>>, %arg35: memref<!tpu.dma_semaphore, #tpu.memory_space<semaphore_mem>>, %arg36: memref<!tpu.dma_semaphore, #tpu.memory_space<semaphore_mem>>, %arg37: memref<!tpu.dma_semaphore, #tpu.memory_space<semaphore_mem>>, %arg38: memref<!tpu.dma_semaphore, #tpu.memory_space<semaphore_mem>>, %arg39: memref<!tpu.dma_semaphore, #tpu.memory_space<semaphore_mem>>, %arg40: memref<!tpu.dma_semaphore, #tpu.memory_space<semaphore_mem>>, %arg41: memref<!tpu.dma_semaphore, #tpu.memory_space<semaphore_mem>>, %arg42: memref<!tpu.dma_semaphore, #tpu.memory_space<semaphore_mem>>, %arg43: memref<!tpu.dma_semaphore, #tpu.memory_space<semaphore_mem>>, %arg44: memref<!tpu.dma_semaphore, #tpu.memory_space<semaphore_mem>>, %arg45: memref<!tpu.dma_semaphore, #tpu.memory_space<semaphore_mem>>, %arg46: memref<!tpu.dma_semaphore, #tpu.memory_space<semaphore_mem>>, %arg47: memref<!tpu.dma_semaphore, #tpu.memory_space<semaphore_mem>>) attributes {dimension_semantics = [#tpu.dimension_semantics<core_parallel>, #tpu.dimension_semantics<subcore_parallel>], iteration_bounds = array<i64: 2, 16>, scalar_prefetch = 0 : i64, scratch_operands = 42 : i64, tpu.core_type = #tpu.core_type<sc_vector_subcore>, window_params = [{transform_indices = #map}, {transform_indices = #map}, {transform_indices = #map}, {transform_indices = #map}]} {
    %mul3A = arith.constant 2 : i32
    %mul3A_0 = arith.muli %arg1, %mul3A : i32
    %add3A = arith.addi %mul3A_0, %arg0 : i32
    %mul3A_1 = arith.constant 79 : i32
    %mul3A_2 = arith.muli %add3A, %mul3A_1 : i32
    "tpu.region"() ({
      %run_scoped3A = tpu.sem_alloc : memref<!tpu.dma_semaphore, #tpu.memory_space<semaphore_mem>>
      %dma_start3A_380 = arith.constant 0 : i32
      %dma_start3A_381 = tpu.memref_slice %arg3[%mul3A_2, %dma_start3A_380] : memref<2528x128xi32, #tpu.memory_space<hbm>> -> memref<79x128xi32, #tpu.memory_space<hbm>>
      %dma_start3A_382 = arith.constant 0 : i32
      %dma_start3A_383 = tpu.memref_slice %arg3[%mul3A_2, %dma_start3A_382] : memref<2528x128xi32, #tpu.memory_space<hbm>> -> memref<79x128xi32, #tpu.memory_space<hbm>>
      tpu.enqueue_dma source(%dma_start3A_383 : memref<79x128xi32, #tpu.memory_space<hbm>>) target(%arg6 : memref<79x128xi32, #tpu.memory_space<vmem>>) target_semaphore(%run_scoped3A : memref<!tpu.dma_semaphore, #tpu.memory_space<semaphore_mem>>)
      %dma_wait3A_384 = arith.constant 0 : i32
      %dma_wait3A_385 = tpu.memref_slice %arg3[%mul3A_2, %dma_wait3A_384] : memref<2528x128xi32, #tpu.memory_space<hbm>> -> memref<79x128xi32, #tpu.memory_space<hbm>>
      %dma_wait3A_386 = arith.constant 0 : i32
      %dma_wait3A_387 = tpu.memref_slice %arg3[%mul3A_2, %dma_wait3A_386] : memref<2528x128xi32, #tpu.memory_space<hbm>> -> memref<79x128xi32, #tpu.memory_space<hbm>>
      tpu.wait_dma2 semaphore(%run_scoped3A : memref<!tpu.dma_semaphore, #tpu.memory_space<semaphore_mem>>) src(%dma_wait3A_387 : memref<79x128xi32, #tpu.memory_space<hbm>>) dst(%arg6 : memref<79x128xi32, #tpu.memory_space<vmem>>)
      tpu.yield
    }) : () -> ()
    "tpu.region"() ({
      %run_scoped3A = tpu.sem_alloc : memref<!tpu.dma_semaphore, #tpu.memory_space<semaphore_mem>>
      %dma_start3A_380 = arith.constant 0 : i32
      %dma_start3A_381 = tpu.memref_slice %arg4[%mul3A_2, %dma_start3A_380] : memref<2528x128xi32, #tpu.memory_space<hbm>> -> memref<79x128xi32, #tpu.memory_space<hbm>>
      %dma_start3A_382 = arith.constant 0 : i32
      %dma_start3A_383 = tpu.memref_slice %arg4[%mul3A_2, %dma_start3A_382] : memref<2528x128xi32, #tpu.memory_space<hbm>> -> memref<79x128xi32, #tpu.memory_space<hbm>>
      tpu.enqueue_dma source(%dma_start3A_383 : memref<79x128xi32, #tpu.memory_space<hbm>>) target(%arg7 : memref<79x128xi32, #tpu.memory_space<vmem>>) target_semaphore(%run_scoped3A : memref<!tpu.dma_semaphore, #tpu.memory_space<semaphore_mem>>)
      %dma_wait3A_384 = arith.constant 0 : i32
      %dma_wait3A_385 = tpu.memref_slice %arg4[%mul3A_2, %dma_wait3A_384] : memref<2528x128xi32, #tpu.memory_space<hbm>> -> memref<79x128xi32, #tpu.memory_space<hbm>>
      %dma_wait3A_386 = arith.constant 0 : i32
      %dma_wait3A_387 = tpu.memref_slice %arg4[%mul3A_2, %dma_wait3A_386] : memref<2528x128xi32, #tpu.memory_space<hbm>> -> memref<79x128xi32, #tpu.memory_space<hbm>>
      tpu.wait_dma2 semaphore(%run_scoped3A : memref<!tpu.dma_semaphore, #tpu.memory_space<semaphore_mem>>) src(%dma_wait3A_387 : memref<79x128xi32, #tpu.memory_space<hbm>>) dst(%arg7 : memref<79x128xi32, #tpu.memory_space<vmem>>)
      tpu.yield
    }) : () -> ()
    %dma_start3A = arith.constant 0 : i32
    %dma_start3A_3 = arith.constant 0 : i32
    %dma_start3A_4 = tpu.memref_slice %arg6[%dma_start3A, %dma_start3A_3] : memref<79x128xi32, #tpu.memory_space<vmem>> -> memref<1x128xi32, #tpu.memory_space<vmem>>
    %dma_start3A_5 = tpu.memref_squeeze %dma_start3A_4 : memref<1x128xi32, #tpu.memory_space<vmem>> -> memref<128xi32, #tpu.memory_space<vmem>>
    %dma_start3A_6 = arith.constant 0 : i32
    %dma_start3A_7 = arith.constant 0 : i32
    %dma_start3A_8 = tpu.memref_slice %arg2[%dma_start3A_6, %dma_start3A_7] : memref<10000x16xf32, #tpu.memory_space<hbm>> -> memref<10000x16xf32, #tpu.memory_space<hbm>>
    tpu.enqueue_indirect_dma source(%dma_start3A_8 : memref<10000x16xf32, #tpu.memory_space<hbm>>) target(%arg8 : memref<128x16xf32, #tpu.memory_space<vmem>>) offsets(%dma_start3A_5 : memref<128xi32, #tpu.memory_space<vmem>>) semaphore(%arg24 : memref<!tpu.dma_semaphore, #tpu.memory_space<semaphore_mem>>)
    %dma_start3A_9 = arith.constant 0 : i32
    %dma_start3A_10 = arith.constant 0 : i32
    %dma_start3A_11 = tpu.memref_slice %arg7[%dma_start3A_9, %dma_start3A_10] : memref<79x128xi32, #tpu.memory_space<vmem>> -> memref<1x128xi32, #tpu.memory_space<vmem>>
    %dma_start3A_12 = tpu.memref_squeeze %dma_start3A_11 : memref<1x128xi32, #tpu.memory_space<vmem>> -> memref<128xi32, #tpu.memory_space<vmem>>
    %dma_start3A_13 = arith.constant 0 : i32
    %dma_start3A_14 = arith.constant 0 : i32
    %dma_start3A_15 = tpu.memref_slice %arg2[%dma_start3A_13, %dma_start3A_14] : memref<10000x16xf32, #tpu.memory_space<hbm>> -> memref<10000x16xf32, #tpu.memory_space<hbm>>
    tpu.enqueue_indirect_dma source(%dma_start3A_15 : memref<10000x16xf32, #tpu.memory_space<hbm>>) target(%arg16 : memref<128x16xf32, #tpu.memory_space<vmem>>) offsets(%dma_start3A_12 : memref<128xi32, #tpu.memory_space<vmem>>) semaphore(%arg32 : memref<!tpu.dma_semaphore, #tpu.memory_space<semaphore_mem>>)
    %dma_start3A_16 = arith.constant 1 : i32
    %dma_start3A_17 = arith.constant 0 : i32
    %dma_start3A_18 = tpu.memref_slice %arg6[%dma_start3A_16, %dma_start3A_17] : memref<79x128xi32, #tpu.memory_space<vmem>> -> memref<1x128xi32, #tpu.memory_space<vmem>>
    %dma_start3A_19 = tpu.memref_squeeze %dma_start3A_18 : memref<1x128xi32, #tpu.memory_space<vmem>> -> memref<128xi32, #tpu.memory_space<vmem>>
    %dma_start3A_20 = arith.constant 0 : i32
    %dma_start3A_21 = arith.constant 0 : i32
    %dma_start3A_22 = tpu.memref_slice %arg2[%dma_start3A_20, %dma_start3A_21] : memref<10000x16xf32, #tpu.memory_space<hbm>> -> memref<10000x16xf32, #tpu.memory_space<hbm>>
    tpu.enqueue_indirect_dma source(%dma_start3A_22 : memref<10000x16xf32, #tpu.memory_space<hbm>>) target(%arg9 : memref<128x16xf32, #tpu.memory_space<vmem>>) offsets(%dma_start3A_19 : memref<128xi32, #tpu.memory_space<vmem>>) semaphore(%arg25 : memref<!tpu.dma_semaphore, #tpu.memory_space<semaphore_mem>>)
    %dma_start3A_23 = arith.constant 1 : i32
    %dma_start3A_24 = arith.constant 0 : i32
    %dma_start3A_25 = tpu.memref_slice %arg7[%dma_start3A_23, %dma_start3A_24] : memref<79x128xi32, #tpu.memory_space<vmem>> -> memref<1x128xi32, #tpu.memory_space<vmem>>
    %dma_start3A_26 = tpu.memref_squeeze %dma_start3A_25 : memref<1x128xi32, #tpu.memory_space<vmem>> -> memref<128xi32, #tpu.memory_space<vmem>>
    %dma_start3A_27 = arith.constant 0 : i32
    %dma_start3A_28 = arith.constant 0 : i32
    %dma_start3A_29 = tpu.memref_slice %arg2[%dma_start3A_27, %dma_start3A_28] : memref<10000x16xf32, #tpu.memory_space<hbm>> -> memref<10000x16xf32, #tpu.memory_space<hbm>>
    tpu.enqueue_indirect_dma source(%dma_start3A_29 : memref<10000x16xf32, #tpu.memory_space<hbm>>) target(%arg17 : memref<128x16xf32, #tpu.memory_space<vmem>>) offsets(%dma_start3A_26 : memref<128xi32, #tpu.memory_space<vmem>>) semaphore(%arg33 : memref<!tpu.dma_semaphore, #tpu.memory_space<semaphore_mem>>)
    %dma_start3A_30 = arith.constant 2 : i32
    %dma_start3A_31 = arith.constant 0 : i32
    %dma_start3A_32 = tpu.memref_slice %arg6[%dma_start3A_30, %dma_start3A_31] : memref<79x128xi32, #tpu.memory_space<vmem>> -> memref<1x128xi32, #tpu.memory_space<vmem>>
    %dma_start3A_33 = tpu.memref_squeeze %dma_start3A_32 : memref<1x128xi32, #tpu.memory_space<vmem>> -> memref<128xi32, #tpu.memory_space<vmem>>
    %dma_start3A_34 = arith.constant 0 : i32
    %dma_start3A_35 = arith.constant 0 : i32
    %dma_start3A_36 = tpu.memref_slice %arg2[%dma_start3A_34, %dma_start3A_35] : memref<10000x16xf32, #tpu.memory_space<hbm>> -> memref<10000x16xf32, #tpu.memory_space<hbm>>
    tpu.enqueue_indirect_dma source(%dma_start3A_36 : memref<10000x16xf32, #tpu.memory_space<hbm>>) target(%arg10 : memref<128x16xf32, #tpu.memory_space<vmem>>) offsets(%dma_start3A_33 : memref<128xi32, #tpu.memory_space<vmem>>) semaphore(%arg26 : memref<!tpu.dma_semaphore, #tpu.memory_space<semaphore_mem>>)
    %dma_start3A_37 = arith.constant 2 : i32
    %dma_start3A_38 = arith.constant 0 : i32
    %dma_start3A_39 = tpu.memref_slice %arg7[%dma_start3A_37, %dma_start3A_38] : memref<79x128xi32, #tpu.memory_space<vmem>> -> memref<1x128xi32, #tpu.memory_space<vmem>>
    %dma_start3A_40 = tpu.memref_squeeze %dma_start3A_39 : memref<1x128xi32, #tpu.memory_space<vmem>> -> memref<128xi32, #tpu.memory_space<vmem>>
    %dma_start3A_41 = arith.constant 0 : i32
    %dma_start3A_42 = arith.constant 0 : i32
    %dma_start3A_43 = tpu.memref_slice %arg2[%dma_start3A_41, %dma_start3A_42] : memref<10000x16xf32, #tpu.memory_space<hbm>> -> memref<10000x16xf32, #tpu.memory_space<hbm>>
    tpu.enqueue_indirect_dma source(%dma_start3A_43 : memref<10000x16xf32, #tpu.memory_space<hbm>>) target(%arg18 : memref<128x16xf32, #tpu.memory_space<vmem>>) offsets(%dma_start3A_40 : memref<128xi32, #tpu.memory_space<vmem>>) semaphore(%arg34 : memref<!tpu.dma_semaphore, #tpu.memory_space<semaphore_mem>>)
    %dma_start3A_44 = arith.constant 3 : i32
    %dma_start3A_45 = arith.constant 0 : i32
    %dma_start3A_46 = tpu.memref_slice %arg6[%dma_start3A_44, %dma_start3A_45] : memref<79x128xi32, #tpu.memory_space<vmem>> -> memref<1x128xi32, #tpu.memory_space<vmem>>
    %dma_start3A_47 = tpu.memref_squeeze %dma_start3A_46 : memref<1x128xi32, #tpu.memory_space<vmem>> -> memref<128xi32, #tpu.memory_space<vmem>>
    %dma_start3A_48 = arith.constant 0 : i32
    %dma_start3A_49 = arith.constant 0 : i32
    %dma_start3A_50 = tpu.memref_slice %arg2[%dma_start3A_48, %dma_start3A_49] : memref<10000x16xf32, #tpu.memory_space<hbm>> -> memref<10000x16xf32, #tpu.memory_space<hbm>>
    tpu.enqueue_indirect_dma source(%dma_start3A_50 : memref<10000x16xf32, #tpu.memory_space<hbm>>) target(%arg11 : memref<128x16xf32, #tpu.memory_space<vmem>>) offsets(%dma_start3A_47 : memref<128xi32, #tpu.memory_space<vmem>>) semaphore(%arg27 : memref<!tpu.dma_semaphore, #tpu.memory_space<semaphore_mem>>)
    %dma_start3A_51 = arith.constant 3 : i32
    %dma_start3A_52 = arith.constant 0 : i32
    %dma_start3A_53 = tpu.memref_slice %arg7[%dma_start3A_51, %dma_start3A_52] : memref<79x128xi32, #tpu.memory_space<vmem>> -> memref<1x128xi32, #tpu.memory_space<vmem>>
    %dma_start3A_54 = tpu.memref_squeeze %dma_start3A_53 : memref<1x128xi32, #tpu.memory_space<vmem>> -> memref<128xi32, #tpu.memory_space<vmem>>
    %dma_start3A_55 = arith.constant 0 : i32
    %dma_start3A_56 = arith.constant 0 : i32
    %dma_start3A_57 = tpu.memref_slice %arg2[%dma_start3A_55, %dma_start3A_56] : memref<10000x16xf32, #tpu.memory_space<hbm>> -> memref<10000x16xf32, #tpu.memory_space<hbm>>
    tpu.enqueue_indirect_dma source(%dma_start3A_57 : memref<10000x16xf32, #tpu.memory_space<hbm>>) target(%arg19 : memref<128x16xf32, #tpu.memory_space<vmem>>) offsets(%dma_start3A_54 : memref<128xi32, #tpu.memory_space<vmem>>) semaphore(%arg35 : memref<!tpu.dma_semaphore, #tpu.memory_space<semaphore_mem>>)
    %scan3A = arith.constant 0 : i32
    %scan3A_58 = arith.constant 9 : i32
    %scan3A_59 = arith.addi %scan3A, %scan3A_58 : i32
    %scan3A_60 = arith.constant 1 : i32
    scf.for %scan3A_380 = %scan3A to %scan3A_59 step %scan3A_60  : i32 {
      %mul3A_381 = arith.constant 8 : i32
      %mul3A_382 = arith.muli %scan3A_380, %mul3A_381 : i32
      %add3A_383 = arith.constant 0 : i32
      %add3A_384 = arith.addi %add3A_383, %mul3A_382 : i32
      %add3A_385 = arith.constant 0 : i32
      %add3A_386 = arith.addi %add3A_384, %add3A_385 : i32
      %dma_wait3A_387 = arith.constant 0 : i32
      %dma_wait3A_388 = tpu.memref_slice %arg6[%add3A_386, %dma_wait3A_387] : memref<79x128xi32, #tpu.memory_space<vmem>> -> memref<1x128xi32, #tpu.memory_space<vmem>>
      %dma_wait3A_389 = tpu.memref_squeeze %dma_wait3A_388 : memref<1x128xi32, #tpu.memory_space<vmem>> -> memref<128xi32, #tpu.memory_space<vmem>>
      %dma_wait3A_390 = arith.constant 0 : i32
      %dma_wait3A_391 = arith.constant 0 : i32
      %dma_wait3A_392 = tpu.memref_slice %arg2[%dma_wait3A_390, %dma_wait3A_391] : memref<10000x16xf32, #tpu.memory_space<hbm>> -> memref<10000x16xf32, #tpu.memory_space<hbm>>
      tpu.wait_indirect_dma semaphore(%arg24 : memref<!tpu.dma_semaphore, #tpu.memory_space<semaphore_mem>>) src(%dma_wait3A_392 : memref<10000x16xf32, #tpu.memory_space<hbm>>) dst(%arg8 : memref<128x16xf32, #tpu.memory_space<vmem>>)
      %dma_wait3A_393 = arith.constant 0 : i32
      %dma_wait3A_394 = tpu.memref_slice %arg7[%add3A_386, %dma_wait3A_393] : memref<79x128xi32, #tpu.memory_space<vmem>> -> memref<1x128xi32, #tpu.memory_space<vmem>>
      %dma_wait3A_395 = tpu.memref_squeeze %dma_wait3A_394 : memref<1x128xi32, #tpu.memory_space<vmem>> -> memref<128xi32, #tpu.memory_space<vmem>>
      %dma_wait3A_396 = arith.constant 0 : i32
      %dma_wait3A_397 = arith.constant 0 : i32
      %dma_wait3A_398 = tpu.memref_slice %arg2[%dma_wait3A_396, %dma_wait3A_397] : memref<10000x16xf32, #tpu.memory_space<hbm>> -> memref<10000x16xf32, #tpu.memory_space<hbm>>
      tpu.wait_indirect_dma semaphore(%arg32 : memref<!tpu.dma_semaphore, #tpu.memory_space<semaphore_mem>>) src(%dma_wait3A_398 : memref<10000x16xf32, #tpu.memory_space<hbm>>) dst(%arg16 : memref<128x16xf32, #tpu.memory_space<vmem>>)
      %scan3A_399 = arith.constant 0 : i32
      %scan3A_400 = arith.constant 128 : i32
      %scan3A_401 = arith.addi %scan3A_399, %scan3A_400 : i32
      %scan3A_402 = arith.constant 8 : i32
      scf.for %scan3A_742 = %scan3A_399 to %scan3A_401 step %scan3A_402  : i32 {
        %mul3A_743 = arith.constant 1 : i32
        %mul3A_744 = arith.muli %scan3A_742, %mul3A_743 : i32
        %add3A_745 = arith.constant 0 : i32
        %add3A_746 = arith.addi %add3A_745, %mul3A_744 : i32
        %get3A = arith.index_cast %add3A_746 : i32 to index
        %get3A_747 = arith.constant 0 : index
        %get3A_748 = tpu.vector_load %arg8[%get3A, %get3A_747] {strides = array<i32>} : memref<128x16xf32, #tpu.memory_space<vmem>>, vector<1x16xf32>,
        %get3A_749 = vector.shape_cast %get3A_748 : vector<1x16xf32> to vector<16xf32>
        %get3A_750 = arith.index_cast %add3A_746 : i32 to index
        %get3A_751 = arith.constant 0 : index
        %get3A_752 = tpu.vector_load %arg16[%get3A_750, %get3A_751] {strides = array<i32>} : memref<128x16xf32, #tpu.memory_space<vmem>>, vector<1x16xf32>,
        %get3A_753 = vector.shape_cast %get3A_752 : vector<1x16xf32> to vector<16xf32>
        %mul3A_754 = arith.mulf %get3A_749, %get3A_753 : vector<16xf32>
        %swap3A = arith.index_cast %add3A_746 : i32 to index
        %swap3A_755 = arith.constant 0 : index
        %swap3A_756 = tpu.vector_load %arg8[%swap3A, %swap3A_755] {strides = array<i32>} : memref<128x16xf32, #tpu.memory_space<vmem>>, vector<1x16xf32>,
        %swap3A_757 = vector.shape_cast %swap3A_756 : vector<1x16xf32> to vector<16xf32>
        %swap3A_758 = vector.shape_cast %mul3A_754 : vector<16xf32> to vector<1x16xf32>
        tpu.vector_store %arg8[%swap3A, %swap3A_755], %swap3A_758 {strides = array<i32>} : memref<128x16xf32, #tpu.memory_space<vmem>>, vector<1x16xf32>,
        %scan3A_759 = arith.constant 1 : i32
        %scan3A_760 = arith.addi %scan3A_742, %scan3A_759 : i32
        %mul3A_761 = arith.constant 1 : i32
        %mul3A_762 = arith.muli %scan3A_760, %mul3A_761 : i32
        %add3A_763 = arith.constant 0 : i32
        %add3A_764 = arith.addi %add3A_763, %mul3A_762 : i32
        %get3A_765 = arith.index_cast %add3A_764 : i32 to index
        %get3A_766 = arith.constant 0 : index
        %get3A_767 = tpu.vector_load %arg8[%get3A_765, %get3A_766] {strides = array<i32>} : memref<128x16xf32, #tpu.memory_space<vmem>>, vector<1x16xf32>,
        %get3A_768 = vector.shape_cast %get3A_767 : vector<1x16xf32> to vector<16xf32>
        %get3A_769 = arith.index_cast %add3A_764 : i32 to index
        %get3A_770 = arith.constant 0 : index
        %get3A_771 = tpu.vector_load %arg16[%get3A_769, %get3A_770] {strides = array<i32>} : memref<128x16xf32, #tpu.memory_space<vmem>>, vector<1x16xf32>,
        %get3A_772 = vector.shape_cast %get3A_771 : vector<1x16xf32> to vector<16xf32>
        %mul3A_773 = arith.mulf %get3A_768, %get3A_772 : vector<16xf32>
        %swap3A_774 = arith.index_cast %add3A_764 : i32 to index
        %swap3A_775 = arith.constant 0 : index
        %swap3A_776 = tpu.vector_load %arg8[%swap3A_774, %swap3A_775] {strides = array<i32>} : memref<128x16xf32, #tpu.memory_space<vmem>>, vector<1x16xf32>,
        %swap3A_777 = vector.shape_cast %swap3A_776 : vector<1x16xf32> to vector<16xf32>
        %swap3A_778 = vector.shape_cast %mul3A_773 : vector<16xf32> to vector<1x16xf32>
        tpu.vector_store %arg8[%swap3A_774, %swap3A_775], %swap3A_778 {strides = array<i32>} : memref<128x16xf32, #tpu.memory_space<vmem>>, vector<1x16xf32>,
        %scan3A_779 = arith.constant 2 : i32
        %scan3A_780 = arith.addi %scan3A_742, %scan3A_779 : i32
        %mul3A_781 = arith.constant 1 : i32
        %mul3A_782 = arith.muli %scan3A_780, %mul3A_781 : i32
        %add3A_783 = arith.constant 0 : i32
        %add3A_784 = arith.addi %add3A_783, %mul3A_782 : i32
        %get3A_785 = arith.index_cast %add3A_784 : i32 to index
        %get3A_786 = arith.constant 0 : index
        %get3A_787 = tpu.vector_load %arg8[%get3A_785, %get3A_786] {strides = array<i32>} : memref<128x16xf32, #tpu.memory_space<vmem>>, vector<1x16xf32>,
        %get3A_788 = vector.shape_cast %get3A_787 : vector<1x16xf32> to vector<16xf32>
        %get3A_789 = arith.index_cast %add3A_784 : i32 to index
        %get3A_790 = arith.constant 0 : index
        %get3A_791 = tpu.vector_load %arg16[%get3A_789, %get3A_790] {strides = array<i32>} : memref<128x16xf32, #tpu.memory_space<vmem>>, vector<1x16xf32>,
        %get3A_792 = vector.shape_cast %get3A_791 : vector<1x16xf32> to vector<16xf32>
        %mul3A_793 = arith.mulf %get3A_788, %get3A_792 : vector<16xf32>
        %swap3A_794 = arith.index_cast %add3A_784 : i32 to index
        %swap3A_795 = arith.constant 0 : index
        %swap3A_796 = tpu.vector_load %arg8[%swap3A_794, %swap3A_795] {strides = array<i32>} : memref<128x16xf32, #tpu.memory_space<vmem>>, vector<1x16xf32>,
        %swap3A_797 = vector.shape_cast %swap3A_796 : vector<1x16xf32> to vector<16xf32>
        %swap3A_798 = vector.shape_cast %mul3A_793 : vector<16xf32> to vector<1x16xf32>
        tpu.vector_store %arg8[%swap3A_794, %swap3A_795], %swap3A_798 {strides = array<i32>} : memref<128x16xf32, #tpu.memory_space<vmem>>, vector<1x16xf32>,
        %scan3A_799 = arith.constant 3 : i32
        %scan3A_800 = arith.addi %scan3A_742, %scan3A_799 : i32
        %mul3A_801 = arith.constant 1 : i32
        %mul3A_802 = arith.muli %scan3A_800, %mul3A_801 : i32
        %add3A_803 = arith.constant 0 : i32
        %add3A_804 = arith.addi %add3A_803, %mul3A_802 : i32
        %get3A_805 = arith.index_cast %add3A_804 : i32 to index
        %get3A_806 = arith.constant 0 : index
        %get3A_807 = tpu.vector_load %arg8[%get3A_805, %get3A_806] {strides = array<i32>} : memref<128x16xf32, #tpu.memory_space<vmem>>, vector<1x16xf32>,
        %get3A_808 = vector.shape_cast %get3A_807 : vector<1x16xf32> to vector<16xf32>
        %get3A_809 = arith.index_cast %add3A_804 : i32 to index
        %get3A_810 = arith.constant 0 : index
        %get3A_811 = tpu.vector_load %arg16[%get3A_809, %get3A_810] {strides = array<i32>} : memref<128x16xf32, #tpu.memory_space<vmem>>, vector<1x16xf32>,
        %get3A_812 = vector.shape_cast %get3A_811 : vector<1x16xf32> to vector<16xf32>
        %mul3A_813 = arith.mulf %get3A_808, %get3A_812 : vector<16xf32>
        %swap3A_814 = arith.index_cast %add3A_804 : i32 to index
        %swap3A_815 = arith.constant 0 : index
        %swap3A_816 = tpu.vector_load %arg8[%swap3A_814, %swap3A_815] {strides = array<i32>} : memref<128x16xf32, #tpu.memory_space<vmem>>, vector<1x16xf32>,
        %swap3A_817 = vector.shape_cast %swap3A_816 : vector<1x16xf32> to vector<16xf32>
        %swap3A_818 = vector.shape_cast %mul3A_813 : vector<16xf32> to vector<1x16xf32>
        tpu.vector_store %arg8[%swap3A_814, %swap3A_815], %swap3A_818 {strides = array<i32>} : memref<128x16xf32, #tpu.memory_space<vmem>>, vector<1x16xf32>,
        %scan3A_819 = arith.constant 4 : i32
        %scan3A_820 = arith.addi %scan3A_742, %scan3A_819 : i32
        %mul3A_821 = arith.constant 1 : i32
        %mul3A_822 = arith.muli %scan3A_820, %mul3A_821 : i32
        %add3A_823 = arith.constant 0 : i32
        %add3A_824 = arith.addi %add3A_823, %mul3A_822 : i32
        %get3A_825 = arith.index_cast %add3A_824 : i32 to index
        %get3A_826 = arith.constant 0 : index
        %get3A_827 = tpu.vector_load %arg8[%get3A_825, %get3A_826] {strides = array<i32>} : memref<128x16xf32, #tpu.memory_space<vmem>>, vector<1x16xf32>,
        %get3A_828 = vector.shape_cast %get3A_827 : vector<1x16xf32> to vector<16xf32>
        %get3A_829 = arith.index_cast %add3A_824 : i32 to index
        %get3A_830 = arith.constant 0 : index
        %get3A_831 = tpu.vector_load %arg16[%get3A_829, %get3A_830] {strides = array<i32>} : memref<128x16xf32, #tpu.memory_space<vmem>>, vector<1x16xf32>,
        %get3A_832 = vector.shape_cast %get3A_831 : vector<1x16xf32> to vector<16xf32>
        %mul3A_833 = arith.mulf %get3A_828, %get3A_832 : vector<16xf32>
        %swap3A_834 = arith.index_cast %add3A_824 : i32 to index
        %swap3A_835 = arith.constant 0 : index
        %swap3A_836 = tpu.vector_load %arg8[%swap3A_834, %swap3A_835] {strides = array<i32>} : memref<128x16xf32, #tpu.memory_space<vmem>>, vector<1x16xf32>,
        %swap3A_837 = vector.shape_cast %swap3A_836 : vector<1x16xf32> to vector<16xf32>
        %swap3A_838 = vector.shape_cast %mul3A_833 : vector<16xf32> to vector<1x16xf32>
        tpu.vector_store %arg8[%swap3A_834, %swap3A_835], %swap3A_838 {strides = array<i32>} : memref<128x16xf32, #tpu.memory_space<vmem>>, vector<1x16xf32>,
        %scan3A_839 = arith.constant 5 : i32
        %scan3A_840 = arith.addi %scan3A_742, %scan3A_839 : i32
        %mul3A_841 = arith.constant 1 : i32
        %mul3A_842 = arith.muli %scan3A_840, %mul3A_841 : i32
        %add3A_843 = arith.constant 0 : i32
        %add3A_844 = arith.addi %add3A_843, %mul3A_842 : i32
        %get3A_845 = arith.index_cast %add3A_844 : i32 to index
        %get3A_846 = arith.constant 0 : index
        %get3A_847 = tpu.vector_load %arg8[%get3A_845, %get3A_846] {strides = array<i32>} : memref<128x16xf32, #tpu.memory_space<vmem>>, vector<1x16xf32>,
        %get3A_848 = vector.shape_cast %get3A_847 : vector<1x16xf32> to vector<16xf32>
        %get3A_849 = arith.index_cast %add3A_844 : i32 to index
        %get3A_850 = arith.constant 0 : index
        %get3A_851 = tpu.vector_load %arg16[%get3A_849, %get3A_850] {strides = array<i32>} : memref<128x16xf32, #tpu.memory_space<vmem>>, vector<1x16xf32>,
        %get3A_852 = vector.shape_cast %get3A_851 : vector<1x16xf32> to vector<16xf32>
        %mul3A_853 = arith.mulf %get3A_848, %get3A_852 : vector<16xf32>
        %swap3A_854 = arith.index_cast %add3A_844 : i32 to index
        %swap3A_855 = arith.constant 0 : index
        %swap3A_856 = tpu.vector_load %arg8[%swap3A_854, %swap3A_855] {strides = array<i32>} : memref<128x16xf32, #tpu.memory_space<vmem>>, vector<1x16xf32>,
        %swap3A_857 = vector.shape_cast %swap3A_856 : vector<1x16xf32> to vector<16xf32>
        %swap3A_858 = vector.shape_cast %mul3A_853 : vector<16xf32> to vector<1x16xf32>
        tpu.vector_store %arg8[%swap3A_854, %swap3A_855], %swap3A_858 {strides = array<i32>} : memref<128x16xf32, #tpu.memory_space<vmem>>, vector<1x16xf32>,
        %scan3A_859 = arith.constant 6 : i32
        %scan3A_860 = arith.addi %scan3A_742, %scan3A_859 : i32
        %mul3A_861 = arith.constant 1 : i32
        %mul3A_862 = arith.muli %scan3A_860, %mul3A_861 : i32
        %add3A_863 = arith.constant 0 : i32
        %add3A_864 = arith.addi %add3A_863, %mul3A_862 : i32
        %get3A_865 = arith.index_cast %add3A_864 : i32 to index
        %get3A_866 = arith.constant 0 : index
        %get3A_867 = tpu.vector_load %arg8[%get3A_865, %get3A_866] {strides = array<i32>} : memref<128x16xf32, #tpu.memory_space<vmem>>, vector<1x16xf32>,
        %get3A_868 = vector.shape_cast %get3A_867 : vector<1x16xf32> to vector<16xf32>
        %get3A_869 = arith.index_cast %add3A_864 : i32 to index
        %get3A_870 = arith.constant 0 : index
        %get3A_871 = tpu.vector_load %arg16[%get3A_869, %get3A_870] {strides = array<i32>} : memref<128x16xf32, #tpu.memory_space<vmem>>, vector<1x16xf32>,
        %get3A_872 = vector.shape_cast %get3A_871 : vector<1x16xf32> to vector<16xf32>
        %mul3A_873 = arith.mulf %get3A_868, %get3A_872 : vector<16xf32>
        %swap3A_874 = arith.index_cast %add3A_864 : i32 to index
        %swap3A_875 = arith.constant 0 : index
        %swap3A_876 = tpu.vector_load %arg8[%swap3A_874, %swap3A_875] {strides = array<i32>} : memref<128x16xf32, #tpu.memory_space<vmem>>, vector<1x16xf32>,
        %swap3A_877 = vector.shape_cast %swap3A_876 : vector<1x16xf32> to vector<16xf32>
        %swap3A_878 = vector.shape_cast %mul3A_873 : vector<16xf32> to vector<1x16xf32>
        tpu.vector_store %arg8[%swap3A_874, %swap3A_875], %swap3A_878 {strides = array<i32>} : memref<128x16xf32, #tpu.memory_space<vmem>>, vector<1x16xf32>,
        %scan3A_879 = arith.constant 7 : i32
        %scan3A_880 = arith.addi %scan3A_742, %scan3A_879 : i32
        %mul3A_881 = arith.constant 1 : i32
        %mul3A_882 = arith.muli %scan3A_880, %mul3A_881 : i32
        %add3A_883 = arith.constant 0 : i32
        %add3A_884 = arith.addi %add3A_883, %mul3A_882 : i32
        %get3A_885 = arith.index_cast %add3A_884 : i32 to index
        %get3A_886 = arith.constant 0 : index
        %get3A_887 = tpu.vector_load %arg8[%get3A_885, %get3A_886] {strides = array<i32>} : memref<128x16xf32, #tpu.memory_space<vmem>>, vector<1x16xf32>,
        %get3A_888 = vector.shape_cast %get3A_887 : vector<1x16xf32> to vector<16xf32>
        %get3A_889 = arith.index_cast %add3A_884 : i32 to index
        %get3A_890 = arith.constant 0 : index
        %get3A_891 = tpu.vector_load %arg16[%get3A_889, %get3A_890] {strides = array<i32>} : memref<128x16xf32, #tpu.memory_space<vmem>>, vector<1x16xf32>,
        %get3A_892 = vector.shape_cast %get3A_891 : vector<1x16xf32> to vector<16xf32>
        %mul3A_893 = arith.mulf %get3A_888, %get3A_892 : vector<16xf32>
        %swap3A_894 = arith.index_cast %add3A_884 : i32 to index
        %swap3A_895 = arith.constant 0 : index
        %swap3A_896 = tpu.vector_load %arg8[%swap3A_894, %swap3A_895] {strides = array<i32>} : memref<128x16xf32, #tpu.memory_space<vmem>>, vector<1x16xf32>,
        %swap3A_897 = vector.shape_cast %swap3A_896 : vector<1x16xf32> to vector<16xf32>
        %swap3A_898 = vector.shape_cast %mul3A_893 : vector<16xf32> to vector<1x16xf32>
        tpu.vector_store %arg8[%swap3A_894, %swap3A_895], %swap3A_898 {strides = array<i32>} : memref<128x16xf32, #tpu.memory_space<vmem>>, vector<1x16xf32>,
      }
      %scan3A_403 = arith.constant 128 : i32
      %add3A_404 = arith.addi %mul3A_2, %add3A_386 : i32
      %mul3A_405 = arith.constant 128 : i32
      %mul3A_406 = arith.muli %add3A_404, %mul3A_405 : i32
      %dma_start3A_407 = arith.constant 0 : i32
      %dma_start3A_408 = tpu.memref_slice %arg5[%mul3A_406, %dma_start3A_407] : memref<323584x16xf32, #tpu.memory_space<hbm>> -> memref<128x16xf32, #tpu.memory_space<hbm>>
      %dma_start3A_409 = arith.constant 0 : i32
      %dma_start3A_410 = tpu.memref_slice %arg5[%mul3A_406, %dma_start3A_409] : memref<323584x16xf32, #tpu.memory_space<hbm>> -> memref<128x16xf32, #tpu.memory_space<hbm>>
      tpu.enqueue_dma source(%arg8 : memref<128x16xf32, #tpu.memory_space<vmem>>) target(%dma_start3A_410 : memref<128x16xf32, #tpu.memory_space<hbm>>) target_semaphore(%arg40 : memref<!tpu.dma_semaphore, #tpu.memory_space<semaphore_mem>>)
      %ge3A = arith.constant 4 : i32
      %ge3A_411 = arith.cmpi sge, %add3A_386, %ge3A : i32
      %convert_element_type3A = arith.extui %ge3A_411 : i1 to i32
      %cond3A = arith.constant 0 : i32
      %cond3A_412 = arith.cmpi ne, %convert_element_type3A, %cond3A : i32
      scf.if %cond3A_412 {
        %add3A_742 = arith.addi %mul3A_2, %add3A_386 : i32
        %mul3A_743 = arith.constant 128 : i32
        %mul3A_744 = arith.muli %add3A_742, %mul3A_743 : i32
        %dma_wait3A_745 = arith.constant 0 : i32
        %dma_wait3A_746 = tpu.memref_slice %arg5[%mul3A_744, %dma_wait3A_745] : memref<323584x16xf32, #tpu.memory_space<hbm>> -> memref<128x16xf32, #tpu.memory_space<hbm>>
        %dma_wait3A_747 = arith.constant 0 : i32
        %dma_wait3A_748 = tpu.memref_slice %arg5[%mul3A_744, %dma_wait3A_747] : memref<323584x16xf32, #tpu.memory_space<hbm>> -> memref<128x16xf32, #tpu.memory_space<hbm>>
        tpu.wait_dma2 semaphore(%arg44 : memref<!tpu.dma_semaphore, #tpu.memory_space<semaphore_mem>>) src(%arg12 : memref<128x16xf32, #tpu.memory_space<vmem>>) dst(%dma_wait3A_748 : memref<128x16xf32, #tpu.memory_space<hbm>>)
      } else {
      }
      %add3A_413 = arith.constant 4 : i32
      %add3A_414 = arith.addi %add3A_386, %add3A_413 : i32
      %dma_start3A_415 = arith.constant 0 : i32
      %dma_start3A_416 = tpu.memref_slice %arg6[%add3A_414, %dma_start3A_415] : memref<79x128xi32, #tpu.memory_space<vmem>> -> memref<1x128xi32, #tpu.memory_space<vmem>>
      %dma_start3A_417 = tpu.memref_squeeze %dma_start3A_416 : memref<1x128xi32, #tpu.memory_space<vmem>> -> memref<128xi32, #tpu.memory_space<vmem>>
      %dma_start3A_418 = arith.constant 0 : i32
      %dma_start3A_419 = arith.constant 0 : i32
      %dma_start3A_420 = tpu.memref_slice %arg2[%dma_start3A_418, %dma_start3A_419] : memref<10000x16xf32, #tpu.memory_space<hbm>> -> memref<10000x16xf32, #tpu.memory_space<hbm>>
      tpu.enqueue_indirect_dma source(%dma_start3A_420 : memref<10000x16xf32, #tpu.memory_space<hbm>>) target(%arg12 : memref<128x16xf32, #tpu.memory_space<vmem>>) offsets(%dma_start3A_417 : memref<128xi32, #tpu.memory_space<vmem>>) semaphore(%arg28 : memref<!tpu.dma_semaphore, #tpu.memory_space<semaphore_mem>>)
      %dma_start3A_421 = arith.constant 0 : i32
      %dma_start3A_422 = tpu.memref_slice %arg7[%add3A_414, %dma_start3A_421] : memref<79x128xi32, #tpu.memory_space<vmem>> -> memref<1x128xi32, #tpu.memory_space<vmem>>
      %dma_start3A_423 = tpu.memref_squeeze %dma_start3A_422 : memref<1x128xi32, #tpu.memory_space<vmem>> -> memref<128xi32, #tpu.memory_space<vmem>>
      %dma_start3A_424 = arith.constant 0 : i32
      %dma_start3A_425 = arith.constant 0 : i32
      %dma_start3A_426 = tpu.memref_slice %arg2[%dma_start3A_424, %dma_start3A_425] : memref<10000x16xf32, #tpu.memory_space<hbm>> -> memref<10000x16xf32, #tpu.memory_space<hbm>>
      tpu.enqueue_indirect_dma source(%dma_start3A_426 : memref<10000x16xf32, #tpu.memory_space<hbm>>) target(%arg20 : memref<128x16xf32, #tpu.memory_space<vmem>>) offsets(%dma_start3A_423 : memref<128xi32, #tpu.memory_space<vmem>>) semaphore(%arg36 : memref<!tpu.dma_semaphore, #tpu.memory_space<semaphore_mem>>)
      %add3A_427 = arith.constant 1 : i32
      %add3A_428 = arith.addi %add3A_384, %add3A_427 : i32
      %dma_wait3A_429 = arith.constant 0 : i32
      %dma_wait3A_430 = tpu.memref_slice %arg6[%add3A_428, %dma_wait3A_429] : memref<79x128xi32, #tpu.memory_space<vmem>> -> memref<1x128xi32, #tpu.memory_space<vmem>>
      %dma_wait3A_431 = tpu.memref_squeeze %dma_wait3A_430 : memref<1x128xi32, #tpu.memory_space<vmem>> -> memref<128xi32, #tpu.memory_space<vmem>>
      %dma_wait3A_432 = arith.constant 0 : i32
      %dma_wait3A_433 = arith.constant 0 : i32
      %dma_wait3A_434 = tpu.memref_slice %arg2[%dma_wait3A_432, %dma_wait3A_433] : memref<10000x16xf32, #tpu.memory_space<hbm>> -> memref<10000x16xf32, #tpu.memory_space<hbm>>
      tpu.wait_indirect_dma semaphore(%arg25 : memref<!tpu.dma_semaphore, #tpu.memory_space<semaphore_mem>>) src(%dma_wait3A_434 : memref<10000x16xf32, #tpu.memory_space<hbm>>) dst(%arg9 : memref<128x16xf32, #tpu.memory_space<vmem>>)
      %dma_wait3A_435 = arith.constant 0 : i32
      %dma_wait3A_436 = tpu.memref_slice %arg7[%add3A_428, %dma_wait3A_435] : memref<79x128xi32, #tpu.memory_space<vmem>> -> memref<1x128xi32, #tpu.memory_space<vmem>>
      %dma_wait3A_437 = tpu.memref_squeeze %dma_wait3A_436 : memref<1x128xi32, #tpu.memory_space<vmem>> -> memref<128xi32, #tpu.memory_space<vmem>>
      %dma_wait3A_438 = arith.constant 0 : i32
      %dma_wait3A_439 = arith.constant 0 : i32
      %dma_wait3A_440 = tpu.memref_slice %arg2[%dma_wait3A_438, %dma_wait3A_439] : memref<10000x16xf32, #tpu.memory_space<hbm>> -> memref<10000x16xf32, #tpu.memory_space<hbm>>
      tpu.wait_indirect_dma semaphore(%arg33 : memref<!tpu.dma_semaphore, #tpu.memory_space<semaphore_mem>>) src(%dma_wait3A_440 : memref<10000x16xf32, #tpu.memory_space<hbm>>) dst(%arg17 : memref<128x16xf32, #tpu.memory_space<vmem>>)
      %scan3A_441 = arith.constant 0 : i32
      %scan3A_442 = arith.constant 128 : i32
      %scan3A_443 = arith.addi %scan3A_441, %scan3A_442 : i32
      %scan3A_444 = arith.constant 8 : i32
      scf.for %scan3A_742 = %scan3A_441 to %scan3A_443 step %scan3A_444  : i32 {
        %mul3A_743 = arith.constant 1 : i32
        %mul3A_744 = arith.muli %scan3A_742, %mul3A_743 : i32
        %add3A_745 = arith.constant 0 : i32
        %add3A_746 = arith.addi %add3A_745, %mul3A_744 : i32
        %get3A = arith.index_cast %add3A_746 : i32 to index
        %get3A_747 = arith.constant 0 : index
        %get3A_748 = tpu.vector_load %arg9[%get3A, %get3A_747] {strides = array<i32>} : memref<128x16xf32, #tpu.memory_space<vmem>>, vector<1x16xf32>,
        %get3A_749 = vector.shape_cast %get3A_748 : vector<1x16xf32> to vector<16xf32>
        %get3A_750 = arith.index_cast %add3A_746 : i32 to index
        %get3A_751 = arith.constant 0 : index
        %get3A_752 = tpu.vector_load %arg17[%get3A_750, %get3A_751] {strides = array<i32>} : memref<128x16xf32, #tpu.memory_space<vmem>>, vector<1x16xf32>,
        %get3A_753 = vector.shape_cast %get3A_752 : vector<1x16xf32> to vector<16xf32>
        %mul3A_754 = arith.mulf %get3A_749, %get3A_753 : vector<16xf32>
        %swap3A = arith.index_cast %add3A_746 : i32 to index
        %swap3A_755 = arith.constant 0 : index
        %swap3A_756 = tpu.vector_load %arg9[%swap3A, %swap3A_755] {strides = array<i32>} : memref<128x16xf32, #tpu.memory_space<vmem>>, vector<1x16xf32>,
        %swap3A_757 = vector.shape_cast %swap3A_756 : vector<1x16xf32> to vector<16xf32>
        %swap3A_758 = vector.shape_cast %mul3A_754 : vector<16xf32> to vector<1x16xf32>
        tpu.vector_store %arg9[%swap3A, %swap3A_755], %swap3A_758 {strides = array<i32>} : memref<128x16xf32, #tpu.memory_space<vmem>>, vector<1x16xf32>,
        %scan3A_759 = arith.constant 1 : i32
        %scan3A_760 = arith.addi %scan3A_742, %scan3A_759 : i32
        %mul3A_761 = arith.constant 1 : i32
        %mul3A_762 = arith.muli %scan3A_760, %mul3A_761 : i32
        %add3A_763 = arith.constant 0 : i32
        %add3A_764 = arith.addi %add3A_763, %mul3A_762 : i32
        %get3A_765 = arith.index_cast %add3A_764 : i32 to index
        %get3A_766 = arith.constant 0 : index
        %get3A_767 = tpu.vector_load %arg9[%get3A_765, %get3A_766] {strides = array<i32>} : memref<128x16xf32, #tpu.memory_space<vmem>>, vector<1x16xf32>,
        %get3A_768 = vector.shape_cast %get3A_767 : vector<1x16xf32> to vector<16xf32>
        %get3A_769 = arith.index_cast %add3A_764 : i32 to index
        %get3A_770 = arith.constant 0 : index
        %get3A_771 = tpu.vector_load %arg17[%get3A_769, %get3A_770] {strides = array<i32>} : memref<128x16xf32, #tpu.memory_space<vmem>>, vector<1x16xf32>,
        %get3A_772 = vector.shape_cast %get3A_771 : vector<1x16xf32> to vector<16xf32>
        %mul3A_773 = arith.mulf %get3A_768, %get3A_772 : vector<16xf32>
        %swap3A_774 = arith.index_cast %add3A_764 : i32 to index
        %swap3A_775 = arith.constant 0 : index
        %swap3A_776 = tpu.vector_load %arg9[%swap3A_774, %swap3A_775] {strides = array<i32>} : memref<128x16xf32, #tpu.memory_space<vmem>>, vector<1x16xf32>,
        %swap3A_777 = vector.shape_cast %swap3A_776 : vector<1x16xf32> to vector<16xf32>
        %swap3A_778 = vector.shape_cast %mul3A_773 : vector<16xf32> to vector<1x16xf32>
        tpu.vector_store %arg9[%swap3A_774, %swap3A_775], %swap3A_778 {strides = array<i32>} : memref<128x16xf32, #tpu.memory_space<vmem>>, vector<1x16xf32>,
        %scan3A_779 = arith.constant 2 : i32
        %scan3A_780 = arith.addi %scan3A_742, %scan3A_779 : i32
        %mul3A_781 = arith.constant 1 : i32
        %mul3A_782 = arith.muli %scan3A_780, %mul3A_781 : i32
        %add3A_783 = arith.constant 0 : i32
        %add3A_784 = arith.addi %add3A_783, %mul3A_782 : i32
        %get3A_785 = arith.index_cast %add3A_784 : i32 to index
        %get3A_786 = arith.constant 0 : index
        %get3A_787 = tpu.vector_load %arg9[%get3A_785, %get3A_786] {strides = array<i32>} : memref<128x16xf32, #tpu.memory_space<vmem>>, vector<1x16xf32>,
        %get3A_788 = vector.shape_cast %get3A_787 : vector<1x16xf32> to vector<16xf32>
        %get3A_789 = arith.index_cast %add3A_784 : i32 to index
        %get3A_790 = arith.constant 0 : index
        %get3A_791 = tpu.vector_load %arg17[%get3A_789, %get3A_790] {strides = array<i32>} : memref<128x16xf32, #tpu.memory_space<vmem>>, vector<1x16xf32>,
        %get3A_792 = vector.shape_cast %get3A_791 : vector<1x16xf32> to vector<16xf32>
        %mul3A_793 = arith.mulf %get3A_788, %get3A_792 : vector<16xf32>
        %swap3A_794 = arith.index_cast %add3A_784 : i32 to index
        %swap3A_795 = arith.constant 0 : index
        %swap3A_796 = tpu.vector_load %arg9[%swap3A_794, %swap3A_795] {strides = array<i32>} : memref<128x16xf32, #tpu.memory_space<vmem>>, vector<1x16xf32>,
        %swap3A_797 = vector.shape_cast %swap3A_796 : vector<1x16xf32> to vector<16xf32>
        %swap3A_798 = vector.shape_cast %mul3A_793 : vector<16xf32> to vector<1x16xf32>
        tpu.vector_store %arg9[%swap3A_794, %swap3A_795], %swap3A_798 {strides = array<i32>} : memref<128x16xf32, #tpu.memory_space<vmem>>, vector<1x16xf32>,
        %scan3A_799 = arith.constant 3 : i32
        %scan3A_800 = arith.addi %scan3A_742, %scan3A_799 : i32
        %mul3A_801 = arith.constant 1 : i32
        %mul3A_802 = arith.muli %scan3A_800, %mul3A_801 : i32
        %add3A_803 = arith.constant 0 : i32
        %add3A_804 = arith.addi %add3A_803, %mul3A_802 : i32
        %get3A_805 = arith.index_cast %add3A_804 : i32 to index
        %get3A_806 = arith.constant 0 : index
        %get3A_807 = tpu.vector_load %arg9[%get3A_805, %get3A_806] {strides = array<i32>} : memref<128x16xf32, #tpu.memory_space<vmem>>, vector<1x16xf32>,
        %get3A_808 = vector.shape_cast %get3A_807 : vector<1x16xf32> to vector<16xf32>
        %get3A_809 = arith.index_cast %add3A_804 : i32 to index
        %get3A_810 = arith.constant 0 : index
        %get3A_811 = tpu.vector_load %arg17[%get3A_809, %get3A_810] {strides = array<i32>} : memref<128x16xf32, #tpu.memory_space<vmem>>, vector<1x16xf32>,
        %get3A_812 = vector.shape_cast %get3A_811 : vector<1x16xf32> to vector<16xf32>
        %mul3A_813 = arith.mulf %get3A_808, %get3A_812 : vector<16xf32>
        %swap3A_814 = arith.index_cast %add3A_804 : i32 to index
        %swap3A_815 = arith.constant 0 : index
        %swap3A_816 = tpu.vector_load %arg9[%swap3A_814, %swap3A_815] {strides = array<i32>} : memref<128x16xf32, #tpu.memory_space<vmem>>, vector<1x16xf32>,
        %swap3A_817 = vector.shape_cast %swap3A_816 : vector<1x16xf32> to vector<16xf32>
        %swap3A_818 = vector.shape_cast %mul3A_813 : vector<16xf32> to vector<1x16xf32>
        tpu.vector_store %arg9[%swap3A_814, %swap3A_815], %swap3A_818 {strides = array<i32>} : memref<128x16xf32, #tpu.memory_space<vmem>>, vector<1x16xf32>,
        %scan3A_819 = arith.constant 4 : i32
        %scan3A_820 = arith.addi %scan3A_742, %scan3A_819 : i32
        %mul3A_821 = arith.constant 1 : i32
        %mul3A_822 = arith.muli %scan3A_820, %mul3A_821 : i32
        %add3A_823 = arith.constant 0 : i32
        %add3A_824 = arith.addi %add3A_823, %mul3A_822 : i32
        %get3A_825 = arith.index_cast %add3A_824 : i32 to index
        %get3A_826 = arith.constant 0 : index
        %get3A_827 = tpu.vector_load %arg9[%get3A_825, %get3A_826] {strides = array<i32>} : memref<128x16xf32, #tpu.memory_space<vmem>>, vector<1x16xf32>,
        %get3A_828 = vector.shape_cast %get3A_827 : vector<1x16xf32> to vector<16xf32>
        %get3A_829 = arith.index_cast %add3A_824 : i32 to index
        %get3A_830 = arith.constant 0 : index
        %get3A_831 = tpu.vector_load %arg17[%get3A_829, %get3A_830] {strides = array<i32>} : memref<128x16xf32, #tpu.memory_space<vmem>>, vector<1x16xf32>,
        %get3A_832 = vector.shape_cast %get3A_831 : vector<1x16xf32> to vector<16xf32>
        %mul3A_833 = arith.mulf %get3A_828, %get3A_832 : vector<16xf32>
        %swap3A_834 = arith.index_cast %add3A_824 : i32 to index
        %swap3A_835 = arith.constant 0 : index
        %swap3A_836 = tpu.vector_load %arg9[%swap3A_834, %swap3A_835] {strides = array<i32>} : memref<128x16xf32, #tpu.memory_space<vmem>>, vector<1x16xf32>,
        %swap3A_837 = vector.shape_cast %swap3A_836 : vector<1x16xf32> to vector<16xf32>
        %swap3A_838 = vector.shape_cast %mul3A_833 : vector<16xf32> to vector<1x16xf32>
        tpu.vector_store %arg9[%swap3A_834, %swap3A_835], %swap3A_838 {strides = array<i32>} : memref<128x16xf32, #tpu.memory_space<vmem>>, vector<1x16xf32>,
        %scan3A_839 = arith.constant 5 : i32
        %scan3A_840 = arith.addi %scan3A_742, %scan3A_839 : i32
        %mul3A_841 = arith.constant 1 : i32
        %mul3A_842 = arith.muli %scan3A_840, %mul3A_841 : i32
        %add3A_843 = arith.constant 0 : i32
        %add3A_844 = arith.addi %add3A_843, %mul3A_842 : i32
        %get3A_845 = arith.index_cast %add3A_844 : i32 to index
        %get3A_846 = arith.constant 0 : index
        %get3A_847 = tpu.vector_load %arg9[%get3A_845, %get3A_846] {strides = array<i32>} : memref<128x16xf32, #tpu.memory_space<vmem>>, vector<1x16xf32>,
        %get3A_848 = vector.shape_cast %get3A_847 : vector<1x16xf32> to vector<16xf32>
        %get3A_849 = arith.index_cast %add3A_844 : i32 to index
        %get3A_850 = arith.constant 0 : index
        %get3A_851 = tpu.vector_load %arg17[%get3A_849, %get3A_850] {strides = array<i32>} : memref<128x16xf32, #tpu.memory_space<vmem>>, vector<1x16xf32>,
        %get3A_852 = vector.shape_cast %get3A_851 : vector<1x16xf32> to vector<16xf32>
        %mul3A_853 = arith.mulf %get3A_848, %get3A_852 : vector<16xf32>
        %swap3A_854 = arith.index_cast %add3A_844 : i32 to index
        %swap3A_855 = arith.constant 0 : index
        %swap3A_856 = tpu.vector_load %arg9[%swap3A_854, %swap3A_855] {strides = array<i32>} : memref<128x16xf32, #tpu.memory_space<vmem>>, vector<1x16xf32>,
        %swap3A_857 = vector.shape_cast %swap3A_856 : vector<1x16xf32> to vector<16xf32>
        %swap3A_858 = vector.shape_cast %mul3A_853 : vector<16xf32> to vector<1x16xf32>
        tpu.vector_store %arg9[%swap3A_854, %swap3A_855], %swap3A_858 {strides = array<i32>} : memref<128x16xf32, #tpu.memory_space<vmem>>, vector<1x16xf32>,
        %scan3A_859 = arith.constant 6 : i32
        %scan3A_860 = arith.addi %scan3A_742, %scan3A_859 : i32
        %mul3A_861 = arith.constant 1 : i32
        %mul3A_862 = arith.muli %scan3A_860, %mul3A_861 : i32
        %add3A_863 = arith.constant 0 : i32
        %add3A_864 = arith.addi %add3A_863, %mul3A_862 : i32
        %get3A_865 = arith.index_cast %add3A_864 : i32 to index
        %get3A_866 = arith.constant 0 : index
        %get3A_867 = tpu.vector_load %arg9[%get3A_865, %get3A_866] {strides = array<i32>} : memref<128x16xf32, #tpu.memory_space<vmem>>, vector<1x16xf32>,
        %get3A_868 = vector.shape_cast %get3A_867 : vector<1x16xf32> to vector<16xf32>
        %get3A_869 = arith.index_cast %add3A_864 : i32 to index
        %get3A_870 = arith.constant 0 : index
        %get3A_871 = tpu.vector_load %arg17[%get3A_869, %get3A_870] {strides = array<i32>} : memref<128x16xf32, #tpu.memory_space<vmem>>, vector<1x16xf32>,
        %get3A_872 = vector.shape_cast %get3A_871 : vector<1x16xf32> to vector<16xf32>
        %mul3A_873 = arith.mulf %get3A_868, %get3A_872 : vector<16xf32>
        %swap3A_874 = arith.index_cast %add3A_864 : i32 to index
        %swap3A_875 = arith.constant 0 : index
        %swap3A_876 = tpu.vector_load %arg9[%swap3A_874, %swap3A_875] {strides = array<i32>} : memref<128x16xf32, #tpu.memory_space<vmem>>, vector<1x16xf32>,
        %swap3A_877 = vector.shape_cast %swap3A_876 : vector<1x16xf32> to vector<16xf32>
        %swap3A_878 = vector.shape_cast %mul3A_873 : vector<16xf32> to vector<1x16xf32>
        tpu.vector_store %arg9[%swap3A_874, %swap3A_875], %swap3A_878 {strides = array<i32>} : memref<128x16xf32, #tpu.memory_space<vmem>>, vector<1x16xf32>,
        %scan3A_879 = arith.constant 7 : i32
        %scan3A_880 = arith.addi %scan3A_742, %scan3A_879 : i32
        %mul3A_881 = arith.constant 1 : i32
        %mul3A_882 = arith.muli %scan3A_880, %mul3A_881 : i32
        %add3A_883 = arith.constant 0 : i32
        %add3A_884 = arith.addi %add3A_883, %mul3A_882 : i32
        %get3A_885 = arith.index_cast %add3A_884 : i32 to index
        %get3A_886 = arith.constant 0 : index
        %get3A_887 = tpu.vector_load %arg9[%get3A_885, %get3A_886] {strides = array<i32>} : memref<128x16xf32, #tpu.memory_space<vmem>>, vector<1x16xf32>,
        %get3A_888 = vector.shape_cast %get3A_887 : vector<1x16xf32> to vector<16xf32>
        %get3A_889 = arith.index_cast %add3A_884 : i32 to index
        %get3A_890 = arith.constant 0 : index
        %get3A_891 = tpu.vector_load %arg17[%get3A_889, %get3A_890] {strides = array<i32>} : memref<128x16xf32, #tpu.memory_space<vmem>>, vector<1x16xf32>,
        %get3A_892 = vector.shape_cast %get3A_891 : vector<1x16xf32> to vector<16xf32>
        %mul3A_893 = arith.mulf %get3A_888, %get3A_892 : vector<16xf32>
        %swap3A_894 = arith.index_cast %add3A_884 : i32 to index
        %swap3A_895 = arith.constant 0 : index
        %swap3A_896 = tpu.vector_load %arg9[%swap3A_894, %swap3A_895] {strides = array<i32>} : memref<128x16xf32, #tpu.memory_space<vmem>>, vector<1x16xf32>,
        %swap3A_897 = vector.shape_cast %swap3A_896 : vector<1x16xf32> to vector<16xf32>
        %swap3A_898 = vector.shape_cast %mul3A_893 : vector<16xf32> to vector<1x16xf32>
        tpu.vector_store %arg9[%swap3A_894, %swap3A_895], %swap3A_898 {strides = array<i32>} : memref<128x16xf32, #tpu.memory_space<vmem>>, vector<1x16xf32>,
      }
      %scan3A_445 = arith.constant 128 : i32
      %add3A_446 = arith.addi %mul3A_2, %add3A_428 : i32
      %mul3A_447 = arith.constant 128 : i32
      %mul3A_448 = arith.muli %add3A_446, %mul3A_447 : i32
      %dma_start3A_449 = arith.constant 0 : i32
      %dma_start3A_450 = tpu.memref_slice %arg5[%mul3A_448, %dma_start3A_449] : memref<323584x16xf32, #tpu.memory_space<hbm>> -> memref<128x16xf32, #tpu.memory_space<hbm>>
      %dma_start3A_451 = arith.constant 0 : i32
      %dma_start3A_452 = tpu.memref_slice %arg5[%mul3A_448, %dma_start3A_451] : memref<323584x16xf32, #tpu.memory_space<hbm>> -> memref<128x16xf32, #tpu.memory_space<hbm>>
      tpu.enqueue_dma source(%arg9 : memref<128x16xf32, #tpu.memory_space<vmem>>) target(%dma_start3A_452 : memref<128x16xf32, #tpu.memory_space<hbm>>) target_semaphore(%arg41 : memref<!tpu.dma_semaphore, #tpu.memory_space<semaphore_mem>>)
      %ge3A_453 = arith.constant 4 : i32
      %ge3A_454 = arith.cmpi sge, %add3A_428, %ge3A_453 : i32
      %convert_element_type3A_455 = arith.extui %ge3A_454 : i1 to i32
      %cond3A_456 = arith.constant 0 : i32
      %cond3A_457 = arith.cmpi ne, %convert_element_type3A_455, %cond3A_456 : i32
      scf.if %cond3A_457 {
        %add3A_742 = arith.addi %mul3A_2, %add3A_428 : i32
        %mul3A_743 = arith.constant 128 : i32
        %mul3A_744 = arith.muli %add3A_742, %mul3A_743 : i32
        %dma_wait3A_745 = arith.constant 0 : i32
        %dma_wait3A_746 = tpu.memref_slice %arg5[%mul3A_744, %dma_wait3A_745] : memref<323584x16xf32, #tpu.memory_space<hbm>> -> memref<128x16xf32, #tpu.memory_space<hbm>>
        %dma_wait3A_747 = arith.constant 0 : i32
        %dma_wait3A_748 = tpu.memref_slice %arg5[%mul3A_744, %dma_wait3A_747] : memref<323584x16xf32, #tpu.memory_space<hbm>> -> memref<128x16xf32, #tpu.memory_space<hbm>>
        tpu.wait_dma2 semaphore(%arg45 : memref<!tpu.dma_semaphore, #tpu.memory_space<semaphore_mem>>) src(%arg13 : memref<128x16xf32, #tpu.memory_space<vmem>>) dst(%dma_wait3A_748 : memref<128x16xf32, #tpu.memory_space<hbm>>)
      } else {
      }
      %add3A_458 = arith.constant 4 : i32
      %add3A_459 = arith.addi %add3A_428, %add3A_458 : i32
      %dma_start3A_460 = arith.constant 0 : i32
      %dma_start3A_461 = tpu.memref_slice %arg6[%add3A_459, %dma_start3A_460] : memref<79x128xi32, #tpu.memory_space<vmem>> -> memref<1x128xi32, #tpu.memory_space<vmem>>
      %dma_start3A_462 = tpu.memref_squeeze %dma_start3A_461 : memref<1x128xi32, #tpu.memory_space<vmem>> -> memref<128xi32, #tpu.memory_space<vmem>>
      %dma_start3A_463 = arith.constant 0 : i32
      %dma_start3A_464 = arith.constant 0 : i32
      %dma_start3A_465 = tpu.memref_slice %arg2[%dma_start3A_463, %dma_start3A_464] : memref<10000x16xf32, #tpu.memory_space<hbm>> -> memref<10000x16xf32, #tpu.memory_space<hbm>>
      tpu.enqueue_indirect_dma source(%dma_start3A_465 : memref<10000x16xf32, #tpu.memory_space<hbm>>) target(%arg13 : memref<128x16xf32, #tpu.memory_space<vmem>>) offsets(%dma_start3A_462 : memref<128xi32, #tpu.memory_space<vmem>>) semaphore(%arg29 : memref<!tpu.dma_semaphore, #tpu.memory_space<semaphore_mem>>)
      %dma_start3A_466 = arith.constant 0 : i32
      %dma_start3A_467 = tpu.memref_slice %arg7[%add3A_459, %dma_start3A_466] : memref<79x128xi32, #tpu.memory_space<vmem>> -> memref<1x128xi32, #tpu.memory_space<vmem>>
      %dma_start3A_468 = tpu.memref_squeeze %dma_start3A_467 : memref<1x128xi32, #tpu.memory_space<vmem>> -> memref<128xi32, #tpu.memory_space<vmem>>
      %dma_start3A_469 = arith.constant 0 : i32
      %dma_start3A_470 = arith.constant 0 : i32
      %dma_start3A_471 = tpu.memref_slice %arg2[%dma_start3A_469, %dma_start3A_470] : memref<10000x16xf32, #tpu.memory_space<hbm>> -> memref<10000x16xf32, #tpu.memory_space<hbm>>
      tpu.enqueue_indirect_dma source(%dma_start3A_471 : memref<10000x16xf32, #tpu.memory_space<hbm>>) target(%arg21 : memref<128x16xf32, #tpu.memory_space<vmem>>) offsets(%dma_start3A_468 : memref<128xi32, #tpu.memory_space<vmem>>) semaphore(%arg37 : memref<!tpu.dma_semaphore, #tpu.memory_space<semaphore_mem>>)
      %add3A_472 = arith.constant 2 : i32
      %add3A_473 = arith.addi %add3A_384, %add3A_472 : i32
      %dma_wait3A_474 = arith.constant 0 : i32
      %dma_wait3A_475 = tpu.memref_slice %arg6[%add3A_473, %dma_wait3A_474] : memref<79x128xi32, #tpu.memory_space<vmem>> -> memref<1x128xi32, #tpu.memory_space<vmem>>
      %dma_wait3A_476 = tpu.memref_squeeze %dma_wait3A_475 : memref<1x128xi32, #tpu.memory_space<vmem>> -> memref<128xi32, #tpu.memory_space<vmem>>
      %dma_wait3A_477 = arith.constant 0 : i32
      %dma_wait3A_478 = arith.constant 0 : i32
      %dma_wait3A_479 = tpu.memref_slice %arg2[%dma_wait3A_477, %dma_wait3A_478] : memref<10000x16xf32, #tpu.memory_space<hbm>> -> memref<10000x16xf32, #tpu.memory_space<hbm>>
      tpu.wait_indirect_dma semaphore(%arg26 : memref<!tpu.dma_semaphore, #tpu.memory_space<semaphore_mem>>) src(%dma_wait3A_479 : memref<10000x16xf32, #tpu.memory_space<hbm>>) dst(%arg10 : memref<128x16xf32, #tpu.memory_space<vmem>>)
      %dma_wait3A_480 = arith.constant 0 : i32
      %dma_wait3A_481 = tpu.memref_slice %arg7[%add3A_473, %dma_wait3A_480] : memref<79x128xi32, #tpu.memory_space<vmem>> -> memref<1x128xi32, #tpu.memory_space<vmem>>
      %dma_wait3A_482 = tpu.memref_squeeze %dma_wait3A_481 : memref<1x128xi32, #tpu.memory_space<vmem>> -> memref<128xi32, #tpu.memory_space<vmem>>
      %dma_wait3A_483 = arith.constant 0 : i32
      %dma_wait3A_484 = arith.constant 0 : i32
      %dma_wait3A_485 = tpu.memref_slice %arg2[%dma_wait3A_483, %dma_wait3A_484] : memref<10000x16xf32, #tpu.memory_space<hbm>> -> memref<10000x16xf32, #tpu.memory_space<hbm>>
      tpu.wait_indirect_dma semaphore(%arg34 : memref<!tpu.dma_semaphore, #tpu.memory_space<semaphore_mem>>) src(%dma_wait3A_485 : memref<10000x16xf32, #tpu.memory_space<hbm>>) dst(%arg18 : memref<128x16xf32, #tpu.memory_space<vmem>>)
      %scan3A_486 = arith.constant 0 : i32
      %scan3A_487 = arith.constant 128 : i32
      %scan3A_488 = arith.addi %scan3A_486, %scan3A_487 : i32
      %scan3A_489 = arith.constant 8 : i32
      scf.for %scan3A_742 = %scan3A_486 to %scan3A_488 step %scan3A_489  : i32 {
        %mul3A_743 = arith.constant 1 : i32
        %mul3A_744 = arith.muli %scan3A_742, %mul3A_743 : i32
        %add3A_745 = arith.constant 0 : i32
        %add3A_746 = arith.addi %add3A_745, %mul3A_744 : i32
        %get3A = arith.index_cast %add3A_746 : i32 to index
        %get3A_747 = arith.constant 0 : index
        %get3A_748 = tpu.vector_load %arg10[%get3A, %get3A_747] {strides = array<i32>} : memref<128x16xf32, #tpu.memory_space<vmem>>, vector<1x16xf32>,
        %get3A_749 = vector.shape_cast %get3A_748 : vector<1x16xf32> to vector<16xf32>
        %get3A_750 = arith.index_cast %add3A_746 : i32 to index
        %get3A_751 = arith.constant 0 : index
        %get3A_752 = tpu.vector_load %arg18[%get3A_750, %get3A_751] {strides = array<i32>} : memref<128x16xf32, #tpu.memory_space<vmem>>, vector<1x16xf32>,
        %get3A_753 = vector.shape_cast %get3A_752 : vector<1x16xf32> to vector<16xf32>
        %mul3A_754 = arith.mulf %get3A_749, %get3A_753 : vector<16xf32>
        %swap3A = arith.index_cast %add3A_746 : i32 to index
        %swap3A_755 = arith.constant 0 : index
        %swap3A_756 = tpu.vector_load %arg10[%swap3A, %swap3A_755] {strides = array<i32>} : memref<128x16xf32, #tpu.memory_space<vmem>>, vector<1x16xf32>,
        %swap3A_757 = vector.shape_cast %swap3A_756 : vector<1x16xf32> to vector<16xf32>
        %swap3A_758 = vector.shape_cast %mul3A_754 : vector<16xf32> to vector<1x16xf32>
        tpu.vector_store %arg10[%swap3A, %swap3A_755], %swap3A_758 {strides = array<i32>} : memref<128x16xf32, #tpu.memory_space<vmem>>, vector<1x16xf32>,
        %scan3A_759 = arith.constant 1 : i32
        %scan3A_760 = arith.addi %scan3A_742, %scan3A_759 : i32
        %mul3A_761 = arith.constant 1 : i32
        %mul3A_762 = arith.muli %scan3A_760, %mul3A_761 : i32
        %add3A_763 = arith.constant 0 : i32
        %add3A_764 = arith.addi %add3A_763, %mul3A_762 : i32
        %get3A_765 = arith.index_cast %add3A_764 : i32 to index
        %get3A_766 = arith.constant 0 : index
        %get3A_767 = tpu.vector_load %arg10[%get3A_765, %get3A_766] {strides = array<i32>} : memref<128x16xf32, #tpu.memory_space<vmem>>, vector<1x16xf32>,
        %get3A_768 = vector.shape_cast %get3A_767 : vector<1x16xf32> to vector<16xf32>
        %get3A_769 = arith.index_cast %add3A_764 : i32 to index
        %get3A_770 = arith.constant 0 : index
        %get3A_771 = tpu.vector_load %arg18[%get3A_769, %get3A_770] {strides = array<i32>} : memref<128x16xf32, #tpu.memory_space<vmem>>, vector<1x16xf32>,
        %get3A_772 = vector.shape_cast %get3A_771 : vector<1x16xf32> to vector<16xf32>
        %mul3A_773 = arith.mulf %get3A_768, %get3A_772 : vector<16xf32>
        %swap3A_774 = arith.index_cast %add3A_764 : i32 to index
        %swap3A_775 = arith.constant 0 : index
        %swap3A_776 = tpu.vector_load %arg10[%swap3A_774, %swap3A_775] {strides = array<i32>} : memref<128x16xf32, #tpu.memory_space<vmem>>, vector<1x16xf32>,
        %swap3A_777 = vector.shape_cast %swap3A_776 : vector<1x16xf32> to vector<16xf32>
        %swap3A_778 = vector.shape_cast %mul3A_773 : vector<16xf32> to vector<1x16xf32>
        tpu.vector_store %arg10[%swap3A_774, %swap3A_775], %swap3A_778 {strides = array<i32>} : memref<128x16xf32, #tpu.memory_space<vmem>>, vector<1x16xf32>,
        %scan3A_779 = arith.constant 2 : i32
        %scan3A_780 = arith.addi %scan3A_742, %scan3A_779 : i32
        %mul3A_781 = arith.constant 1 : i32
        %mul3A_782 = arith.muli %scan3A_780, %mul3A_781 : i32
        %add3A_783 = arith.constant 0 : i32
        %add3A_784 = arith.addi %add3A_783, %mul3A_782 : i32
        %get3A_785 = arith.index_cast %add3A_784 : i32 to index
        %get3A_786 = arith.constant 0 : index
        %get3A_787 = tpu.vector_load %arg10[%get3A_785, %get3A_786] {strides = array<i32>} : memref<128x16xf32, #tpu.memory_space<vmem>>, vector<1x16xf32>,
        %get3A_788 = vector.shape_cast %get3A_787 : vector<1x16xf32> to vector<16xf32>
        %get3A_789 = arith.index_cast %add3A_784 : i32 to index
        %get3A_790 = arith.constant 0 : index
        %get3A_791 = tpu.vector_load %arg18[%get3A_789, %get3A_790] {strides = array<i32>} : memref<128x16xf32, #tpu.memory_space<vmem>>, vector<1x16xf32>,
        %get3A_792 = vector.shape_cast %get3A_791 : vector<1x16xf32> to vector<16xf32>
        %mul3A_793 = arith.mulf %get3A_788, %get3A_792 : vector<16xf32>
        %swap3A_794 = arith.index_cast %add3A_784 : i32 to index
        %swap3A_795 = arith.constant 0 : index
        %swap3A_796 = tpu.vector_load %arg10[%swap3A_794, %swap3A_795] {strides = array<i32>} : memref<128x16xf32, #tpu.memory_space<vmem>>, vector<1x16xf32>,
        %swap3A_797 = vector.shape_cast %swap3A_796 : vector<1x16xf32> to vector<16xf32>
        %swap3A_798 = vector.shape_cast %mul3A_793 : vector<16xf32> to vector<1x16xf32>
        tpu.vector_store %arg10[%swap3A_794, %swap3A_795], %swap3A_798 {strides = array<i32>} : memref<128x16xf32, #tpu.memory_space<vmem>>, vector<1x16xf32>,
        %scan3A_799 = arith.constant 3 : i32
        %scan3A_800 = arith.addi %scan3A_742, %scan3A_799 : i32
        %mul3A_801 = arith.constant 1 : i32
        %mul3A_802 = arith.muli %scan3A_800, %mul3A_801 : i32
        %add3A_803 = arith.constant 0 : i32
        %add3A_804 = arith.addi %add3A_803, %mul3A_802 : i32
        %get3A_805 = arith.index_cast %add3A_804 : i32 to index
        %get3A_806 = arith.constant 0 : index
        %get3A_807 = tpu.vector_load %arg10[%get3A_805, %get3A_806] {strides = array<i32>} : memref<128x16xf32, #tpu.memory_space<vmem>>, vector<1x16xf32>,
        %get3A_808 = vector.shape_cast %get3A_807 : vector<1x16xf32> to vector<16xf32>
        %get3A_809 = arith.index_cast %add3A_804 : i32 to index
        %get3A_810 = arith.constant 0 : index
        %get3A_811 = tpu.vector_load %arg18[%get3A_809, %get3A_810] {strides = array<i32>} : memref<128x16xf32, #tpu.memory_space<vmem>>, vector<1x16xf32>,
        %get3A_812 = vector.shape_cast %get3A_811 : vector<1x16xf32> to vector<16xf32>
        %mul3A_813 = arith.mulf %get3A_808, %get3A_812 : vector<16xf32>
        %swap3A_814 = arith.index_cast %add3A_804 : i32 to index
        %swap3A_815 = arith.constant 0 : index
        %swap3A_816 = tpu.vector_load %arg10[%swap3A_814, %swap3A_815] {strides = array<i32>} : memref<128x16xf32, #tpu.memory_space<vmem>>, vector<1x16xf32>,
        %swap3A_817 = vector.shape_cast %swap3A_816 : vector<1x16xf32> to vector<16xf32>
        %swap3A_818 = vector.shape_cast %mul3A_813 : vector<16xf32> to vector<1x16xf32>
        tpu.vector_store %arg10[%swap3A_814, %swap3A_815], %swap3A_818 {strides = array<i32>} : memref<128x16xf32, #tpu.memory_space<vmem>>, vector<1x16xf32>,
        %scan3A_819 = arith.constant 4 : i32
        %scan3A_820 = arith.addi %scan3A_742, %scan3A_819 : i32
        %mul3A_821 = arith.constant 1 : i32
        %mul3A_822 = arith.muli %scan3A_820, %mul3A_821 : i32
        %add3A_823 = arith.constant 0 : i32
        %add3A_824 = arith.addi %add3A_823, %mul3A_822 : i32
        %get3A_825 = arith.index_cast %add3A_824 : i32 to index
        %get3A_826 = arith.constant 0 : index
        %get3A_827 = tpu.vector_load %arg10[%get3A_825, %get3A_826] {strides = array<i32>} : memref<128x16xf32, #tpu.memory_space<vmem>>, vector<1x16xf32>,
        %get3A_828 = vector.shape_cast %get3A_827 : vector<1x16xf32> to vector<16xf32>
        %get3A_829 = arith.index_cast %add3A_824 : i32 to index
        %get3A_830 = arith.constant 0 : index
        %get3A_831 = tpu.vector_load %arg18[%get3A_829, %get3A_830] {strides = array<i32>} : memref<128x16xf32, #tpu.memory_space<vmem>>, vector<1x16xf32>,
        %get3A_832 = vector.shape_cast %get3A_831 : vector<1x16xf32> to vector<16xf32>
        %mul3A_833 = arith.mulf %get3A_828, %get3A_832 : vector<16xf32>
        %swap3A_834 = arith.index_cast %add3A_824 : i32 to index
        %swap3A_835 = arith.constant 0 : index
        %swap3A_836 = tpu.vector_load %arg10[%swap3A_834, %swap3A_835] {strides = array<i32>} : memref<128x16xf32, #tpu.memory_space<vmem>>, vector<1x16xf32>,
        %swap3A_837 = vector.shape_cast %swap3A_836 : vector<1x16xf32> to vector<16xf32>
        %swap3A_838 = vector.shape_cast %mul3A_833 : vector<16xf32> to vector<1x16xf32>
        tpu.vector_store %arg10[%swap3A_834, %swap3A_835], %swap3A_838 {strides = array<i32>} : memref<128x16xf32, #tpu.memory_space<vmem>>, vector<1x16xf32>,
        %scan3A_839 = arith.constant 5 : i32
        %scan3A_840 = arith.addi %scan3A_742, %scan3A_839 : i32
        %mul3A_841 = arith.constant 1 : i32
        %mul3A_842 = arith.muli %scan3A_840, %mul3A_841 : i32
        %add3A_843 = arith.constant 0 : i32
        %add3A_844 = arith.addi %add3A_843, %mul3A_842 : i32
        %get3A_845 = arith.index_cast %add3A_844 : i32 to index
        %get3A_846 = arith.constant 0 : index
        %get3A_847 = tpu.vector_load %arg10[%get3A_845, %get3A_846] {strides = array<i32>} : memref<128x16xf32, #tpu.memory_space<vmem>>, vector<1x16xf32>,
        %get3A_848 = vector.shape_cast %get3A_847 : vector<1x16xf32> to vector<16xf32>
        %get3A_849 = arith.index_cast %add3A_844 : i32 to index
        %get3A_850 = arith.constant 0 : index
        %get3A_851 = tpu.vector_load %arg18[%get3A_849, %get3A_850] {strides = array<i32>} : memref<128x16xf32, #tpu.memory_space<vmem>>, vector<1x16xf32>,
        %get3A_852 = vector.shape_cast %get3A_851 : vector<1x16xf32> to vector<16xf32>
        %mul3A_853 = arith.mulf %get3A_848, %get3A_852 : vector<16xf32>
        %swap3A_854 = arith.index_cast %add3A_844 : i32 to index
        %swap3A_855 = arith.constant 0 : index
        %swap3A_856 = tpu.vector_load %arg10[%swap3A_854, %swap3A_855] {strides = array<i32>} : memref<128x16xf32, #tpu.memory_space<vmem>>, vector<1x16xf32>,
        %swap3A_857 = vector.shape_cast %swap3A_856 : vector<1x16xf32> to vector<16xf32>
        %swap3A_858 = vector.shape_cast %mul3A_853 : vector<16xf32> to vector<1x16xf32>
        tpu.vector_store %arg10[%swap3A_854, %swap3A_855], %swap3A_858 {strides = array<i32>} : memref<128x16xf32, #tpu.memory_space<vmem>>, vector<1x16xf32>,
        %scan3A_859 = arith.constant 6 : i32
        %scan3A_860 = arith.addi %scan3A_742, %scan3A_859 : i32
        %mul3A_861 = arith.constant 1 : i32
        %mul3A_862 = arith.muli %scan3A_860, %mul3A_861 : i32
        %add3A_863 = arith.constant 0 : i32
        %add3A_864 = arith.addi %add3A_863, %mul3A_862 : i32
        %get3A_865 = arith.index_cast %add3A_864 : i32 to index
        %get3A_866 = arith.constant 0 : index
        %get3A_867 = tpu.vector_load %arg10[%get3A_865, %get3A_866] {strides = array<i32>} : memref<128x16xf32, #tpu.memory_space<vmem>>, vector<1x16xf32>,
        %get3A_868 = vector.shape_cast %get3A_867 : vector<1x16xf32> to vector<16xf32>
        %get3A_869 = arith.index_cast %add3A_864 : i32 to index
        %get3A_870 = arith.constant 0 : index
        %get3A_871 = tpu.vector_load %arg18[%get3A_869, %get3A_870] {strides = array<i32>} : memref<128x16xf32, #tpu.memory_space<vmem>>, vector<1x16xf32>,
        %get3A_872 = vector.shape_cast %get3A_871 : vector<1x16xf32> to vector<16xf32>
        %mul3A_873 = arith.mulf %get3A_868, %get3A_872 : vector<16xf32>
        %swap3A_874 = arith.index_cast %add3A_864 : i32 to index
        %swap3A_875 = arith.constant 0 : index
        %swap3A_876 = tpu.vector_load %arg10[%swap3A_874, %swap3A_875] {strides = array<i32>} : memref<128x16xf32, #tpu.memory_space<vmem>>, vector<1x16xf32>,
        %swap3A_877 = vector.shape_cast %swap3A_876 : vector<1x16xf32> to vector<16xf32>
        %swap3A_878 = vector.shape_cast %mul3A_873 : vector<16xf32> to vector<1x16xf32>
        tpu.vector_store %arg10[%swap3A_874, %swap3A_875], %swap3A_878 {strides = array<i32>} : memref<128x16xf32, #tpu.memory_space<vmem>>, vector<1x16xf32>,
        %scan3A_879 = arith.constant 7 : i32
        %scan3A_880 = arith.addi %scan3A_742, %scan3A_879 : i32
        %mul3A_881 = arith.constant 1 : i32
        %mul3A_882 = arith.muli %scan3A_880, %mul3A_881 : i32
        %add3A_883 = arith.constant 0 : i32
        %add3A_884 = arith.addi %add3A_883, %mul3A_882 : i32
        %get3A_885 = arith.index_cast %add3A_884 : i32 to index
        %get3A_886 = arith.constant 0 : index
        %get3A_887 = tpu.vector_load %arg10[%get3A_885, %get3A_886] {strides = array<i32>} : memref<128x16xf32, #tpu.memory_space<vmem>>, vector<1x16xf32>,
        %get3A_888 = vector.shape_cast %get3A_887 : vector<1x16xf32> to vector<16xf32>
        %get3A_889 = arith.index_cast %add3A_884 : i32 to index
        %get3A_890 = arith.constant 0 : index
        %get3A_891 = tpu.vector_load %arg18[%get3A_889, %get3A_890] {strides = array<i32>} : memref<128x16xf32, #tpu.memory_space<vmem>>, vector<1x16xf32>,
        %get3A_892 = vector.shape_cast %get3A_891 : vector<1x16xf32> to vector<16xf32>
        %mul3A_893 = arith.mulf %get3A_888, %get3A_892 : vector<16xf32>
        %swap3A_894 = arith.index_cast %add3A_884 : i32 to index
        %swap3A_895 = arith.constant 0 : index
        %swap3A_896 = tpu.vector_load %arg10[%swap3A_894, %swap3A_895] {strides = array<i32>} : memref<128x16xf32, #tpu.memory_space<vmem>>, vector<1x16xf32>,
        %swap3A_897 = vector.shape_cast %swap3A_896 : vector<1x16xf32> to vector<16xf32>
        %swap3A_898 = vector.shape_cast %mul3A_893 : vector<16xf32> to vector<1x16xf32>
        tpu.vector_store %arg10[%swap3A_894, %swap3A_895], %swap3A_898 {strides = array<i32>} : memref<128x16xf32, #tpu.memory_space<vmem>>, vector<1x16xf32>,
      }
      %scan3A_490 = arith.constant 128 : i32
      %add3A_491 = arith.addi %mul3A_2, %add3A_473 : i32
      %mul3A_492 = arith.constant 128 : i32
      %mul3A_493 = arith.muli %add3A_491, %mul3A_492 : i32
      %dma_start3A_494 = arith.constant 0 : i32
      %dma_start3A_495 = tpu.memref_slice %arg5[%mul3A_493, %dma_start3A_494] : memref<323584x16xf32, #tpu.memory_space<hbm>> -> memref<128x16xf32, #tpu.memory_space<hbm>>
      %dma_start3A_496 = arith.constant 0 : i32
      %dma_start3A_497 = tpu.memref_slice %arg5[%mul3A_493, %dma_start3A_496] : memref<323584x16xf32, #tpu.memory_space<hbm>> -> memref<128x16xf32, #tpu.memory_space<hbm>>
      tpu.enqueue_dma source(%arg10 : memref<128x16xf32, #tpu.memory_space<vmem>>) target(%dma_start3A_497 : memref<128x16xf32, #tpu.memory_space<hbm>>) target_semaphore(%arg42 : memref<!tpu.dma_semaphore, #tpu.memory_space<semaphore_mem>>)
      %ge3A_498 = arith.constant 4 : i32
      %ge3A_499 = arith.cmpi sge, %add3A_473, %ge3A_498 : i32
      %convert_element_type3A_500 = arith.extui %ge3A_499 : i1 to i32
      %cond3A_501 = arith.constant 0 : i32
      %cond3A_502 = arith.cmpi ne, %convert_element_type3A_500, %cond3A_501 : i32
      scf.if %cond3A_502 {
        %add3A_742 = arith.addi %mul3A_2, %add3A_473 : i32
        %mul3A_743 = arith.constant 128 : i32
        %mul3A_744 = arith.muli %add3A_742, %mul3A_743 : i32
        %dma_wait3A_745 = arith.constant 0 : i32
        %dma_wait3A_746 = tpu.memref_slice %arg5[%mul3A_744, %dma_wait3A_745] : memref<323584x16xf32, #tpu.memory_space<hbm>> -> memref<128x16xf32, #tpu.memory_space<hbm>>
        %dma_wait3A_747 = arith.constant 0 : i32
        %dma_wait3A_748 = tpu.memref_slice %arg5[%mul3A_744, %dma_wait3A_747] : memref<323584x16xf32, #tpu.memory_space<hbm>> -> memref<128x16xf32, #tpu.memory_space<hbm>>
        tpu.wait_dma2 semaphore(%arg46 : memref<!tpu.dma_semaphore, #tpu.memory_space<semaphore_mem>>) src(%arg14 : memref<128x16xf32, #tpu.memory_space<vmem>>) dst(%dma_wait3A_748 : memref<128x16xf32, #tpu.memory_space<hbm>>)
      } else {
      }
      %add3A_503 = arith.constant 4 : i32
      %add3A_504 = arith.addi %add3A_473, %add3A_503 : i32
      %dma_start3A_505 = arith.constant 0 : i32
      %dma_start3A_506 = tpu.memref_slice %arg6[%add3A_504, %dma_start3A_505] : memref<79x128xi32, #tpu.memory_space<vmem>> -> memref<1x128xi32, #tpu.memory_space<vmem>>
      %dma_start3A_507 = tpu.memref_squeeze %dma_start3A_506 : memref<1x128xi32, #tpu.memory_space<vmem>> -> memref<128xi32, #tpu.memory_space<vmem>>
      %dma_start3A_508 = arith.constant 0 : i32
      %dma_start3A_509 = arith.constant 0 : i32
      %dma_start3A_510 = tpu.memref_slice %arg2[%dma_start3A_508, %dma_start3A_509] : memref<10000x16xf32, #tpu.memory_space<hbm>> -> memref<10000x16xf32, #tpu.memory_space<hbm>>
      tpu.enqueue_indirect_dma source(%dma_start3A_510 : memref<10000x16xf32, #tpu.memory_space<hbm>>) target(%arg14 : memref<128x16xf32, #tpu.memory_space<vmem>>) offsets(%dma_start3A_507 : memref<128xi32, #tpu.memory_space<vmem>>) semaphore(%arg30 : memref<!tpu.dma_semaphore, #tpu.memory_space<semaphore_mem>>)
      %dma_start3A_511 = arith.constant 0 : i32
      %dma_start3A_512 = tpu.memref_slice %arg7[%add3A_504, %dma_start3A_511] : memref<79x128xi32, #tpu.memory_space<vmem>> -> memref<1x128xi32, #tpu.memory_space<vmem>>
      %dma_start3A_513 = tpu.memref_squeeze %dma_start3A_512 : memref<1x128xi32, #tpu.memory_space<vmem>> -> memref<128xi32, #tpu.memory_space<vmem>>
      %dma_start3A_514 = arith.constant 0 : i32
      %dma_start3A_515 = arith.constant 0 : i32
      %dma_start3A_516 = tpu.memref_slice %arg2[%dma_start3A_514, %dma_start3A_515] : memref<10000x16xf32, #tpu.memory_space<hbm>> -> memref<10000x16xf32, #tpu.memory_space<hbm>>
      tpu.enqueue_indirect_dma source(%dma_start3A_516 : memref<10000x16xf32, #tpu.memory_space<hbm>>) target(%arg22 : memref<128x16xf32, #tpu.memory_space<vmem>>) offsets(%dma_start3A_513 : memref<128xi32, #tpu.memory_space<vmem>>) semaphore(%arg38 : memref<!tpu.dma_semaphore, #tpu.memory_space<semaphore_mem>>)
      %add3A_517 = arith.constant 3 : i32
      %add3A_518 = arith.addi %add3A_384, %add3A_517 : i32
      %dma_wait3A_519 = arith.constant 0 : i32
      %dma_wait3A_520 = tpu.memref_slice %arg6[%add3A_518, %dma_wait3A_519] : memref<79x128xi32, #tpu.memory_space<vmem>> -> memref<1x128xi32, #tpu.memory_space<vmem>>
      %dma_wait3A_521 = tpu.memref_squeeze %dma_wait3A_520 : memref<1x128xi32, #tpu.memory_space<vmem>> -> memref<128xi32, #tpu.memory_space<vmem>>
      %dma_wait3A_522 = arith.constant 0 : i32
      %dma_wait3A_523 = arith.constant 0 : i32
      %dma_wait3A_524 = tpu.memref_slice %arg2[%dma_wait3A_522, %dma_wait3A_523] : memref<10000x16xf32, #tpu.memory_space<hbm>> -> memref<10000x16xf32, #tpu.memory_space<hbm>>
      tpu.wait_indirect_dma semaphore(%arg27 : memref<!tpu.dma_semaphore, #tpu.memory_space<semaphore_mem>>) src(%dma_wait3A_524 : memref<10000x16xf32, #tpu.memory_space<hbm>>) dst(%arg11 : memref<128x16xf32, #tpu.memory_space<vmem>>)
      %dma_wait3A_525 = arith.constant 0 : i32
      %dma_wait3A_526 = tpu.memref_slice %arg7[%add3A_518, %dma_wait3A_525] : memref<79x128xi32, #tpu.memory_space<vmem>> -> memref<1x128xi32, #tpu.memory_space<vmem>>
      %dma_wait3A_527 = tpu.memref_squeeze %dma_wait3A_526 : memref<1x128xi32, #tpu.memory_space<vmem>> -> memref<128xi32, #tpu.memory_space<vmem>>
      %dma_wait3A_528 = arith.constant 0 : i32
      %dma_wait3A_529 = arith.constant 0 : i32
      %dma_wait3A_530 = tpu.memref_slice %arg2[%dma_wait3A_528, %dma_wait3A_529] : memref<10000x16xf32, #tpu.memory_space<hbm>> -> memref<10000x16xf32, #tpu.memory_space<hbm>>
      tpu.wait_indirect_dma semaphore(%arg35 : memref<!tpu.dma_semaphore, #tpu.memory_space<semaphore_mem>>) src(%dma_wait3A_530 : memref<10000x16xf32, #tpu.memory_space<hbm>>) dst(%arg19 : memref<128x16xf32, #tpu.memory_space<vmem>>)
      %scan3A_531 = arith.constant 0 : i32
      %scan3A_532 = arith.constant 128 : i32
      %scan3A_533 = arith.addi %scan3A_531, %scan3A_532 : i32
      %scan3A_534 = arith.constant 8 : i32
      scf.for %scan3A_742 = %scan3A_531 to %scan3A_533 step %scan3A_534  : i32 {
        %mul3A_743 = arith.constant 1 : i32
        %mul3A_744 = arith.muli %scan3A_742, %mul3A_743 : i32
        %add3A_745 = arith.constant 0 : i32
        %add3A_746 = arith.addi %add3A_745, %mul3A_744 : i32
        %get3A = arith.index_cast %add3A_746 : i32 to index
        %get3A_747 = arith.constant 0 : index
        %get3A_748 = tpu.vector_load %arg11[%get3A, %get3A_747] {strides = array<i32>} : memref<128x16xf32, #tpu.memory_space<vmem>>, vector<1x16xf32>,
        %get3A_749 = vector.shape_cast %get3A_748 : vector<1x16xf32> to vector<16xf32>
        %get3A_750 = arith.index_cast %add3A_746 : i32 to index
        %get3A_751 = arith.constant 0 : index
        %get3A_752 = tpu.vector_load %arg19[%get3A_750, %get3A_751] {strides = array<i32>} : memref<128x16xf32, #tpu.memory_space<vmem>>, vector<1x16xf32>,
        %get3A_753 = vector.shape_cast %get3A_752 : vector<1x16xf32> to vector<16xf32>
        %mul3A_754 = arith.mulf %get3A_749, %get3A_753 : vector<16xf32>
        %swap3A = arith.index_cast %add3A_746 : i32 to index
        %swap3A_755 = arith.constant 0 : index
        %swap3A_756 = tpu.vector_load %arg11[%swap3A, %swap3A_755] {strides = array<i32>} : memref<128x16xf32, #tpu.memory_space<vmem>>, vector<1x16xf32>,
        %swap3A_757 = vector.shape_cast %swap3A_756 : vector<1x16xf32> to vector<16xf32>
        %swap3A_758 = vector.shape_cast %mul3A_754 : vector<16xf32> to vector<1x16xf32>
        tpu.vector_store %arg11[%swap3A, %swap3A_755], %swap3A_758 {strides = array<i32>} : memref<128x16xf32, #tpu.memory_space<vmem>>, vector<1x16xf32>,
        %scan3A_759 = arith.constant 1 : i32
        %scan3A_760 = arith.addi %scan3A_742, %scan3A_759 : i32
        %mul3A_761 = arith.constant 1 : i32
        %mul3A_762 = arith.muli %scan3A_760, %mul3A_761 : i32
        %add3A_763 = arith.constant 0 : i32
        %add3A_764 = arith.addi %add3A_763, %mul3A_762 : i32
        %get3A_765 = arith.index_cast %add3A_764 : i32 to index
        %get3A_766 = arith.constant 0 : index
        %get3A_767 = tpu.vector_load %arg11[%get3A_765, %get3A_766] {strides = array<i32>} : memref<128x16xf32, #tpu.memory_space<vmem>>, vector<1x16xf32>,
        %get3A_768 = vector.shape_cast %get3A_767 : vector<1x16xf32> to vector<16xf32>
        %get3A_769 = arith.index_cast %add3A_764 : i32 to index
        %get3A_770 = arith.constant 0 : index
        %get3A_771 = tpu.vector_load %arg19[%get3A_769, %get3A_770] {strides = array<i32>} : memref<128x16xf32, #tpu.memory_space<vmem>>, vector<1x16xf32>,
        %get3A_772 = vector.shape_cast %get3A_771 : vector<1x16xf32> to vector<16xf32>
        %mul3A_773 = arith.mulf %get3A_768, %get3A_772 : vector<16xf32>
        %swap3A_774 = arith.index_cast %add3A_764 : i32 to index
        %swap3A_775 = arith.constant 0 : index
        %swap3A_776 = tpu.vector_load %arg11[%swap3A_774, %swap3A_775] {strides = array<i32>} : memref<128x16xf32, #tpu.memory_space<vmem>>, vector<1x16xf32>,
        %swap3A_777 = vector.shape_cast %swap3A_776 : vector<1x16xf32> to vector<16xf32>
        %swap3A_778 = vector.shape_cast %mul3A_773 : vector<16xf32> to vector<1x16xf32>
        tpu.vector_store %arg11[%swap3A_774, %swap3A_775], %swap3A_778 {strides = array<i32>} : memref<128x16xf32, #tpu.memory_space<vmem>>, vector<1x16xf32>,
        %scan3A_779 = arith.constant 2 : i32
        %scan3A_780 = arith.addi %scan3A_742, %scan3A_779 : i32
        %mul3A_781 = arith.constant 1 : i32
        %mul3A_782 = arith.muli %scan3A_780, %mul3A_781 : i32
        %add3A_783 = arith.constant 0 : i32
        %add3A_784 = arith.addi %add3A_783, %mul3A_782 : i32
        %get3A_785 = arith.index_cast %add3A_784 : i32 to index
        %get3A_786 = arith.constant 0 : index
        %get3A_787 = tpu.vector_load %arg11[%get3A_785, %get3A_786] {strides = array<i32>} : memref<128x16xf32, #tpu.memory_space<vmem>>, vector<1x16xf32>,
        %get3A_788 = vector.shape_cast %get3A_787 : vector<1x16xf32> to vector<16xf32>
        %get3A_789 = arith.index_cast %add3A_784 : i32 to index
        %get3A_790 = arith.constant 0 : index
        %get3A_791 = tpu.vector_load %arg19[%get3A_789, %get3A_790] {strides = array<i32>} : memref<128x16xf32, #tpu.memory_space<vmem>>, vector<1x16xf32>,
        %get3A_792 = vector.shape_cast %get3A_791 : vector<1x16xf32> to vector<16xf32>
        %mul3A_793 = arith.mulf %get3A_788, %get3A_792 : vector<16xf32>
        %swap3A_794 = arith.index_cast %add3A_784 : i32 to index
        %swap3A_795 = arith.constant 0 : index
        %swap3A_796 = tpu.vector_load %arg11[%swap3A_794, %swap3A_795] {strides = array<i32>} : memref<128x16xf32, #tpu.memory_space<vmem>>, vector<1x16xf32>,
        %swap3A_797 = vector.shape_cast %swap3A_796 : vector<1x16xf32> to vector<16xf32>
        %swap3A_798 = vector.shape_cast %mul3A_793 : vector<16xf32> to vector<1x16xf32>
        tpu.vector_store %arg11[%swap3A_794, %swap3A_795], %swap3A_798 {strides = array<i32>} : memref<128x16xf32, #tpu.memory_space<vmem>>, vector<1x16xf32>,
        %scan3A_799 = arith.constant 3 : i32
        %scan3A_800 = arith.addi %scan3A_742, %scan3A_799 : i32
        %mul3A_801 = arith.constant 1 : i32
        %mul3A_802 = arith.muli %scan3A_800, %mul3A_801 : i32
        %add3A_803 = arith.constant 0 : i32
        %add3A_804 = arith.addi %add3A_803, %mul3A_802 : i32
        %get3A_805 = arith.index_cast %add3A_804 : i32 to index
        %get3A_806 = arith.constant 0 : index
        %get3A_807 = tpu.vector_load %arg11[%get3A_805, %get3A_806] {strides = array<i32>} : memref<128x16xf32, #tpu.memory_space<vmem>>, vector<1x16xf32>,
        %get3A_808 = vector.shape_cast %get3A_807 : vector<1x16xf32> to vector<16xf32>
        %get3A_809 = arith.index_cast %add3A_804 : i32 to index
        %get3A_810 = arith.constant 0 : index
        %get3A_811 = tpu.vector_load %arg19[%get3A_809, %get3A_810] {strides = array<i32>} : memref<128x16xf32, #tpu.memory_space<vmem>>, vector<1x16xf32>,
        %get3A_812 = vector.shape_cast %get3A_811 : vector<1x16xf32> to vector<16xf32>
        %mul3A_813 = arith.mulf %get3A_808, %get3A_812 : vector<16xf32>
        %swap3A_814 = arith.index_cast %add3A_804 : i32 to index
        %swap3A_815 = arith.constant 0 : index
        %swap3A_816 = tpu.vector_load %arg11[%swap3A_814, %swap3A_815] {strides = array<i32>} : memref<128x16xf32, #tpu.memory_space<vmem>>, vector<1x16xf32>,
        %swap3A_817 = vector.shape_cast %swap3A_816 : vector<1x16xf32> to vector<16xf32>
        %swap3A_818 = vector.shape_cast %mul3A_813 : vector<16xf32> to vector<1x16xf32>
        tpu.vector_store %arg11[%swap3A_814, %swap3A_815], %swap3A_818 {strides = array<i32>} : memref<128x16xf32, #tpu.memory_space<vmem>>, vector<1x16xf32>,
        %scan3A_819 = arith.constant 4 : i32
        %scan3A_820 = arith.addi %scan3A_742, %scan3A_819 : i32
        %mul3A_821 = arith.constant 1 : i32
        %mul3A_822 = arith.muli %scan3A_820, %mul3A_821 : i32
        %add3A_823 = arith.constant 0 : i32
        %add3A_824 = arith.addi %add3A_823, %mul3A_822 : i32
        %get3A_825 = arith.index_cast %add3A_824 : i32 to index
        %get3A_826 = arith.constant 0 : index
        %get3A_827 = tpu.vector_load %arg11[%get3A_825, %get3A_826] {strides = array<i32>} : memref<128x16xf32, #tpu.memory_space<vmem>>, vector<1x16xf32>,
        %get3A_828 = vector.shape_cast %get3A_827 : vector<1x16xf32> to vector<16xf32>
        %get3A_829 = arith.index_cast %add3A_824 : i32 to index
        %get3A_830 = arith.constant 0 : index
        %get3A_831 = tpu.vector_load %arg19[%get3A_829, %get3A_830] {strides = array<i32>} : memref<128x16xf32, #tpu.memory_space<vmem>>, vector<1x16xf32>,
        %get3A_832 = vector.shape_cast %get3A_831 : vector<1x16xf32> to vector<16xf32>
        %mul3A_833 = arith.mulf %get3A_828, %get3A_832 : vector<16xf32>
        %swap3A_834 = arith.index_cast %add3A_824 : i32 to index
        %swap3A_835 = arith.constant 0 : index
        %swap3A_836 = tpu.vector_load %arg11[%swap3A_834, %swap3A_835] {strides = array<i32>} : memref<128x16xf32, #tpu.memory_space<vmem>>, vector<1x16xf32>,
        %swap3A_837 = vector.shape_cast %swap3A_836 : vector<1x16xf32> to vector<16xf32>
        %swap3A_838 = vector.shape_cast %mul3A_833 : vector<16xf32> to vector<1x16xf32>
        tpu.vector_store %arg11[%swap3A_834, %swap3A_835], %swap3A_838 {strides = array<i32>} : memref<128x16xf32, #tpu.memory_space<vmem>>, vector<1x16xf32>,
        %scan3A_839 = arith.constant 5 : i32
        %scan3A_840 = arith.addi %scan3A_742, %scan3A_839 : i32
        %mul3A_841 = arith.constant 1 : i32
        %mul3A_842 = arith.muli %scan3A_840, %mul3A_841 : i32
        %add3A_843 = arith.constant 0 : i32
        %add3A_844 = arith.addi %add3A_843, %mul3A_842 : i32
        %get3A_845 = arith.index_cast %add3A_844 : i32 to index
        %get3A_846 = arith.constant 0 : index
        %get3A_847 = tpu.vector_load %arg11[%get3A_845, %get3A_846] {strides = array<i32>} : memref<128x16xf32, #tpu.memory_space<vmem>>, vector<1x16xf32>,
        %get3A_848 = vector.shape_cast %get3A_847 : vector<1x16xf32> to vector<16xf32>
        %get3A_849 = arith.index_cast %add3A_844 : i32 to index
        %get3A_850 = arith.constant 0 : index
        %get3A_851 = tpu.vector_load %arg19[%get3A_849, %get3A_850] {strides = array<i32>} : memref<128x16xf32, #tpu.memory_space<vmem>>, vector<1x16xf32>,
        %get3A_852 = vector.shape_cast %get3A_851 : vector<1x16xf32> to vector<16xf32>
        %mul3A_853 = arith.mulf %get3A_848, %get3A_852 : vector<16xf32>
        %swap3A_854 = arith.index_cast %add3A_844 : i32 to index
        %swap3A_855 = arith.constant 0 : index
        %swap3A_856 = tpu.vector_load %arg11[%swap3A_854, %swap3A_855] {strides = array<i32>} : memref<128x16xf32, #tpu.memory_space<vmem>>, vector<1x16xf32>,
        %swap3A_857 = vector.shape_cast %swap3A_856 : vector<1x16xf32> to vector<16xf32>
        %swap3A_858 = vector.shape_cast %mul3A_853 : vector<16xf32> to vector<1x16xf32>
        tpu.vector_store %arg11[%swap3A_854, %swap3A_855], %swap3A_858 {strides = array<i32>} : memref<128x16xf32, #tpu.memory_space<vmem>>, vector<1x16xf32>,
        %scan3A_859 = arith.constant 6 : i32
        %scan3A_860 = arith.addi %scan3A_742, %scan3A_859 : i32
        %mul3A_861 = arith.constant 1 : i32
        %mul3A_862 = arith.muli %scan3A_860, %mul3A_861 : i32
        %add3A_863 = arith.constant 0 : i32
        %add3A_864 = arith.addi %add3A_863, %mul3A_862 : i32
        %get3A_865 = arith.index_cast %add3A_864 : i32 to index
        %get3A_866 = arith.constant 0 : index
        %get3A_867 = tpu.vector_load %arg11[%get3A_865, %get3A_866] {strides = array<i32>} : memref<128x16xf32, #tpu.memory_space<vmem>>, vector<1x16xf32>,
        %get3A_868 = vector.shape_cast %get3A_867 : vector<1x16xf32> to vector<16xf32>
        %get3A_869 = arith.index_cast %add3A_864 : i32 to index
        %get3A_870 = arith.constant 0 : index
        %get3A_871 = tpu.vector_load %arg19[%get3A_869, %get3A_870] {strides = array<i32>} : memref<128x16xf32, #tpu.memory_space<vmem>>, vector<1x16xf32>,
        %get3A_872 = vector.shape_cast %get3A_871 : vector<1x16xf32> to vector<16xf32>
        %mul3A_873 = arith.mulf %get3A_868, %get3A_872 : vector<16xf32>
        %swap3A_874 = arith.index_cast %add3A_864 : i32 to index
        %swap3A_875 = arith.constant 0 : index
        %swap3A_876 = tpu.vector_load %arg11[%swap3A_874, %swap3A_875] {strides = array<i32>} : memref<128x16xf32, #tpu.memory_space<vmem>>, vector<1x16xf32>,
        %swap3A_877 = vector.shape_cast %swap3A_876 : vector<1x16xf32> to vector<16xf32>
        %swap3A_878 = vector.shape_cast %mul3A_873 : vector<16xf32> to vector<1x16xf32>
        tpu.vector_store %arg11[%swap3A_874, %swap3A_875], %swap3A_878 {strides = array<i32>} : memref<128x16xf32, #tpu.memory_space<vmem>>, vector<1x16xf32>,
        %scan3A_879 = arith.constant 7 : i32
        %scan3A_880 = arith.addi %scan3A_742, %scan3A_879 : i32
        %mul3A_881 = arith.constant 1 : i32
        %mul3A_882 = arith.muli %scan3A_880, %mul3A_881 : i32
        %add3A_883 = arith.constant 0 : i32
        %add3A_884 = arith.addi %add3A_883, %mul3A_882 : i32
        %get3A_885 = arith.index_cast %add3A_884 : i32 to index
        %get3A_886 = arith.constant 0 : index
        %get3A_887 = tpu.vector_load %arg11[%get3A_885, %get3A_886] {strides = array<i32>} : memref<128x16xf32, #tpu.memory_space<vmem>>, vector<1x16xf32>,
        %get3A_888 = vector.shape_cast %get3A_887 : vector<1x16xf32> to vector<16xf32>
        %get3A_889 = arith.index_cast %add3A_884 : i32 to index
        %get3A_890 = arith.constant 0 : index
        %get3A_891 = tpu.vector_load %arg19[%get3A_889, %get3A_890] {strides = array<i32>} : memref<128x16xf32, #tpu.memory_space<vmem>>, vector<1x16xf32>,
        %get3A_892 = vector.shape_cast %get3A_891 : vector<1x16xf32> to vector<16xf32>
        %mul3A_893 = arith.mulf %get3A_888, %get3A_892 : vector<16xf32>
        %swap3A_894 = arith.index_cast %add3A_884 : i32 to index
        %swap3A_895 = arith.constant 0 : index
        %swap3A_896 = tpu.vector_load %arg11[%swap3A_894, %swap3A_895] {strides = array<i32>} : memref<128x16xf32, #tpu.memory_space<vmem>>, vector<1x16xf32>,
        %swap3A_897 = vector.shape_cast %swap3A_896 : vector<1x16xf32> to vector<16xf32>
        %swap3A_898 = vector.shape_cast %mul3A_893 : vector<16xf32> to vector<1x16xf32>
        tpu.vector_store %arg11[%swap3A_894, %swap3A_895], %swap3A_898 {strides = array<i32>} : memref<128x16xf32, #tpu.memory_space<vmem>>, vector<1x16xf32>,
      }
      %scan3A_535 = arith.constant 128 : i32
      %add3A_536 = arith.addi %mul3A_2, %add3A_518 : i32
      %mul3A_537 = arith.constant 128 : i32
      %mul3A_538 = arith.muli %add3A_536, %mul3A_537 : i32
      %dma_start3A_539 = arith.constant 0 : i32
      %dma_start3A_540 = tpu.memref_slice %arg5[%mul3A_538, %dma_start3A_539] : memref<323584x16xf32, #tpu.memory_space<hbm>> -> memref<128x16xf32, #tpu.memory_space<hbm>>
      %dma_start3A_541 = arith.constant 0 : i32
      %dma_start3A_542 = tpu.memref_slice %arg5[%mul3A_538, %dma_start3A_541] : memref<323584x16xf32, #tpu.memory_space<hbm>> -> memref<128x16xf32, #tpu.memory_space<hbm>>
      tpu.enqueue_dma source(%arg11 : memref<128x16xf32, #tpu.memory_space<vmem>>) target(%dma_start3A_542 : memref<128x16xf32, #tpu.memory_space<hbm>>) target_semaphore(%arg43 : memref<!tpu.dma_semaphore, #tpu.memory_space<semaphore_mem>>)
      %ge3A_543 = arith.constant 4 : i32
      %ge3A_544 = arith.cmpi sge, %add3A_518, %ge3A_543 : i32
      %convert_element_type3A_545 = arith.extui %ge3A_544 : i1 to i32
      %cond3A_546 = arith.constant 0 : i32
      %cond3A_547 = arith.cmpi ne, %convert_element_type3A_545, %cond3A_546 : i32
      scf.if %cond3A_547 {
        %add3A_742 = arith.addi %mul3A_2, %add3A_518 : i32
        %mul3A_743 = arith.constant 128 : i32
        %mul3A_744 = arith.muli %add3A_742, %mul3A_743 : i32
        %dma_wait3A_745 = arith.constant 0 : i32
        %dma_wait3A_746 = tpu.memref_slice %arg5[%mul3A_744, %dma_wait3A_745] : memref<323584x16xf32, #tpu.memory_space<hbm>> -> memref<128x16xf32, #tpu.memory_space<hbm>>
        %dma_wait3A_747 = arith.constant 0 : i32
        %dma_wait3A_748 = tpu.memref_slice %arg5[%mul3A_744, %dma_wait3A_747] : memref<323584x16xf32, #tpu.memory_space<hbm>> -> memref<128x16xf32, #tpu.memory_space<hbm>>
        tpu.wait_dma2 semaphore(%arg47 : memref<!tpu.dma_semaphore, #tpu.memory_space<semaphore_mem>>) src(%arg15 : memref<128x16xf32, #tpu.memory_space<vmem>>) dst(%dma_wait3A_748 : memref<128x16xf32, #tpu.memory_space<hbm>>)
      } else {
      }
      %add3A_548 = arith.constant 4 : i32
      %add3A_549 = arith.addi %add3A_518, %add3A_548 : i32
      %dma_start3A_550 = arith.constant 0 : i32
      %dma_start3A_551 = tpu.memref_slice %arg6[%add3A_549, %dma_start3A_550] : memref<79x128xi32, #tpu.memory_space<vmem>> -> memref<1x128xi32, #tpu.memory_space<vmem>>
      %dma_start3A_552 = tpu.memref_squeeze %dma_start3A_551 : memref<1x128xi32, #tpu.memory_space<vmem>> -> memref<128xi32, #tpu.memory_space<vmem>>
      %dma_start3A_553 = arith.constant 0 : i32
      %dma_start3A_554 = arith.constant 0 : i32
      %dma_start3A_555 = tpu.memref_slice %arg2[%dma_start3A_553, %dma_start3A_554] : memref<10000x16xf32, #tpu.memory_space<hbm>> -> memref<10000x16xf32, #tpu.memory_space<hbm>>
      tpu.enqueue_indirect_dma source(%dma_start3A_555 : memref<10000x16xf32, #tpu.memory_space<hbm>>) target(%arg15 : memref<128x16xf32, #tpu.memory_space<vmem>>) offsets(%dma_start3A_552 : memref<128xi32, #tpu.memory_space<vmem>>) semaphore(%arg31 : memref<!tpu.dma_semaphore, #tpu.memory_space<semaphore_mem>>)
      %dma_start3A_556 = arith.constant 0 : i32
      %dma_start3A_557 = tpu.memref_slice %arg7[%add3A_549, %dma_start3A_556] : memref<79x128xi32, #tpu.memory_space<vmem>> -> memref<1x128xi32, #tpu.memory_space<vmem>>
      %dma_start3A_558 = tpu.memref_squeeze %dma_start3A_557 : memref<1x128xi32, #tpu.memory_space<vmem>> -> memref<128xi32, #tpu.memory_space<vmem>>
      %dma_start3A_559 = arith.constant 0 : i32
      %dma_start3A_560 = arith.constant 0 : i32
      %dma_start3A_561 = tpu.memref_slice %arg2[%dma_start3A_559, %dma_start3A_560] : memref<10000x16xf32, #tpu.memory_space<hbm>> -> memref<10000x16xf32, #tpu.memory_space<hbm>>
      tpu.enqueue_indirect_dma source(%dma_start3A_561 : memref<10000x16xf32, #tpu.memory_space<hbm>>) target(%arg23 : memref<128x16xf32, #tpu.memory_space<vmem>>) offsets(%dma_start3A_558 : memref<128xi32, #tpu.memory_space<vmem>>) semaphore(%arg39 : memref<!tpu.dma_semaphore, #tpu.memory_space<semaphore_mem>>)
      %add3A_562 = arith.constant 4 : i32
      %add3A_563 = arith.addi %add3A_384, %add3A_562 : i32
      %dma_wait3A_564 = arith.constant 0 : i32
      %dma_wait3A_565 = tpu.memref_slice %arg6[%add3A_563, %dma_wait3A_564] : memref<79x128xi32, #tpu.memory_space<vmem>> -> memref<1x128xi32, #tpu.memory_space<vmem>>
      %dma_wait3A_566 = tpu.memref_squeeze %dma_wait3A_565 : memref<1x128xi32, #tpu.memory_space<vmem>> -> memref<128xi32, #tpu.memory_space<vmem>>
      %dma_wait3A_567 = arith.constant 0 : i32
      %dma_wait3A_568 = arith.constant 0 : i32
      %dma_wait3A_569 = tpu.memref_slice %arg2[%dma_wait3A_567, %dma_wait3A_568] : memref<10000x16xf32, #tpu.memory_space<hbm>> -> memref<10000x16xf32, #tpu.memory_space<hbm>>
      tpu.wait_indirect_dma semaphore(%arg28 : memref<!tpu.dma_semaphore, #tpu.memory_space<semaphore_mem>>) src(%dma_wait3A_569 : memref<10000x16xf32, #tpu.memory_space<hbm>>) dst(%arg12 : memref<128x16xf32, #tpu.memory_space<vmem>>)
      %dma_wait3A_570 = arith.constant 0 : i32
      %dma_wait3A_571 = tpu.memref_slice %arg7[%add3A_563, %dma_wait3A_570] : memref<79x128xi32, #tpu.memory_space<vmem>> -> memref<1x128xi32, #tpu.memory_space<vmem>>
      %dma_wait3A_572 = tpu.memref_squeeze %dma_wait3A_571 : memref<1x128xi32, #tpu.memory_space<vmem>> -> memref<128xi32, #tpu.memory_space<vmem>>
      %dma_wait3A_573 = arith.constant 0 : i32
      %dma_wait3A_574 = arith.constant 0 : i32
      %dma_wait3A_575 = tpu.memref_slice %arg2[%dma_wait3A_573, %dma_wait3A_574] : memref<10000x16xf32, #tpu.memory_space<hbm>> -> memref<10000x16xf32, #tpu.memory_space<hbm>>
      tpu.wait_indirect_dma semaphore(%arg36 : memref<!tpu.dma_semaphore, #tpu.memory_space<semaphore_mem>>) src(%dma_wait3A_575 : memref<10000x16xf32, #tpu.memory_space<hbm>>) dst(%arg20 : memref<128x16xf32, #tpu.memory_space<vmem>>)
      %scan3A_576 = arith.constant 0 : i32
      %scan3A_577 = arith.constant 128 : i32
      %scan3A_578 = arith.addi %scan3A_576, %scan3A_577 : i32
      %scan3A_579 = arith.constant 8 : i32
      scf.for %scan3A_742 = %scan3A_576 to %scan3A_578 step %scan3A_579  : i32 {
        %mul3A_743 = arith.constant 1 : i32
        %mul3A_744 = arith.muli %scan3A_742, %mul3A_743 : i32
        %add3A_745 = arith.constant 0 : i32
        %add3A_746 = arith.addi %add3A_745, %mul3A_744 : i32
        %get3A = arith.index_cast %add3A_746 : i32 to index
        %get3A_747 = arith.constant 0 : index
        %get3A_748 = tpu.vector_load %arg12[%get3A, %get3A_747] {strides = array<i32>} : memref<128x16xf32, #tpu.memory_space<vmem>>, vector<1x16xf32>,
        %get3A_749 = vector.shape_cast %get3A_748 : vector<1x16xf32> to vector<16xf32>
        %get3A_750 = arith.index_cast %add3A_746 : i32 to index
        %get3A_751 = arith.constant 0 : index
        %get3A_752 = tpu.vector_load %arg20[%get3A_750, %get3A_751] {strides = array<i32>} : memref<128x16xf32, #tpu.memory_space<vmem>>, vector<1x16xf32>,
        %get3A_753 = vector.shape_cast %get3A_752 : vector<1x16xf32> to vector<16xf32>
        %mul3A_754 = arith.mulf %get3A_749, %get3A_753 : vector<16xf32>
        %swap3A = arith.index_cast %add3A_746 : i32 to index
        %swap3A_755 = arith.constant 0 : index
        %swap3A_756 = tpu.vector_load %arg12[%swap3A, %swap3A_755] {strides = array<i32>} : memref<128x16xf32, #tpu.memory_space<vmem>>, vector<1x16xf32>,
        %swap3A_757 = vector.shape_cast %swap3A_756 : vector<1x16xf32> to vector<16xf32>
        %swap3A_758 = vector.shape_cast %mul3A_754 : vector<16xf32> to vector<1x16xf32>
        tpu.vector_store %arg12[%swap3A, %swap3A_755], %swap3A_758 {strides = array<i32>} : memref<128x16xf32, #tpu.memory_space<vmem>>, vector<1x16xf32>,
        %scan3A_759 = arith.constant 1 : i32
        %scan3A_760 = arith.addi %scan3A_742, %scan3A_759 : i32
        %mul3A_761 = arith.constant 1 : i32
        %mul3A_762 = arith.muli %scan3A_760, %mul3A_761 : i32
        %add3A_763 = arith.constant 0 : i32
        %add3A_764 = arith.addi %add3A_763, %mul3A_762 : i32
        %get3A_765 = arith.index_cast %add3A_764 : i32 to index
        %get3A_766 = arith.constant 0 : index
        %get3A_767 = tpu.vector_load %arg12[%get3A_765, %get3A_766] {strides = array<i32>} : memref<128x16xf32, #tpu.memory_space<vmem>>, vector<1x16xf32>,
        %get3A_768 = vector.shape_cast %get3A_767 : vector<1x16xf32> to vector<16xf32>
        %get3A_769 = arith.index_cast %add3A_764 : i32 to index
        %get3A_770 = arith.constant 0 : index
        %get3A_771 = tpu.vector_load %arg20[%get3A_769, %get3A_770] {strides = array<i32>} : memref<128x16xf32, #tpu.memory_space<vmem>>, vector<1x16xf32>,
        %get3A_772 = vector.shape_cast %get3A_771 : vector<1x16xf32> to vector<16xf32>
        %mul3A_773 = arith.mulf %get3A_768, %get3A_772 : vector<16xf32>
        %swap3A_774 = arith.index_cast %add3A_764 : i32 to index
        %swap3A_775 = arith.constant 0 : index
        %swap3A_776 = tpu.vector_load %arg12[%swap3A_774, %swap3A_775] {strides = array<i32>} : memref<128x16xf32, #tpu.memory_space<vmem>>, vector<1x16xf32>,
        %swap3A_777 = vector.shape_cast %swap3A_776 : vector<1x16xf32> to vector<16xf32>
        %swap3A_778 = vector.shape_cast %mul3A_773 : vector<16xf32> to vector<1x16xf32>
        tpu.vector_store %arg12[%swap3A_774, %swap3A_775], %swap3A_778 {strides = array<i32>} : memref<128x16xf32, #tpu.memory_space<vmem>>, vector<1x16xf32>,
        %scan3A_779 = arith.constant 2 : i32
        %scan3A_780 = arith.addi %scan3A_742, %scan3A_779 : i32
        %mul3A_781 = arith.constant 1 : i32
        %mul3A_782 = arith.muli %scan3A_780, %mul3A_781 : i32
        %add3A_783 = arith.constant 0 : i32
        %add3A_784 = arith.addi %add3A_783, %mul3A_782 : i32
        %get3A_785 = arith.index_cast %add3A_784 : i32 to index
        %get3A_786 = arith.constant 0 : index
        %get3A_787 = tpu.vector_load %arg12[%get3A_785, %get3A_786] {strides = array<i32>} : memref<128x16xf32, #tpu.memory_space<vmem>>, vector<1x16xf32>,
        %get3A_788 = vector.shape_cast %get3A_787 : vector<1x16xf32> to vector<16xf32>
        %get3A_789 = arith.index_cast %add3A_784 : i32 to index
        %get3A_790 = arith.constant 0 : index
        %get3A_791 = tpu.vector_load %arg20[%get3A_789, %get3A_790] {strides = array<i32>} : memref<128x16xf32, #tpu.memory_space<vmem>>, vector<1x16xf32>,
        %get3A_792 = vector.shape_cast %get3A_791 : vector<1x16xf32> to vector<16xf32>
        %mul3A_793 = arith.mulf %get3A_788, %get3A_792 : vector<16xf32>
        %swap3A_794 = arith.index_cast %add3A_784 : i32 to index
        %swap3A_795 = arith.constant 0 : index
        %swap3A_796 = tpu.vector_load %arg12[%swap3A_794, %swap3A_795] {strides = array<i32>} : memref<128x16xf32, #tpu.memory_space<vmem>>, vector<1x16xf32>,
        %swap3A_797 = vector.shape_cast %swap3A_796 : vector<1x16xf32> to vector<16xf32>
        %swap3A_798 = vector.shape_cast %mul3A_793 : vector<16xf32> to vector<1x16xf32>
        tpu.vector_store %arg12[%swap3A_794, %swap3A_795], %swap3A_798 {strides = array<i32>} : memref<128x16xf32, #tpu.memory_space<vmem>>, vector<1x16xf32>,
        %scan3A_799 = arith.constant 3 : i32
        %scan3A_800 = arith.addi %scan3A_742, %scan3A_799 : i32
        %mul3A_801 = arith.constant 1 : i32
        %mul3A_802 = arith.muli %scan3A_800, %mul3A_801 : i32
        %add3A_803 = arith.constant 0 : i32
        %add3A_804 = arith.addi %add3A_803, %mul3A_802 : i32
        %get3A_805 = arith.index_cast %add3A_804 : i32 to index
        %get3A_806 = arith.constant 0 : index
        %get3A_807 = tpu.vector_load %arg12[%get3A_805, %get3A_806] {strides = array<i32>} : memref<128x16xf32, #tpu.memory_space<vmem>>, vector<1x16xf32>,
        %get3A_808 = vector.shape_cast %get3A_807 : vector<1x16xf32> to vector<16xf32>
        %get3A_809 = arith.index_cast %add3A_804 : i32 to index
        %get3A_810 = arith.constant 0 : index
        %get3A_811 = tpu.vector_load %arg20[%get3A_809, %get3A_810] {strides = array<i32>} : memref<128x16xf32, #tpu.memory_space<vmem>>, vector<1x16xf32>,
        %get3A_812 = vector.shape_cast %get3A_811 : vector<1x16xf32> to vector<16xf32>
        %mul3A_813 = arith.mulf %get3A_808, %get3A_812 : vector<16xf32>
        %swap3A_814 = arith.index_cast %add3A_804 : i32 to index
        %swap3A_815 = arith.constant 0 : index
        %swap3A_816 = tpu.vector_load %arg12[%swap3A_814, %swap3A_815] {strides = array<i32>} : memref<128x16xf32, #tpu.memory_space<vmem>>, vector<1x16xf32>,
        %swap3A_817 = vector.shape_cast %swap3A_816 : vector<1x16xf32> to vector<16xf32>
        %swap3A_818 = vector.shape_cast %mul3A_813 : vector<16xf32> to vector<1x16xf32>
        tpu.vector_store %arg12[%swap3A_814, %swap3A_815], %swap3A_818 {strides = array<i32>} : memref<128x16xf32, #tpu.memory_space<vmem>>, vector<1x16xf32>,
        %scan3A_819 = arith.constant 4 : i32
        %scan3A_820 = arith.addi %scan3A_742, %scan3A_819 : i32
        %mul3A_821 = arith.constant 1 : i32
        %mul3A_822 = arith.muli %scan3A_820, %mul3A_821 : i32
        %add3A_823 = arith.constant 0 : i32
        %add3A_824 = arith.addi %add3A_823, %mul3A_822 : i32
        %get3A_825 = arith.index_cast %add3A_824 : i32 to index
        %get3A_826 = arith.constant 0 : index
        %get3A_827 = tpu.vector_load %arg12[%get3A_825, %get3A_826] {strides = array<i32>} : memref<128x16xf32, #tpu.memory_space<vmem>>, vector<1x16xf32>,
        %get3A_828 = vector.shape_cast %get3A_827 : vector<1x16xf32> to vector<16xf32>
        %get3A_829 = arith.index_cast %add3A_824 : i32 to index
        %get3A_830 = arith.constant 0 : index
        %get3A_831 = tpu.vector_load %arg20[%get3A_829, %get3A_830] {strides = array<i32>} : memref<128x16xf32, #tpu.memory_space<vmem>>, vector<1x16xf32>,
        %get3A_832 = vector.shape_cast %get3A_831 : vector<1x16xf32> to vector<16xf32>
        %mul3A_833 = arith.mulf %get3A_828, %get3A_832 : vector<16xf32>
        %swap3A_834 = arith.index_cast %add3A_824 : i32 to index
        %swap3A_835 = arith.constant 0 : index
        %swap3A_836 = tpu.vector_load %arg12[%swap3A_834, %swap3A_835] {strides = array<i32>} : memref<128x16xf32, #tpu.memory_space<vmem>>, vector<1x16xf32>,
        %swap3A_837 = vector.shape_cast %swap3A_836 : vector<1x16xf32> to vector<16xf32>
        %swap3A_838 = vector.shape_cast %mul3A_833 : vector<16xf32> to vector<1x16xf32>
        tpu.vector_store %arg12[%swap3A_834, %swap3A_835], %swap3A_838 {strides = array<i32>} : memref<128x16xf32, #tpu.memory_space<vmem>>, vector<1x16xf32>,
        %scan3A_839 = arith.constant 5 : i32
        %scan3A_840 = arith.addi %scan3A_742, %scan3A_839 : i32
        %mul3A_841 = arith.constant 1 : i32
        %mul3A_842 = arith.muli %scan3A_840, %mul3A_841 : i32
        %add3A_843 = arith.constant 0 : i32
        %add3A_844 = arith.addi %add3A_843, %mul3A_842 : i32
        %get3A_845 = arith.index_cast %add3A_844 : i32 to index
        %get3A_846 = arith.constant 0 : index
        %get3A_847 = tpu.vector_load %arg12[%get3A_845, %get3A_846] {strides = array<i32>} : memref<128x16xf32, #tpu.memory_space<vmem>>, vector<1x16xf32>,
        %get3A_848 = vector.shape_cast %get3A_847 : vector<1x16xf32> to vector<16xf32>
        %get3A_849 = arith.index_cast %add3A_844 : i32 to index
        %get3A_850 = arith.constant 0 : index
        %get3A_851 = tpu.vector_load %arg20[%get3A_849, %get3A_850] {strides = array<i32>} : memref<128x16xf32, #tpu.memory_space<vmem>>, vector<1x16xf32>,
        %get3A_852 = vector.shape_cast %get3A_851 : vector<1x16xf32> to vector<16xf32>
        %mul3A_853 = arith.mulf %get3A_848, %get3A_852 : vector<16xf32>
        %swap3A_854 = arith.index_cast %add3A_844 : i32 to index
        %swap3A_855 = arith.constant 0 : index
        %swap3A_856 = tpu.vector_load %arg12[%swap3A_854, %swap3A_855] {strides = array<i32>} : memref<128x16xf32, #tpu.memory_space<vmem>>, vector<1x16xf32>,
        %swap3A_857 = vector.shape_cast %swap3A_856 : vector<1x16xf32> to vector<16xf32>
        %swap3A_858 = vector.shape_cast %mul3A_853 : vector<16xf32> to vector<1x16xf32>
        tpu.vector_store %arg12[%swap3A_854, %swap3A_855], %swap3A_858 {strides = array<i32>} : memref<128x16xf32, #tpu.memory_space<vmem>>, vector<1x16xf32>,
        %scan3A_859 = arith.constant 6 : i32
        %scan3A_860 = arith.addi %scan3A_742, %scan3A_859 : i32
        %mul3A_861 = arith.constant 1 : i32
        %mul3A_862 = arith.muli %scan3A_860, %mul3A_861 : i32
        %add3A_863 = arith.constant 0 : i32
        %add3A_864 = arith.addi %add3A_863, %mul3A_862 : i32
        %get3A_865 = arith.index_cast %add3A_864 : i32 to index
        %get3A_866 = arith.constant 0 : index
        %get3A_867 = tpu.vector_load %arg12[%get3A_865, %get3A_866] {strides = array<i32>} : memref<128x16xf32, #tpu.memory_space<vmem>>, vector<1x16xf32>,
        %get3A_868 = vector.shape_cast %get3A_867 : vector<1x16xf32> to vector<16xf32>
        %get3A_869 = arith.index_cast %add3A_864 : i32 to index
        %get3A_870 = arith.constant 0 : index
        %get3A_871 = tpu.vector_load %arg20[%get3A_869, %get3A_870] {strides = array<i32>} : memref<128x16xf32, #tpu.memory_space<vmem>>, vector<1x16xf32>,
        %get3A_872 = vector.shape_cast %get3A_871 : vector<1x16xf32> to vector<16xf32>
        %mul3A_873 = arith.mulf %get3A_868, %get3A_872 : vector<16xf32>
        %swap3A_874 = arith.index_cast %add3A_864 : i32 to index
        %swap3A_875 = arith.constant 0 : index
        %swap3A_876 = tpu.vector_load %arg12[%swap3A_874, %swap3A_875] {strides = array<i32>} : memref<128x16xf32, #tpu.memory_space<vmem>>, vector<1x16xf32>,
        %swap3A_877 = vector.shape_cast %swap3A_876 : vector<1x16xf32> to vector<16xf32>
        %swap3A_878 = vector.shape_cast %mul3A_873 : vector<16xf32> to vector<1x16xf32>
        tpu.vector_store %arg12[%swap3A_874, %swap3A_875], %swap3A_878 {strides = array<i32>} : memref<128x16xf32, #tpu.memory_space<vmem>>, vector<1x16xf32>,
        %scan3A_879 = arith.constant 7 : i32
        %scan3A_880 = arith.addi %scan3A_742, %scan3A_879 : i32
        %mul3A_881 = arith.constant 1 : i32
        %mul3A_882 = arith.muli %scan3A_880, %mul3A_881 : i32
        %add3A_883 = arith.constant 0 : i32
        %add3A_884 = arith.addi %add3A_883, %mul3A_882 : i32
        %get3A_885 = arith.index_cast %add3A_884 : i32 to index
        %get3A_886 = arith.constant 0 : index
        %get3A_887 = tpu.vector_load %arg12[%get3A_885, %get3A_886] {strides = array<i32>} : memref<128x16xf32, #tpu.memory_space<vmem>>, vector<1x16xf32>,
        %get3A_888 = vector.shape_cast %get3A_887 : vector<1x16xf32> to vector<16xf32>
        %get3A_889 = arith.index_cast %add3A_884 : i32 to index
        %get3A_890 = arith.constant 0 : index
        %get3A_891 = tpu.vector_load %arg20[%get3A_889, %get3A_890] {strides = array<i32>} : memref<128x16xf32, #tpu.memory_space<vmem>>, vector<1x16xf32>,
        %get3A_892 = vector.shape_cast %get3A_891 : vector<1x16xf32> to vector<16xf32>
        %mul3A_893 = arith.mulf %get3A_888, %get3A_892 : vector<16xf32>
        %swap3A_894 = arith.index_cast %add3A_884 : i32 to index
        %swap3A_895 = arith.constant 0 : index
        %swap3A_896 = tpu.vector_load %arg12[%swap3A_894, %swap3A_895] {strides = array<i32>} : memref<128x16xf32, #tpu.memory_space<vmem>>, vector<1x16xf32>,
        %swap3A_897 = vector.shape_cast %swap3A_896 : vector<1x16xf32> to vector<16xf32>
        %swap3A_898 = vector.shape_cast %mul3A_893 : vector<16xf32> to vector<1x16xf32>
        tpu.vector_store %arg12[%swap3A_894, %swap3A_895], %swap3A_898 {strides = array<i32>} : memref<128x16xf32, #tpu.memory_space<vmem>>, vector<1x16xf32>,
      }
      %scan3A_580 = arith.constant 128 : i32
      %add3A_581 = arith.addi %mul3A_2, %add3A_563 : i32
      %mul3A_582 = arith.constant 128 : i32
      %mul3A_583 = arith.muli %add3A_581, %mul3A_582 : i32
      %dma_start3A_584 = arith.constant 0 : i32
      %dma_start3A_585 = tpu.memref_slice %arg5[%mul3A_583, %dma_start3A_584] : memref<323584x16xf32, #tpu.memory_space<hbm>> -> memref<128x16xf32, #tpu.memory_space<hbm>>
      %dma_start3A_586 = arith.constant 0 : i32
      %dma_start3A_587 = tpu.memref_slice %arg5[%mul3A_583, %dma_start3A_586] : memref<323584x16xf32, #tpu.memory_space<hbm>> -> memref<128x16xf32, #tpu.memory_space<hbm>>
      tpu.enqueue_dma source(%arg12 : memref<128x16xf32, #tpu.memory_space<vmem>>) target(%dma_start3A_587 : memref<128x16xf32, #tpu.memory_space<hbm>>) target_semaphore(%arg44 : memref<!tpu.dma_semaphore, #tpu.memory_space<semaphore_mem>>)
      %ge3A_588 = arith.constant 4 : i32
      %ge3A_589 = arith.cmpi sge, %add3A_563, %ge3A_588 : i32
      %convert_element_type3A_590 = arith.extui %ge3A_589 : i1 to i32
      %cond3A_591 = arith.constant 0 : i32
      %cond3A_592 = arith.cmpi ne, %convert_element_type3A_590, %cond3A_591 : i32
      scf.if %cond3A_592 {
        %add3A_742 = arith.addi %mul3A_2, %add3A_563 : i32
        %mul3A_743 = arith.constant 128 : i32
        %mul3A_744 = arith.muli %add3A_742, %mul3A_743 : i32
        %dma_wait3A_745 = arith.constant 0 : i32
        %dma_wait3A_746 = tpu.memref_slice %arg5[%mul3A_744, %dma_wait3A_745] : memref<323584x16xf32, #tpu.memory_space<hbm>> -> memref<128x16xf32, #tpu.memory_space<hbm>>
        %dma_wait3A_747 = arith.constant 0 : i32
        %dma_wait3A_748 = tpu.memref_slice %arg5[%mul3A_744, %dma_wait3A_747] : memref<323584x16xf32, #tpu.memory_space<hbm>> -> memref<128x16xf32, #tpu.memory_space<hbm>>
        tpu.wait_dma2 semaphore(%arg40 : memref<!tpu.dma_semaphore, #tpu.memory_space<semaphore_mem>>) src(%arg8 : memref<128x16xf32, #tpu.memory_space<vmem>>) dst(%dma_wait3A_748 : memref<128x16xf32, #tpu.memory_space<hbm>>)
      } else {
      }
      %add3A_593 = arith.constant 4 : i32
      %add3A_594 = arith.addi %add3A_563, %add3A_593 : i32
      %dma_start3A_595 = arith.constant 0 : i32
      %dma_start3A_596 = tpu.memref_slice %arg6[%add3A_594, %dma_start3A_595] : memref<79x128xi32, #tpu.memory_space<vmem>> -> memref<1x128xi32, #tpu.memory_space<vmem>>
      %dma_start3A_597 = tpu.memref_squeeze %dma_start3A_596 : memref<1x128xi32, #tpu.memory_space<vmem>> -> memref<128xi32, #tpu.memory_space<vmem>>
      %dma_start3A_598 = arith.constant 0 : i32
      %dma_start3A_599 = arith.constant 0 : i32
      %dma_start3A_600 = tpu.memref_slice %arg2[%dma_start3A_598, %dma_start3A_599] : memref<10000x16xf32, #tpu.memory_space<hbm>> -> memref<10000x16xf32, #tpu.memory_space<hbm>>
      tpu.enqueue_indirect_dma source(%dma_start3A_600 : memref<10000x16xf32, #tpu.memory_space<hbm>>) target(%arg8 : memref<128x16xf32, #tpu.memory_space<vmem>>) offsets(%dma_start3A_597 : memref<128xi32, #tpu.memory_space<vmem>>) semaphore(%arg24 : memref<!tpu.dma_semaphore, #tpu.memory_space<semaphore_mem>>)
      %dma_start3A_601 = arith.constant 0 : i32
      %dma_start3A_602 = tpu.memref_slice %arg7[%add3A_594, %dma_start3A_601] : memref<79x128xi32, #tpu.memory_space<vmem>> -> memref<1x128xi32, #tpu.memory_space<vmem>>
      %dma_start3A_603 = tpu.memref_squeeze %dma_start3A_602 : memref<1x128xi32, #tpu.memory_space<vmem>> -> memref<128xi32, #tpu.memory_space<vmem>>
      %dma_start3A_604 = arith.constant 0 : i32
      %dma_start3A_605 = arith.constant 0 : i32
      %dma_start3A_606 = tpu.memref_slice %arg2[%dma_start3A_604, %dma_start3A_605] : memref<10000x16xf32, #tpu.memory_space<hbm>> -> memref<10000x16xf32, #tpu.memory_space<hbm>>
      tpu.enqueue_indirect_dma source(%dma_start3A_606 : memref<10000x16xf32, #tpu.memory_space<hbm>>) target(%arg16 : memref<128x16xf32, #tpu.memory_space<vmem>>) offsets(%dma_start3A_603 : memref<128xi32, #tpu.memory_space<vmem>>) semaphore(%arg32 : memref<!tpu.dma_semaphore, #tpu.memory_space<semaphore_mem>>)
      %add3A_607 = arith.constant 5 : i32
      %add3A_608 = arith.addi %add3A_384, %add3A_607 : i32
      %dma_wait3A_609 = arith.constant 0 : i32
      %dma_wait3A_610 = tpu.memref_slice %arg6[%add3A_608, %dma_wait3A_609] : memref<79x128xi32, #tpu.memory_space<vmem>> -> memref<1x128xi32, #tpu.memory_space<vmem>>
      %dma_wait3A_611 = tpu.memref_squeeze %dma_wait3A_610 : memref<1x128xi32, #tpu.memory_space<vmem>> -> memref<128xi32, #tpu.memory_space<vmem>>
      %dma_wait3A_612 = arith.constant 0 : i32
      %dma_wait3A_613 = arith.constant 0 : i32
      %dma_wait3A_614 = tpu.memref_slice %arg2[%dma_wait3A_612, %dma_wait3A_613] : memref<10000x16xf32, #tpu.memory_space<hbm>> -> memref<10000x16xf32, #tpu.memory_space<hbm>>
      tpu.wait_indirect_dma semaphore(%arg29 : memref<!tpu.dma_semaphore, #tpu.memory_space<semaphore_mem>>) src(%dma_wait3A_614 : memref<10000x16xf32, #tpu.memory_space<hbm>>) dst(%arg13 : memref<128x16xf32, #tpu.memory_space<vmem>>)
      %dma_wait3A_615 = arith.constant 0 : i32
      %dma_wait3A_616 = tpu.memref_slice %arg7[%add3A_608, %dma_wait3A_615] : memref<79x128xi32, #tpu.memory_space<vmem>> -> memref<1x128xi32, #tpu.memory_space<vmem>>
      %dma_wait3A_617 = tpu.memref_squeeze %dma_wait3A_616 : memref<1x128xi32, #tpu.memory_space<vmem>> -> memref<128xi32, #tpu.memory_space<vmem>>
      %dma_wait3A_618 = arith.constant 0 : i32
      %dma_wait3A_619 = arith.constant 0 : i32
      %dma_wait3A_620 = tpu.memref_slice %arg2[%dma_wait3A_618, %dma_wait3A_619] : memref<10000x16xf32, #tpu.memory_space<hbm>> -> memref<10000x16xf32, #tpu.memory_space<hbm>>
      tpu.wait_indirect_dma semaphore(%arg37 : memref<!tpu.dma_semaphore, #tpu.memory_space<semaphore_mem>>) src(%dma_wait3A_620 : memref<10000x16xf32, #tpu.memory_space<hbm>>) dst(%arg21 : memref<128x16xf32, #tpu.memory_space<vmem>>)
      %scan3A_621 = arith.constant 0 : i32
      %scan3A_622 = arith.constant 128 : i32
      %scan3A_623 = arith.addi %scan3A_621, %scan3A_622 : i32
      %scan3A_624 = arith.constant 8 : i32
      scf.for %scan3A_742 = %scan3A_621 to %scan3A_623 step %scan3A_624  : i32 {
        %mul3A_743 = arith.constant 1 : i32
        %mul3A_744 = arith.muli %scan3A_742, %mul3A_743 : i32
        %add3A_745 = arith.constant 0 : i32
        %add3A_746 = arith.addi %add3A_745, %mul3A_744 : i32
        %get3A = arith.index_cast %add3A_746 : i32 to index
        %get3A_747 = arith.constant 0 : index
        %get3A_748 = tpu.vector_load %arg13[%get3A, %get3A_747] {strides = array<i32>} : memref<128x16xf32, #tpu.memory_space<vmem>>, vector<1x16xf32>,
        %get3A_749 = vector.shape_cast %get3A_748 : vector<1x16xf32> to vector<16xf32>
        %get3A_750 = arith.index_cast %add3A_746 : i32 to index
        %get3A_751 = arith.constant 0 : index
        %get3A_752 = tpu.vector_load %arg21[%get3A_750, %get3A_751] {strides = array<i32>} : memref<128x16xf32, #tpu.memory_space<vmem>>, vector<1x16xf32>,
        %get3A_753 = vector.shape_cast %get3A_752 : vector<1x16xf32> to vector<16xf32>
        %mul3A_754 = arith.mulf %get3A_749, %get3A_753 : vector<16xf32>
        %swap3A = arith.index_cast %add3A_746 : i32 to index
        %swap3A_755 = arith.constant 0 : index
        %swap3A_756 = tpu.vector_load %arg13[%swap3A, %swap3A_755] {strides = array<i32>} : memref<128x16xf32, #tpu.memory_space<vmem>>, vector<1x16xf32>,
        %swap3A_757 = vector.shape_cast %swap3A_756 : vector<1x16xf32> to vector<16xf32>
        %swap3A_758 = vector.shape_cast %mul3A_754 : vector<16xf32> to vector<1x16xf32>
        tpu.vector_store %arg13[%swap3A, %swap3A_755], %swap3A_758 {strides = array<i32>} : memref<128x16xf32, #tpu.memory_space<vmem>>, vector<1x16xf32>,
        %scan3A_759 = arith.constant 1 : i32
        %scan3A_760 = arith.addi %scan3A_742, %scan3A_759 : i32
        %mul3A_761 = arith.constant 1 : i32
        %mul3A_762 = arith.muli %scan3A_760, %mul3A_761 : i32
        %add3A_763 = arith.constant 0 : i32
        %add3A_764 = arith.addi %add3A_763, %mul3A_762 : i32
        %get3A_765 = arith.index_cast %add3A_764 : i32 to index
        %get3A_766 = arith.constant 0 : index
        %get3A_767 = tpu.vector_load %arg13[%get3A_765, %get3A_766] {strides = array<i32>} : memref<128x16xf32, #tpu.memory_space<vmem>>, vector<1x16xf32>,
        %get3A_768 = vector.shape_cast %get3A_767 : vector<1x16xf32> to vector<16xf32>
        %get3A_769 = arith.index_cast %add3A_764 : i32 to index
        %get3A_770 = arith.constant 0 : index
        %get3A_771 = tpu.vector_load %arg21[%get3A_769, %get3A_770] {strides = array<i32>} : memref<128x16xf32, #tpu.memory_space<vmem>>, vector<1x16xf32>,
        %get3A_772 = vector.shape_cast %get3A_771 : vector<1x16xf32> to vector<16xf32>
        %mul3A_773 = arith.mulf %get3A_768, %get3A_772 : vector<16xf32>
        %swap3A_774 = arith.index_cast %add3A_764 : i32 to index
        %swap3A_775 = arith.constant 0 : index
        %swap3A_776 = tpu.vector_load %arg13[%swap3A_774, %swap3A_775] {strides = array<i32>} : memref<128x16xf32, #tpu.memory_space<vmem>>, vector<1x16xf32>,
        %swap3A_777 = vector.shape_cast %swap3A_776 : vector<1x16xf32> to vector<16xf32>
        %swap3A_778 = vector.shape_cast %mul3A_773 : vector<16xf32> to vector<1x16xf32>
        tpu.vector_store %arg13[%swap3A_774, %swap3A_775], %swap3A_778 {strides = array<i32>} : memref<128x16xf32, #tpu.memory_space<vmem>>, vector<1x16xf32>,
        %scan3A_779 = arith.constant 2 : i32
        %scan3A_780 = arith.addi %scan3A_742, %scan3A_779 : i32
        %mul3A_781 = arith.constant 1 : i32
        %mul3A_782 = arith.muli %scan3A_780, %mul3A_781 : i32
        %add3A_783 = arith.constant 0 : i32
        %add3A_784 = arith.addi %add3A_783, %mul3A_782 : i32
        %get3A_785 = arith.index_cast %add3A_784 : i32 to index
        %get3A_786 = arith.constant 0 : index
        %get3A_787 = tpu.vector_load %arg13[%get3A_785, %get3A_786] {strides = array<i32>} : memref<128x16xf32, #tpu.memory_space<vmem>>, vector<1x16xf32>,
        %get3A_788 = vector.shape_cast %get3A_787 : vector<1x16xf32> to vector<16xf32>
        %get3A_789 = arith.index_cast %add3A_784 : i32 to index
        %get3A_790 = arith.constant 0 : index
        %get3A_791 = tpu.vector_load %arg21[%get3A_789, %get3A_790] {strides = array<i32>} : memref<128x16xf32, #tpu.memory_space<vmem>>, vector<1x16xf32>,
        %get3A_792 = vector.shape_cast %get3A_791 : vector<1x16xf32> to vector<16xf32>
        %mul3A_793 = arith.mulf %get3A_788, %get3A_792 : vector<16xf32>
        %swap3A_794 = arith.index_cast %add3A_784 : i32 to index
        %swap3A_795 = arith.constant 0 : index
        %swap3A_796 = tpu.vector_load %arg13[%swap3A_794, %swap3A_795] {strides = array<i32>} : memref<128x16xf32, #tpu.memory_space<vmem>>, vector<1x16xf32>,
        %swap3A_797 = vector.shape_cast %swap3A_796 : vector<1x16xf32> to vector<16xf32>
        %swap3A_798 = vector.shape_cast %mul3A_793 : vector<16xf32> to vector<1x16xf32>
        tpu.vector_store %arg13[%swap3A_794, %swap3A_795], %swap3A_798 {strides = array<i32>} : memref<128x16xf32, #tpu.memory_space<vmem>>, vector<1x16xf32>,
        %scan3A_799 = arith.constant 3 : i32
        %scan3A_800 = arith.addi %scan3A_742, %scan3A_799 : i32
        %mul3A_801 = arith.constant 1 : i32
        %mul3A_802 = arith.muli %scan3A_800, %mul3A_801 : i32
        %add3A_803 = arith.constant 0 : i32
        %add3A_804 = arith.addi %add3A_803, %mul3A_802 : i32
        %get3A_805 = arith.index_cast %add3A_804 : i32 to index
        %get3A_806 = arith.constant 0 : index
        %get3A_807 = tpu.vector_load %arg13[%get3A_805, %get3A_806] {strides = array<i32>} : memref<128x16xf32, #tpu.memory_space<vmem>>, vector<1x16xf32>,
        %get3A_808 = vector.shape_cast %get3A_807 : vector<1x16xf32> to vector<16xf32>
        %get3A_809 = arith.index_cast %add3A_804 : i32 to index
        %get3A_810 = arith.constant 0 : index
        %get3A_811 = tpu.vector_load %arg21[%get3A_809, %get3A_810] {strides = array<i32>} : memref<128x16xf32, #tpu.memory_space<vmem>>, vector<1x16xf32>,
        %get3A_812 = vector.shape_cast %get3A_811 : vector<1x16xf32> to vector<16xf32>
        %mul3A_813 = arith.mulf %get3A_808, %get3A_812 : vector<16xf32>
        %swap3A_814 = arith.index_cast %add3A_804 : i32 to index
        %swap3A_815 = arith.constant 0 : index
        %swap3A_816 = tpu.vector_load %arg13[%swap3A_814, %swap3A_815] {strides = array<i32>} : memref<128x16xf32, #tpu.memory_space<vmem>>, vector<1x16xf32>,
        %swap3A_817 = vector.shape_cast %swap3A_816 : vector<1x16xf32> to vector<16xf32>
        %swap3A_818 = vector.shape_cast %mul3A_813 : vector<16xf32> to vector<1x16xf32>
        tpu.vector_store %arg13[%swap3A_814, %swap3A_815], %swap3A_818 {strides = array<i32>} : memref<128x16xf32, #tpu.memory_space<vmem>>, vector<1x16xf32>,
        %scan3A_819 = arith.constant 4 : i32
        %scan3A_820 = arith.addi %scan3A_742, %scan3A_819 : i32
        %mul3A_821 = arith.constant 1 : i32
        %mul3A_822 = arith.muli %scan3A_820, %mul3A_821 : i32
        %add3A_823 = arith.constant 0 : i32
        %add3A_824 = arith.addi %add3A_823, %mul3A_822 : i32
        %get3A_825 = arith.index_cast %add3A_824 : i32 to index
        %get3A_826 = arith.constant 0 : index
        %get3A_827 = tpu.vector_load %arg13[%get3A_825, %get3A_826] {strides = array<i32>} : memref<128x16xf32, #tpu.memory_space<vmem>>, vector<1x16xf32>,
        %get3A_828 = vector.shape_cast %get3A_827 : vector<1x16xf32> to vector<16xf32>
        %get3A_829 = arith.index_cast %add3A_824 : i32 to index
        %get3A_830 = arith.constant 0 : index
        %get3A_831 = tpu.vector_load %arg21[%get3A_829, %get3A_830] {strides = array<i32>} : memref<128x16xf32, #tpu.memory_space<vmem>>, vector<1x16xf32>,
        %get3A_832 = vector.shape_cast %get3A_831 : vector<1x16xf32> to vector<16xf32>
        %mul3A_833 = arith.mulf %get3A_828, %get3A_832 : vector<16xf32>
        %swap3A_834 = arith.index_cast %add3A_824 : i32 to index
        %swap3A_835 = arith.constant 0 : index
        %swap3A_836 = tpu.vector_load %arg13[%swap3A_834, %swap3A_835] {strides = array<i32>} : memref<128x16xf32, #tpu.memory_space<vmem>>, vector<1x16xf32>,
        %swap3A_837 = vector.shape_cast %swap3A_836 : vector<1x16xf32> to vector<16xf32>
        %swap3A_838 = vector.shape_cast %mul3A_833 : vector<16xf32> to vector<1x16xf32>
        tpu.vector_store %arg13[%swap3A_834, %swap3A_835], %swap3A_838 {strides = array<i32>} : memref<128x16xf32, #tpu.memory_space<vmem>>, vector<1x16xf32>,
        %scan3A_839 = arith.constant 5 : i32
        %scan3A_840 = arith.addi %scan3A_742, %scan3A_839 : i32
        %mul3A_841 = arith.constant 1 : i32
        %mul3A_842 = arith.muli %scan3A_840, %mul3A_841 : i32
        %add3A_843 = arith.constant 0 : i32
        %add3A_844 = arith.addi %add3A_843, %mul3A_842 : i32
        %get3A_845 = arith.index_cast %add3A_844 : i32 to index
        %get3A_846 = arith.constant 0 : index
        %get3A_847 = tpu.vector_load %arg13[%get3A_845, %get3A_846] {strides = array<i32>} : memref<128x16xf32, #tpu.memory_space<vmem>>, vector<1x16xf32>,
        %get3A_848 = vector.shape_cast %get3A_847 : vector<1x16xf32> to vector<16xf32>
        %get3A_849 = arith.index_cast %add3A_844 : i32 to index
        %get3A_850 = arith.constant 0 : index
        %get3A_851 = tpu.vector_load %arg21[%get3A_849, %get3A_850] {strides = array<i32>} : memref<128x16xf32, #tpu.memory_space<vmem>>, vector<1x16xf32>,
        %get3A_852 = vector.shape_cast %get3A_851 : vector<1x16xf32> to vector<16xf32>
        %mul3A_853 = arith.mulf %get3A_848, %get3A_852 : vector<16xf32>
        %swap3A_854 = arith.index_cast %add3A_844 : i32 to index
        %swap3A_855 = arith.constant 0 : index
        %swap3A_856 = tpu.vector_load %arg13[%swap3A_854, %swap3A_855] {strides = array<i32>} : memref<128x16xf32, #tpu.memory_space<vmem>>, vector<1x16xf32>,
        %swap3A_857 = vector.shape_cast %swap3A_856 : vector<1x16xf32> to vector<16xf32>
        %swap3A_858 = vector.shape_cast %mul3A_853 : vector<16xf32> to vector<1x16xf32>
        tpu.vector_store %arg13[%swap3A_854, %swap3A_855], %swap3A_858 {strides = array<i32>} : memref<128x16xf32, #tpu.memory_space<vmem>>, vector<1x16xf32>,
        %scan3A_859 = arith.constant 6 : i32
        %scan3A_860 = arith.addi %scan3A_742, %scan3A_859 : i32
        %mul3A_861 = arith.constant 1 : i32
        %mul3A_862 = arith.muli %scan3A_860, %mul3A_861 : i32
        %add3A_863 = arith.constant 0 : i32
        %add3A_864 = arith.addi %add3A_863, %mul3A_862 : i32
        %get3A_865 = arith.index_cast %add3A_864 : i32 to index
        %get3A_866 = arith.constant 0 : index
        %get3A_867 = tpu.vector_load %arg13[%get3A_865, %get3A_866] {strides = array<i32>} : memref<128x16xf32, #tpu.memory_space<vmem>>, vector<1x16xf32>,
        %get3A_868 = vector.shape_cast %get3A_867 : vector<1x16xf32> to vector<16xf32>
        %get3A_869 = arith.index_cast %add3A_864 : i32 to index
        %get3A_870 = arith.constant 0 : index
        %get3A_871 = tpu.vector_load %arg21[%get3A_869, %get3A_870] {strides = array<i32>} : memref<128x16xf32, #tpu.memory_space<vmem>>, vector<1x16xf32>,
        %get3A_872 = vector.shape_cast %get3A_871 : vector<1x16xf32> to vector<16xf32>
        %mul3A_873 = arith.mulf %get3A_868, %get3A_872 : vector<16xf32>
        %swap3A_874 = arith.index_cast %add3A_864 : i32 to index
        %swap3A_875 = arith.constant 0 : index
        %swap3A_876 = tpu.vector_load %arg13[%swap3A_874, %swap3A_875] {strides = array<i32>} : memref<128x16xf32, #tpu.memory_space<vmem>>, vector<1x16xf32>,
        %swap3A_877 = vector.shape_cast %swap3A_876 : vector<1x16xf32> to vector<16xf32>
        %swap3A_878 = vector.shape_cast %mul3A_873 : vector<16xf32> to vector<1x16xf32>
        tpu.vector_store %arg13[%swap3A_874, %swap3A_875], %swap3A_878 {strides = array<i32>} : memref<128x16xf32, #tpu.memory_space<vmem>>, vector<1x16xf32>,
        %scan3A_879 = arith.constant 7 : i32
        %scan3A_880 = arith.addi %scan3A_742, %scan3A_879 : i32
        %mul3A_881 = arith.constant 1 : i32
        %mul3A_882 = arith.muli %scan3A_880, %mul3A_881 : i32
        %add3A_883 = arith.constant 0 : i32
        %add3A_884 = arith.addi %add3A_883, %mul3A_882 : i32
        %get3A_885 = arith.index_cast %add3A_884 : i32 to index
        %get3A_886 = arith.constant 0 : index
        %get3A_887 = tpu.vector_load %arg13[%get3A_885, %get3A_886] {strides = array<i32>} : memref<128x16xf32, #tpu.memory_space<vmem>>, vector<1x16xf32>,
        %get3A_888 = vector.shape_cast %get3A_887 : vector<1x16xf32> to vector<16xf32>
        %get3A_889 = arith.index_cast %add3A_884 : i32 to index
        %get3A_890 = arith.constant 0 : index
        %get3A_891 = tpu.vector_load %arg21[%get3A_889, %get3A_890] {strides = array<i32>} : memref<128x16xf32, #tpu.memory_space<vmem>>, vector<1x16xf32>,
        %get3A_892 = vector.shape_cast %get3A_891 : vector<1x16xf32> to vector<16xf32>
        %mul3A_893 = arith.mulf %get3A_888, %get3A_892 : vector<16xf32>
        %swap3A_894 = arith.index_cast %add3A_884 : i32 to index
        %swap3A_895 = arith.constant 0 : index
        %swap3A_896 = tpu.vector_load %arg13[%swap3A_894, %swap3A_895] {strides = array<i32>} : memref<128x16xf32, #tpu.memory_space<vmem>>, vector<1x16xf32>,
        %swap3A_897 = vector.shape_cast %swap3A_896 : vector<1x16xf32> to vector<16xf32>
        %swap3A_898 = vector.shape_cast %mul3A_893 : vector<16xf32> to vector<1x16xf32>
        tpu.vector_store %arg13[%swap3A_894, %swap3A_895], %swap3A_898 {strides = array<i32>} : memref<128x16xf32, #tpu.memory_space<vmem>>, vector<1x16xf32>,
      }
      %scan3A_625 = arith.constant 128 : i32
      %add3A_626 = arith.addi %mul3A_2, %add3A_608 : i32
      %mul3A_627 = arith.constant 128 : i32
      %mul3A_628 = arith.muli %add3A_626, %mul3A_627 : i32
      %dma_start3A_629 = arith.constant 0 : i32
      %dma_start3A_630 = tpu.memref_slice %arg5[%mul3A_628, %dma_start3A_629] : memref<323584x16xf32, #tpu.memory_space<hbm>> -> memref<128x16xf32, #tpu.memory_space<hbm>>
      %dma_start3A_631 = arith.constant 0 : i32
      %dma_start3A_632 = tpu.memref_slice %arg5[%mul3A_628, %dma_start3A_631] : memref<323584x16xf32, #tpu.memory_space<hbm>> -> memref<128x16xf32, #tpu.memory_space<hbm>>
      tpu.enqueue_dma source(%arg13 : memref<128x16xf32, #tpu.memory_space<vmem>>) target(%dma_start3A_632 : memref<128x16xf32, #tpu.memory_space<hbm>>) target_semaphore(%arg45 : memref<!tpu.dma_semaphore, #tpu.memory_space<semaphore_mem>>)
      %ge3A_633 = arith.constant 4 : i32
      %ge3A_634 = arith.cmpi sge, %add3A_608, %ge3A_633 : i32
      %convert_element_type3A_635 = arith.extui %ge3A_634 : i1 to i32
      %cond3A_636 = arith.constant 0 : i32
      %cond3A_637 = arith.cmpi ne, %convert_element_type3A_635, %cond3A_636 : i32
      scf.if %cond3A_637 {
        %add3A_742 = arith.addi %mul3A_2, %add3A_608 : i32
        %mul3A_743 = arith.constant 128 : i32
        %mul3A_744 = arith.muli %add3A_742, %mul3A_743 : i32
        %dma_wait3A_745 = arith.constant 0 : i32
        %dma_wait3A_746 = tpu.memref_slice %arg5[%mul3A_744, %dma_wait3A_745] : memref<323584x16xf32, #tpu.memory_space<hbm>> -> memref<128x16xf32, #tpu.memory_space<hbm>>
        %dma_wait3A_747 = arith.constant 0 : i32
        %dma_wait3A_748 = tpu.memref_slice %arg5[%mul3A_744, %dma_wait3A_747] : memref<323584x16xf32, #tpu.memory_space<hbm>> -> memref<128x16xf32, #tpu.memory_space<hbm>>
        tpu.wait_dma2 semaphore(%arg41 : memref<!tpu.dma_semaphore, #tpu.memory_space<semaphore_mem>>) src(%arg9 : memref<128x16xf32, #tpu.memory_space<vmem>>) dst(%dma_wait3A_748 : memref<128x16xf32, #tpu.memory_space<hbm>>)
      } else {
      }
      %add3A_638 = arith.constant 4 : i32
      %add3A_639 = arith.addi %add3A_608, %add3A_638 : i32
      %dma_start3A_640 = arith.constant 0 : i32
      %dma_start3A_641 = tpu.memref_slice %arg6[%add3A_639, %dma_start3A_640] : memref<79x128xi32, #tpu.memory_space<vmem>> -> memref<1x128xi32, #tpu.memory_space<vmem>>
      %dma_start3A_642 = tpu.memref_squeeze %dma_start3A_641 : memref<1x128xi32, #tpu.memory_space<vmem>> -> memref<128xi32, #tpu.memory_space<vmem>>
      %dma_start3A_643 = arith.constant 0 : i32
      %dma_start3A_644 = arith.constant 0 : i32
      %dma_start3A_645 = tpu.memref_slice %arg2[%dma_start3A_643, %dma_start3A_644] : memref<10000x16xf32, #tpu.memory_space<hbm>> -> memref<10000x16xf32, #tpu.memory_space<hbm>>
      tpu.enqueue_indirect_dma source(%dma_start3A_645 : memref<10000x16xf32, #tpu.memory_space<hbm>>) target(%arg9 : memref<128x16xf32, #tpu.memory_space<vmem>>) offsets(%dma_start3A_642 : memref<128xi32, #tpu.memory_space<vmem>>) semaphore(%arg25 : memref<!tpu.dma_semaphore, #tpu.memory_space<semaphore_mem>>)
      %dma_start3A_646 = arith.constant 0 : i32
      %dma_start3A_647 = tpu.memref_slice %arg7[%add3A_639, %dma_start3A_646] : memref<79x128xi32, #tpu.memory_space<vmem>> -> memref<1x128xi32, #tpu.memory_space<vmem>>
      %dma_start3A_648 = tpu.memref_squeeze %dma_start3A_647 : memref<1x128xi32, #tpu.memory_space<vmem>> -> memref<128xi32, #tpu.memory_space<vmem>>
      %dma_start3A_649 = arith.constant 0 : i32
      %dma_start3A_650 = arith.constant 0 : i32
      %dma_start3A_651 = tpu.memref_slice %arg2[%dma_start3A_649, %dma_start3A_650] : memref<10000x16xf32, #tpu.memory_space<hbm>> -> memref<10000x16xf32, #tpu.memory_space<hbm>>
      tpu.enqueue_indirect_dma source(%dma_start3A_651 : memref<10000x16xf32, #tpu.memory_space<hbm>>) target(%arg17 : memref<128x16xf32, #tpu.memory_space<vmem>>) offsets(%dma_start3A_648 : memref<128xi32, #tpu.memory_space<vmem>>) semaphore(%arg33 : memref<!tpu.dma_semaphore, #tpu.memory_space<semaphore_mem>>)
      %add3A_652 = arith.constant 6 : i32
      %add3A_653 = arith.addi %add3A_384, %add3A_652 : i32
      %dma_wait3A_654 = arith.constant 0 : i32
      %dma_wait3A_655 = tpu.memref_slice %arg6[%add3A_653, %dma_wait3A_654] : memref<79x128xi32, #tpu.memory_space<vmem>> -> memref<1x128xi32, #tpu.memory_space<vmem>>
      %dma_wait3A_656 = tpu.memref_squeeze %dma_wait3A_655 : memref<1x128xi32, #tpu.memory_space<vmem>> -> memref<128xi32, #tpu.memory_space<vmem>>
      %dma_wait3A_657 = arith.constant 0 : i32
      %dma_wait3A_658 = arith.constant 0 : i32
      %dma_wait3A_659 = tpu.memref_slice %arg2[%dma_wait3A_657, %dma_wait3A_658] : memref<10000x16xf32, #tpu.memory_space<hbm>> -> memref<10000x16xf32, #tpu.memory_space<hbm>>
      tpu.wait_indirect_dma semaphore(%arg30 : memref<!tpu.dma_semaphore, #tpu.memory_space<semaphore_mem>>) src(%dma_wait3A_659 : memref<10000x16xf32, #tpu.memory_space<hbm>>) dst(%arg14 : memref<128x16xf32, #tpu.memory_space<vmem>>)
      %dma_wait3A_660 = arith.constant 0 : i32
      %dma_wait3A_661 = tpu.memref_slice %arg7[%add3A_653, %dma_wait3A_660] : memref<79x128xi32, #tpu.memory_space<vmem>> -> memref<1x128xi32, #tpu.memory_space<vmem>>
      %dma_wait3A_662 = tpu.memref_squeeze %dma_wait3A_661 : memref<1x128xi32, #tpu.memory_space<vmem>> -> memref<128xi32, #tpu.memory_space<vmem>>
      %dma_wait3A_663 = arith.constant 0 : i32
      %dma_wait3A_664 = arith.constant 0 : i32
      %dma_wait3A_665 = tpu.memref_slice %arg2[%dma_wait3A_663, %dma_wait3A_664] : memref<10000x16xf32, #tpu.memory_space<hbm>> -> memref<10000x16xf32, #tpu.memory_space<hbm>>
      tpu.wait_indirect_dma semaphore(%arg38 : memref<!tpu.dma_semaphore, #tpu.memory_space<semaphore_mem>>) src(%dma_wait3A_665 : memref<10000x16xf32, #tpu.memory_space<hbm>>) dst(%arg22 : memref<128x16xf32, #tpu.memory_space<vmem>>)
      %scan3A_666 = arith.constant 0 : i32
      %scan3A_667 = arith.constant 128 : i32
      %scan3A_668 = arith.addi %scan3A_666, %scan3A_667 : i32
      %scan3A_669 = arith.constant 8 : i32
      scf.for %scan3A_742 = %scan3A_666 to %scan3A_668 step %scan3A_669  : i32 {
        %mul3A_743 = arith.constant 1 : i32
        %mul3A_744 = arith.muli %scan3A_742, %mul3A_743 : i32
        %add3A_745 = arith.constant 0 : i32
        %add3A_746 = arith.addi %add3A_745, %mul3A_744 : i32
        %get3A = arith.index_cast %add3A_746 : i32 to index
        %get3A_747 = arith.constant 0 : index
        %get3A_748 = tpu.vector_load %arg14[%get3A, %get3A_747] {strides = array<i32>} : memref<128x16xf32, #tpu.memory_space<vmem>>, vector<1x16xf32>,
        %get3A_749 = vector.shape_cast %get3A_748 : vector<1x16xf32> to vector<16xf32>
        %get3A_750 = arith.index_cast %add3A_746 : i32 to index
        %get3A_751 = arith.constant 0 : index
        %get3A_752 = tpu.vector_load %arg22[%get3A_750, %get3A_751] {strides = array<i32>} : memref<128x16xf32, #tpu.memory_space<vmem>>, vector<1x16xf32>,
        %get3A_753 = vector.shape_cast %get3A_752 : vector<1x16xf32> to vector<16xf32>
        %mul3A_754 = arith.mulf %get3A_749, %get3A_753 : vector<16xf32>
        %swap3A = arith.index_cast %add3A_746 : i32 to index
        %swap3A_755 = arith.constant 0 : index
        %swap3A_756 = tpu.vector_load %arg14[%swap3A, %swap3A_755] {strides = array<i32>} : memref<128x16xf32, #tpu.memory_space<vmem>>, vector<1x16xf32>,
        %swap3A_757 = vector.shape_cast %swap3A_756 : vector<1x16xf32> to vector<16xf32>
        %swap3A_758 = vector.shape_cast %mul3A_754 : vector<16xf32> to vector<1x16xf32>
        tpu.vector_store %arg14[%swap3A, %swap3A_755], %swap3A_758 {strides = array<i32>} : memref<128x16xf32, #tpu.memory_space<vmem>>, vector<1x16xf32>,
        %scan3A_759 = arith.constant 1 : i32
        %scan3A_760 = arith.addi %scan3A_742, %scan3A_759 : i32
        %mul3A_761 = arith.constant 1 : i32
        %mul3A_762 = arith.muli %scan3A_760, %mul3A_761 : i32
        %add3A_763 = arith.constant 0 : i32
        %add3A_764 = arith.addi %add3A_763, %mul3A_762 : i32
        %get3A_765 = arith.index_cast %add3A_764 : i32 to index
        %get3A_766 = arith.constant 0 : index
        %get3A_767 = tpu.vector_load %arg14[%get3A_765, %get3A_766] {strides = array<i32>} : memref<128x16xf32, #tpu.memory_space<vmem>>, vector<1x16xf32>,
        %get3A_768 = vector.shape_cast %get3A_767 : vector<1x16xf32> to vector<16xf32>
        %get3A_769 = arith.index_cast %add3A_764 : i32 to index
        %get3A_770 = arith.constant 0 : index
        %get3A_771 = tpu.vector_load %arg22[%get3A_769, %get3A_770] {strides = array<i32>} : memref<128x16xf32, #tpu.memory_space<vmem>>, vector<1x16xf32>,
        %get3A_772 = vector.shape_cast %get3A_771 : vector<1x16xf32> to vector<16xf32>
        %mul3A_773 = arith.mulf %get3A_768, %get3A_772 : vector<16xf32>
        %swap3A_774 = arith.index_cast %add3A_764 : i32 to index
        %swap3A_775 = arith.constant 0 : index
        %swap3A_776 = tpu.vector_load %arg14[%swap3A_774, %swap3A_775] {strides = array<i32>} : memref<128x16xf32, #tpu.memory_space<vmem>>, vector<1x16xf32>,
        %swap3A_777 = vector.shape_cast %swap3A_776 : vector<1x16xf32> to vector<16xf32>
        %swap3A_778 = vector.shape_cast %mul3A_773 : vector<16xf32> to vector<1x16xf32>
        tpu.vector_store %arg14[%swap3A_774, %swap3A_775], %swap3A_778 {strides = array<i32>} : memref<128x16xf32, #tpu.memory_space<vmem>>, vector<1x16xf32>,
        %scan3A_779 = arith.constant 2 : i32
        %scan3A_780 = arith.addi %scan3A_742, %scan3A_779 : i32
        %mul3A_781 = arith.constant 1 : i32
        %mul3A_782 = arith.muli %scan3A_780, %mul3A_781 : i32
        %add3A_783 = arith.constant 0 : i32
        %add3A_784 = arith.addi %add3A_783, %mul3A_782 : i32
        %get3A_785 = arith.index_cast %add3A_784 : i32 to index
        %get3A_786 = arith.constant 0 : index
        %get3A_787 = tpu.vector_load %arg14[%get3A_785, %get3A_786] {strides = array<i32>} : memref<128x16xf32, #tpu.memory_space<vmem>>, vector<1x16xf32>,
        %get3A_788 = vector.shape_cast %get3A_787 : vector<1x16xf32> to vector<16xf32>
        %get3A_789 = arith.index_cast %add3A_784 : i32 to index
        %get3A_790 = arith.constant 0 : index
        %get3A_791 = tpu.vector_load %arg22[%get3A_789, %get3A_790] {strides = array<i32>} : memref<128x16xf32, #tpu.memory_space<vmem>>, vector<1x16xf32>,
        %get3A_792 = vector.shape_cast %get3A_791 : vector<1x16xf32> to vector<16xf32>
        %mul3A_793 = arith.mulf %get3A_788, %get3A_792 : vector<16xf32>
        %swap3A_794 = arith.index_cast %add3A_784 : i32 to index
        %swap3A_795 = arith.constant 0 : index
        %swap3A_796 = tpu.vector_load %arg14[%swap3A_794, %swap3A_795] {strides = array<i32>} : memref<128x16xf32, #tpu.memory_space<vmem>>, vector<1x16xf32>,
        %swap3A_797 = vector.shape_cast %swap3A_796 : vector<1x16xf32> to vector<16xf32>
        %swap3A_798 = vector.shape_cast %mul3A_793 : vector<16xf32> to vector<1x16xf32>
        tpu.vector_store %arg14[%swap3A_794, %swap3A_795], %swap3A_798 {strides = array<i32>} : memref<128x16xf32, #tpu.memory_space<vmem>>, vector<1x16xf32>,
        %scan3A_799 = arith.constant 3 : i32
        %scan3A_800 = arith.addi %scan3A_742, %scan3A_799 : i32
        %mul3A_801 = arith.constant 1 : i32
        %mul3A_802 = arith.muli %scan3A_800, %mul3A_801 : i32
        %add3A_803 = arith.constant 0 : i32
        %add3A_804 = arith.addi %add3A_803, %mul3A_802 : i32
        %get3A_805 = arith.index_cast %add3A_804 : i32 to index
        %get3A_806 = arith.constant 0 : index
        %get3A_807 = tpu.vector_load %arg14[%get3A_805, %get3A_806] {strides = array<i32>} : memref<128x16xf32, #tpu.memory_space<vmem>>, vector<1x16xf32>,
        %get3A_808 = vector.shape_cast %get3A_807 : vector<1x16xf32> to vector<16xf32>
        %get3A_809 = arith.index_cast %add3A_804 : i32 to index
        %get3A_810 = arith.constant 0 : index
        %get3A_811 = tpu.vector_load %arg22[%get3A_809, %get3A_810] {strides = array<i32>} : memref<128x16xf32, #tpu.memory_space<vmem>>, vector<1x16xf32>,
        %get3A_812 = vector.shape_cast %get3A_811 : vector<1x16xf32> to vector<16xf32>
        %mul3A_813 = arith.mulf %get3A_808, %get3A_812 : vector<16xf32>
        %swap3A_814 = arith.index_cast %add3A_804 : i32 to index
        %swap3A_815 = arith.constant 0 : index
        %swap3A_816 = tpu.vector_load %arg14[%swap3A_814, %swap3A_815] {strides = array<i32>} : memref<128x16xf32, #tpu.memory_space<vmem>>, vector<1x16xf32>,
        %swap3A_817 = vector.shape_cast %swap3A_816 : vector<1x16xf32> to vector<16xf32>
        %swap3A_818 = vector.shape_cast %mul3A_813 : vector<16xf32> to vector<1x16xf32>
        tpu.vector_store %arg14[%swap3A_814, %swap3A_815], %swap3A_818 {strides = array<i32>} : memref<128x16xf32, #tpu.memory_space<vmem>>, vector<1x16xf32>,
        %scan3A_819 = arith.constant 4 : i32
        %scan3A_820 = arith.addi %scan3A_742, %scan3A_819 : i32
        %mul3A_821 = arith.constant 1 : i32
        %mul3A_822 = arith.muli %scan3A_820, %mul3A_821 : i32
        %add3A_823 = arith.constant 0 : i32
        %add3A_824 = arith.addi %add3A_823, %mul3A_822 : i32
        %get3A_825 = arith.index_cast %add3A_824 : i32 to index
        %get3A_826 = arith.constant 0 : index
        %get3A_827 = tpu.vector_load %arg14[%get3A_825, %get3A_826] {strides = array<i32>} : memref<128x16xf32, #tpu.memory_space<vmem>>, vector<1x16xf32>,
        %get3A_828 = vector.shape_cast %get3A_827 : vector<1x16xf32> to vector<16xf32>
        %get3A_829 = arith.index_cast %add3A_824 : i32 to index
        %get3A_830 = arith.constant 0 : index
        %get3A_831 = tpu.vector_load %arg22[%get3A_829, %get3A_830] {strides = array<i32>} : memref<128x16xf32, #tpu.memory_space<vmem>>, vector<1x16xf32>,
        %get3A_832 = vector.shape_cast %get3A_831 : vector<1x16xf32> to vector<16xf32>
        %mul3A_833 = arith.mulf %get3A_828, %get3A_832 : vector<16xf32>
        %swap3A_834 = arith.index_cast %add3A_824 : i32 to index
        %swap3A_835 = arith.constant 0 : index
        %swap3A_836 = tpu.vector_load %arg14[%swap3A_834, %swap3A_835] {strides = array<i32>} : memref<128x16xf32, #tpu.memory_space<vmem>>, vector<1x16xf32>,
        %swap3A_837 = vector.shape_cast %swap3A_836 : vector<1x16xf32> to vector<16xf32>
        %swap3A_838 = vector.shape_cast %mul3A_833 : vector<16xf32> to vector<1x16xf32>
        tpu.vector_store %arg14[%swap3A_834, %swap3A_835], %swap3A_838 {strides = array<i32>} : memref<128x16xf32, #tpu.memory_space<vmem>>, vector<1x16xf32>,
        %scan3A_839 = arith.constant 5 : i32
        %scan3A_840 = arith.addi %scan3A_742, %scan3A_839 : i32
        %mul3A_841 = arith.constant 1 : i32
        %mul3A_842 = arith.muli %scan3A_840, %mul3A_841 : i32
        %add3A_843 = arith.constant 0 : i32
        %add3A_844 = arith.addi %add3A_843, %mul3A_842 : i32
        %get3A_845 = arith.index_cast %add3A_844 : i32 to index
        %get3A_846 = arith.constant 0 : index
        %get3A_847 = tpu.vector_load %arg14[%get3A_845, %get3A_846] {strides = array<i32>} : memref<128x16xf32, #tpu.memory_space<vmem>>, vector<1x16xf32>,
        %get3A_848 = vector.shape_cast %get3A_847 : vector<1x16xf32> to vector<16xf32>
        %get3A_849 = arith.index_cast %add3A_844 : i32 to index
        %get3A_850 = arith.constant 0 : index
        %get3A_851 = tpu.vector_load %arg22[%get3A_849, %get3A_850] {strides = array<i32>} : memref<128x16xf32, #tpu.memory_space<vmem>>, vector<1x16xf32>,
        %get3A_852 = vector.shape_cast %get3A_851 : vector<1x16xf32> to vector<16xf32>
        %mul3A_853 = arith.mulf %get3A_848, %get3A_852 : vector<16xf32>
        %swap3A_854 = arith.index_cast %add3A_844 : i32 to index
        %swap3A_855 = arith.constant 0 : index
        %swap3A_856 = tpu.vector_load %arg14[%swap3A_854, %swap3A_855] {strides = array<i32>} : memref<128x16xf32, #tpu.memory_space<vmem>>, vector<1x16xf32>,
        %swap3A_857 = vector.shape_cast %swap3A_856 : vector<1x16xf32> to vector<16xf32>
        %swap3A_858 = vector.shape_cast %mul3A_853 : vector<16xf32> to vector<1x16xf32>
        tpu.vector_store %arg14[%swap3A_854, %swap3A_855], %swap3A_858 {strides = array<i32>} : memref<128x16xf32, #tpu.memory_space<vmem>>, vector<1x16xf32>,
        %scan3A_859 = arith.constant 6 : i32
        %scan3A_860 = arith.addi %scan3A_742, %scan3A_859 : i32
        %mul3A_861 = arith.constant 1 : i32
        %mul3A_862 = arith.muli %scan3A_860, %mul3A_861 : i32
        %add3A_863 = arith.constant 0 : i32
        %add3A_864 = arith.addi %add3A_863, %mul3A_862 : i32
        %get3A_865 = arith.index_cast %add3A_864 : i32 to index
        %get3A_866 = arith.constant 0 : index
        %get3A_867 = tpu.vector_load %arg14[%get3A_865, %get3A_866] {strides = array<i32>} : memref<128x16xf32, #tpu.memory_space<vmem>>, vector<1x16xf32>,
        %get3A_868 = vector.shape_cast %get3A_867 : vector<1x16xf32> to vector<16xf32>
        %get3A_869 = arith.index_cast %add3A_864 : i32 to index
        %get3A_870 = arith.constant 0 : index
        %get3A_871 = tpu.vector_load %arg22[%get3A_869, %get3A_870] {strides = array<i32>} : memref<128x16xf32, #tpu.memory_space<vmem>>, vector<1x16xf32>,
        %get3A_872 = vector.shape_cast %get3A_871 : vector<1x16xf32> to vector<16xf32>
        %mul3A_873 = arith.mulf %get3A_868, %get3A_872 : vector<16xf32>
        %swap3A_874 = arith.index_cast %add3A_864 : i32 to index
        %swap3A_875 = arith.constant 0 : index
        %swap3A_876 = tpu.vector_load %arg14[%swap3A_874, %swap3A_875] {strides = array<i32>} : memref<128x16xf32, #tpu.memory_space<vmem>>, vector<1x16xf32>,
        %swap3A_877 = vector.shape_cast %swap3A_876 : vector<1x16xf32> to vector<16xf32>
        %swap3A_878 = vector.shape_cast %mul3A_873 : vector<16xf32> to vector<1x16xf32>
        tpu.vector_store %arg14[%swap3A_874, %swap3A_875], %swap3A_878 {strides = array<i32>} : memref<128x16xf32, #tpu.memory_space<vmem>>, vector<1x16xf32>,
        %scan3A_879 = arith.constant 7 : i32
        %scan3A_880 = arith.addi %scan3A_742, %scan3A_879 : i32
        %mul3A_881 = arith.constant 1 : i32
        %mul3A_882 = arith.muli %scan3A_880, %mul3A_881 : i32
        %add3A_883 = arith.constant 0 : i32
        %add3A_884 = arith.addi %add3A_883, %mul3A_882 : i32
        %get3A_885 = arith.index_cast %add3A_884 : i32 to index
        %get3A_886 = arith.constant 0 : index
        %get3A_887 = tpu.vector_load %arg14[%get3A_885, %get3A_886] {strides = array<i32>} : memref<128x16xf32, #tpu.memory_space<vmem>>, vector<1x16xf32>,
        %get3A_888 = vector.shape_cast %get3A_887 : vector<1x16xf32> to vector<16xf32>
        %get3A_889 = arith.index_cast %add3A_884 : i32 to index
        %get3A_890 = arith.constant 0 : index
        %get3A_891 = tpu.vector_load %arg22[%get3A_889, %get3A_890] {strides = array<i32>} : memref<128x16xf32, #tpu.memory_space<vmem>>, vector<1x16xf32>,
        %get3A_892 = vector.shape_cast %get3A_891 : vector<1x16xf32> to vector<16xf32>
        %mul3A_893 = arith.mulf %get3A_888, %get3A_892 : vector<16xf32>
        %swap3A_894 = arith.index_cast %add3A_884 : i32 to index
        %swap3A_895 = arith.constant 0 : index
        %swap3A_896 = tpu.vector_load %arg14[%swap3A_894, %swap3A_895] {strides = array<i32>} : memref<128x16xf32, #tpu.memory_space<vmem>>, vector<1x16xf32>,
        %swap3A_897 = vector.shape_cast %swap3A_896 : vector<1x16xf32> to vector<16xf32>
        %swap3A_898 = vector.shape_cast %mul3A_893 : vector<16xf32> to vector<1x16xf32>
        tpu.vector_store %arg14[%swap3A_894, %swap3A_895], %swap3A_898 {strides = array<i32>} : memref<128x16xf32, #tpu.memory_space<vmem>>, vector<1x16xf32>,
      }
      %scan3A_670 = arith.constant 128 : i32
      %add3A_671 = arith.addi %mul3A_2, %add3A_653 : i32
      %mul3A_672 = arith.constant 128 : i32
      %mul3A_673 = arith.muli %add3A_671, %mul3A_672 : i32
      %dma_start3A_674 = arith.constant 0 : i32
      %dma_start3A_675 = tpu.memref_slice %arg5[%mul3A_673, %dma_start3A_674] : memref<323584x16xf32, #tpu.memory_space<hbm>> -> memref<128x16xf32, #tpu.memory_space<hbm>>
      %dma_start3A_676 = arith.constant 0 : i32
      %dma_start3A_677 = tpu.memref_slice %arg5[%mul3A_673, %dma_start3A_676] : memref<323584x16xf32, #tpu.memory_space<hbm>> -> memref<128x16xf32, #tpu.memory_space<hbm>>
      tpu.enqueue_dma source(%arg14 : memref<128x16xf32, #tpu.memory_space<vmem>>) target(%dma_start3A_677 : memref<128x16xf32, #tpu.memory_space<hbm>>) target_semaphore(%arg46 : memref<!tpu.dma_semaphore, #tpu.memory_space<semaphore_mem>>)
      %ge3A_678 = arith.constant 4 : i32
      %ge3A_679 = arith.cmpi sge, %add3A_653, %ge3A_678 : i32
      %convert_element_type3A_680 = arith.extui %ge3A_679 : i1 to i32
      %cond3A_681 = arith.constant 0 : i32
      %cond3A_682 = arith.cmpi ne, %convert_element_type3A_680, %cond3A_681 : i32
      scf.if %cond3A_682 {
        %add3A_742 = arith.addi %mul3A_2, %add3A_653 : i32
        %mul3A_743 = arith.constant 128 : i32
        %mul3A_744 = arith.muli %add3A_742, %mul3A_743 : i32
        %dma_wait3A_745 = arith.constant 0 : i32
        %dma_wait3A_746 = tpu.memref_slice %arg5[%mul3A_744, %dma_wait3A_745] : memref<323584x16xf32, #tpu.memory_space<hbm>> -> memref<128x16xf32, #tpu.memory_space<hbm>>
        %dma_wait3A_747 = arith.constant 0 : i32
        %dma_wait3A_748 = tpu.memref_slice %arg5[%mul3A_744, %dma_wait3A_747] : memref<323584x16xf32, #tpu.memory_space<hbm>> -> memref<128x16xf32, #tpu.memory_space<hbm>>
        tpu.wait_dma2 semaphore(%arg42 : memref<!tpu.dma_semaphore, #tpu.memory_space<semaphore_mem>>) src(%arg10 : memref<128x16xf32, #tpu.memory_space<vmem>>) dst(%dma_wait3A_748 : memref<128x16xf32, #tpu.memory_space<hbm>>)
      } else {
      }
      %add3A_683 = arith.constant 4 : i32
      %add3A_684 = arith.addi %add3A_653, %add3A_683 : i32
      %dma_start3A_685 = arith.constant 0 : i32
      %dma_start3A_686 = tpu.memref_slice %arg6[%add3A_684, %dma_start3A_685] : memref<79x128xi32, #tpu.memory_space<vmem>> -> memref<1x128xi32, #tpu.memory_space<vmem>>
      %dma_start3A_687 = tpu.memref_squeeze %dma_start3A_686 : memref<1x128xi32, #tpu.memory_space<vmem>> -> memref<128xi32, #tpu.memory_space<vmem>>
      %dma_start3A_688 = arith.constant 0 : i32
      %dma_start3A_689 = arith.constant 0 : i32
      %dma_start3A_690 = tpu.memref_slice %arg2[%dma_start3A_688, %dma_start3A_689] : memref<10000x16xf32, #tpu.memory_space<hbm>> -> memref<10000x16xf32, #tpu.memory_space<hbm>>
      tpu.enqueue_indirect_dma source(%dma_start3A_690 : memref<10000x16xf32, #tpu.memory_space<hbm>>) target(%arg10 : memref<128x16xf32, #tpu.memory_space<vmem>>) offsets(%dma_start3A_687 : memref<128xi32, #tpu.memory_space<vmem>>) semaphore(%arg26 : memref<!tpu.dma_semaphore, #tpu.memory_space<semaphore_mem>>)
      %dma_start3A_691 = arith.constant 0 : i32
      %dma_start3A_692 = tpu.memref_slice %arg7[%add3A_684, %dma_start3A_691] : memref<79x128xi32, #tpu.memory_space<vmem>> -> memref<1x128xi32, #tpu.memory_space<vmem>>
      %dma_start3A_693 = tpu.memref_squeeze %dma_start3A_692 : memref<1x128xi32, #tpu.memory_space<vmem>> -> memref<128xi32, #tpu.memory_space<vmem>>
      %dma_start3A_694 = arith.constant 0 : i32
      %dma_start3A_695 = arith.constant 0 : i32
      %dma_start3A_696 = tpu.memref_slice %arg2[%dma_start3A_694, %dma_start3A_695] : memref<10000x16xf32, #tpu.memory_space<hbm>> -> memref<10000x16xf32, #tpu.memory_space<hbm>>
      tpu.enqueue_indirect_dma source(%dma_start3A_696 : memref<10000x16xf32, #tpu.memory_space<hbm>>) target(%arg18 : memref<128x16xf32, #tpu.memory_space<vmem>>) offsets(%dma_start3A_693 : memref<128xi32, #tpu.memory_space<vmem>>) semaphore(%arg34 : memref<!tpu.dma_semaphore, #tpu.memory_space<semaphore_mem>>)
      %add3A_697 = arith.constant 7 : i32
      %add3A_698 = arith.addi %add3A_384, %add3A_697 : i32
      %dma_wait3A_699 = arith.constant 0 : i32
      %dma_wait3A_700 = tpu.memref_slice %arg6[%add3A_698, %dma_wait3A_699] : memref<79x128xi32, #tpu.memory_space<vmem>> -> memref<1x128xi32, #tpu.memory_space<vmem>>
      %dma_wait3A_701 = tpu.memref_squeeze %dma_wait3A_700 : memref<1x128xi32, #tpu.memory_space<vmem>> -> memref<128xi32, #tpu.memory_space<vmem>>
      %dma_wait3A_702 = arith.constant 0 : i32
      %dma_wait3A_703 = arith.constant 0 : i32
      %dma_wait3A_704 = tpu.memref_slice %arg2[%dma_wait3A_702, %dma_wait3A_703] : memref<10000x16xf32, #tpu.memory_space<hbm>> -> memref<10000x16xf32, #tpu.memory_space<hbm>>
      tpu.wait_indirect_dma semaphore(%arg31 : memref<!tpu.dma_semaphore, #tpu.memory_space<semaphore_mem>>) src(%dma_wait3A_704 : memref<10000x16xf32, #tpu.memory_space<hbm>>) dst(%arg15 : memref<128x16xf32, #tpu.memory_space<vmem>>)
      %dma_wait3A_705 = arith.constant 0 : i32
      %dma_wait3A_706 = tpu.memref_slice %arg7[%add3A_698, %dma_wait3A_705] : memref<79x128xi32, #tpu.memory_space<vmem>> -> memref<1x128xi32, #tpu.memory_space<vmem>>
      %dma_wait3A_707 = tpu.memref_squeeze %dma_wait3A_706 : memref<1x128xi32, #tpu.memory_space<vmem>> -> memref<128xi32, #tpu.memory_space<vmem>>
      %dma_wait3A_708 = arith.constant 0 : i32
      %dma_wait3A_709 = arith.constant 0 : i32
      %dma_wait3A_710 = tpu.memref_slice %arg2[%dma_wait3A_708, %dma_wait3A_709] : memref<10000x16xf32, #tpu.memory_space<hbm>> -> memref<10000x16xf32, #tpu.memory_space<hbm>>
      tpu.wait_indirect_dma semaphore(%arg39 : memref<!tpu.dma_semaphore, #tpu.memory_space<semaphore_mem>>) src(%dma_wait3A_710 : memref<10000x16xf32, #tpu.memory_space<hbm>>) dst(%arg23 : memref<128x16xf32, #tpu.memory_space<vmem>>)
      %scan3A_711 = arith.constant 0 : i32
      %scan3A_712 = arith.constant 128 : i32
      %scan3A_713 = arith.addi %scan3A_711, %scan3A_712 : i32
      %scan3A_714 = arith.constant 8 : i32
      scf.for %scan3A_742 = %scan3A_711 to %scan3A_713 step %scan3A_714  : i32 {
        %mul3A_743 = arith.constant 1 : i32
        %mul3A_744 = arith.muli %scan3A_742, %mul3A_743 : i32
        %add3A_745 = arith.constant 0 : i32
        %add3A_746 = arith.addi %add3A_745, %mul3A_744 : i32
        %get3A = arith.index_cast %add3A_746 : i32 to index
        %get3A_747 = arith.constant 0 : index
        %get3A_748 = tpu.vector_load %arg15[%get3A, %get3A_747] {strides = array<i32>} : memref<128x16xf32, #tpu.memory_space<vmem>>, vector<1x16xf32>,
        %get3A_749 = vector.shape_cast %get3A_748 : vector<1x16xf32> to vector<16xf32>
        %get3A_750 = arith.index_cast %add3A_746 : i32 to index
        %get3A_751 = arith.constant 0 : index
        %get3A_752 = tpu.vector_load %arg23[%get3A_750, %get3A_751] {strides = array<i32>} : memref<128x16xf32, #tpu.memory_space<vmem>>, vector<1x16xf32>,
        %get3A_753 = vector.shape_cast %get3A_752 : vector<1x16xf32> to vector<16xf32>
        %mul3A_754 = arith.mulf %get3A_749, %get3A_753 : vector<16xf32>
        %swap3A = arith.index_cast %add3A_746 : i32 to index
        %swap3A_755 = arith.constant 0 : index
        %swap3A_756 = tpu.vector_load %arg15[%swap3A, %swap3A_755] {strides = array<i32>} : memref<128x16xf32, #tpu.memory_space<vmem>>, vector<1x16xf32>,
        %swap3A_757 = vector.shape_cast %swap3A_756 : vector<1x16xf32> to vector<16xf32>
        %swap3A_758 = vector.shape_cast %mul3A_754 : vector<16xf32> to vector<1x16xf32>
        tpu.vector_store %arg15[%swap3A, %swap3A_755], %swap3A_758 {strides = array<i32>} : memref<128x16xf32, #tpu.memory_space<vmem>>, vector<1x16xf32>,
        %scan3A_759 = arith.constant 1 : i32
        %scan3A_760 = arith.addi %scan3A_742, %scan3A_759 : i32
        %mul3A_761 = arith.constant 1 : i32
        %mul3A_762 = arith.muli %scan3A_760, %mul3A_761 : i32
        %add3A_763 = arith.constant 0 : i32
        %add3A_764 = arith.addi %add3A_763, %mul3A_762 : i32
        %get3A_765 = arith.index_cast %add3A_764 : i32 to index
        %get3A_766 = arith.constant 0 : index
        %get3A_767 = tpu.vector_load %arg15[%get3A_765, %get3A_766] {strides = array<i32>} : memref<128x16xf32, #tpu.memory_space<vmem>>, vector<1x16xf32>,
        %get3A_768 = vector.shape_cast %get3A_767 : vector<1x16xf32> to vector<16xf32>
        %get3A_769 = arith.index_cast %add3A_764 : i32 to index
        %get3A_770 = arith.constant 0 : index
        %get3A_771 = tpu.vector_load %arg23[%get3A_769, %get3A_770] {strides = array<i32>} : memref<128x16xf32, #tpu.memory_space<vmem>>, vector<1x16xf32>,
        %get3A_772 = vector.shape_cast %get3A_771 : vector<1x16xf32> to vector<16xf32>
        %mul3A_773 = arith.mulf %get3A_768, %get3A_772 : vector<16xf32>
        %swap3A_774 = arith.index_cast %add3A_764 : i32 to index
        %swap3A_775 = arith.constant 0 : index
        %swap3A_776 = tpu.vector_load %arg15[%swap3A_774, %swap3A_775] {strides = array<i32>} : memref<128x16xf32, #tpu.memory_space<vmem>>, vector<1x16xf32>,
        %swap3A_777 = vector.shape_cast %swap3A_776 : vector<1x16xf32> to vector<16xf32>
        %swap3A_778 = vector.shape_cast %mul3A_773 : vector<16xf32> to vector<1x16xf32>
        tpu.vector_store %arg15[%swap3A_774, %swap3A_775], %swap3A_778 {strides = array<i32>} : memref<128x16xf32, #tpu.memory_space<vmem>>, vector<1x16xf32>,
        %scan3A_779 = arith.constant 2 : i32
        %scan3A_780 = arith.addi %scan3A_742, %scan3A_779 : i32
        %mul3A_781 = arith.constant 1 : i32
        %mul3A_782 = arith.muli %scan3A_780, %mul3A_781 : i32
        %add3A_783 = arith.constant 0 : i32
        %add3A_784 = arith.addi %add3A_783, %mul3A_782 : i32
        %get3A_785 = arith.index_cast %add3A_784 : i32 to index
        %get3A_786 = arith.constant 0 : index
        %get3A_787 = tpu.vector_load %arg15[%get3A_785, %get3A_786] {strides = array<i32>} : memref<128x16xf32, #tpu.memory_space<vmem>>, vector<1x16xf32>,
        %get3A_788 = vector.shape_cast %get3A_787 : vector<1x16xf32> to vector<16xf32>
        %get3A_789 = arith.index_cast %add3A_784 : i32 to index
        %get3A_790 = arith.constant 0 : index
        %get3A_791 = tpu.vector_load %arg23[%get3A_789, %get3A_790] {strides = array<i32>} : memref<128x16xf32, #tpu.memory_space<vmem>>, vector<1x16xf32>,
        %get3A_792 = vector.shape_cast %get3A_791 : vector<1x16xf32> to vector<16xf32>
        %mul3A_793 = arith.mulf %get3A_788, %get3A_792 : vector<16xf32>
        %swap3A_794 = arith.index_cast %add3A_784 : i32 to index
        %swap3A_795 = arith.constant 0 : index
        %swap3A_796 = tpu.vector_load %arg15[%swap3A_794, %swap3A_795] {strides = array<i32>} : memref<128x16xf32, #tpu.memory_space<vmem>>, vector<1x16xf32>,
        %swap3A_797 = vector.shape_cast %swap3A_796 : vector<1x16xf32> to vector<16xf32>
        %swap3A_798 = vector.shape_cast %mul3A_793 : vector<16xf32> to vector<1x16xf32>
        tpu.vector_store %arg15[%swap3A_794, %swap3A_795], %swap3A_798 {strides = array<i32>} : memref<128x16xf32, #tpu.memory_space<vmem>>, vector<1x16xf32>,
        %scan3A_799 = arith.constant 3 : i32
        %scan3A_800 = arith.addi %scan3A_742, %scan3A_799 : i32
        %mul3A_801 = arith.constant 1 : i32
        %mul3A_802 = arith.muli %scan3A_800, %mul3A_801 : i32
        %add3A_803 = arith.constant 0 : i32
        %add3A_804 = arith.addi %add3A_803, %mul3A_802 : i32
        %get3A_805 = arith.index_cast %add3A_804 : i32 to index
        %get3A_806 = arith.constant 0 : index
        %get3A_807 = tpu.vector_load %arg15[%get3A_805, %get3A_806] {strides = array<i32>} : memref<128x16xf32, #tpu.memory_space<vmem>>, vector<1x16xf32>,
        %get3A_808 = vector.shape_cast %get3A_807 : vector<1x16xf32> to vector<16xf32>
        %get3A_809 = arith.index_cast %add3A_804 : i32 to index
        %get3A_810 = arith.constant 0 : index
        %get3A_811 = tpu.vector_load %arg23[%get3A_809, %get3A_810] {strides = array<i32>} : memref<128x16xf32, #tpu.memory_space<vmem>>, vector<1x16xf32>,
        %get3A_812 = vector.shape_cast %get3A_811 : vector<1x16xf32> to vector<16xf32>
        %mul3A_813 = arith.mulf %get3A_808, %get3A_812 : vector<16xf32>
        %swap3A_814 = arith.index_cast %add3A_804 : i32 to index
        %swap3A_815 = arith.constant 0 : index
        %swap3A_816 = tpu.vector_load %arg15[%swap3A_814, %swap3A_815] {strides = array<i32>} : memref<128x16xf32, #tpu.memory_space<vmem>>, vector<1x16xf32>,
        %swap3A_817 = vector.shape_cast %swap3A_816 : vector<1x16xf32> to vector<16xf32>
        %swap3A_818 = vector.shape_cast %mul3A_813 : vector<16xf32> to vector<1x16xf32>
        tpu.vector_store %arg15[%swap3A_814, %swap3A_815], %swap3A_818 {strides = array<i32>} : memref<128x16xf32, #tpu.memory_space<vmem>>, vector<1x16xf32>,
        %scan3A_819 = arith.constant 4 : i32
        %scan3A_820 = arith.addi %scan3A_742, %scan3A_819 : i32
        %mul3A_821 = arith.constant 1 : i32
        %mul3A_822 = arith.muli %scan3A_820, %mul3A_821 : i32
        %add3A_823 = arith.constant 0 : i32
        %add3A_824 = arith.addi %add3A_823, %mul3A_822 : i32
        %get3A_825 = arith.index_cast %add3A_824 : i32 to index
        %get3A_826 = arith.constant 0 : index
        %get3A_827 = tpu.vector_load %arg15[%get3A_825, %get3A_826] {strides = array<i32>} : memref<128x16xf32, #tpu.memory_space<vmem>>, vector<1x16xf32>,
        %get3A_828 = vector.shape_cast %get3A_827 : vector<1x16xf32> to vector<16xf32>
        %get3A_829 = arith.index_cast %add3A_824 : i32 to index
        %get3A_830 = arith.constant 0 : index
        %get3A_831 = tpu.vector_load %arg23[%get3A_829, %get3A_830] {strides = array<i32>} : memref<128x16xf32, #tpu.memory_space<vmem>>, vector<1x16xf32>,
        %get3A_832 = vector.shape_cast %get3A_831 : vector<1x16xf32> to vector<16xf32>
        %mul3A_833 = arith.mulf %get3A_828, %get3A_832 : vector<16xf32>
        %swap3A_834 = arith.index_cast %add3A_824 : i32 to index
        %swap3A_835 = arith.constant 0 : index
        %swap3A_836 = tpu.vector_load %arg15[%swap3A_834, %swap3A_835] {strides = array<i32>} : memref<128x16xf32, #tpu.memory_space<vmem>>, vector<1x16xf32>,
        %swap3A_837 = vector.shape_cast %swap3A_836 : vector<1x16xf32> to vector<16xf32>
        %swap3A_838 = vector.shape_cast %mul3A_833 : vector<16xf32> to vector<1x16xf32>
        tpu.vector_store %arg15[%swap3A_834, %swap3A_835], %swap3A_838 {strides = array<i32>} : memref<128x16xf32, #tpu.memory_space<vmem>>, vector<1x16xf32>,
        %scan3A_839 = arith.constant 5 : i32
        %scan3A_840 = arith.addi %scan3A_742, %scan3A_839 : i32
        %mul3A_841 = arith.constant 1 : i32
        %mul3A_842 = arith.muli %scan3A_840, %mul3A_841 : i32
        %add3A_843 = arith.constant 0 : i32
        %add3A_844 = arith.addi %add3A_843, %mul3A_842 : i32
        %get3A_845 = arith.index_cast %add3A_844 : i32 to index
        %get3A_846 = arith.constant 0 : index
        %get3A_847 = tpu.vector_load %arg15[%get3A_845, %get3A_846] {strides = array<i32>} : memref<128x16xf32, #tpu.memory_space<vmem>>, vector<1x16xf32>,
        %get3A_848 = vector.shape_cast %get3A_847 : vector<1x16xf32> to vector<16xf32>
        %get3A_849 = arith.index_cast %add3A_844 : i32 to index
        %get3A_850 = arith.constant 0 : index
        %get3A_851 = tpu.vector_load %arg23[%get3A_849, %get3A_850] {strides = array<i32>} : memref<128x16xf32, #tpu.memory_space<vmem>>, vector<1x16xf32>,
        %get3A_852 = vector.shape_cast %get3A_851 : vector<1x16xf32> to vector<16xf32>
        %mul3A_853 = arith.mulf %get3A_848, %get3A_852 : vector<16xf32>
        %swap3A_854 = arith.index_cast %add3A_844 : i32 to index
        %swap3A_855 = arith.constant 0 : index
        %swap3A_856 = tpu.vector_load %arg15[%swap3A_854, %swap3A_855] {strides = array<i32>} : memref<128x16xf32, #tpu.memory_space<vmem>>, vector<1x16xf32>,
        %swap3A_857 = vector.shape_cast %swap3A_856 : vector<1x16xf32> to vector<16xf32>
        %swap3A_858 = vector.shape_cast %mul3A_853 : vector<16xf32> to vector<1x16xf32>
        tpu.vector_store %arg15[%swap3A_854, %swap3A_855], %swap3A_858 {strides = array<i32>} : memref<128x16xf32, #tpu.memory_space<vmem>>, vector<1x16xf32>,
        %scan3A_859 = arith.constant 6 : i32
        %scan3A_860 = arith.addi %scan3A_742, %scan3A_859 : i32
        %mul3A_861 = arith.constant 1 : i32
        %mul3A_862 = arith.muli %scan3A_860, %mul3A_861 : i32
        %add3A_863 = arith.constant 0 : i32
        %add3A_864 = arith.addi %add3A_863, %mul3A_862 : i32
        %get3A_865 = arith.index_cast %add3A_864 : i32 to index
        %get3A_866 = arith.constant 0 : index
        %get3A_867 = tpu.vector_load %arg15[%get3A_865, %get3A_866] {strides = array<i32>} : memref<128x16xf32, #tpu.memory_space<vmem>>, vector<1x16xf32>,
        %get3A_868 = vector.shape_cast %get3A_867 : vector<1x16xf32> to vector<16xf32>
        %get3A_869 = arith.index_cast %add3A_864 : i32 to index
        %get3A_870 = arith.constant 0 : index
        %get3A_871 = tpu.vector_load %arg23[%get3A_869, %get3A_870] {strides = array<i32>} : memref<128x16xf32, #tpu.memory_space<vmem>>, vector<1x16xf32>,
        %get3A_872 = vector.shape_cast %get3A_871 : vector<1x16xf32> to vector<16xf32>
        %mul3A_873 = arith.mulf %get3A_868, %get3A_872 : vector<16xf32>
        %swap3A_874 = arith.index_cast %add3A_864 : i32 to index
        %swap3A_875 = arith.constant 0 : index
        %swap3A_876 = tpu.vector_load %arg15[%swap3A_874, %swap3A_875] {strides = array<i32>} : memref<128x16xf32, #tpu.memory_space<vmem>>, vector<1x16xf32>,
        %swap3A_877 = vector.shape_cast %swap3A_876 : vector<1x16xf32> to vector<16xf32>
        %swap3A_878 = vector.shape_cast %mul3A_873 : vector<16xf32> to vector<1x16xf32>
        tpu.vector_store %arg15[%swap3A_874, %swap3A_875], %swap3A_878 {strides = array<i32>} : memref<128x16xf32, #tpu.memory_space<vmem>>, vector<1x16xf32>,
        %scan3A_879 = arith.constant 7 : i32
        %scan3A_880 = arith.addi %scan3A_742, %scan3A_879 : i32
        %mul3A_881 = arith.constant 1 : i32
        %mul3A_882 = arith.muli %scan3A_880, %mul3A_881 : i32
        %add3A_883 = arith.constant 0 : i32
        %add3A_884 = arith.addi %add3A_883, %mul3A_882 : i32
        %get3A_885 = arith.index_cast %add3A_884 : i32 to index
        %get3A_886 = arith.constant 0 : index
        %get3A_887 = tpu.vector_load %arg15[%get3A_885, %get3A_886] {strides = array<i32>} : memref<128x16xf32, #tpu.memory_space<vmem>>, vector<1x16xf32>,
        %get3A_888 = vector.shape_cast %get3A_887 : vector<1x16xf32> to vector<16xf32>
        %get3A_889 = arith.index_cast %add3A_884 : i32 to index
        %get3A_890 = arith.constant 0 : index
        %get3A_891 = tpu.vector_load %arg23[%get3A_889, %get3A_890] {strides = array<i32>} : memref<128x16xf32, #tpu.memory_space<vmem>>, vector<1x16xf32>,
        %get3A_892 = vector.shape_cast %get3A_891 : vector<1x16xf32> to vector<16xf32>
        %mul3A_893 = arith.mulf %get3A_888, %get3A_892 : vector<16xf32>
        %swap3A_894 = arith.index_cast %add3A_884 : i32 to index
        %swap3A_895 = arith.constant 0 : index
        %swap3A_896 = tpu.vector_load %arg15[%swap3A_894, %swap3A_895] {strides = array<i32>} : memref<128x16xf32, #tpu.memory_space<vmem>>, vector<1x16xf32>,
        %swap3A_897 = vector.shape_cast %swap3A_896 : vector<1x16xf32> to vector<16xf32>
        %swap3A_898 = vector.shape_cast %mul3A_893 : vector<16xf32> to vector<1x16xf32>
        tpu.vector_store %arg15[%swap3A_894, %swap3A_895], %swap3A_898 {strides = array<i32>} : memref<128x16xf32, #tpu.memory_space<vmem>>, vector<1x16xf32>,
      }
      %scan3A_715 = arith.constant 128 : i32
      %add3A_716 = arith.addi %mul3A_2, %add3A_698 : i32
      %mul3A_717 = arith.constant 128 : i32
      %mul3A_718 = arith.muli %add3A_716, %mul3A_717 : i32
      %dma_start3A_719 = arith.constant 0 : i32
      %dma_start3A_720 = tpu.memref_slice %arg5[%mul3A_718, %dma_start3A_719] : memref<323584x16xf32, #tpu.memory_space<hbm>> -> memref<128x16xf32, #tpu.memory_space<hbm>>
      %dma_start3A_721 = arith.constant 0 : i32
      %dma_start3A_722 = tpu.memref_slice %arg5[%mul3A_718, %dma_start3A_721] : memref<323584x16xf32, #tpu.memory_space<hbm>> -> memref<128x16xf32, #tpu.memory_space<hbm>>
      tpu.enqueue_dma source(%arg15 : memref<128x16xf32, #tpu.memory_space<vmem>>) target(%dma_start3A_722 : memref<128x16xf32, #tpu.memory_space<hbm>>) target_semaphore(%arg47 : memref<!tpu.dma_semaphore, #tpu.memory_space<semaphore_mem>>)
      %ge3A_723 = arith.constant 4 : i32
      %ge3A_724 = arith.cmpi sge, %add3A_698, %ge3A_723 : i32
      %convert_element_type3A_725 = arith.extui %ge3A_724 : i1 to i32
      %cond3A_726 = arith.constant 0 : i32
      %cond3A_727 = arith.cmpi ne, %convert_element_type3A_725, %cond3A_726 : i32
      scf.if %cond3A_727 {
        %add3A_742 = arith.addi %mul3A_2, %add3A_698 : i32
        %mul3A_743 = arith.constant 128 : i32
        %mul3A_744 = arith.muli %add3A_742, %mul3A_743 : i32
        %dma_wait3A_745 = arith.constant 0 : i32
        %dma_wait3A_746 = tpu.memref_slice %arg5[%mul3A_744, %dma_wait3A_745] : memref<323584x16xf32, #tpu.memory_space<hbm>> -> memref<128x16xf32, #tpu.memory_space<hbm>>
        %dma_wait3A_747 = arith.constant 0 : i32
        %dma_wait3A_748 = tpu.memref_slice %arg5[%mul3A_744, %dma_wait3A_747] : memref<323584x16xf32, #tpu.memory_space<hbm>> -> memref<128x16xf32, #tpu.memory_space<hbm>>
        tpu.wait_dma2 semaphore(%arg43 : memref<!tpu.dma_semaphore, #tpu.memory_space<semaphore_mem>>) src(%arg11 : memref<128x16xf32, #tpu.memory_space<vmem>>) dst(%dma_wait3A_748 : memref<128x16xf32, #tpu.memory_space<hbm>>)
      } else {
      }
      %add3A_728 = arith.constant 4 : i32
      %add3A_729 = arith.addi %add3A_698, %add3A_728 : i32
      %dma_start3A_730 = arith.constant 0 : i32
      %dma_start3A_731 = tpu.memref_slice %arg6[%add3A_729, %dma_start3A_730] : memref<79x128xi32, #tpu.memory_space<vmem>> -> memref<1x128xi32, #tpu.memory_space<vmem>>
      %dma_start3A_732 = tpu.memref_squeeze %dma_start3A_731 : memref<1x128xi32, #tpu.memory_space<vmem>> -> memref<128xi32, #tpu.memory_space<vmem>>
      %dma_start3A_733 = arith.constant 0 : i32
      %dma_start3A_734 = arith.constant 0 : i32
      %dma_start3A_735 = tpu.memref_slice %arg2[%dma_start3A_733, %dma_start3A_734] : memref<10000x16xf32, #tpu.memory_space<hbm>> -> memref<10000x16xf32, #tpu.memory_space<hbm>>
      tpu.enqueue_indirect_dma source(%dma_start3A_735 : memref<10000x16xf32, #tpu.memory_space<hbm>>) target(%arg11 : memref<128x16xf32, #tpu.memory_space<vmem>>) offsets(%dma_start3A_732 : memref<128xi32, #tpu.memory_space<vmem>>) semaphore(%arg27 : memref<!tpu.dma_semaphore, #tpu.memory_space<semaphore_mem>>)
      %dma_start3A_736 = arith.constant 0 : i32
      %dma_start3A_737 = tpu.memref_slice %arg7[%add3A_729, %dma_start3A_736] : memref<79x128xi32, #tpu.memory_space<vmem>> -> memref<1x128xi32, #tpu.memory_space<vmem>>
      %dma_start3A_738 = tpu.memref_squeeze %dma_start3A_737 : memref<1x128xi32, #tpu.memory_space<vmem>> -> memref<128xi32, #tpu.memory_space<vmem>>
      %dma_start3A_739 = arith.constant 0 : i32
      %dma_start3A_740 = arith.constant 0 : i32
      %dma_start3A_741 = tpu.memref_slice %arg2[%dma_start3A_739, %dma_start3A_740] : memref<10000x16xf32, #tpu.memory_space<hbm>> -> memref<10000x16xf32, #tpu.memory_space<hbm>>
      tpu.enqueue_indirect_dma source(%dma_start3A_741 : memref<10000x16xf32, #tpu.memory_space<hbm>>) target(%arg19 : memref<128x16xf32, #tpu.memory_space<vmem>>) offsets(%dma_start3A_738 : memref<128xi32, #tpu.memory_space<vmem>>) semaphore(%arg35 : memref<!tpu.dma_semaphore, #tpu.memory_space<semaphore_mem>>)
    }
    %scan3A_61 = arith.constant 9 : i32
    %dma_wait3A = arith.constant 72 : i32
    %dma_wait3A_62 = arith.constant 0 : i32
    %dma_wait3A_63 = tpu.memref_slice %arg6[%dma_wait3A, %dma_wait3A_62] : memref<79x128xi32, #tpu.memory_space<vmem>> -> memref<1x128xi32, #tpu.memory_space<vmem>>
    %dma_wait3A_64 = tpu.memref_squeeze %dma_wait3A_63 : memref<1x128xi32, #tpu.memory_space<vmem>> -> memref<128xi32, #tpu.memory_space<vmem>>
    %dma_wait3A_65 = arith.constant 0 : i32
    %dma_wait3A_66 = arith.constant 0 : i32
    %dma_wait3A_67 = tpu.memref_slice %arg2[%dma_wait3A_65, %dma_wait3A_66] : memref<10000x16xf32, #tpu.memory_space<hbm>> -> memref<10000x16xf32, #tpu.memory_space<hbm>>
    tpu.wait_indirect_dma semaphore(%arg24 : memref<!tpu.dma_semaphore, #tpu.memory_space<semaphore_mem>>) src(%dma_wait3A_67 : memref<10000x16xf32, #tpu.memory_space<hbm>>) dst(%arg8 : memref<128x16xf32, #tpu.memory_space<vmem>>)
    %dma_wait3A_68 = arith.constant 72 : i32
    %dma_wait3A_69 = arith.constant 0 : i32
    %dma_wait3A_70 = tpu.memref_slice %arg7[%dma_wait3A_68, %dma_wait3A_69] : memref<79x128xi32, #tpu.memory_space<vmem>> -> memref<1x128xi32, #tpu.memory_space<vmem>>
    %dma_wait3A_71 = tpu.memref_squeeze %dma_wait3A_70 : memref<1x128xi32, #tpu.memory_space<vmem>> -> memref<128xi32, #tpu.memory_space<vmem>>
    %dma_wait3A_72 = arith.constant 0 : i32
    %dma_wait3A_73 = arith.constant 0 : i32
    %dma_wait3A_74 = tpu.memref_slice %arg2[%dma_wait3A_72, %dma_wait3A_73] : memref<10000x16xf32, #tpu.memory_space<hbm>> -> memref<10000x16xf32, #tpu.memory_space<hbm>>
    tpu.wait_indirect_dma semaphore(%arg32 : memref<!tpu.dma_semaphore, #tpu.memory_space<semaphore_mem>>) src(%dma_wait3A_74 : memref<10000x16xf32, #tpu.memory_space<hbm>>) dst(%arg16 : memref<128x16xf32, #tpu.memory_space<vmem>>)
    %scan3A_75 = arith.constant 0 : i32
    %scan3A_76 = arith.constant 128 : i32
    %scan3A_77 = arith.addi %scan3A_75, %scan3A_76 : i32
    %scan3A_78 = arith.constant 8 : i32
    scf.for %scan3A_380 = %scan3A_75 to %scan3A_77 step %scan3A_78  : i32 {
      %mul3A_381 = arith.constant 1 : i32
      %mul3A_382 = arith.muli %scan3A_380, %mul3A_381 : i32
      %add3A_383 = arith.constant 0 : i32
      %add3A_384 = arith.addi %add3A_383, %mul3A_382 : i32
      %get3A = arith.index_cast %add3A_384 : i32 to index
      %get3A_385 = arith.constant 0 : index
      %get3A_386 = tpu.vector_load %arg8[%get3A, %get3A_385] {strides = array<i32>} : memref<128x16xf32, #tpu.memory_space<vmem>>, vector<1x16xf32>,
      %get3A_387 = vector.shape_cast %get3A_386 : vector<1x16xf32> to vector<16xf32>
      %get3A_388 = arith.index_cast %add3A_384 : i32 to index
      %get3A_389 = arith.constant 0 : index
      %get3A_390 = tpu.vector_load %arg16[%get3A_388, %get3A_389] {strides = array<i32>} : memref<128x16xf32, #tpu.memory_space<vmem>>, vector<1x16xf32>,
      %get3A_391 = vector.shape_cast %get3A_390 : vector<1x16xf32> to vector<16xf32>
      %mul3A_392 = arith.mulf %get3A_387, %get3A_391 : vector<16xf32>
      %swap3A = arith.index_cast %add3A_384 : i32 to index
      %swap3A_393 = arith.constant 0 : index
      %swap3A_394 = tpu.vector_load %arg8[%swap3A, %swap3A_393] {strides = array<i32>} : memref<128x16xf32, #tpu.memory_space<vmem>>, vector<1x16xf32>,
      %swap3A_395 = vector.shape_cast %swap3A_394 : vector<1x16xf32> to vector<16xf32>
      %swap3A_396 = vector.shape_cast %mul3A_392 : vector<16xf32> to vector<1x16xf32>
      tpu.vector_store %arg8[%swap3A, %swap3A_393], %swap3A_396 {strides = array<i32>} : memref<128x16xf32, #tpu.memory_space<vmem>>, vector<1x16xf32>,
      %scan3A_397 = arith.constant 1 : i32
      %scan3A_398 = arith.addi %scan3A_380, %scan3A_397 : i32
      %mul3A_399 = arith.constant 1 : i32
      %mul3A_400 = arith.muli %scan3A_398, %mul3A_399 : i32
      %add3A_401 = arith.constant 0 : i32
      %add3A_402 = arith.addi %add3A_401, %mul3A_400 : i32
      %get3A_403 = arith.index_cast %add3A_402 : i32 to index
      %get3A_404 = arith.constant 0 : index
      %get3A_405 = tpu.vector_load %arg8[%get3A_403, %get3A_404] {strides = array<i32>} : memref<128x16xf32, #tpu.memory_space<vmem>>, vector<1x16xf32>,
      %get3A_406 = vector.shape_cast %get3A_405 : vector<1x16xf32> to vector<16xf32>
      %get3A_407 = arith.index_cast %add3A_402 : i32 to index
      %get3A_408 = arith.constant 0 : index
      %get3A_409 = tpu.vector_load %arg16[%get3A_407, %get3A_408] {strides = array<i32>} : memref<128x16xf32, #tpu.memory_space<vmem>>, vector<1x16xf32>,
      %get3A_410 = vector.shape_cast %get3A_409 : vector<1x16xf32> to vector<16xf32>
      %mul3A_411 = arith.mulf %get3A_406, %get3A_410 : vector<16xf32>
      %swap3A_412 = arith.index_cast %add3A_402 : i32 to index
      %swap3A_413 = arith.constant 0 : index
      %swap3A_414 = tpu.vector_load %arg8[%swap3A_412, %swap3A_413] {strides = array<i32>} : memref<128x16xf32, #tpu.memory_space<vmem>>, vector<1x16xf32>,
      %swap3A_415 = vector.shape_cast %swap3A_414 : vector<1x16xf32> to vector<16xf32>
      %swap3A_416 = vector.shape_cast %mul3A_411 : vector<16xf32> to vector<1x16xf32>
      tpu.vector_store %arg8[%swap3A_412, %swap3A_413], %swap3A_416 {strides = array<i32>} : memref<128x16xf32, #tpu.memory_space<vmem>>, vector<1x16xf32>,
      %scan3A_417 = arith.constant 2 : i32
      %scan3A_418 = arith.addi %scan3A_380, %scan3A_417 : i32
      %mul3A_419 = arith.constant 1 : i32
      %mul3A_420 = arith.muli %scan3A_418, %mul3A_419 : i32
      %add3A_421 = arith.constant 0 : i32
      %add3A_422 = arith.addi %add3A_421, %mul3A_420 : i32
      %get3A_423 = arith.index_cast %add3A_422 : i32 to index
      %get3A_424 = arith.constant 0 : index
      %get3A_425 = tpu.vector_load %arg8[%get3A_423, %get3A_424] {strides = array<i32>} : memref<128x16xf32, #tpu.memory_space<vmem>>, vector<1x16xf32>,
      %get3A_426 = vector.shape_cast %get3A_425 : vector<1x16xf32> to vector<16xf32>
      %get3A_427 = arith.index_cast %add3A_422 : i32 to index
      %get3A_428 = arith.constant 0 : index
      %get3A_429 = tpu.vector_load %arg16[%get3A_427, %get3A_428] {strides = array<i32>} : memref<128x16xf32, #tpu.memory_space<vmem>>, vector<1x16xf32>,
      %get3A_430 = vector.shape_cast %get3A_429 : vector<1x16xf32> to vector<16xf32>
      %mul3A_431 = arith.mulf %get3A_426, %get3A_430 : vector<16xf32>
      %swap3A_432 = arith.index_cast %add3A_422 : i32 to index
      %swap3A_433 = arith.constant 0 : index
      %swap3A_434 = tpu.vector_load %arg8[%swap3A_432, %swap3A_433] {strides = array<i32>} : memref<128x16xf32, #tpu.memory_space<vmem>>, vector<1x16xf32>,
      %swap3A_435 = vector.shape_cast %swap3A_434 : vector<1x16xf32> to vector<16xf32>
      %swap3A_436 = vector.shape_cast %mul3A_431 : vector<16xf32> to vector<1x16xf32>
      tpu.vector_store %arg8[%swap3A_432, %swap3A_433], %swap3A_436 {strides = array<i32>} : memref<128x16xf32, #tpu.memory_space<vmem>>, vector<1x16xf32>,
      %scan3A_437 = arith.constant 3 : i32
      %scan3A_438 = arith.addi %scan3A_380, %scan3A_437 : i32
      %mul3A_439 = arith.constant 1 : i32
      %mul3A_440 = arith.muli %scan3A_438, %mul3A_439 : i32
      %add3A_441 = arith.constant 0 : i32
      %add3A_442 = arith.addi %add3A_441, %mul3A_440 : i32
      %get3A_443 = arith.index_cast %add3A_442 : i32 to index
      %get3A_444 = arith.constant 0 : index
      %get3A_445 = tpu.vector_load %arg8[%get3A_443, %get3A_444] {strides = array<i32>} : memref<128x16xf32, #tpu.memory_space<vmem>>, vector<1x16xf32>,
      %get3A_446 = vector.shape_cast %get3A_445 : vector<1x16xf32> to vector<16xf32>
      %get3A_447 = arith.index_cast %add3A_442 : i32 to index
      %get3A_448 = arith.constant 0 : index
      %get3A_449 = tpu.vector_load %arg16[%get3A_447, %get3A_448] {strides = array<i32>} : memref<128x16xf32, #tpu.memory_space<vmem>>, vector<1x16xf32>,
      %get3A_450 = vector.shape_cast %get3A_449 : vector<1x16xf32> to vector<16xf32>
      %mul3A_451 = arith.mulf %get3A_446, %get3A_450 : vector<16xf32>
      %swap3A_452 = arith.index_cast %add3A_442 : i32 to index
      %swap3A_453 = arith.constant 0 : index
      %swap3A_454 = tpu.vector_load %arg8[%swap3A_452, %swap3A_453] {strides = array<i32>} : memref<128x16xf32, #tpu.memory_space<vmem>>, vector<1x16xf32>,
      %swap3A_455 = vector.shape_cast %swap3A_454 : vector<1x16xf32> to vector<16xf32>
      %swap3A_456 = vector.shape_cast %mul3A_451 : vector<16xf32> to vector<1x16xf32>
      tpu.vector_store %arg8[%swap3A_452, %swap3A_453], %swap3A_456 {strides = array<i32>} : memref<128x16xf32, #tpu.memory_space<vmem>>, vector<1x16xf32>,
      %scan3A_457 = arith.constant 4 : i32
      %scan3A_458 = arith.addi %scan3A_380, %scan3A_457 : i32
      %mul3A_459 = arith.constant 1 : i32
      %mul3A_460 = arith.muli %scan3A_458, %mul3A_459 : i32
      %add3A_461 = arith.constant 0 : i32
      %add3A_462 = arith.addi %add3A_461, %mul3A_460 : i32
      %get3A_463 = arith.index_cast %add3A_462 : i32 to index
      %get3A_464 = arith.constant 0 : index
      %get3A_465 = tpu.vector_load %arg8[%get3A_463, %get3A_464] {strides = array<i32>} : memref<128x16xf32, #tpu.memory_space<vmem>>, vector<1x16xf32>,
      %get3A_466 = vector.shape_cast %get3A_465 : vector<1x16xf32> to vector<16xf32>
      %get3A_467 = arith.index_cast %add3A_462 : i32 to index
      %get3A_468 = arith.constant 0 : index
      %get3A_469 = tpu.vector_load %arg16[%get3A_467, %get3A_468] {strides = array<i32>} : memref<128x16xf32, #tpu.memory_space<vmem>>, vector<1x16xf32>,
      %get3A_470 = vector.shape_cast %get3A_469 : vector<1x16xf32> to vector<16xf32>
      %mul3A_471 = arith.mulf %get3A_466, %get3A_470 : vector<16xf32>
      %swap3A_472 = arith.index_cast %add3A_462 : i32 to index
      %swap3A_473 = arith.constant 0 : index
      %swap3A_474 = tpu.vector_load %arg8[%swap3A_472, %swap3A_473] {strides = array<i32>} : memref<128x16xf32, #tpu.memory_space<vmem>>, vector<1x16xf32>,
      %swap3A_475 = vector.shape_cast %swap3A_474 : vector<1x16xf32> to vector<16xf32>
      %swap3A_476 = vector.shape_cast %mul3A_471 : vector<16xf32> to vector<1x16xf32>
      tpu.vector_store %arg8[%swap3A_472, %swap3A_473], %swap3A_476 {strides = array<i32>} : memref<128x16xf32, #tpu.memory_space<vmem>>, vector<1x16xf32>,
      %scan3A_477 = arith.constant 5 : i32
      %scan3A_478 = arith.addi %scan3A_380, %scan3A_477 : i32
      %mul3A_479 = arith.constant 1 : i32
      %mul3A_480 = arith.muli %scan3A_478, %mul3A_479 : i32
      %add3A_481 = arith.constant 0 : i32
      %add3A_482 = arith.addi %add3A_481, %mul3A_480 : i32
      %get3A_483 = arith.index_cast %add3A_482 : i32 to index
      %get3A_484 = arith.constant 0 : index
      %get3A_485 = tpu.vector_load %arg8[%get3A_483, %get3A_484] {strides = array<i32>} : memref<128x16xf32, #tpu.memory_space<vmem>>, vector<1x16xf32>,
      %get3A_486 = vector.shape_cast %get3A_485 : vector<1x16xf32> to vector<16xf32>
      %get3A_487 = arith.index_cast %add3A_482 : i32 to index
      %get3A_488 = arith.constant 0 : index
      %get3A_489 = tpu.vector_load %arg16[%get3A_487, %get3A_488] {strides = array<i32>} : memref<128x16xf32, #tpu.memory_space<vmem>>, vector<1x16xf32>,
      %get3A_490 = vector.shape_cast %get3A_489 : vector<1x16xf32> to vector<16xf32>
      %mul3A_491 = arith.mulf %get3A_486, %get3A_490 : vector<16xf32>
      %swap3A_492 = arith.index_cast %add3A_482 : i32 to index
      %swap3A_493 = arith.constant 0 : index
      %swap3A_494 = tpu.vector_load %arg8[%swap3A_492, %swap3A_493] {strides = array<i32>} : memref<128x16xf32, #tpu.memory_space<vmem>>, vector<1x16xf32>,
      %swap3A_495 = vector.shape_cast %swap3A_494 : vector<1x16xf32> to vector<16xf32>
      %swap3A_496 = vector.shape_cast %mul3A_491 : vector<16xf32> to vector<1x16xf32>
      tpu.vector_store %arg8[%swap3A_492, %swap3A_493], %swap3A_496 {strides = array<i32>} : memref<128x16xf32, #tpu.memory_space<vmem>>, vector<1x16xf32>,
      %scan3A_497 = arith.constant 6 : i32
      %scan3A_498 = arith.addi %scan3A_380, %scan3A_497 : i32
      %mul3A_499 = arith.constant 1 : i32
      %mul3A_500 = arith.muli %scan3A_498, %mul3A_499 : i32
      %add3A_501 = arith.constant 0 : i32
      %add3A_502 = arith.addi %add3A_501, %mul3A_500 : i32
      %get3A_503 = arith.index_cast %add3A_502 : i32 to index
      %get3A_504 = arith.constant 0 : index
      %get3A_505 = tpu.vector_load %arg8[%get3A_503, %get3A_504] {strides = array<i32>} : memref<128x16xf32, #tpu.memory_space<vmem>>, vector<1x16xf32>,
      %get3A_506 = vector.shape_cast %get3A_505 : vector<1x16xf32> to vector<16xf32>
      %get3A_507 = arith.index_cast %add3A_502 : i32 to index
      %get3A_508 = arith.constant 0 : index
      %get3A_509 = tpu.vector_load %arg16[%get3A_507, %get3A_508] {strides = array<i32>} : memref<128x16xf32, #tpu.memory_space<vmem>>, vector<1x16xf32>,
      %get3A_510 = vector.shape_cast %get3A_509 : vector<1x16xf32> to vector<16xf32>
      %mul3A_511 = arith.mulf %get3A_506, %get3A_510 : vector<16xf32>
      %swap3A_512 = arith.index_cast %add3A_502 : i32 to index
      %swap3A_513 = arith.constant 0 : index
      %swap3A_514 = tpu.vector_load %arg8[%swap3A_512, %swap3A_513] {strides = array<i32>} : memref<128x16xf32, #tpu.memory_space<vmem>>, vector<1x16xf32>,
      %swap3A_515 = vector.shape_cast %swap3A_514 : vector<1x16xf32> to vector<16xf32>
      %swap3A_516 = vector.shape_cast %mul3A_511 : vector<16xf32> to vector<1x16xf32>
      tpu.vector_store %arg8[%swap3A_512, %swap3A_513], %swap3A_516 {strides = array<i32>} : memref<128x16xf32, #tpu.memory_space<vmem>>, vector<1x16xf32>,
      %scan3A_517 = arith.constant 7 : i32
      %scan3A_518 = arith.addi %scan3A_380, %scan3A_517 : i32
      %mul3A_519 = arith.constant 1 : i32
      %mul3A_520 = arith.muli %scan3A_518, %mul3A_519 : i32
      %add3A_521 = arith.constant 0 : i32
      %add3A_522 = arith.addi %add3A_521, %mul3A_520 : i32
      %get3A_523 = arith.index_cast %add3A_522 : i32 to index
      %get3A_524 = arith.constant 0 : index
      %get3A_525 = tpu.vector_load %arg8[%get3A_523, %get3A_524] {strides = array<i32>} : memref<128x16xf32, #tpu.memory_space<vmem>>, vector<1x16xf32>,
      %get3A_526 = vector.shape_cast %get3A_525 : vector<1x16xf32> to vector<16xf32>
      %get3A_527 = arith.index_cast %add3A_522 : i32 to index
      %get3A_528 = arith.constant 0 : index
      %get3A_529 = tpu.vector_load %arg16[%get3A_527, %get3A_528] {strides = array<i32>} : memref<128x16xf32, #tpu.memory_space<vmem>>, vector<1x16xf32>,
      %get3A_530 = vector.shape_cast %get3A_529 : vector<1x16xf32> to vector<16xf32>
      %mul3A_531 = arith.mulf %get3A_526, %get3A_530 : vector<16xf32>
      %swap3A_532 = arith.index_cast %add3A_522 : i32 to index
      %swap3A_533 = arith.constant 0 : index
      %swap3A_534 = tpu.vector_load %arg8[%swap3A_532, %swap3A_533] {strides = array<i32>} : memref<128x16xf32, #tpu.memory_space<vmem>>, vector<1x16xf32>,
      %swap3A_535 = vector.shape_cast %swap3A_534 : vector<1x16xf32> to vector<16xf32>
      %swap3A_536 = vector.shape_cast %mul3A_531 : vector<16xf32> to vector<1x16xf32>
      tpu.vector_store %arg8[%swap3A_532, %swap3A_533], %swap3A_536 {strides = array<i32>} : memref<128x16xf32, #tpu.memory_space<vmem>>, vector<1x16xf32>,
    }
    %scan3A_79 = arith.constant 128 : i32
    %add3A_80 = arith.constant 72 : i32
    %add3A_81 = arith.addi %mul3A_2, %add3A_80 : i32
    %mul3A_82 = arith.constant 128 : i32
    %mul3A_83 = arith.muli %add3A_81, %mul3A_82 : i32
    %dma_start3A_84 = arith.constant 0 : i32
    %dma_start3A_85 = tpu.memref_slice %arg5[%mul3A_83, %dma_start3A_84] : memref<323584x16xf32, #tpu.memory_space<hbm>> -> memref<128x16xf32, #tpu.memory_space<hbm>>
    %dma_start3A_86 = arith.constant 0 : i32
    %dma_start3A_87 = tpu.memref_slice %arg5[%mul3A_83, %dma_start3A_86] : memref<323584x16xf32, #tpu.memory_space<hbm>> -> memref<128x16xf32, #tpu.memory_space<hbm>>
    tpu.enqueue_dma source(%arg8 : memref<128x16xf32, #tpu.memory_space<vmem>>) target(%dma_start3A_87 : memref<128x16xf32, #tpu.memory_space<hbm>>) target_semaphore(%arg40 : memref<!tpu.dma_semaphore, #tpu.memory_space<semaphore_mem>>)
    %add3A_88 = arith.constant 72 : i32
    %add3A_89 = arith.addi %mul3A_2, %add3A_88 : i32
    %mul3A_90 = arith.constant 128 : i32
    %mul3A_91 = arith.muli %add3A_89, %mul3A_90 : i32
    %dma_wait3A_92 = arith.constant 0 : i32
    %dma_wait3A_93 = tpu.memref_slice %arg5[%mul3A_91, %dma_wait3A_92] : memref<323584x16xf32, #tpu.memory_space<hbm>> -> memref<128x16xf32, #tpu.memory_space<hbm>>
    %dma_wait3A_94 = arith.constant 0 : i32
    %dma_wait3A_95 = tpu.memref_slice %arg5[%mul3A_91, %dma_wait3A_94] : memref<323584x16xf32, #tpu.memory_space<hbm>> -> memref<128x16xf32, #tpu.memory_space<hbm>>
    tpu.wait_dma2 semaphore(%arg44 : memref<!tpu.dma_semaphore, #tpu.memory_space<semaphore_mem>>) src(%arg12 : memref<128x16xf32, #tpu.memory_space<vmem>>) dst(%dma_wait3A_95 : memref<128x16xf32, #tpu.memory_space<hbm>>)
    %dma_start3A_96 = arith.constant 76 : i32
    %dma_start3A_97 = arith.constant 0 : i32
    %dma_start3A_98 = tpu.memref_slice %arg6[%dma_start3A_96, %dma_start3A_97] : memref<79x128xi32, #tpu.memory_space<vmem>> -> memref<1x128xi32, #tpu.memory_space<vmem>>
    %dma_start3A_99 = tpu.memref_squeeze %dma_start3A_98 : memref<1x128xi32, #tpu.memory_space<vmem>> -> memref<128xi32, #tpu.memory_space<vmem>>
    %dma_start3A_100 = arith.constant 0 : i32
    %dma_start3A_101 = arith.constant 0 : i32
    %dma_start3A_102 = tpu.memref_slice %arg2[%dma_start3A_100, %dma_start3A_101] : memref<10000x16xf32, #tpu.memory_space<hbm>> -> memref<10000x16xf32, #tpu.memory_space<hbm>>
    tpu.enqueue_indirect_dma source(%dma_start3A_102 : memref<10000x16xf32, #tpu.memory_space<hbm>>) target(%arg12 : memref<128x16xf32, #tpu.memory_space<vmem>>) offsets(%dma_start3A_99 : memref<128xi32, #tpu.memory_space<vmem>>) semaphore(%arg28 : memref<!tpu.dma_semaphore, #tpu.memory_space<semaphore_mem>>)
    %dma_start3A_103 = arith.constant 76 : i32
    %dma_start3A_104 = arith.constant 0 : i32
    %dma_start3A_105 = tpu.memref_slice %arg7[%dma_start3A_103, %dma_start3A_104] : memref<79x128xi32, #tpu.memory_space<vmem>> -> memref<1x128xi32, #tpu.memory_space<vmem>>
    %dma_start3A_106 = tpu.memref_squeeze %dma_start3A_105 : memref<1x128xi32, #tpu.memory_space<vmem>> -> memref<128xi32, #tpu.memory_space<vmem>>
    %dma_start3A_107 = arith.constant 0 : i32
    %dma_start3A_108 = arith.constant 0 : i32
    %dma_start3A_109 = tpu.memref_slice %arg2[%dma_start3A_107, %dma_start3A_108] : memref<10000x16xf32, #tpu.memory_space<hbm>> -> memref<10000x16xf32, #tpu.memory_space<hbm>>
    tpu.enqueue_indirect_dma source(%dma_start3A_109 : memref<10000x16xf32, #tpu.memory_space<hbm>>) target(%arg20 : memref<128x16xf32, #tpu.memory_space<vmem>>) offsets(%dma_start3A_106 : memref<128xi32, #tpu.memory_space<vmem>>) semaphore(%arg36 : memref<!tpu.dma_semaphore, #tpu.memory_space<semaphore_mem>>)
    %dma_wait3A_110 = arith.constant 73 : i32
    %dma_wait3A_111 = arith.constant 0 : i32
    %dma_wait3A_112 = tpu.memref_slice %arg6[%dma_wait3A_110, %dma_wait3A_111] : memref<79x128xi32, #tpu.memory_space<vmem>> -> memref<1x128xi32, #tpu.memory_space<vmem>>
    %dma_wait3A_113 = tpu.memref_squeeze %dma_wait3A_112 : memref<1x128xi32, #tpu.memory_space<vmem>> -> memref<128xi32, #tpu.memory_space<vmem>>
    %dma_wait3A_114 = arith.constant 0 : i32
    %dma_wait3A_115 = arith.constant 0 : i32
    %dma_wait3A_116 = tpu.memref_slice %arg2[%dma_wait3A_114, %dma_wait3A_115] : memref<10000x16xf32, #tpu.memory_space<hbm>> -> memref<10000x16xf32, #tpu.memory_space<hbm>>
    tpu.wait_indirect_dma semaphore(%arg25 : memref<!tpu.dma_semaphore, #tpu.memory_space<semaphore_mem>>) src(%dma_wait3A_116 : memref<10000x16xf32, #tpu.memory_space<hbm>>) dst(%arg9 : memref<128x16xf32, #tpu.memory_space<vmem>>)
    %dma_wait3A_117 = arith.constant 73 : i32
    %dma_wait3A_118 = arith.constant 0 : i32
    %dma_wait3A_119 = tpu.memref_slice %arg7[%dma_wait3A_117, %dma_wait3A_118] : memref<79x128xi32, #tpu.memory_space<vmem>> -> memref<1x128xi32, #tpu.memory_space<vmem>>
    %dma_wait3A_120 = tpu.memref_squeeze %dma_wait3A_119 : memref<1x128xi32, #tpu.memory_space<vmem>> -> memref<128xi32, #tpu.memory_space<vmem>>
    %dma_wait3A_121 = arith.constant 0 : i32
    %dma_wait3A_122 = arith.constant 0 : i32
    %dma_wait3A_123 = tpu.memref_slice %arg2[%dma_wait3A_121, %dma_wait3A_122] : memref<10000x16xf32, #tpu.memory_space<hbm>> -> memref<10000x16xf32, #tpu.memory_space<hbm>>
    tpu.wait_indirect_dma semaphore(%arg33 : memref<!tpu.dma_semaphore, #tpu.memory_space<semaphore_mem>>) src(%dma_wait3A_123 : memref<10000x16xf32, #tpu.memory_space<hbm>>) dst(%arg17 : memref<128x16xf32, #tpu.memory_space<vmem>>)
    %scan3A_124 = arith.constant 0 : i32
    %scan3A_125 = arith.constant 128 : i32
    %scan3A_126 = arith.addi %scan3A_124, %scan3A_125 : i32
    %scan3A_127 = arith.constant 8 : i32
    scf.for %scan3A_380 = %scan3A_124 to %scan3A_126 step %scan3A_127  : i32 {
      %mul3A_381 = arith.constant 1 : i32
      %mul3A_382 = arith.muli %scan3A_380, %mul3A_381 : i32
      %add3A_383 = arith.constant 0 : i32
      %add3A_384 = arith.addi %add3A_383, %mul3A_382 : i32
      %get3A = arith.index_cast %add3A_384 : i32 to index
      %get3A_385 = arith.constant 0 : index
      %get3A_386 = tpu.vector_load %arg9[%get3A, %get3A_385] {strides = array<i32>} : memref<128x16xf32, #tpu.memory_space<vmem>>, vector<1x16xf32>,
      %get3A_387 = vector.shape_cast %get3A_386 : vector<1x16xf32> to vector<16xf32>
      %get3A_388 = arith.index_cast %add3A_384 : i32 to index
      %get3A_389 = arith.constant 0 : index
      %get3A_390 = tpu.vector_load %arg17[%get3A_388, %get3A_389] {strides = array<i32>} : memref<128x16xf32, #tpu.memory_space<vmem>>, vector<1x16xf32>,
      %get3A_391 = vector.shape_cast %get3A_390 : vector<1x16xf32> to vector<16xf32>
      %mul3A_392 = arith.mulf %get3A_387, %get3A_391 : vector<16xf32>
      %swap3A = arith.index_cast %add3A_384 : i32 to index
      %swap3A_393 = arith.constant 0 : index
      %swap3A_394 = tpu.vector_load %arg9[%swap3A, %swap3A_393] {strides = array<i32>} : memref<128x16xf32, #tpu.memory_space<vmem>>, vector<1x16xf32>,
      %swap3A_395 = vector.shape_cast %swap3A_394 : vector<1x16xf32> to vector<16xf32>
      %swap3A_396 = vector.shape_cast %mul3A_392 : vector<16xf32> to vector<1x16xf32>
      tpu.vector_store %arg9[%swap3A, %swap3A_393], %swap3A_396 {strides = array<i32>} : memref<128x16xf32, #tpu.memory_space<vmem>>, vector<1x16xf32>,
      %scan3A_397 = arith.constant 1 : i32
      %scan3A_398 = arith.addi %scan3A_380, %scan3A_397 : i32
      %mul3A_399 = arith.constant 1 : i32
      %mul3A_400 = arith.muli %scan3A_398, %mul3A_399 : i32
      %add3A_401 = arith.constant 0 : i32
      %add3A_402 = arith.addi %add3A_401, %mul3A_400 : i32
      %get3A_403 = arith.index_cast %add3A_402 : i32 to index
      %get3A_404 = arith.constant 0 : index
      %get3A_405 = tpu.vector_load %arg9[%get3A_403, %get3A_404] {strides = array<i32>} : memref<128x16xf32, #tpu.memory_space<vmem>>, vector<1x16xf32>,
      %get3A_406 = vector.shape_cast %get3A_405 : vector<1x16xf32> to vector<16xf32>
      %get3A_407 = arith.index_cast %add3A_402 : i32 to index
      %get3A_408 = arith.constant 0 : index
      %get3A_409 = tpu.vector_load %arg17[%get3A_407, %get3A_408] {strides = array<i32>} : memref<128x16xf32, #tpu.memory_space<vmem>>, vector<1x16xf32>,
      %get3A_410 = vector.shape_cast %get3A_409 : vector<1x16xf32> to vector<16xf32>
      %mul3A_411 = arith.mulf %get3A_406, %get3A_410 : vector<16xf32>
      %swap3A_412 = arith.index_cast %add3A_402 : i32 to index
      %swap3A_413 = arith.constant 0 : index
      %swap3A_414 = tpu.vector_load %arg9[%swap3A_412, %swap3A_413] {strides = array<i32>} : memref<128x16xf32, #tpu.memory_space<vmem>>, vector<1x16xf32>,
      %swap3A_415 = vector.shape_cast %swap3A_414 : vector<1x16xf32> to vector<16xf32>
      %swap3A_416 = vector.shape_cast %mul3A_411 : vector<16xf32> to vector<1x16xf32>
      tpu.vector_store %arg9[%swap3A_412, %swap3A_413], %swap3A_416 {strides = array<i32>} : memref<128x16xf32, #tpu.memory_space<vmem>>, vector<1x16xf32>,
      %scan3A_417 = arith.constant 2 : i32
      %scan3A_418 = arith.addi %scan3A_380, %scan3A_417 : i32
      %mul3A_419 = arith.constant 1 : i32
      %mul3A_420 = arith.muli %scan3A_418, %mul3A_419 : i32
      %add3A_421 = arith.constant 0 : i32
      %add3A_422 = arith.addi %add3A_421, %mul3A_420 : i32
      %get3A_423 = arith.index_cast %add3A_422 : i32 to index
      %get3A_424 = arith.constant 0 : index
      %get3A_425 = tpu.vector_load %arg9[%get3A_423, %get3A_424] {strides = array<i32>} : memref<128x16xf32, #tpu.memory_space<vmem>>, vector<1x16xf32>,
      %get3A_426 = vector.shape_cast %get3A_425 : vector<1x16xf32> to vector<16xf32>
      %get3A_427 = arith.index_cast %add3A_422 : i32 to index
      %get3A_428 = arith.constant 0 : index
      %get3A_429 = tpu.vector_load %arg17[%get3A_427, %get3A_428] {strides = array<i32>} : memref<128x16xf32, #tpu.memory_space<vmem>>, vector<1x16xf32>,
      %get3A_430 = vector.shape_cast %get3A_429 : vector<1x16xf32> to vector<16xf32>
      %mul3A_431 = arith.mulf %get3A_426, %get3A_430 : vector<16xf32>
      %swap3A_432 = arith.index_cast %add3A_422 : i32 to index
      %swap3A_433 = arith.constant 0 : index
      %swap3A_434 = tpu.vector_load %arg9[%swap3A_432, %swap3A_433] {strides = array<i32>} : memref<128x16xf32, #tpu.memory_space<vmem>>, vector<1x16xf32>,
      %swap3A_435 = vector.shape_cast %swap3A_434 : vector<1x16xf32> to vector<16xf32>
      %swap3A_436 = vector.shape_cast %mul3A_431 : vector<16xf32> to vector<1x16xf32>
      tpu.vector_store %arg9[%swap3A_432, %swap3A_433], %swap3A_436 {strides = array<i32>} : memref<128x16xf32, #tpu.memory_space<vmem>>, vector<1x16xf32>,
      %scan3A_437 = arith.constant 3 : i32
      %scan3A_438 = arith.addi %scan3A_380, %scan3A_437 : i32
      %mul3A_439 = arith.constant 1 : i32
      %mul3A_440 = arith.muli %scan3A_438, %mul3A_439 : i32
      %add3A_441 = arith.constant 0 : i32
      %add3A_442 = arith.addi %add3A_441, %mul3A_440 : i32
      %get3A_443 = arith.index_cast %add3A_442 : i32 to index
      %get3A_444 = arith.constant 0 : index
      %get3A_445 = tpu.vector_load %arg9[%get3A_443, %get3A_444] {strides = array<i32>} : memref<128x16xf32, #tpu.memory_space<vmem>>, vector<1x16xf32>,
      %get3A_446 = vector.shape_cast %get3A_445 : vector<1x16xf32> to vector<16xf32>
      %get3A_447 = arith.index_cast %add3A_442 : i32 to index
      %get3A_448 = arith.constant 0 : index
      %get3A_449 = tpu.vector_load %arg17[%get3A_447, %get3A_448] {strides = array<i32>} : memref<128x16xf32, #tpu.memory_space<vmem>>, vector<1x16xf32>,
      %get3A_450 = vector.shape_cast %get3A_449 : vector<1x16xf32> to vector<16xf32>
      %mul3A_451 = arith.mulf %get3A_446, %get3A_450 : vector<16xf32>
      %swap3A_452 = arith.index_cast %add3A_442 : i32 to index
      %swap3A_453 = arith.constant 0 : index
      %swap3A_454 = tpu.vector_load %arg9[%swap3A_452, %swap3A_453] {strides = array<i32>} : memref<128x16xf32, #tpu.memory_space<vmem>>, vector<1x16xf32>,
      %swap3A_455 = vector.shape_cast %swap3A_454 : vector<1x16xf32> to vector<16xf32>
      %swap3A_456 = vector.shape_cast %mul3A_451 : vector<16xf32> to vector<1x16xf32>
      tpu.vector_store %arg9[%swap3A_452, %swap3A_453], %swap3A_456 {strides = array<i32>} : memref<128x16xf32, #tpu.memory_space<vmem>>, vector<1x16xf32>,
      %scan3A_457 = arith.constant 4 : i32
      %scan3A_458 = arith.addi %scan3A_380, %scan3A_457 : i32
      %mul3A_459 = arith.constant 1 : i32
      %mul3A_460 = arith.muli %scan3A_458, %mul3A_459 : i32
      %add3A_461 = arith.constant 0 : i32
      %add3A_462 = arith.addi %add3A_461, %mul3A_460 : i32
      %get3A_463 = arith.index_cast %add3A_462 : i32 to index
      %get3A_464 = arith.constant 0 : index
      %get3A_465 = tpu.vector_load %arg9[%get3A_463, %get3A_464] {strides = array<i32>} : memref<128x16xf32, #tpu.memory_space<vmem>>, vector<1x16xf32>,
      %get3A_466 = vector.shape_cast %get3A_465 : vector<1x16xf32> to vector<16xf32>
      %get3A_467 = arith.index_cast %add3A_462 : i32 to index
      %get3A_468 = arith.constant 0 : index
      %get3A_469 = tpu.vector_load %arg17[%get3A_467, %get3A_468] {strides = array<i32>} : memref<128x16xf32, #tpu.memory_space<vmem>>, vector<1x16xf32>,
      %get3A_470 = vector.shape_cast %get3A_469 : vector<1x16xf32> to vector<16xf32>
      %mul3A_471 = arith.mulf %get3A_466, %get3A_470 : vector<16xf32>
      %swap3A_472 = arith.index_cast %add3A_462 : i32 to index
      %swap3A_473 = arith.constant 0 : index
      %swap3A_474 = tpu.vector_load %arg9[%swap3A_472, %swap3A_473] {strides = array<i32>} : memref<128x16xf32, #tpu.memory_space<vmem>>, vector<1x16xf32>,
      %swap3A_475 = vector.shape_cast %swap3A_474 : vector<1x16xf32> to vector<16xf32>
      %swap3A_476 = vector.shape_cast %mul3A_471 : vector<16xf32> to vector<1x16xf32>
      tpu.vector_store %arg9[%swap3A_472, %swap3A_473], %swap3A_476 {strides = array<i32>} : memref<128x16xf32, #tpu.memory_space<vmem>>, vector<1x16xf32>,
      %scan3A_477 = arith.constant 5 : i32
      %scan3A_478 = arith.addi %scan3A_380, %scan3A_477 : i32
      %mul3A_479 = arith.constant 1 : i32
      %mul3A_480 = arith.muli %scan3A_478, %mul3A_479 : i32
      %add3A_481 = arith.constant 0 : i32
      %add3A_482 = arith.addi %add3A_481, %mul3A_480 : i32
      %get3A_483 = arith.index_cast %add3A_482 : i32 to index
      %get3A_484 = arith.constant 0 : index
      %get3A_485 = tpu.vector_load %arg9[%get3A_483, %get3A_484] {strides = array<i32>} : memref<128x16xf32, #tpu.memory_space<vmem>>, vector<1x16xf32>,
      %get3A_486 = vector.shape_cast %get3A_485 : vector<1x16xf32> to vector<16xf32>
      %get3A_487 = arith.index_cast %add3A_482 : i32 to index
      %get3A_488 = arith.constant 0 : index
      %get3A_489 = tpu.vector_load %arg17[%get3A_487, %get3A_488] {strides = array<i32>} : memref<128x16xf32, #tpu.memory_space<vmem>>, vector<1x16xf32>,
      %get3A_490 = vector.shape_cast %get3A_489 : vector<1x16xf32> to vector<16xf32>
      %mul3A_491 = arith.mulf %get3A_486, %get3A_490 : vector<16xf32>
      %swap3A_492 = arith.index_cast %add3A_482 : i32 to index
      %swap3A_493 = arith.constant 0 : index
      %swap3A_494 = tpu.vector_load %arg9[%swap3A_492, %swap3A_493] {strides = array<i32>} : memref<128x16xf32, #tpu.memory_space<vmem>>, vector<1x16xf32>,
      %swap3A_495 = vector.shape_cast %swap3A_494 : vector<1x16xf32> to vector<16xf32>
      %swap3A_496 = vector.shape_cast %mul3A_491 : vector<16xf32> to vector<1x16xf32>
      tpu.vector_store %arg9[%swap3A_492, %swap3A_493], %swap3A_496 {strides = array<i32>} : memref<128x16xf32, #tpu.memory_space<vmem>>, vector<1x16xf32>,
      %scan3A_497 = arith.constant 6 : i32
      %scan3A_498 = arith.addi %scan3A_380, %scan3A_497 : i32
      %mul3A_499 = arith.constant 1 : i32
      %mul3A_500 = arith.muli %scan3A_498, %mul3A_499 : i32
      %add3A_501 = arith.constant 0 : i32
      %add3A_502 = arith.addi %add3A_501, %mul3A_500 : i32
      %get3A_503 = arith.index_cast %add3A_502 : i32 to index
      %get3A_504 = arith.constant 0 : index
      %get3A_505 = tpu.vector_load %arg9[%get3A_503, %get3A_504] {strides = array<i32>} : memref<128x16xf32, #tpu.memory_space<vmem>>, vector<1x16xf32>,
      %get3A_506 = vector.shape_cast %get3A_505 : vector<1x16xf32> to vector<16xf32>
      %get3A_507 = arith.index_cast %add3A_502 : i32 to index
      %get3A_508 = arith.constant 0 : index
      %get3A_509 = tpu.vector_load %arg17[%get3A_507, %get3A_508] {strides = array<i32>} : memref<128x16xf32, #tpu.memory_space<vmem>>, vector<1x16xf32>,
      %get3A_510 = vector.shape_cast %get3A_509 : vector<1x16xf32> to vector<16xf32>
      %mul3A_511 = arith.mulf %get3A_506, %get3A_510 : vector<16xf32>
      %swap3A_512 = arith.index_cast %add3A_502 : i32 to index
      %swap3A_513 = arith.constant 0 : index
      %swap3A_514 = tpu.vector_load %arg9[%swap3A_512, %swap3A_513] {strides = array<i32>} : memref<128x16xf32, #tpu.memory_space<vmem>>, vector<1x16xf32>,
      %swap3A_515 = vector.shape_cast %swap3A_514 : vector<1x16xf32> to vector<16xf32>
      %swap3A_516 = vector.shape_cast %mul3A_511 : vector<16xf32> to vector<1x16xf32>
      tpu.vector_store %arg9[%swap3A_512, %swap3A_513], %swap3A_516 {strides = array<i32>} : memref<128x16xf32, #tpu.memory_space<vmem>>, vector<1x16xf32>,
      %scan3A_517 = arith.constant 7 : i32
      %scan3A_518 = arith.addi %scan3A_380, %scan3A_517 : i32
      %mul3A_519 = arith.constant 1 : i32
      %mul3A_520 = arith.muli %scan3A_518, %mul3A_519 : i32
      %add3A_521 = arith.constant 0 : i32
      %add3A_522 = arith.addi %add3A_521, %mul3A_520 : i32
      %get3A_523 = arith.index_cast %add3A_522 : i32 to index
      %get3A_524 = arith.constant 0 : index
      %get3A_525 = tpu.vector_load %arg9[%get3A_523, %get3A_524] {strides = array<i32>} : memref<128x16xf32, #tpu.memory_space<vmem>>, vector<1x16xf32>,
      %get3A_526 = vector.shape_cast %get3A_525 : vector<1x16xf32> to vector<16xf32>
      %get3A_527 = arith.index_cast %add3A_522 : i32 to index
      %get3A_528 = arith.constant 0 : index
      %get3A_529 = tpu.vector_load %arg17[%get3A_527, %get3A_528] {strides = array<i32>} : memref<128x16xf32, #tpu.memory_space<vmem>>, vector<1x16xf32>,
      %get3A_530 = vector.shape_cast %get3A_529 : vector<1x16xf32> to vector<16xf32>
      %mul3A_531 = arith.mulf %get3A_526, %get3A_530 : vector<16xf32>
      %swap3A_532 = arith.index_cast %add3A_522 : i32 to index
      %swap3A_533 = arith.constant 0 : index
      %swap3A_534 = tpu.vector_load %arg9[%swap3A_532, %swap3A_533] {strides = array<i32>} : memref<128x16xf32, #tpu.memory_space<vmem>>, vector<1x16xf32>,
      %swap3A_535 = vector.shape_cast %swap3A_534 : vector<1x16xf32> to vector<16xf32>
      %swap3A_536 = vector.shape_cast %mul3A_531 : vector<16xf32> to vector<1x16xf32>
      tpu.vector_store %arg9[%swap3A_532, %swap3A_533], %swap3A_536 {strides = array<i32>} : memref<128x16xf32, #tpu.memory_space<vmem>>, vector<1x16xf32>,
    }
    %scan3A_128 = arith.constant 128 : i32
    %add3A_129 = arith.constant 73 : i32
    %add3A_130 = arith.addi %mul3A_2, %add3A_129 : i32
    %mul3A_131 = arith.constant 128 : i32
    %mul3A_132 = arith.muli %add3A_130, %mul3A_131 : i32
    %dma_start3A_133 = arith.constant 0 : i32
    %dma_start3A_134 = tpu.memref_slice %arg5[%mul3A_132, %dma_start3A_133] : memref<323584x16xf32, #tpu.memory_space<hbm>> -> memref<128x16xf32, #tpu.memory_space<hbm>>
    %dma_start3A_135 = arith.constant 0 : i32
    %dma_start3A_136 = tpu.memref_slice %arg5[%mul3A_132, %dma_start3A_135] : memref<323584x16xf32, #tpu.memory_space<hbm>> -> memref<128x16xf32, #tpu.memory_space<hbm>>
    tpu.enqueue_dma source(%arg9 : memref<128x16xf32, #tpu.memory_space<vmem>>) target(%dma_start3A_136 : memref<128x16xf32, #tpu.memory_space<hbm>>) target_semaphore(%arg41 : memref<!tpu.dma_semaphore, #tpu.memory_space<semaphore_mem>>)
    %add3A_137 = arith.constant 73 : i32
    %add3A_138 = arith.addi %mul3A_2, %add3A_137 : i32
    %mul3A_139 = arith.constant 128 : i32
    %mul3A_140 = arith.muli %add3A_138, %mul3A_139 : i32
    %dma_wait3A_141 = arith.constant 0 : i32
    %dma_wait3A_142 = tpu.memref_slice %arg5[%mul3A_140, %dma_wait3A_141] : memref<323584x16xf32, #tpu.memory_space<hbm>> -> memref<128x16xf32, #tpu.memory_space<hbm>>
    %dma_wait3A_143 = arith.constant 0 : i32
    %dma_wait3A_144 = tpu.memref_slice %arg5[%mul3A_140, %dma_wait3A_143] : memref<323584x16xf32, #tpu.memory_space<hbm>> -> memref<128x16xf32, #tpu.memory_space<hbm>>
    tpu.wait_dma2 semaphore(%arg45 : memref<!tpu.dma_semaphore, #tpu.memory_space<semaphore_mem>>) src(%arg13 : memref<128x16xf32, #tpu.memory_space<vmem>>) dst(%dma_wait3A_144 : memref<128x16xf32, #tpu.memory_space<hbm>>)
    %dma_start3A_145 = arith.constant 77 : i32
    %dma_start3A_146 = arith.constant 0 : i32
    %dma_start3A_147 = tpu.memref_slice %arg6[%dma_start3A_145, %dma_start3A_146] : memref<79x128xi32, #tpu.memory_space<vmem>> -> memref<1x128xi32, #tpu.memory_space<vmem>>
    %dma_start3A_148 = tpu.memref_squeeze %dma_start3A_147 : memref<1x128xi32, #tpu.memory_space<vmem>> -> memref<128xi32, #tpu.memory_space<vmem>>
    %dma_start3A_149 = arith.constant 0 : i32
    %dma_start3A_150 = arith.constant 0 : i32
    %dma_start3A_151 = tpu.memref_slice %arg2[%dma_start3A_149, %dma_start3A_150] : memref<10000x16xf32, #tpu.memory_space<hbm>> -> memref<10000x16xf32, #tpu.memory_space<hbm>>
    tpu.enqueue_indirect_dma source(%dma_start3A_151 : memref<10000x16xf32, #tpu.memory_space<hbm>>) target(%arg13 : memref<128x16xf32, #tpu.memory_space<vmem>>) offsets(%dma_start3A_148 : memref<128xi32, #tpu.memory_space<vmem>>) semaphore(%arg29 : memref<!tpu.dma_semaphore, #tpu.memory_space<semaphore_mem>>)
    %dma_start3A_152 = arith.constant 77 : i32
    %dma_start3A_153 = arith.constant 0 : i32
    %dma_start3A_154 = tpu.memref_slice %arg7[%dma_start3A_152, %dma_start3A_153] : memref<79x128xi32, #tpu.memory_space<vmem>> -> memref<1x128xi32, #tpu.memory_space<vmem>>
    %dma_start3A_155 = tpu.memref_squeeze %dma_start3A_154 : memref<1x128xi32, #tpu.memory_space<vmem>> -> memref<128xi32, #tpu.memory_space<vmem>>
    %dma_start3A_156 = arith.constant 0 : i32
    %dma_start3A_157 = arith.constant 0 : i32
    %dma_start3A_158 = tpu.memref_slice %arg2[%dma_start3A_156, %dma_start3A_157] : memref<10000x16xf32, #tpu.memory_space<hbm>> -> memref<10000x16xf32, #tpu.memory_space<hbm>>
    tpu.enqueue_indirect_dma source(%dma_start3A_158 : memref<10000x16xf32, #tpu.memory_space<hbm>>) target(%arg21 : memref<128x16xf32, #tpu.memory_space<vmem>>) offsets(%dma_start3A_155 : memref<128xi32, #tpu.memory_space<vmem>>) semaphore(%arg37 : memref<!tpu.dma_semaphore, #tpu.memory_space<semaphore_mem>>)
    %dma_wait3A_159 = arith.constant 74 : i32
    %dma_wait3A_160 = arith.constant 0 : i32
    %dma_wait3A_161 = tpu.memref_slice %arg6[%dma_wait3A_159, %dma_wait3A_160] : memref<79x128xi32, #tpu.memory_space<vmem>> -> memref<1x128xi32, #tpu.memory_space<vmem>>
    %dma_wait3A_162 = tpu.memref_squeeze %dma_wait3A_161 : memref<1x128xi32, #tpu.memory_space<vmem>> -> memref<128xi32, #tpu.memory_space<vmem>>
    %dma_wait3A_163 = arith.constant 0 : i32
    %dma_wait3A_164 = arith.constant 0 : i32
    %dma_wait3A_165 = tpu.memref_slice %arg2[%dma_wait3A_163, %dma_wait3A_164] : memref<10000x16xf32, #tpu.memory_space<hbm>> -> memref<10000x16xf32, #tpu.memory_space<hbm>>
    tpu.wait_indirect_dma semaphore(%arg26 : memref<!tpu.dma_semaphore, #tpu.memory_space<semaphore_mem>>) src(%dma_wait3A_165 : memref<10000x16xf32, #tpu.memory_space<hbm>>) dst(%arg10 : memref<128x16xf32, #tpu.memory_space<vmem>>)
    %dma_wait3A_166 = arith.constant 74 : i32
    %dma_wait3A_167 = arith.constant 0 : i32
    %dma_wait3A_168 = tpu.memref_slice %arg7[%dma_wait3A_166, %dma_wait3A_167] : memref<79x128xi32, #tpu.memory_space<vmem>> -> memref<1x128xi32, #tpu.memory_space<vmem>>
    %dma_wait3A_169 = tpu.memref_squeeze %dma_wait3A_168 : memref<1x128xi32, #tpu.memory_space<vmem>> -> memref<128xi32, #tpu.memory_space<vmem>>
    %dma_wait3A_170 = arith.constant 0 : i32
    %dma_wait3A_171 = arith.constant 0 : i32
    %dma_wait3A_172 = tpu.memref_slice %arg2[%dma_wait3A_170, %dma_wait3A_171] : memref<10000x16xf32, #tpu.memory_space<hbm>> -> memref<10000x16xf32, #tpu.memory_space<hbm>>
    tpu.wait_indirect_dma semaphore(%arg34 : memref<!tpu.dma_semaphore, #tpu.memory_space<semaphore_mem>>) src(%dma_wait3A_172 : memref<10000x16xf32, #tpu.memory_space<hbm>>) dst(%arg18 : memref<128x16xf32, #tpu.memory_space<vmem>>)
    %scan3A_173 = arith.constant 0 : i32
    %scan3A_174 = arith.constant 128 : i32
    %scan3A_175 = arith.addi %scan3A_173, %scan3A_174 : i32
    %scan3A_176 = arith.constant 8 : i32
    scf.for %scan3A_380 = %scan3A_173 to %scan3A_175 step %scan3A_176  : i32 {
      %mul3A_381 = arith.constant 1 : i32
      %mul3A_382 = arith.muli %scan3A_380, %mul3A_381 : i32
      %add3A_383 = arith.constant 0 : i32
      %add3A_384 = arith.addi %add3A_383, %mul3A_382 : i32
      %get3A = arith.index_cast %add3A_384 : i32 to index
      %get3A_385 = arith.constant 0 : index
      %get3A_386 = tpu.vector_load %arg10[%get3A, %get3A_385] {strides = array<i32>} : memref<128x16xf32, #tpu.memory_space<vmem>>, vector<1x16xf32>,
      %get3A_387 = vector.shape_cast %get3A_386 : vector<1x16xf32> to vector<16xf32>
      %get3A_388 = arith.index_cast %add3A_384 : i32 to index
      %get3A_389 = arith.constant 0 : index
      %get3A_390 = tpu.vector_load %arg18[%get3A_388, %get3A_389] {strides = array<i32>} : memref<128x16xf32, #tpu.memory_space<vmem>>, vector<1x16xf32>,
      %get3A_391 = vector.shape_cast %get3A_390 : vector<1x16xf32> to vector<16xf32>
      %mul3A_392 = arith.mulf %get3A_387, %get3A_391 : vector<16xf32>
      %swap3A = arith.index_cast %add3A_384 : i32 to index
      %swap3A_393 = arith.constant 0 : index
      %swap3A_394 = tpu.vector_load %arg10[%swap3A, %swap3A_393] {strides = array<i32>} : memref<128x16xf32, #tpu.memory_space<vmem>>, vector<1x16xf32>,
      %swap3A_395 = vector.shape_cast %swap3A_394 : vector<1x16xf32> to vector<16xf32>
      %swap3A_396 = vector.shape_cast %mul3A_392 : vector<16xf32> to vector<1x16xf32>
      tpu.vector_store %arg10[%swap3A, %swap3A_393], %swap3A_396 {strides = array<i32>} : memref<128x16xf32, #tpu.memory_space<vmem>>, vector<1x16xf32>,
      %scan3A_397 = arith.constant 1 : i32
      %scan3A_398 = arith.addi %scan3A_380, %scan3A_397 : i32
      %mul3A_399 = arith.constant 1 : i32
      %mul3A_400 = arith.muli %scan3A_398, %mul3A_399 : i32
      %add3A_401 = arith.constant 0 : i32
      %add3A_402 = arith.addi %add3A_401, %mul3A_400 : i32
      %get3A_403 = arith.index_cast %add3A_402 : i32 to index
      %get3A_404 = arith.constant 0 : index
      %get3A_405 = tpu.vector_load %arg10[%get3A_403, %get3A_404] {strides = array<i32>} : memref<128x16xf32, #tpu.memory_space<vmem>>, vector<1x16xf32>,
      %get3A_406 = vector.shape_cast %get3A_405 : vector<1x16xf32> to vector<16xf32>
      %get3A_407 = arith.index_cast %add3A_402 : i32 to index
      %get3A_408 = arith.constant 0 : index
      %get3A_409 = tpu.vector_load %arg18[%get3A_407, %get3A_408] {strides = array<i32>} : memref<128x16xf32, #tpu.memory_space<vmem>>, vector<1x16xf32>,
      %get3A_410 = vector.shape_cast %get3A_409 : vector<1x16xf32> to vector<16xf32>
      %mul3A_411 = arith.mulf %get3A_406, %get3A_410 : vector<16xf32>
      %swap3A_412 = arith.index_cast %add3A_402 : i32 to index
      %swap3A_413 = arith.constant 0 : index
      %swap3A_414 = tpu.vector_load %arg10[%swap3A_412, %swap3A_413] {strides = array<i32>} : memref<128x16xf32, #tpu.memory_space<vmem>>, vector<1x16xf32>,
      %swap3A_415 = vector.shape_cast %swap3A_414 : vector<1x16xf32> to vector<16xf32>
      %swap3A_416 = vector.shape_cast %mul3A_411 : vector<16xf32> to vector<1x16xf32>
      tpu.vector_store %arg10[%swap3A_412, %swap3A_413], %swap3A_416 {strides = array<i32>} : memref<128x16xf32, #tpu.memory_space<vmem>>, vector<1x16xf32>,
      %scan3A_417 = arith.constant 2 : i32
      %scan3A_418 = arith.addi %scan3A_380, %scan3A_417 : i32
      %mul3A_419 = arith.constant 1 : i32
      %mul3A_420 = arith.muli %scan3A_418, %mul3A_419 : i32
      %add3A_421 = arith.constant 0 : i32
      %add3A_422 = arith.addi %add3A_421, %mul3A_420 : i32
      %get3A_423 = arith.index_cast %add3A_422 : i32 to index
      %get3A_424 = arith.constant 0 : index
      %get3A_425 = tpu.vector_load %arg10[%get3A_423, %get3A_424] {strides = array<i32>} : memref<128x16xf32, #tpu.memory_space<vmem>>, vector<1x16xf32>,
      %get3A_426 = vector.shape_cast %get3A_425 : vector<1x16xf32> to vector<16xf32>
      %get3A_427 = arith.index_cast %add3A_422 : i32 to index
      %get3A_428 = arith.constant 0 : index
      %get3A_429 = tpu.vector_load %arg18[%get3A_427, %get3A_428] {strides = array<i32>} : memref<128x16xf32, #tpu.memory_space<vmem>>, vector<1x16xf32>,
      %get3A_430 = vector.shape_cast %get3A_429 : vector<1x16xf32> to vector<16xf32>
      %mul3A_431 = arith.mulf %get3A_426, %get3A_430 : vector<16xf32>
      %swap3A_432 = arith.index_cast %add3A_422 : i32 to index
      %swap3A_433 = arith.constant 0 : index
      %swap3A_434 = tpu.vector_load %arg10[%swap3A_432, %swap3A_433] {strides = array<i32>} : memref<128x16xf32, #tpu.memory_space<vmem>>, vector<1x16xf32>,
      %swap3A_435 = vector.shape_cast %swap3A_434 : vector<1x16xf32> to vector<16xf32>
      %swap3A_436 = vector.shape_cast %mul3A_431 : vector<16xf32> to vector<1x16xf32>
      tpu.vector_store %arg10[%swap3A_432, %swap3A_433], %swap3A_436 {strides = array<i32>} : memref<128x16xf32, #tpu.memory_space<vmem>>, vector<1x16xf32>,
      %scan3A_437 = arith.constant 3 : i32
      %scan3A_438 = arith.addi %scan3A_380, %scan3A_437 : i32
      %mul3A_439 = arith.constant 1 : i32
      %mul3A_440 = arith.muli %scan3A_438, %mul3A_439 : i32
      %add3A_441 = arith.constant 0 : i32
      %add3A_442 = arith.addi %add3A_441, %mul3A_440 : i32
      %get3A_443 = arith.index_cast %add3A_442 : i32 to index
      %get3A_444 = arith.constant 0 : index
      %get3A_445 = tpu.vector_load %arg10[%get3A_443, %get3A_444] {strides = array<i32>} : memref<128x16xf32, #tpu.memory_space<vmem>>, vector<1x16xf32>,
      %get3A_446 = vector.shape_cast %get3A_445 : vector<1x16xf32> to vector<16xf32>
      %get3A_447 = arith.index_cast %add3A_442 : i32 to index
      %get3A_448 = arith.constant 0 : index
      %get3A_449 = tpu.vector_load %arg18[%get3A_447, %get3A_448] {strides = array<i32>} : memref<128x16xf32, #tpu.memory_space<vmem>>, vector<1x16xf32>,
      %get3A_450 = vector.shape_cast %get3A_449 : vector<1x16xf32> to vector<16xf32>
      %mul3A_451 = arith.mulf %get3A_446, %get3A_450 : vector<16xf32>
      %swap3A_452 = arith.index_cast %add3A_442 : i32 to index
      %swap3A_453 = arith.constant 0 : index
      %swap3A_454 = tpu.vector_load %arg10[%swap3A_452, %swap3A_453] {strides = array<i32>} : memref<128x16xf32, #tpu.memory_space<vmem>>, vector<1x16xf32>,
      %swap3A_455 = vector.shape_cast %swap3A_454 : vector<1x16xf32> to vector<16xf32>
      %swap3A_456 = vector.shape_cast %mul3A_451 : vector<16xf32> to vector<1x16xf32>
      tpu.vector_store %arg10[%swap3A_452, %swap3A_453], %swap3A_456 {strides = array<i32>} : memref<128x16xf32, #tpu.memory_space<vmem>>, vector<1x16xf32>,
      %scan3A_457 = arith.constant 4 : i32
      %scan3A_458 = arith.addi %scan3A_380, %scan3A_457 : i32
      %mul3A_459 = arith.constant 1 : i32
      %mul3A_460 = arith.muli %scan3A_458, %mul3A_459 : i32
      %add3A_461 = arith.constant 0 : i32
      %add3A_462 = arith.addi %add3A_461, %mul3A_460 : i32
      %get3A_463 = arith.index_cast %add3A_462 : i32 to index
      %get3A_464 = arith.constant 0 : index
      %get3A_465 = tpu.vector_load %arg10[%get3A_463, %get3A_464] {strides = array<i32>} : memref<128x16xf32, #tpu.memory_space<vmem>>, vector<1x16xf32>,
      %get3A_466 = vector.shape_cast %get3A_465 : vector<1x16xf32> to vector<16xf32>
      %get3A_467 = arith.index_cast %add3A_462 : i32 to index
      %get3A_468 = arith.constant 0 : index
      %get3A_469 = tpu.vector_load %arg18[%get3A_467, %get3A_468] {strides = array<i32>} : memref<128x16xf32, #tpu.memory_space<vmem>>, vector<1x16xf32>,
      %get3A_470 = vector.shape_cast %get3A_469 : vector<1x16xf32> to vector<16xf32>
      %mul3A_471 = arith.mulf %get3A_466, %get3A_470 : vector<16xf32>
      %swap3A_472 = arith.index_cast %add3A_462 : i32 to index
      %swap3A_473 = arith.constant 0 : index
      %swap3A_474 = tpu.vector_load %arg10[%swap3A_472, %swap3A_473] {strides = array<i32>} : memref<128x16xf32, #tpu.memory_space<vmem>>, vector<1x16xf32>,
      %swap3A_475 = vector.shape_cast %swap3A_474 : vector<1x16xf32> to vector<16xf32>
      %swap3A_476 = vector.shape_cast %mul3A_471 : vector<16xf32> to vector<1x16xf32>
      tpu.vector_store %arg10[%swap3A_472, %swap3A_473], %swap3A_476 {strides = array<i32>} : memref<128x16xf32, #tpu.memory_space<vmem>>, vector<1x16xf32>,
      %scan3A_477 = arith.constant 5 : i32
      %scan3A_478 = arith.addi %scan3A_380, %scan3A_477 : i32
      %mul3A_479 = arith.constant 1 : i32
      %mul3A_480 = arith.muli %scan3A_478, %mul3A_479 : i32
      %add3A_481 = arith.constant 0 : i32
      %add3A_482 = arith.addi %add3A_481, %mul3A_480 : i32
      %get3A_483 = arith.index_cast %add3A_482 : i32 to index
      %get3A_484 = arith.constant 0 : index
      %get3A_485 = tpu.vector_load %arg10[%get3A_483, %get3A_484] {strides = array<i32>} : memref<128x16xf32, #tpu.memory_space<vmem>>, vector<1x16xf32>,
      %get3A_486 = vector.shape_cast %get3A_485 : vector<1x16xf32> to vector<16xf32>
      %get3A_487 = arith.index_cast %add3A_482 : i32 to index
      %get3A_488 = arith.constant 0 : index
      %get3A_489 = tpu.vector_load %arg18[%get3A_487, %get3A_488] {strides = array<i32>} : memref<128x16xf32, #tpu.memory_space<vmem>>, vector<1x16xf32>,
      %get3A_490 = vector.shape_cast %get3A_489 : vector<1x16xf32> to vector<16xf32>
      %mul3A_491 = arith.mulf %get3A_486, %get3A_490 : vector<16xf32>
      %swap3A_492 = arith.index_cast %add3A_482 : i32 to index
      %swap3A_493 = arith.constant 0 : index
      %swap3A_494 = tpu.vector_load %arg10[%swap3A_492, %swap3A_493] {strides = array<i32>} : memref<128x16xf32, #tpu.memory_space<vmem>>, vector<1x16xf32>,
      %swap3A_495 = vector.shape_cast %swap3A_494 : vector<1x16xf32> to vector<16xf32>
      %swap3A_496 = vector.shape_cast %mul3A_491 : vector<16xf32> to vector<1x16xf32>
      tpu.vector_store %arg10[%swap3A_492, %swap3A_493], %swap3A_496 {strides = array<i32>} : memref<128x16xf32, #tpu.memory_space<vmem>>, vector<1x16xf32>,
      %scan3A_497 = arith.constant 6 : i32
      %scan3A_498 = arith.addi %scan3A_380, %scan3A_497 : i32
      %mul3A_499 = arith.constant 1 : i32
      %mul3A_500 = arith.muli %scan3A_498, %mul3A_499 : i32
      %add3A_501 = arith.constant 0 : i32
      %add3A_502 = arith.addi %add3A_501, %mul3A_500 : i32
      %get3A_503 = arith.index_cast %add3A_502 : i32 to index
      %get3A_504 = arith.constant 0 : index
      %get3A_505 = tpu.vector_load %arg10[%get3A_503, %get3A_504] {strides = array<i32>} : memref<128x16xf32, #tpu.memory_space<vmem>>, vector<1x16xf32>,
      %get3A_506 = vector.shape_cast %get3A_505 : vector<1x16xf32> to vector<16xf32>
      %get3A_507 = arith.index_cast %add3A_502 : i32 to index
      %get3A_508 = arith.constant 0 : index
      %get3A_509 = tpu.vector_load %arg18[%get3A_507, %get3A_508] {strides = array<i32>} : memref<128x16xf32, #tpu.memory_space<vmem>>, vector<1x16xf32>,
      %get3A_510 = vector.shape_cast %get3A_509 : vector<1x16xf32> to vector<16xf32>
      %mul3A_511 = arith.mulf %get3A_506, %get3A_510 : vector<16xf32>
      %swap3A_512 = arith.index_cast %add3A_502 : i32 to index
      %swap3A_513 = arith.constant 0 : index
      %swap3A_514 = tpu.vector_load %arg10[%swap3A_512, %swap3A_513] {strides = array<i32>} : memref<128x16xf32, #tpu.memory_space<vmem>>, vector<1x16xf32>,
      %swap3A_515 = vector.shape_cast %swap3A_514 : vector<1x16xf32> to vector<16xf32>
      %swap3A_516 = vector.shape_cast %mul3A_511 : vector<16xf32> to vector<1x16xf32>
      tpu.vector_store %arg10[%swap3A_512, %swap3A_513], %swap3A_516 {strides = array<i32>} : memref<128x16xf32, #tpu.memory_space<vmem>>, vector<1x16xf32>,
      %scan3A_517 = arith.constant 7 : i32
      %scan3A_518 = arith.addi %scan3A_380, %scan3A_517 : i32
      %mul3A_519 = arith.constant 1 : i32
      %mul3A_520 = arith.muli %scan3A_518, %mul3A_519 : i32
      %add3A_521 = arith.constant 0 : i32
      %add3A_522 = arith.addi %add3A_521, %mul3A_520 : i32
      %get3A_523 = arith.index_cast %add3A_522 : i32 to index
      %get3A_524 = arith.constant 0 : index
      %get3A_525 = tpu.vector_load %arg10[%get3A_523, %get3A_524] {strides = array<i32>} : memref<128x16xf32, #tpu.memory_space<vmem>>, vector<1x16xf32>,
      %get3A_526 = vector.shape_cast %get3A_525 : vector<1x16xf32> to vector<16xf32>
      %get3A_527 = arith.index_cast %add3A_522 : i32 to index
      %get3A_528 = arith.constant 0 : index
      %get3A_529 = tpu.vector_load %arg18[%get3A_527, %get3A_528] {strides = array<i32>} : memref<128x16xf32, #tpu.memory_space<vmem>>, vector<1x16xf32>,
      %get3A_530 = vector.shape_cast %get3A_529 : vector<1x16xf32> to vector<16xf32>
      %mul3A_531 = arith.mulf %get3A_526, %get3A_530 : vector<16xf32>
      %swap3A_532 = arith.index_cast %add3A_522 : i32 to index
      %swap3A_533 = arith.constant 0 : index
      %swap3A_534 = tpu.vector_load %arg10[%swap3A_532, %swap3A_533] {strides = array<i32>} : memref<128x16xf32, #tpu.memory_space<vmem>>, vector<1x16xf32>,
      %swap3A_535 = vector.shape_cast %swap3A_534 : vector<1x16xf32> to vector<16xf32>
      %swap3A_536 = vector.shape_cast %mul3A_531 : vector<16xf32> to vector<1x16xf32>
      tpu.vector_store %arg10[%swap3A_532, %swap3A_533], %swap3A_536 {strides = array<i32>} : memref<128x16xf32, #tpu.memory_space<vmem>>, vector<1x16xf32>,
    }
    %scan3A_177 = arith.constant 128 : i32
    %add3A_178 = arith.constant 74 : i32
    %add3A_179 = arith.addi %mul3A_2, %add3A_178 : i32
    %mul3A_180 = arith.constant 128 : i32
    %mul3A_181 = arith.muli %add3A_179, %mul3A_180 : i32
    %dma_start3A_182 = arith.constant 0 : i32
    %dma_start3A_183 = tpu.memref_slice %arg5[%mul3A_181, %dma_start3A_182] : memref<323584x16xf32, #tpu.memory_space<hbm>> -> memref<128x16xf32, #tpu.memory_space<hbm>>
    %dma_start3A_184 = arith.constant 0 : i32
    %dma_start3A_185 = tpu.memref_slice %arg5[%mul3A_181, %dma_start3A_184] : memref<323584x16xf32, #tpu.memory_space<hbm>> -> memref<128x16xf32, #tpu.memory_space<hbm>>
    tpu.enqueue_dma source(%arg10 : memref<128x16xf32, #tpu.memory_space<vmem>>) target(%dma_start3A_185 : memref<128x16xf32, #tpu.memory_space<hbm>>) target_semaphore(%arg42 : memref<!tpu.dma_semaphore, #tpu.memory_space<semaphore_mem>>)
    %add3A_186 = arith.constant 74 : i32
    %add3A_187 = arith.addi %mul3A_2, %add3A_186 : i32
    %mul3A_188 = arith.constant 128 : i32
    %mul3A_189 = arith.muli %add3A_187, %mul3A_188 : i32
    %dma_wait3A_190 = arith.constant 0 : i32
    %dma_wait3A_191 = tpu.memref_slice %arg5[%mul3A_189, %dma_wait3A_190] : memref<323584x16xf32, #tpu.memory_space<hbm>> -> memref<128x16xf32, #tpu.memory_space<hbm>>
    %dma_wait3A_192 = arith.constant 0 : i32
    %dma_wait3A_193 = tpu.memref_slice %arg5[%mul3A_189, %dma_wait3A_192] : memref<323584x16xf32, #tpu.memory_space<hbm>> -> memref<128x16xf32, #tpu.memory_space<hbm>>
    tpu.wait_dma2 semaphore(%arg46 : memref<!tpu.dma_semaphore, #tpu.memory_space<semaphore_mem>>) src(%arg14 : memref<128x16xf32, #tpu.memory_space<vmem>>) dst(%dma_wait3A_193 : memref<128x16xf32, #tpu.memory_space<hbm>>)
    %dma_start3A_194 = arith.constant 78 : i32
    %dma_start3A_195 = arith.constant 0 : i32
    %dma_start3A_196 = tpu.memref_slice %arg6[%dma_start3A_194, %dma_start3A_195] : memref<79x128xi32, #tpu.memory_space<vmem>> -> memref<1x128xi32, #tpu.memory_space<vmem>>
    %dma_start3A_197 = tpu.memref_squeeze %dma_start3A_196 : memref<1x128xi32, #tpu.memory_space<vmem>> -> memref<128xi32, #tpu.memory_space<vmem>>
    %dma_start3A_198 = arith.constant 0 : i32
    %dma_start3A_199 = arith.constant 0 : i32
    %dma_start3A_200 = tpu.memref_slice %arg2[%dma_start3A_198, %dma_start3A_199] : memref<10000x16xf32, #tpu.memory_space<hbm>> -> memref<10000x16xf32, #tpu.memory_space<hbm>>
    tpu.enqueue_indirect_dma source(%dma_start3A_200 : memref<10000x16xf32, #tpu.memory_space<hbm>>) target(%arg14 : memref<128x16xf32, #tpu.memory_space<vmem>>) offsets(%dma_start3A_197 : memref<128xi32, #tpu.memory_space<vmem>>) semaphore(%arg30 : memref<!tpu.dma_semaphore, #tpu.memory_space<semaphore_mem>>)
    %dma_start3A_201 = arith.constant 78 : i32
    %dma_start3A_202 = arith.constant 0 : i32
    %dma_start3A_203 = tpu.memref_slice %arg7[%dma_start3A_201, %dma_start3A_202] : memref<79x128xi32, #tpu.memory_space<vmem>> -> memref<1x128xi32, #tpu.memory_space<vmem>>
    %dma_start3A_204 = tpu.memref_squeeze %dma_start3A_203 : memref<1x128xi32, #tpu.memory_space<vmem>> -> memref<128xi32, #tpu.memory_space<vmem>>
    %dma_start3A_205 = arith.constant 0 : i32
    %dma_start3A_206 = arith.constant 0 : i32
    %dma_start3A_207 = tpu.memref_slice %arg2[%dma_start3A_205, %dma_start3A_206] : memref<10000x16xf32, #tpu.memory_space<hbm>> -> memref<10000x16xf32, #tpu.memory_space<hbm>>
    tpu.enqueue_indirect_dma source(%dma_start3A_207 : memref<10000x16xf32, #tpu.memory_space<hbm>>) target(%arg22 : memref<128x16xf32, #tpu.memory_space<vmem>>) offsets(%dma_start3A_204 : memref<128xi32, #tpu.memory_space<vmem>>) semaphore(%arg38 : memref<!tpu.dma_semaphore, #tpu.memory_space<semaphore_mem>>)
    %dma_wait3A_208 = arith.constant 75 : i32
    %dma_wait3A_209 = arith.constant 0 : i32
    %dma_wait3A_210 = tpu.memref_slice %arg6[%dma_wait3A_208, %dma_wait3A_209] : memref<79x128xi32, #tpu.memory_space<vmem>> -> memref<1x128xi32, #tpu.memory_space<vmem>>
    %dma_wait3A_211 = tpu.memref_squeeze %dma_wait3A_210 : memref<1x128xi32, #tpu.memory_space<vmem>> -> memref<128xi32, #tpu.memory_space<vmem>>
    %dma_wait3A_212 = arith.constant 0 : i32
    %dma_wait3A_213 = arith.constant 0 : i32
    %dma_wait3A_214 = tpu.memref_slice %arg2[%dma_wait3A_212, %dma_wait3A_213] : memref<10000x16xf32, #tpu.memory_space<hbm>> -> memref<10000x16xf32, #tpu.memory_space<hbm>>
    tpu.wait_indirect_dma semaphore(%arg27 : memref<!tpu.dma_semaphore, #tpu.memory_space<semaphore_mem>>) src(%dma_wait3A_214 : memref<10000x16xf32, #tpu.memory_space<hbm>>) dst(%arg11 : memref<128x16xf32, #tpu.memory_space<vmem>>)
    %dma_wait3A_215 = arith.constant 75 : i32
    %dma_wait3A_216 = arith.constant 0 : i32
    %dma_wait3A_217 = tpu.memref_slice %arg7[%dma_wait3A_215, %dma_wait3A_216] : memref<79x128xi32, #tpu.memory_space<vmem>> -> memref<1x128xi32, #tpu.memory_space<vmem>>
    %dma_wait3A_218 = tpu.memref_squeeze %dma_wait3A_217 : memref<1x128xi32, #tpu.memory_space<vmem>> -> memref<128xi32, #tpu.memory_space<vmem>>
    %dma_wait3A_219 = arith.constant 0 : i32
    %dma_wait3A_220 = arith.constant 0 : i32
    %dma_wait3A_221 = tpu.memref_slice %arg2[%dma_wait3A_219, %dma_wait3A_220] : memref<10000x16xf32, #tpu.memory_space<hbm>> -> memref<10000x16xf32, #tpu.memory_space<hbm>>
    tpu.wait_indirect_dma semaphore(%arg35 : memref<!tpu.dma_semaphore, #tpu.memory_space<semaphore_mem>>) src(%dma_wait3A_221 : memref<10000x16xf32, #tpu.memory_space<hbm>>) dst(%arg19 : memref<128x16xf32, #tpu.memory_space<vmem>>)
    %scan3A_222 = arith.constant 0 : i32
    %scan3A_223 = arith.constant 128 : i32
    %scan3A_224 = arith.addi %scan3A_222, %scan3A_223 : i32
    %scan3A_225 = arith.constant 8 : i32
    scf.for %scan3A_380 = %scan3A_222 to %scan3A_224 step %scan3A_225  : i32 {
      %mul3A_381 = arith.constant 1 : i32
      %mul3A_382 = arith.muli %scan3A_380, %mul3A_381 : i32
      %add3A_383 = arith.constant 0 : i32
      %add3A_384 = arith.addi %add3A_383, %mul3A_382 : i32
      %get3A = arith.index_cast %add3A_384 : i32 to index
      %get3A_385 = arith.constant 0 : index
      %get3A_386 = tpu.vector_load %arg11[%get3A, %get3A_385] {strides = array<i32>} : memref<128x16xf32, #tpu.memory_space<vmem>>, vector<1x16xf32>,
      %get3A_387 = vector.shape_cast %get3A_386 : vector<1x16xf32> to vector<16xf32>
      %get3A_388 = arith.index_cast %add3A_384 : i32 to index
      %get3A_389 = arith.constant 0 : index
      %get3A_390 = tpu.vector_load %arg19[%get3A_388, %get3A_389] {strides = array<i32>} : memref<128x16xf32, #tpu.memory_space<vmem>>, vector<1x16xf32>,
      %get3A_391 = vector.shape_cast %get3A_390 : vector<1x16xf32> to vector<16xf32>
      %mul3A_392 = arith.mulf %get3A_387, %get3A_391 : vector<16xf32>
      %swap3A = arith.index_cast %add3A_384 : i32 to index
      %swap3A_393 = arith.constant 0 : index
      %swap3A_394 = tpu.vector_load %arg11[%swap3A, %swap3A_393] {strides = array<i32>} : memref<128x16xf32, #tpu.memory_space<vmem>>, vector<1x16xf32>,
      %swap3A_395 = vector.shape_cast %swap3A_394 : vector<1x16xf32> to vector<16xf32>
      %swap3A_396 = vector.shape_cast %mul3A_392 : vector<16xf32> to vector<1x16xf32>
      tpu.vector_store %arg11[%swap3A, %swap3A_393], %swap3A_396 {strides = array<i32>} : memref<128x16xf32, #tpu.memory_space<vmem>>, vector<1x16xf32>,
      %scan3A_397 = arith.constant 1 : i32
      %scan3A_398 = arith.addi %scan3A_380, %scan3A_397 : i32
      %mul3A_399 = arith.constant 1 : i32
      %mul3A_400 = arith.muli %scan3A_398, %mul3A_399 : i32
      %add3A_401 = arith.constant 0 : i32
      %add3A_402 = arith.addi %add3A_401, %mul3A_400 : i32
      %get3A_403 = arith.index_cast %add3A_402 : i32 to index
      %get3A_404 = arith.constant 0 : index
      %get3A_405 = tpu.vector_load %arg11[%get3A_403, %get3A_404] {strides = array<i32>} : memref<128x16xf32, #tpu.memory_space<vmem>>, vector<1x16xf32>,
      %get3A_406 = vector.shape_cast %get3A_405 : vector<1x16xf32> to vector<16xf32>
      %get3A_407 = arith.index_cast %add3A_402 : i32 to index
      %get3A_408 = arith.constant 0 : index
      %get3A_409 = tpu.vector_load %arg19[%get3A_407, %get3A_408] {strides = array<i32>} : memref<128x16xf32, #tpu.memory_space<vmem>>, vector<1x16xf32>,
      %get3A_410 = vector.shape_cast %get3A_409 : vector<1x16xf32> to vector<16xf32>
      %mul3A_411 = arith.mulf %get3A_406, %get3A_410 : vector<16xf32>
      %swap3A_412 = arith.index_cast %add3A_402 : i32 to index
      %swap3A_413 = arith.constant 0 : index
      %swap3A_414 = tpu.vector_load %arg11[%swap3A_412, %swap3A_413] {strides = array<i32>} : memref<128x16xf32, #tpu.memory_space<vmem>>, vector<1x16xf32>,
      %swap3A_415 = vector.shape_cast %swap3A_414 : vector<1x16xf32> to vector<16xf32>
      %swap3A_416 = vector.shape_cast %mul3A_411 : vector<16xf32> to vector<1x16xf32>
      tpu.vector_store %arg11[%swap3A_412, %swap3A_413], %swap3A_416 {strides = array<i32>} : memref<128x16xf32, #tpu.memory_space<vmem>>, vector<1x16xf32>,
      %scan3A_417 = arith.constant 2 : i32
      %scan3A_418 = arith.addi %scan3A_380, %scan3A_417 : i32
      %mul3A_419 = arith.constant 1 : i32
      %mul3A_420 = arith.muli %scan3A_418, %mul3A_419 : i32
      %add3A_421 = arith.constant 0 : i32
      %add3A_422 = arith.addi %add3A_421, %mul3A_420 : i32
      %get3A_423 = arith.index_cast %add3A_422 : i32 to index
      %get3A_424 = arith.constant 0 : index
      %get3A_425 = tpu.vector_load %arg11[%get3A_423, %get3A_424] {strides = array<i32>} : memref<128x16xf32, #tpu.memory_space<vmem>>, vector<1x16xf32>,
      %get3A_426 = vector.shape_cast %get3A_425 : vector<1x16xf32> to vector<16xf32>
      %get3A_427 = arith.index_cast %add3A_422 : i32 to index
      %get3A_428 = arith.constant 0 : index
      %get3A_429 = tpu.vector_load %arg19[%get3A_427, %get3A_428] {strides = array<i32>} : memref<128x16xf32, #tpu.memory_space<vmem>>, vector<1x16xf32>,
      %get3A_430 = vector.shape_cast %get3A_429 : vector<1x16xf32> to vector<16xf32>
      %mul3A_431 = arith.mulf %get3A_426, %get3A_430 : vector<16xf32>
      %swap3A_432 = arith.index_cast %add3A_422 : i32 to index
      %swap3A_433 = arith.constant 0 : index
      %swap3A_434 = tpu.vector_load %arg11[%swap3A_432, %swap3A_433] {strides = array<i32>} : memref<128x16xf32, #tpu.memory_space<vmem>>, vector<1x16xf32>,
      %swap3A_435 = vector.shape_cast %swap3A_434 : vector<1x16xf32> to vector<16xf32>
      %swap3A_436 = vector.shape_cast %mul3A_431 : vector<16xf32> to vector<1x16xf32>
      tpu.vector_store %arg11[%swap3A_432, %swap3A_433], %swap3A_436 {strides = array<i32>} : memref<128x16xf32, #tpu.memory_space<vmem>>, vector<1x16xf32>,
      %scan3A_437 = arith.constant 3 : i32
      %scan3A_438 = arith.addi %scan3A_380, %scan3A_437 : i32
      %mul3A_439 = arith.constant 1 : i32
      %mul3A_440 = arith.muli %scan3A_438, %mul3A_439 : i32
      %add3A_441 = arith.constant 0 : i32
      %add3A_442 = arith.addi %add3A_441, %mul3A_440 : i32
      %get3A_443 = arith.index_cast %add3A_442 : i32 to index
      %get3A_444 = arith.constant 0 : index
      %get3A_445 = tpu.vector_load %arg11[%get3A_443, %get3A_444] {strides = array<i32>} : memref<128x16xf32, #tpu.memory_space<vmem>>, vector<1x16xf32>,
      %get3A_446 = vector.shape_cast %get3A_445 : vector<1x16xf32> to vector<16xf32>
      %get3A_447 = arith.index_cast %add3A_442 : i32 to index
      %get3A_448 = arith.constant 0 : index
      %get3A_449 = tpu.vector_load %arg19[%get3A_447, %get3A_448] {strides = array<i32>} : memref<128x16xf32, #tpu.memory_space<vmem>>, vector<1x16xf32>,
      %get3A_450 = vector.shape_cast %get3A_449 : vector<1x16xf32> to vector<16xf32>
      %mul3A_451 = arith.mulf %get3A_446, %get3A_450 : vector<16xf32>
      %swap3A_452 = arith.index_cast %add3A_442 : i32 to index
      %swap3A_453 = arith.constant 0 : index
      %swap3A_454 = tpu.vector_load %arg11[%swap3A_452, %swap3A_453] {strides = array<i32>} : memref<128x16xf32, #tpu.memory_space<vmem>>, vector<1x16xf32>,
      %swap3A_455 = vector.shape_cast %swap3A_454 : vector<1x16xf32> to vector<16xf32>
      %swap3A_456 = vector.shape_cast %mul3A_451 : vector<16xf32> to vector<1x16xf32>
      tpu.vector_store %arg11[%swap3A_452, %swap3A_453], %swap3A_456 {strides = array<i32>} : memref<128x16xf32, #tpu.memory_space<vmem>>, vector<1x16xf32>,
      %scan3A_457 = arith.constant 4 : i32
      %scan3A_458 = arith.addi %scan3A_380, %scan3A_457 : i32
      %mul3A_459 = arith.constant 1 : i32
      %mul3A_460 = arith.muli %scan3A_458, %mul3A_459 : i32
      %add3A_461 = arith.constant 0 : i32
      %add3A_462 = arith.addi %add3A_461, %mul3A_460 : i32
      %get3A_463 = arith.index_cast %add3A_462 : i32 to index
      %get3A_464 = arith.constant 0 : index
      %get3A_465 = tpu.vector_load %arg11[%get3A_463, %get3A_464] {strides = array<i32>} : memref<128x16xf32, #tpu.memory_space<vmem>>, vector<1x16xf32>,
      %get3A_466 = vector.shape_cast %get3A_465 : vector<1x16xf32> to vector<16xf32>
      %get3A_467 = arith.index_cast %add3A_462 : i32 to index
      %get3A_468 = arith.constant 0 : index
      %get3A_469 = tpu.vector_load %arg19[%get3A_467, %get3A_468] {strides = array<i32>} : memref<128x16xf32, #tpu.memory_space<vmem>>, vector<1x16xf32>,
      %get3A_470 = vector.shape_cast %get3A_469 : vector<1x16xf32> to vector<16xf32>
      %mul3A_471 = arith.mulf %get3A_466, %get3A_470 : vector<16xf32>
      %swap3A_472 = arith.index_cast %add3A_462 : i32 to index
      %swap3A_473 = arith.constant 0 : index
      %swap3A_474 = tpu.vector_load %arg11[%swap3A_472, %swap3A_473] {strides = array<i32>} : memref<128x16xf32, #tpu.memory_space<vmem>>, vector<1x16xf32>,
      %swap3A_475 = vector.shape_cast %swap3A_474 : vector<1x16xf32> to vector<16xf32>
      %swap3A_476 = vector.shape_cast %mul3A_471 : vector<16xf32> to vector<1x16xf32>
      tpu.vector_store %arg11[%swap3A_472, %swap3A_473], %swap3A_476 {strides = array<i32>} : memref<128x16xf32, #tpu.memory_space<vmem>>, vector<1x16xf32>,
      %scan3A_477 = arith.constant 5 : i32
      %scan3A_478 = arith.addi %scan3A_380, %scan3A_477 : i32
      %mul3A_479 = arith.constant 1 : i32
      %mul3A_480 = arith.muli %scan3A_478, %mul3A_479 : i32
      %add3A_481 = arith.constant 0 : i32
      %add3A_482 = arith.addi %add3A_481, %mul3A_480 : i32
      %get3A_483 = arith.index_cast %add3A_482 : i32 to index
      %get3A_484 = arith.constant 0 : index
      %get3A_485 = tpu.vector_load %arg11[%get3A_483, %get3A_484] {strides = array<i32>} : memref<128x16xf32, #tpu.memory_space<vmem>>, vector<1x16xf32>,
      %get3A_486 = vector.shape_cast %get3A_485 : vector<1x16xf32> to vector<16xf32>
      %get3A_487 = arith.index_cast %add3A_482 : i32 to index
      %get3A_488 = arith.constant 0 : index
      %get3A_489 = tpu.vector_load %arg19[%get3A_487, %get3A_488] {strides = array<i32>} : memref<128x16xf32, #tpu.memory_space<vmem>>, vector<1x16xf32>,
      %get3A_490 = vector.shape_cast %get3A_489 : vector<1x16xf32> to vector<16xf32>
      %mul3A_491 = arith.mulf %get3A_486, %get3A_490 : vector<16xf32>
      %swap3A_492 = arith.index_cast %add3A_482 : i32 to index
      %swap3A_493 = arith.constant 0 : index
      %swap3A_494 = tpu.vector_load %arg11[%swap3A_492, %swap3A_493] {strides = array<i32>} : memref<128x16xf32, #tpu.memory_space<vmem>>, vector<1x16xf32>,
      %swap3A_495 = vector.shape_cast %swap3A_494 : vector<1x16xf32> to vector<16xf32>
      %swap3A_496 = vector.shape_cast %mul3A_491 : vector<16xf32> to vector<1x16xf32>
      tpu.vector_store %arg11[%swap3A_492, %swap3A_493], %swap3A_496 {strides = array<i32>} : memref<128x16xf32, #tpu.memory_space<vmem>>, vector<1x16xf32>,
      %scan3A_497 = arith.constant 6 : i32
      %scan3A_498 = arith.addi %scan3A_380, %scan3A_497 : i32
      %mul3A_499 = arith.constant 1 : i32
      %mul3A_500 = arith.muli %scan3A_498, %mul3A_499 : i32
      %add3A_501 = arith.constant 0 : i32
      %add3A_502 = arith.addi %add3A_501, %mul3A_500 : i32
      %get3A_503 = arith.index_cast %add3A_502 : i32 to index
      %get3A_504 = arith.constant 0 : index
      %get3A_505 = tpu.vector_load %arg11[%get3A_503, %get3A_504] {strides = array<i32>} : memref<128x16xf32, #tpu.memory_space<vmem>>, vector<1x16xf32>,
      %get3A_506 = vector.shape_cast %get3A_505 : vector<1x16xf32> to vector<16xf32>
      %get3A_507 = arith.index_cast %add3A_502 : i32 to index
      %get3A_508 = arith.constant 0 : index
      %get3A_509 = tpu.vector_load %arg19[%get3A_507, %get3A_508] {strides = array<i32>} : memref<128x16xf32, #tpu.memory_space<vmem>>, vector<1x16xf32>,
      %get3A_510 = vector.shape_cast %get3A_509 : vector<1x16xf32> to vector<16xf32>
      %mul3A_511 = arith.mulf %get3A_506, %get3A_510 : vector<16xf32>
      %swap3A_512 = arith.index_cast %add3A_502 : i32 to index
      %swap3A_513 = arith.constant 0 : index
      %swap3A_514 = tpu.vector_load %arg11[%swap3A_512, %swap3A_513] {strides = array<i32>} : memref<128x16xf32, #tpu.memory_space<vmem>>, vector<1x16xf32>,
      %swap3A_515 = vector.shape_cast %swap3A_514 : vector<1x16xf32> to vector<16xf32>
      %swap3A_516 = vector.shape_cast %mul3A_511 : vector<16xf32> to vector<1x16xf32>
      tpu.vector_store %arg11[%swap3A_512, %swap3A_513], %swap3A_516 {strides = array<i32>} : memref<128x16xf32, #tpu.memory_space<vmem>>, vector<1x16xf32>,
      %scan3A_517 = arith.constant 7 : i32
      %scan3A_518 = arith.addi %scan3A_380, %scan3A_517 : i32
      %mul3A_519 = arith.constant 1 : i32
      %mul3A_520 = arith.muli %scan3A_518, %mul3A_519 : i32
      %add3A_521 = arith.constant 0 : i32
      %add3A_522 = arith.addi %add3A_521, %mul3A_520 : i32
      %get3A_523 = arith.index_cast %add3A_522 : i32 to index
      %get3A_524 = arith.constant 0 : index
      %get3A_525 = tpu.vector_load %arg11[%get3A_523, %get3A_524] {strides = array<i32>} : memref<128x16xf32, #tpu.memory_space<vmem>>, vector<1x16xf32>,
      %get3A_526 = vector.shape_cast %get3A_525 : vector<1x16xf32> to vector<16xf32>
      %get3A_527 = arith.index_cast %add3A_522 : i32 to index
      %get3A_528 = arith.constant 0 : index
      %get3A_529 = tpu.vector_load %arg19[%get3A_527, %get3A_528] {strides = array<i32>} : memref<128x16xf32, #tpu.memory_space<vmem>>, vector<1x16xf32>,
      %get3A_530 = vector.shape_cast %get3A_529 : vector<1x16xf32> to vector<16xf32>
      %mul3A_531 = arith.mulf %get3A_526, %get3A_530 : vector<16xf32>
      %swap3A_532 = arith.index_cast %add3A_522 : i32 to index
      %swap3A_533 = arith.constant 0 : index
      %swap3A_534 = tpu.vector_load %arg11[%swap3A_532, %swap3A_533] {strides = array<i32>} : memref<128x16xf32, #tpu.memory_space<vmem>>, vector<1x16xf32>,
      %swap3A_535 = vector.shape_cast %swap3A_534 : vector<1x16xf32> to vector<16xf32>
      %swap3A_536 = vector.shape_cast %mul3A_531 : vector<16xf32> to vector<1x16xf32>
      tpu.vector_store %arg11[%swap3A_532, %swap3A_533], %swap3A_536 {strides = array<i32>} : memref<128x16xf32, #tpu.memory_space<vmem>>, vector<1x16xf32>,
    }
    %scan3A_226 = arith.constant 128 : i32
    %add3A_227 = arith.constant 75 : i32
    %add3A_228 = arith.addi %mul3A_2, %add3A_227 : i32
    %mul3A_229 = arith.constant 128 : i32
    %mul3A_230 = arith.muli %add3A_228, %mul3A_229 : i32
    %dma_start3A_231 = arith.constant 0 : i32
    %dma_start3A_232 = tpu.memref_slice %arg5[%mul3A_230, %dma_start3A_231] : memref<323584x16xf32, #tpu.memory_space<hbm>> -> memref<128x16xf32, #tpu.memory_space<hbm>>
    %dma_start3A_233 = arith.constant 0 : i32
    %dma_start3A_234 = tpu.memref_slice %arg5[%mul3A_230, %dma_start3A_233] : memref<323584x16xf32, #tpu.memory_space<hbm>> -> memref<128x16xf32, #tpu.memory_space<hbm>>
    tpu.enqueue_dma source(%arg11 : memref<128x16xf32, #tpu.memory_space<vmem>>) target(%dma_start3A_234 : memref<128x16xf32, #tpu.memory_space<hbm>>) target_semaphore(%arg43 : memref<!tpu.dma_semaphore, #tpu.memory_space<semaphore_mem>>)
    %add3A_235 = arith.constant 75 : i32
    %add3A_236 = arith.addi %mul3A_2, %add3A_235 : i32
    %mul3A_237 = arith.constant 128 : i32
    %mul3A_238 = arith.muli %add3A_236, %mul3A_237 : i32
    %dma_wait3A_239 = arith.constant 0 : i32
    %dma_wait3A_240 = tpu.memref_slice %arg5[%mul3A_238, %dma_wait3A_239] : memref<323584x16xf32, #tpu.memory_space<hbm>> -> memref<128x16xf32, #tpu.memory_space<hbm>>
    %dma_wait3A_241 = arith.constant 0 : i32
    %dma_wait3A_242 = tpu.memref_slice %arg5[%mul3A_238, %dma_wait3A_241] : memref<323584x16xf32, #tpu.memory_space<hbm>> -> memref<128x16xf32, #tpu.memory_space<hbm>>
    tpu.wait_dma2 semaphore(%arg47 : memref<!tpu.dma_semaphore, #tpu.memory_space<semaphore_mem>>) src(%arg15 : memref<128x16xf32, #tpu.memory_space<vmem>>) dst(%dma_wait3A_242 : memref<128x16xf32, #tpu.memory_space<hbm>>)
    %dma_wait3A_243 = arith.constant 76 : i32
    %dma_wait3A_244 = arith.constant 0 : i32
    %dma_wait3A_245 = tpu.memref_slice %arg6[%dma_wait3A_243, %dma_wait3A_244] : memref<79x128xi32, #tpu.memory_space<vmem>> -> memref<1x128xi32, #tpu.memory_space<vmem>>
    %dma_wait3A_246 = tpu.memref_squeeze %dma_wait3A_245 : memref<1x128xi32, #tpu.memory_space<vmem>> -> memref<128xi32, #tpu.memory_space<vmem>>
    %dma_wait3A_247 = arith.constant 0 : i32
    %dma_wait3A_248 = arith.constant 0 : i32
    %dma_wait3A_249 = tpu.memref_slice %arg2[%dma_wait3A_247, %dma_wait3A_248] : memref<10000x16xf32, #tpu.memory_space<hbm>> -> memref<10000x16xf32, #tpu.memory_space<hbm>>
    tpu.wait_indirect_dma semaphore(%arg28 : memref<!tpu.dma_semaphore, #tpu.memory_space<semaphore_mem>>) src(%dma_wait3A_249 : memref<10000x16xf32, #tpu.memory_space<hbm>>) dst(%arg12 : memref<128x16xf32, #tpu.memory_space<vmem>>)
    %dma_wait3A_250 = arith.constant 76 : i32
    %dma_wait3A_251 = arith.constant 0 : i32
    %dma_wait3A_252 = tpu.memref_slice %arg7[%dma_wait3A_250, %dma_wait3A_251] : memref<79x128xi32, #tpu.memory_space<vmem>> -> memref<1x128xi32, #tpu.memory_space<vmem>>
    %dma_wait3A_253 = tpu.memref_squeeze %dma_wait3A_252 : memref<1x128xi32, #tpu.memory_space<vmem>> -> memref<128xi32, #tpu.memory_space<vmem>>
    %dma_wait3A_254 = arith.constant 0 : i32
    %dma_wait3A_255 = arith.constant 0 : i32
    %dma_wait3A_256 = tpu.memref_slice %arg2[%dma_wait3A_254, %dma_wait3A_255] : memref<10000x16xf32, #tpu.memory_space<hbm>> -> memref<10000x16xf32, #tpu.memory_space<hbm>>
    tpu.wait_indirect_dma semaphore(%arg36 : memref<!tpu.dma_semaphore, #tpu.memory_space<semaphore_mem>>) src(%dma_wait3A_256 : memref<10000x16xf32, #tpu.memory_space<hbm>>) dst(%arg20 : memref<128x16xf32, #tpu.memory_space<vmem>>)
    %scan3A_257 = arith.constant 0 : i32
    %scan3A_258 = arith.constant 128 : i32
    %scan3A_259 = arith.addi %scan3A_257, %scan3A_258 : i32
    %scan3A_260 = arith.constant 8 : i32
    scf.for %scan3A_380 = %scan3A_257 to %scan3A_259 step %scan3A_260  : i32 {
      %mul3A_381 = arith.constant 1 : i32
      %mul3A_382 = arith.muli %scan3A_380, %mul3A_381 : i32
      %add3A_383 = arith.constant 0 : i32
      %add3A_384 = arith.addi %add3A_383, %mul3A_382 : i32
      %get3A = arith.index_cast %add3A_384 : i32 to index
      %get3A_385 = arith.constant 0 : index
      %get3A_386 = tpu.vector_load %arg12[%get3A, %get3A_385] {strides = array<i32>} : memref<128x16xf32, #tpu.memory_space<vmem>>, vector<1x16xf32>,
      %get3A_387 = vector.shape_cast %get3A_386 : vector<1x16xf32> to vector<16xf32>
      %get3A_388 = arith.index_cast %add3A_384 : i32 to index
      %get3A_389 = arith.constant 0 : index
      %get3A_390 = tpu.vector_load %arg20[%get3A_388, %get3A_389] {strides = array<i32>} : memref<128x16xf32, #tpu.memory_space<vmem>>, vector<1x16xf32>,
      %get3A_391 = vector.shape_cast %get3A_390 : vector<1x16xf32> to vector<16xf32>
      %mul3A_392 = arith.mulf %get3A_387, %get3A_391 : vector<16xf32>
      %swap3A = arith.index_cast %add3A_384 : i32 to index
      %swap3A_393 = arith.constant 0 : index
      %swap3A_394 = tpu.vector_load %arg12[%swap3A, %swap3A_393] {strides = array<i32>} : memref<128x16xf32, #tpu.memory_space<vmem>>, vector<1x16xf32>,
      %swap3A_395 = vector.shape_cast %swap3A_394 : vector<1x16xf32> to vector<16xf32>
      %swap3A_396 = vector.shape_cast %mul3A_392 : vector<16xf32> to vector<1x16xf32>
      tpu.vector_store %arg12[%swap3A, %swap3A_393], %swap3A_396 {strides = array<i32>} : memref<128x16xf32, #tpu.memory_space<vmem>>, vector<1x16xf32>,
      %scan3A_397 = arith.constant 1 : i32
      %scan3A_398 = arith.addi %scan3A_380, %scan3A_397 : i32
      %mul3A_399 = arith.constant 1 : i32
      %mul3A_400 = arith.muli %scan3A_398, %mul3A_399 : i32
      %add3A_401 = arith.constant 0 : i32
      %add3A_402 = arith.addi %add3A_401, %mul3A_400 : i32
      %get3A_403 = arith.index_cast %add3A_402 : i32 to index
      %get3A_404 = arith.constant 0 : index
      %get3A_405 = tpu.vector_load %arg12[%get3A_403, %get3A_404] {strides = array<i32>} : memref<128x16xf32, #tpu.memory_space<vmem>>, vector<1x16xf32>,
      %get3A_406 = vector.shape_cast %get3A_405 : vector<1x16xf32> to vector<16xf32>
      %get3A_407 = arith.index_cast %add3A_402 : i32 to index
      %get3A_408 = arith.constant 0 : index
      %get3A_409 = tpu.vector_load %arg20[%get3A_407, %get3A_408] {strides = array<i32>} : memref<128x16xf32, #tpu.memory_space<vmem>>, vector<1x16xf32>,
      %get3A_410 = vector.shape_cast %get3A_409 : vector<1x16xf32> to vector<16xf32>
      %mul3A_411 = arith.mulf %get3A_406, %get3A_410 : vector<16xf32>
      %swap3A_412 = arith.index_cast %add3A_402 : i32 to index
      %swap3A_413 = arith.constant 0 : index
      %swap3A_414 = tpu.vector_load %arg12[%swap3A_412, %swap3A_413] {strides = array<i32>} : memref<128x16xf32, #tpu.memory_space<vmem>>, vector<1x16xf32>,
      %swap3A_415 = vector.shape_cast %swap3A_414 : vector<1x16xf32> to vector<16xf32>
      %swap3A_416 = vector.shape_cast %mul3A_411 : vector<16xf32> to vector<1x16xf32>
      tpu.vector_store %arg12[%swap3A_412, %swap3A_413], %swap3A_416 {strides = array<i32>} : memref<128x16xf32, #tpu.memory_space<vmem>>, vector<1x16xf32>,
      %scan3A_417 = arith.constant 2 : i32
      %scan3A_418 = arith.addi %scan3A_380, %scan3A_417 : i32
      %mul3A_419 = arith.constant 1 : i32
      %mul3A_420 = arith.muli %scan3A_418, %mul3A_419 : i32
      %add3A_421 = arith.constant 0 : i32
      %add3A_422 = arith.addi %add3A_421, %mul3A_420 : i32
      %get3A_423 = arith.index_cast %add3A_422 : i32 to index
      %get3A_424 = arith.constant 0 : index
      %get3A_425 = tpu.vector_load %arg12[%get3A_423, %get3A_424] {strides = array<i32>} : memref<128x16xf32, #tpu.memory_space<vmem>>, vector<1x16xf32>,
      %get3A_426 = vector.shape_cast %get3A_425 : vector<1x16xf32> to vector<16xf32>
      %get3A_427 = arith.index_cast %add3A_422 : i32 to index
      %get3A_428 = arith.constant 0 : index
      %get3A_429 = tpu.vector_load %arg20[%get3A_427, %get3A_428] {strides = array<i32>} : memref<128x16xf32, #tpu.memory_space<vmem>>, vector<1x16xf32>,
      %get3A_430 = vector.shape_cast %get3A_429 : vector<1x16xf32> to vector<16xf32>
      %mul3A_431 = arith.mulf %get3A_426, %get3A_430 : vector<16xf32>
      %swap3A_432 = arith.index_cast %add3A_422 : i32 to index
      %swap3A_433 = arith.constant 0 : index
      %swap3A_434 = tpu.vector_load %arg12[%swap3A_432, %swap3A_433] {strides = array<i32>} : memref<128x16xf32, #tpu.memory_space<vmem>>, vector<1x16xf32>,
      %swap3A_435 = vector.shape_cast %swap3A_434 : vector<1x16xf32> to vector<16xf32>
      %swap3A_436 = vector.shape_cast %mul3A_431 : vector<16xf32> to vector<1x16xf32>
      tpu.vector_store %arg12[%swap3A_432, %swap3A_433], %swap3A_436 {strides = array<i32>} : memref<128x16xf32, #tpu.memory_space<vmem>>, vector<1x16xf32>,
      %scan3A_437 = arith.constant 3 : i32
      %scan3A_438 = arith.addi %scan3A_380, %scan3A_437 : i32
      %mul3A_439 = arith.constant 1 : i32
      %mul3A_440 = arith.muli %scan3A_438, %mul3A_439 : i32
      %add3A_441 = arith.constant 0 : i32
      %add3A_442 = arith.addi %add3A_441, %mul3A_440 : i32
      %get3A_443 = arith.index_cast %add3A_442 : i32 to index
      %get3A_444 = arith.constant 0 : index
      %get3A_445 = tpu.vector_load %arg12[%get3A_443, %get3A_444] {strides = array<i32>} : memref<128x16xf32, #tpu.memory_space<vmem>>, vector<1x16xf32>,
      %get3A_446 = vector.shape_cast %get3A_445 : vector<1x16xf32> to vector<16xf32>
      %get3A_447 = arith.index_cast %add3A_442 : i32 to index
      %get3A_448 = arith.constant 0 : index
      %get3A_449 = tpu.vector_load %arg20[%get3A_447, %get3A_448] {strides = array<i32>} : memref<128x16xf32, #tpu.memory_space<vmem>>, vector<1x16xf32>,
      %get3A_450 = vector.shape_cast %get3A_449 : vector<1x16xf32> to vector<16xf32>
      %mul3A_451 = arith.mulf %get3A_446, %get3A_450 : vector<16xf32>
      %swap3A_452 = arith.index_cast %add3A_442 : i32 to index
      %swap3A_453 = arith.constant 0 : index
      %swap3A_454 = tpu.vector_load %arg12[%swap3A_452, %swap3A_453] {strides = array<i32>} : memref<128x16xf32, #tpu.memory_space<vmem>>, vector<1x16xf32>,
      %swap3A_455 = vector.shape_cast %swap3A_454 : vector<1x16xf32> to vector<16xf32>
      %swap3A_456 = vector.shape_cast %mul3A_451 : vector<16xf32> to vector<1x16xf32>
      tpu.vector_store %arg12[%swap3A_452, %swap3A_453], %swap3A_456 {strides = array<i32>} : memref<128x16xf32, #tpu.memory_space<vmem>>, vector<1x16xf32>,
      %scan3A_457 = arith.constant 4 : i32
      %scan3A_458 = arith.addi %scan3A_380, %scan3A_457 : i32
      %mul3A_459 = arith.constant 1 : i32
      %mul3A_460 = arith.muli %scan3A_458, %mul3A_459 : i32
      %add3A_461 = arith.constant 0 : i32
      %add3A_462 = arith.addi %add3A_461, %mul3A_460 : i32
      %get3A_463 = arith.index_cast %add3A_462 : i32 to index
      %get3A_464 = arith.constant 0 : index
      %get3A_465 = tpu.vector_load %arg12[%get3A_463, %get3A_464] {strides = array<i32>} : memref<128x16xf32, #tpu.memory_space<vmem>>, vector<1x16xf32>,
      %get3A_466 = vector.shape_cast %get3A_465 : vector<1x16xf32> to vector<16xf32>
      %get3A_467 = arith.index_cast %add3A_462 : i32 to index
      %get3A_468 = arith.constant 0 : index
      %get3A_469 = tpu.vector_load %arg20[%get3A_467, %get3A_468] {strides = array<i32>} : memref<128x16xf32, #tpu.memory_space<vmem>>, vector<1x16xf32>,
      %get3A_470 = vector.shape_cast %get3A_469 : vector<1x16xf32> to vector<16xf32>
      %mul3A_471 = arith.mulf %get3A_466, %get3A_470 : vector<16xf32>
      %swap3A_472 = arith.index_cast %add3A_462 : i32 to index
      %swap3A_473 = arith.constant 0 : index
      %swap3A_474 = tpu.vector_load %arg12[%swap3A_472, %swap3A_473] {strides = array<i32>} : memref<128x16xf32, #tpu.memory_space<vmem>>, vector<1x16xf32>,
      %swap3A_475 = vector.shape_cast %swap3A_474 : vector<1x16xf32> to vector<16xf32>
      %swap3A_476 = vector.shape_cast %mul3A_471 : vector<16xf32> to vector<1x16xf32>
      tpu.vector_store %arg12[%swap3A_472, %swap3A_473], %swap3A_476 {strides = array<i32>} : memref<128x16xf32, #tpu.memory_space<vmem>>, vector<1x16xf32>,
      %scan3A_477 = arith.constant 5 : i32
      %scan3A_478 = arith.addi %scan3A_380, %scan3A_477 : i32
      %mul3A_479 = arith.constant 1 : i32
      %mul3A_480 = arith.muli %scan3A_478, %mul3A_479 : i32
      %add3A_481 = arith.constant 0 : i32
      %add3A_482 = arith.addi %add3A_481, %mul3A_480 : i32
      %get3A_483 = arith.index_cast %add3A_482 : i32 to index
      %get3A_484 = arith.constant 0 : index
      %get3A_485 = tpu.vector_load %arg12[%get3A_483, %get3A_484] {strides = array<i32>} : memref<128x16xf32, #tpu.memory_space<vmem>>, vector<1x16xf32>,
      %get3A_486 = vector.shape_cast %get3A_485 : vector<1x16xf32> to vector<16xf32>
      %get3A_487 = arith.index_cast %add3A_482 : i32 to index
      %get3A_488 = arith.constant 0 : index
      %get3A_489 = tpu.vector_load %arg20[%get3A_487, %get3A_488] {strides = array<i32>} : memref<128x16xf32, #tpu.memory_space<vmem>>, vector<1x16xf32>,
      %get3A_490 = vector.shape_cast %get3A_489 : vector<1x16xf32> to vector<16xf32>
      %mul3A_491 = arith.mulf %get3A_486, %get3A_490 : vector<16xf32>
      %swap3A_492 = arith.index_cast %add3A_482 : i32 to index
      %swap3A_493 = arith.constant 0 : index
      %swap3A_494 = tpu.vector_load %arg12[%swap3A_492, %swap3A_493] {strides = array<i32>} : memref<128x16xf32, #tpu.memory_space<vmem>>, vector<1x16xf32>,
      %swap3A_495 = vector.shape_cast %swap3A_494 : vector<1x16xf32> to vector<16xf32>
      %swap3A_496 = vector.shape_cast %mul3A_491 : vector<16xf32> to vector<1x16xf32>
      tpu.vector_store %arg12[%swap3A_492, %swap3A_493], %swap3A_496 {strides = array<i32>} : memref<128x16xf32, #tpu.memory_space<vmem>>, vector<1x16xf32>,
      %scan3A_497 = arith.constant 6 : i32
      %scan3A_498 = arith.addi %scan3A_380, %scan3A_497 : i32
      %mul3A_499 = arith.constant 1 : i32
      %mul3A_500 = arith.muli %scan3A_498, %mul3A_499 : i32
      %add3A_501 = arith.constant 0 : i32
      %add3A_502 = arith.addi %add3A_501, %mul3A_500 : i32
      %get3A_503 = arith.index_cast %add3A_502 : i32 to index
      %get3A_504 = arith.constant 0 : index
      %get3A_505 = tpu.vector_load %arg12[%get3A_503, %get3A_504] {strides = array<i32>} : memref<128x16xf32, #tpu.memory_space<vmem>>, vector<1x16xf32>,
      %get3A_506 = vector.shape_cast %get3A_505 : vector<1x16xf32> to vector<16xf32>
      %get3A_507 = arith.index_cast %add3A_502 : i32 to index
      %get3A_508 = arith.constant 0 : index
      %get3A_509 = tpu.vector_load %arg20[%get3A_507, %get3A_508] {strides = array<i32>} : memref<128x16xf32, #tpu.memory_space<vmem>>, vector<1x16xf32>,
      %get3A_510 = vector.shape_cast %get3A_509 : vector<1x16xf32> to vector<16xf32>
      %mul3A_511 = arith.mulf %get3A_506, %get3A_510 : vector<16xf32>
      %swap3A_512 = arith.index_cast %add3A_502 : i32 to index
      %swap3A_513 = arith.constant 0 : index
      %swap3A_514 = tpu.vector_load %arg12[%swap3A_512, %swap3A_513] {strides = array<i32>} : memref<128x16xf32, #tpu.memory_space<vmem>>, vector<1x16xf32>,
      %swap3A_515 = vector.shape_cast %swap3A_514 : vector<1x16xf32> to vector<16xf32>
      %swap3A_516 = vector.shape_cast %mul3A_511 : vector<16xf32> to vector<1x16xf32>
      tpu.vector_store %arg12[%swap3A_512, %swap3A_513], %swap3A_516 {strides = array<i32>} : memref<128x16xf32, #tpu.memory_space<vmem>>, vector<1x16xf32>,
      %scan3A_517 = arith.constant 7 : i32
      %scan3A_518 = arith.addi %scan3A_380, %scan3A_517 : i32
      %mul3A_519 = arith.constant 1 : i32
      %mul3A_520 = arith.muli %scan3A_518, %mul3A_519 : i32
      %add3A_521 = arith.constant 0 : i32
      %add3A_522 = arith.addi %add3A_521, %mul3A_520 : i32
      %get3A_523 = arith.index_cast %add3A_522 : i32 to index
      %get3A_524 = arith.constant 0 : index
      %get3A_525 = tpu.vector_load %arg12[%get3A_523, %get3A_524] {strides = array<i32>} : memref<128x16xf32, #tpu.memory_space<vmem>>, vector<1x16xf32>,
      %get3A_526 = vector.shape_cast %get3A_525 : vector<1x16xf32> to vector<16xf32>
      %get3A_527 = arith.index_cast %add3A_522 : i32 to index
      %get3A_528 = arith.constant 0 : index
      %get3A_529 = tpu.vector_load %arg20[%get3A_527, %get3A_528] {strides = array<i32>} : memref<128x16xf32, #tpu.memory_space<vmem>>, vector<1x16xf32>,
      %get3A_530 = vector.shape_cast %get3A_529 : vector<1x16xf32> to vector<16xf32>
      %mul3A_531 = arith.mulf %get3A_526, %get3A_530 : vector<16xf32>
      %swap3A_532 = arith.index_cast %add3A_522 : i32 to index
      %swap3A_533 = arith.constant 0 : index
      %swap3A_534 = tpu.vector_load %arg12[%swap3A_532, %swap3A_533] {strides = array<i32>} : memref<128x16xf32, #tpu.memory_space<vmem>>, vector<1x16xf32>,
      %swap3A_535 = vector.shape_cast %swap3A_534 : vector<1x16xf32> to vector<16xf32>
      %swap3A_536 = vector.shape_cast %mul3A_531 : vector<16xf32> to vector<1x16xf32>
      tpu.vector_store %arg12[%swap3A_532, %swap3A_533], %swap3A_536 {strides = array<i32>} : memref<128x16xf32, #tpu.memory_space<vmem>>, vector<1x16xf32>,
    }
    %scan3A_261 = arith.constant 128 : i32
    %add3A_262 = arith.constant 76 : i32
    %add3A_263 = arith.addi %mul3A_2, %add3A_262 : i32
    %mul3A_264 = arith.constant 128 : i32
    %mul3A_265 = arith.muli %add3A_263, %mul3A_264 : i32
    %dma_start3A_266 = arith.constant 0 : i32
    %dma_start3A_267 = tpu.memref_slice %arg5[%mul3A_265, %dma_start3A_266] : memref<323584x16xf32, #tpu.memory_space<hbm>> -> memref<128x16xf32, #tpu.memory_space<hbm>>
    %dma_start3A_268 = arith.constant 0 : i32
    %dma_start3A_269 = tpu.memref_slice %arg5[%mul3A_265, %dma_start3A_268] : memref<323584x16xf32, #tpu.memory_space<hbm>> -> memref<128x16xf32, #tpu.memory_space<hbm>>
    tpu.enqueue_dma source(%arg12 : memref<128x16xf32, #tpu.memory_space<vmem>>) target(%dma_start3A_269 : memref<128x16xf32, #tpu.memory_space<hbm>>) target_semaphore(%arg44 : memref<!tpu.dma_semaphore, #tpu.memory_space<semaphore_mem>>)
    %add3A_270 = arith.constant 76 : i32
    %add3A_271 = arith.addi %mul3A_2, %add3A_270 : i32
    %mul3A_272 = arith.constant 128 : i32
    %mul3A_273 = arith.muli %add3A_271, %mul3A_272 : i32
    %dma_wait3A_274 = arith.constant 0 : i32
    %dma_wait3A_275 = tpu.memref_slice %arg5[%mul3A_273, %dma_wait3A_274] : memref<323584x16xf32, #tpu.memory_space<hbm>> -> memref<128x16xf32, #tpu.memory_space<hbm>>
    %dma_wait3A_276 = arith.constant 0 : i32
    %dma_wait3A_277 = tpu.memref_slice %arg5[%mul3A_273, %dma_wait3A_276] : memref<323584x16xf32, #tpu.memory_space<hbm>> -> memref<128x16xf32, #tpu.memory_space<hbm>>
    tpu.wait_dma2 semaphore(%arg40 : memref<!tpu.dma_semaphore, #tpu.memory_space<semaphore_mem>>) src(%arg8 : memref<128x16xf32, #tpu.memory_space<vmem>>) dst(%dma_wait3A_277 : memref<128x16xf32, #tpu.memory_space<hbm>>)
    %dma_wait3A_278 = arith.constant 77 : i32
    %dma_wait3A_279 = arith.constant 0 : i32
    %dma_wait3A_280 = tpu.memref_slice %arg6[%dma_wait3A_278, %dma_wait3A_279] : memref<79x128xi32, #tpu.memory_space<vmem>> -> memref<1x128xi32, #tpu.memory_space<vmem>>
    %dma_wait3A_281 = tpu.memref_squeeze %dma_wait3A_280 : memref<1x128xi32, #tpu.memory_space<vmem>> -> memref<128xi32, #tpu.memory_space<vmem>>
    %dma_wait3A_282 = arith.constant 0 : i32
    %dma_wait3A_283 = arith.constant 0 : i32
    %dma_wait3A_284 = tpu.memref_slice %arg2[%dma_wait3A_282, %dma_wait3A_283] : memref<10000x16xf32, #tpu.memory_space<hbm>> -> memref<10000x16xf32, #tpu.memory_space<hbm>>
    tpu.wait_indirect_dma semaphore(%arg29 : memref<!tpu.dma_semaphore, #tpu.memory_space<semaphore_mem>>) src(%dma_wait3A_284 : memref<10000x16xf32, #tpu.memory_space<hbm>>) dst(%arg13 : memref<128x16xf32, #tpu.memory_space<vmem>>)
    %dma_wait3A_285 = arith.constant 77 : i32
    %dma_wait3A_286 = arith.constant 0 : i32
    %dma_wait3A_287 = tpu.memref_slice %arg7[%dma_wait3A_285, %dma_wait3A_286] : memref<79x128xi32, #tpu.memory_space<vmem>> -> memref<1x128xi32, #tpu.memory_space<vmem>>
    %dma_wait3A_288 = tpu.memref_squeeze %dma_wait3A_287 : memref<1x128xi32, #tpu.memory_space<vmem>> -> memref<128xi32, #tpu.memory_space<vmem>>
    %dma_wait3A_289 = arith.constant 0 : i32
    %dma_wait3A_290 = arith.constant 0 : i32
    %dma_wait3A_291 = tpu.memref_slice %arg2[%dma_wait3A_289, %dma_wait3A_290] : memref<10000x16xf32, #tpu.memory_space<hbm>> -> memref<10000x16xf32, #tpu.memory_space<hbm>>
    tpu.wait_indirect_dma semaphore(%arg37 : memref<!tpu.dma_semaphore, #tpu.memory_space<semaphore_mem>>) src(%dma_wait3A_291 : memref<10000x16xf32, #tpu.memory_space<hbm>>) dst(%arg21 : memref<128x16xf32, #tpu.memory_space<vmem>>)
    %scan3A_292 = arith.constant 0 : i32
    %scan3A_293 = arith.constant 128 : i32
    %scan3A_294 = arith.addi %scan3A_292, %scan3A_293 : i32
    %scan3A_295 = arith.constant 8 : i32
    scf.for %scan3A_380 = %scan3A_292 to %scan3A_294 step %scan3A_295  : i32 {
      %mul3A_381 = arith.constant 1 : i32
      %mul3A_382 = arith.muli %scan3A_380, %mul3A_381 : i32
      %add3A_383 = arith.constant 0 : i32
      %add3A_384 = arith.addi %add3A_383, %mul3A_382 : i32
      %get3A = arith.index_cast %add3A_384 : i32 to index
      %get3A_385 = arith.constant 0 : index
      %get3A_386 = tpu.vector_load %arg13[%get3A, %get3A_385] {strides = array<i32>} : memref<128x16xf32, #tpu.memory_space<vmem>>, vector<1x16xf32>,
      %get3A_387 = vector.shape_cast %get3A_386 : vector<1x16xf32> to vector<16xf32>
      %get3A_388 = arith.index_cast %add3A_384 : i32 to index
      %get3A_389 = arith.constant 0 : index
      %get3A_390 = tpu.vector_load %arg21[%get3A_388, %get3A_389] {strides = array<i32>} : memref<128x16xf32, #tpu.memory_space<vmem>>, vector<1x16xf32>,
      %get3A_391 = vector.shape_cast %get3A_390 : vector<1x16xf32> to vector<16xf32>
      %mul3A_392 = arith.mulf %get3A_387, %get3A_391 : vector<16xf32>
      %swap3A = arith.index_cast %add3A_384 : i32 to index
      %swap3A_393 = arith.constant 0 : index
      %swap3A_394 = tpu.vector_load %arg13[%swap3A, %swap3A_393] {strides = array<i32>} : memref<128x16xf32, #tpu.memory_space<vmem>>, vector<1x16xf32>,
      %swap3A_395 = vector.shape_cast %swap3A_394 : vector<1x16xf32> to vector<16xf32>
      %swap3A_396 = vector.shape_cast %mul3A_392 : vector<16xf32> to vector<1x16xf32>
      tpu.vector_store %arg13[%swap3A, %swap3A_393], %swap3A_396 {strides = array<i32>} : memref<128x16xf32, #tpu.memory_space<vmem>>, vector<1x16xf32>,
      %scan3A_397 = arith.constant 1 : i32
      %scan3A_398 = arith.addi %scan3A_380, %scan3A_397 : i32
      %mul3A_399 = arith.constant 1 : i32
      %mul3A_400 = arith.muli %scan3A_398, %mul3A_399 : i32
      %add3A_401 = arith.constant 0 : i32
      %add3A_402 = arith.addi %add3A_401, %mul3A_400 : i32
      %get3A_403 = arith.index_cast %add3A_402 : i32 to index
      %get3A_404 = arith.constant 0 : index
      %get3A_405 = tpu.vector_load %arg13[%get3A_403, %get3A_404] {strides = array<i32>} : memref<128x16xf32, #tpu.memory_space<vmem>>, vector<1x16xf32>,
      %get3A_406 = vector.shape_cast %get3A_405 : vector<1x16xf32> to vector<16xf32>
      %get3A_407 = arith.index_cast %add3A_402 : i32 to index
      %get3A_408 = arith.constant 0 : index
      %get3A_409 = tpu.vector_load %arg21[%get3A_407, %get3A_408] {strides = array<i32>} : memref<128x16xf32, #tpu.memory_space<vmem>>, vector<1x16xf32>,
      %get3A_410 = vector.shape_cast %get3A_409 : vector<1x16xf32> to vector<16xf32>
      %mul3A_411 = arith.mulf %get3A_406, %get3A_410 : vector<16xf32>
      %swap3A_412 = arith.index_cast %add3A_402 : i32 to index
      %swap3A_413 = arith.constant 0 : index
      %swap3A_414 = tpu.vector_load %arg13[%swap3A_412, %swap3A_413] {strides = array<i32>} : memref<128x16xf32, #tpu.memory_space<vmem>>, vector<1x16xf32>,
      %swap3A_415 = vector.shape_cast %swap3A_414 : vector<1x16xf32> to vector<16xf32>
      %swap3A_416 = vector.shape_cast %mul3A_411 : vector<16xf32> to vector<1x16xf32>
      tpu.vector_store %arg13[%swap3A_412, %swap3A_413], %swap3A_416 {strides = array<i32>} : memref<128x16xf32, #tpu.memory_space<vmem>>, vector<1x16xf32>,
      %scan3A_417 = arith.constant 2 : i32
      %scan3A_418 = arith.addi %scan3A_380, %scan3A_417 : i32
      %mul3A_419 = arith.constant 1 : i32
      %mul3A_420 = arith.muli %scan3A_418, %mul3A_419 : i32
      %add3A_421 = arith.constant 0 : i32
      %add3A_422 = arith.addi %add3A_421, %mul3A_420 : i32
      %get3A_423 = arith.index_cast %add3A_422 : i32 to index
      %get3A_424 = arith.constant 0 : index
      %get3A_425 = tpu.vector_load %arg13[%get3A_423, %get3A_424] {strides = array<i32>} : memref<128x16xf32, #tpu.memory_space<vmem>>, vector<1x16xf32>,
      %get3A_426 = vector.shape_cast %get3A_425 : vector<1x16xf32> to vector<16xf32>
      %get3A_427 = arith.index_cast %add3A_422 : i32 to index
      %get3A_428 = arith.constant 0 : index
      %get3A_429 = tpu.vector_load %arg21[%get3A_427, %get3A_428] {strides = array<i32>} : memref<128x16xf32, #tpu.memory_space<vmem>>, vector<1x16xf32>,
      %get3A_430 = vector.shape_cast %get3A_429 : vector<1x16xf32> to vector<16xf32>
      %mul3A_431 = arith.mulf %get3A_426, %get3A_430 : vector<16xf32>
      %swap3A_432 = arith.index_cast %add3A_422 : i32 to index
      %swap3A_433 = arith.constant 0 : index
      %swap3A_434 = tpu.vector_load %arg13[%swap3A_432, %swap3A_433] {strides = array<i32>} : memref<128x16xf32, #tpu.memory_space<vmem>>, vector<1x16xf32>,
      %swap3A_435 = vector.shape_cast %swap3A_434 : vector<1x16xf32> to vector<16xf32>
      %swap3A_436 = vector.shape_cast %mul3A_431 : vector<16xf32> to vector<1x16xf32>
      tpu.vector_store %arg13[%swap3A_432, %swap3A_433], %swap3A_436 {strides = array<i32>} : memref<128x16xf32, #tpu.memory_space<vmem>>, vector<1x16xf32>,
      %scan3A_437 = arith.constant 3 : i32
      %scan3A_438 = arith.addi %scan3A_380, %scan3A_437 : i32
      %mul3A_439 = arith.constant 1 : i32
      %mul3A_440 = arith.muli %scan3A_438, %mul3A_439 : i32
      %add3A_441 = arith.constant 0 : i32
      %add3A_442 = arith.addi %add3A_441, %mul3A_440 : i32
      %get3A_443 = arith.index_cast %add3A_442 : i32 to index
      %get3A_444 = arith.constant 0 : index
      %get3A_445 = tpu.vector_load %arg13[%get3A_443, %get3A_444] {strides = array<i32>} : memref<128x16xf32, #tpu.memory_space<vmem>>, vector<1x16xf32>,
      %get3A_446 = vector.shape_cast %get3A_445 : vector<1x16xf32> to vector<16xf32>
      %get3A_447 = arith.index_cast %add3A_442 : i32 to index
      %get3A_448 = arith.constant 0 : index
      %get3A_449 = tpu.vector_load %arg21[%get3A_447, %get3A_448] {strides = array<i32>} : memref<128x16xf32, #tpu.memory_space<vmem>>, vector<1x16xf32>,
      %get3A_450 = vector.shape_cast %get3A_449 : vector<1x16xf32> to vector<16xf32>
      %mul3A_451 = arith.mulf %get3A_446, %get3A_450 : vector<16xf32>
      %swap3A_452 = arith.index_cast %add3A_442 : i32 to index
      %swap3A_453 = arith.constant 0 : index
      %swap3A_454 = tpu.vector_load %arg13[%swap3A_452, %swap3A_453] {strides = array<i32>} : memref<128x16xf32, #tpu.memory_space<vmem>>, vector<1x16xf32>,
      %swap3A_455 = vector.shape_cast %swap3A_454 : vector<1x16xf32> to vector<16xf32>
      %swap3A_456 = vector.shape_cast %mul3A_451 : vector<16xf32> to vector<1x16xf32>
      tpu.vector_store %arg13[%swap3A_452, %swap3A_453], %swap3A_456 {strides = array<i32>} : memref<128x16xf32, #tpu.memory_space<vmem>>, vector<1x16xf32>,
      %scan3A_457 = arith.constant 4 : i32
      %scan3A_458 = arith.addi %scan3A_380, %scan3A_457 : i32
      %mul3A_459 = arith.constant 1 : i32
      %mul3A_460 = arith.muli %scan3A_458, %mul3A_459 : i32
      %add3A_461 = arith.constant 0 : i32
      %add3A_462 = arith.addi %add3A_461, %mul3A_460 : i32
      %get3A_463 = arith.index_cast %add3A_462 : i32 to index
      %get3A_464 = arith.constant 0 : index
      %get3A_465 = tpu.vector_load %arg13[%get3A_463, %get3A_464] {strides = array<i32>} : memref<128x16xf32, #tpu.memory_space<vmem>>, vector<1x16xf32>,
      %get3A_466 = vector.shape_cast %get3A_465 : vector<1x16xf32> to vector<16xf32>
      %get3A_467 = arith.index_cast %add3A_462 : i32 to index
      %get3A_468 = arith.constant 0 : index
      %get3A_469 = tpu.vector_load %arg21[%get3A_467, %get3A_468] {strides = array<i32>} : memref<128x16xf32, #tpu.memory_space<vmem>>, vector<1x16xf32>,
      %get3A_470 = vector.shape_cast %get3A_469 : vector<1x16xf32> to vector<16xf32>
      %mul3A_471 = arith.mulf %get3A_466, %get3A_470 : vector<16xf32>
      %swap3A_472 = arith.index_cast %add3A_462 : i32 to index
      %swap3A_473 = arith.constant 0 : index
      %swap3A_474 = tpu.vector_load %arg13[%swap3A_472, %swap3A_473] {strides = array<i32>} : memref<128x16xf32, #tpu.memory_space<vmem>>, vector<1x16xf32>,
      %swap3A_475 = vector.shape_cast %swap3A_474 : vector<1x16xf32> to vector<16xf32>
      %swap3A_476 = vector.shape_cast %mul3A_471 : vector<16xf32> to vector<1x16xf32>
      tpu.vector_store %arg13[%swap3A_472, %swap3A_473], %swap3A_476 {strides = array<i32>} : memref<128x16xf32, #tpu.memory_space<vmem>>, vector<1x16xf32>,
      %scan3A_477 = arith.constant 5 : i32
      %scan3A_478 = arith.addi %scan3A_380, %scan3A_477 : i32
      %mul3A_479 = arith.constant 1 : i32
      %mul3A_480 = arith.muli %scan3A_478, %mul3A_479 : i32
      %add3A_481 = arith.constant 0 : i32
      %add3A_482 = arith.addi %add3A_481, %mul3A_480 : i32
      %get3A_483 = arith.index_cast %add3A_482 : i32 to index
      %get3A_484 = arith.constant 0 : index
      %get3A_485 = tpu.vector_load %arg13[%get3A_483, %get3A_484] {strides = array<i32>} : memref<128x16xf32, #tpu.memory_space<vmem>>, vector<1x16xf32>,
      %get3A_486 = vector.shape_cast %get3A_485 : vector<1x16xf32> to vector<16xf32>
      %get3A_487 = arith.index_cast %add3A_482 : i32 to index
      %get3A_488 = arith.constant 0 : index
      %get3A_489 = tpu.vector_load %arg21[%get3A_487, %get3A_488] {strides = array<i32>} : memref<128x16xf32, #tpu.memory_space<vmem>>, vector<1x16xf32>,
      %get3A_490 = vector.shape_cast %get3A_489 : vector<1x16xf32> to vector<16xf32>
      %mul3A_491 = arith.mulf %get3A_486, %get3A_490 : vector<16xf32>
      %swap3A_492 = arith.index_cast %add3A_482 : i32 to index
      %swap3A_493 = arith.constant 0 : index
      %swap3A_494 = tpu.vector_load %arg13[%swap3A_492, %swap3A_493] {strides = array<i32>} : memref<128x16xf32, #tpu.memory_space<vmem>>, vector<1x16xf32>,
      %swap3A_495 = vector.shape_cast %swap3A_494 : vector<1x16xf32> to vector<16xf32>
      %swap3A_496 = vector.shape_cast %mul3A_491 : vector<16xf32> to vector<1x16xf32>
      tpu.vector_store %arg13[%swap3A_492, %swap3A_493], %swap3A_496 {strides = array<i32>} : memref<128x16xf32, #tpu.memory_space<vmem>>, vector<1x16xf32>,
      %scan3A_497 = arith.constant 6 : i32
      %scan3A_498 = arith.addi %scan3A_380, %scan3A_497 : i32
      %mul3A_499 = arith.constant 1 : i32
      %mul3A_500 = arith.muli %scan3A_498, %mul3A_499 : i32
      %add3A_501 = arith.constant 0 : i32
      %add3A_502 = arith.addi %add3A_501, %mul3A_500 : i32
      %get3A_503 = arith.index_cast %add3A_502 : i32 to index
      %get3A_504 = arith.constant 0 : index
      %get3A_505 = tpu.vector_load %arg13[%get3A_503, %get3A_504] {strides = array<i32>} : memref<128x16xf32, #tpu.memory_space<vmem>>, vector<1x16xf32>,
      %get3A_506 = vector.shape_cast %get3A_505 : vector<1x16xf32> to vector<16xf32>
      %get3A_507 = arith.index_cast %add3A_502 : i32 to index
      %get3A_508 = arith.constant 0 : index
      %get3A_509 = tpu.vector_load %arg21[%get3A_507, %get3A_508] {strides = array<i32>} : memref<128x16xf32, #tpu.memory_space<vmem>>, vector<1x16xf32>,
      %get3A_510 = vector.shape_cast %get3A_509 : vector<1x16xf32> to vector<16xf32>
      %mul3A_511 = arith.mulf %get3A_506, %get3A_510 : vector<16xf32>
      %swap3A_512 = arith.index_cast %add3A_502 : i32 to index
      %swap3A_513 = arith.constant 0 : index
      %swap3A_514 = tpu.vector_load %arg13[%swap3A_512, %swap3A_513] {strides = array<i32>} : memref<128x16xf32, #tpu.memory_space<vmem>>, vector<1x16xf32>,
      %swap3A_515 = vector.shape_cast %swap3A_514 : vector<1x16xf32> to vector<16xf32>
      %swap3A_516 = vector.shape_cast %mul3A_511 : vector<16xf32> to vector<1x16xf32>
      tpu.vector_store %arg13[%swap3A_512, %swap3A_513], %swap3A_516 {strides = array<i32>} : memref<128x16xf32, #tpu.memory_space<vmem>>, vector<1x16xf32>,
      %scan3A_517 = arith.constant 7 : i32
      %scan3A_518 = arith.addi %scan3A_380, %scan3A_517 : i32
      %mul3A_519 = arith.constant 1 : i32
      %mul3A_520 = arith.muli %scan3A_518, %mul3A_519 : i32
      %add3A_521 = arith.constant 0 : i32
      %add3A_522 = arith.addi %add3A_521, %mul3A_520 : i32
      %get3A_523 = arith.index_cast %add3A_522 : i32 to index
      %get3A_524 = arith.constant 0 : index
      %get3A_525 = tpu.vector_load %arg13[%get3A_523, %get3A_524] {strides = array<i32>} : memref<128x16xf32, #tpu.memory_space<vmem>>, vector<1x16xf32>,
      %get3A_526 = vector.shape_cast %get3A_525 : vector<1x16xf32> to vector<16xf32>
      %get3A_527 = arith.index_cast %add3A_522 : i32 to index
      %get3A_528 = arith.constant 0 : index
      %get3A_529 = tpu.vector_load %arg21[%get3A_527, %get3A_528] {strides = array<i32>} : memref<128x16xf32, #tpu.memory_space<vmem>>, vector<1x16xf32>,
      %get3A_530 = vector.shape_cast %get3A_529 : vector<1x16xf32> to vector<16xf32>
      %mul3A_531 = arith.mulf %get3A_526, %get3A_530 : vector<16xf32>
      %swap3A_532 = arith.index_cast %add3A_522 : i32 to index
      %swap3A_533 = arith.constant 0 : index
      %swap3A_534 = tpu.vector_load %arg13[%swap3A_532, %swap3A_533] {strides = array<i32>} : memref<128x16xf32, #tpu.memory_space<vmem>>, vector<1x16xf32>,
      %swap3A_535 = vector.shape_cast %swap3A_534 : vector<1x16xf32> to vector<16xf32>
      %swap3A_536 = vector.shape_cast %mul3A_531 : vector<16xf32> to vector<1x16xf32>
      tpu.vector_store %arg13[%swap3A_532, %swap3A_533], %swap3A_536 {strides = array<i32>} : memref<128x16xf32, #tpu.memory_space<vmem>>, vector<1x16xf32>,
    }
    %scan3A_296 = arith.constant 128 : i32
    %add3A_297 = arith.constant 77 : i32
    %add3A_298 = arith.addi %mul3A_2, %add3A_297 : i32
    %mul3A_299 = arith.constant 128 : i32
    %mul3A_300 = arith.muli %add3A_298, %mul3A_299 : i32
    %dma_start3A_301 = arith.constant 0 : i32
    %dma_start3A_302 = tpu.memref_slice %arg5[%mul3A_300, %dma_start3A_301] : memref<323584x16xf32, #tpu.memory_space<hbm>> -> memref<128x16xf32, #tpu.memory_space<hbm>>
    %dma_start3A_303 = arith.constant 0 : i32
    %dma_start3A_304 = tpu.memref_slice %arg5[%mul3A_300, %dma_start3A_303] : memref<323584x16xf32, #tpu.memory_space<hbm>> -> memref<128x16xf32, #tpu.memory_space<hbm>>
    tpu.enqueue_dma source(%arg13 : memref<128x16xf32, #tpu.memory_space<vmem>>) target(%dma_start3A_304 : memref<128x16xf32, #tpu.memory_space<hbm>>) target_semaphore(%arg45 : memref<!tpu.dma_semaphore, #tpu.memory_space<semaphore_mem>>)
    %add3A_305 = arith.constant 77 : i32
    %add3A_306 = arith.addi %mul3A_2, %add3A_305 : i32
    %mul3A_307 = arith.constant 128 : i32
    %mul3A_308 = arith.muli %add3A_306, %mul3A_307 : i32
    %dma_wait3A_309 = arith.constant 0 : i32
    %dma_wait3A_310 = tpu.memref_slice %arg5[%mul3A_308, %dma_wait3A_309] : memref<323584x16xf32, #tpu.memory_space<hbm>> -> memref<128x16xf32, #tpu.memory_space<hbm>>
    %dma_wait3A_311 = arith.constant 0 : i32
    %dma_wait3A_312 = tpu.memref_slice %arg5[%mul3A_308, %dma_wait3A_311] : memref<323584x16xf32, #tpu.memory_space<hbm>> -> memref<128x16xf32, #tpu.memory_space<hbm>>
    tpu.wait_dma2 semaphore(%arg41 : memref<!tpu.dma_semaphore, #tpu.memory_space<semaphore_mem>>) src(%arg9 : memref<128x16xf32, #tpu.memory_space<vmem>>) dst(%dma_wait3A_312 : memref<128x16xf32, #tpu.memory_space<hbm>>)
    %dma_wait3A_313 = arith.constant 78 : i32
    %dma_wait3A_314 = arith.constant 0 : i32
    %dma_wait3A_315 = tpu.memref_slice %arg6[%dma_wait3A_313, %dma_wait3A_314] : memref<79x128xi32, #tpu.memory_space<vmem>> -> memref<1x128xi32, #tpu.memory_space<vmem>>
    %dma_wait3A_316 = tpu.memref_squeeze %dma_wait3A_315 : memref<1x128xi32, #tpu.memory_space<vmem>> -> memref<128xi32, #tpu.memory_space<vmem>>
    %dma_wait3A_317 = arith.constant 0 : i32
    %dma_wait3A_318 = arith.constant 0 : i32
    %dma_wait3A_319 = tpu.memref_slice %arg2[%dma_wait3A_317, %dma_wait3A_318] : memref<10000x16xf32, #tpu.memory_space<hbm>> -> memref<10000x16xf32, #tpu.memory_space<hbm>>
    tpu.wait_indirect_dma semaphore(%arg30 : memref<!tpu.dma_semaphore, #tpu.memory_space<semaphore_mem>>) src(%dma_wait3A_319 : memref<10000x16xf32, #tpu.memory_space<hbm>>) dst(%arg14 : memref<128x16xf32, #tpu.memory_space<vmem>>)
    %dma_wait3A_320 = arith.constant 78 : i32
    %dma_wait3A_321 = arith.constant 0 : i32
    %dma_wait3A_322 = tpu.memref_slice %arg7[%dma_wait3A_320, %dma_wait3A_321] : memref<79x128xi32, #tpu.memory_space<vmem>> -> memref<1x128xi32, #tpu.memory_space<vmem>>
    %dma_wait3A_323 = tpu.memref_squeeze %dma_wait3A_322 : memref<1x128xi32, #tpu.memory_space<vmem>> -> memref<128xi32, #tpu.memory_space<vmem>>
    %dma_wait3A_324 = arith.constant 0 : i32
    %dma_wait3A_325 = arith.constant 0 : i32
    %dma_wait3A_326 = tpu.memref_slice %arg2[%dma_wait3A_324, %dma_wait3A_325] : memref<10000x16xf32, #tpu.memory_space<hbm>> -> memref<10000x16xf32, #tpu.memory_space<hbm>>
    tpu.wait_indirect_dma semaphore(%arg38 : memref<!tpu.dma_semaphore, #tpu.memory_space<semaphore_mem>>) src(%dma_wait3A_326 : memref<10000x16xf32, #tpu.memory_space<hbm>>) dst(%arg22 : memref<128x16xf32, #tpu.memory_space<vmem>>)
    %scan3A_327 = arith.constant 0 : i32
    %scan3A_328 = arith.constant 128 : i32
    %scan3A_329 = arith.addi %scan3A_327, %scan3A_328 : i32
    %scan3A_330 = arith.constant 8 : i32
    scf.for %scan3A_380 = %scan3A_327 to %scan3A_329 step %scan3A_330  : i32 {
      %mul3A_381 = arith.constant 1 : i32
      %mul3A_382 = arith.muli %scan3A_380, %mul3A_381 : i32
      %add3A_383 = arith.constant 0 : i32
      %add3A_384 = arith.addi %add3A_383, %mul3A_382 : i32
      %get3A = arith.index_cast %add3A_384 : i32 to index
      %get3A_385 = arith.constant 0 : index
      %get3A_386 = tpu.vector_load %arg14[%get3A, %get3A_385] {strides = array<i32>} : memref<128x16xf32, #tpu.memory_space<vmem>>, vector<1x16xf32>,
      %get3A_387 = vector.shape_cast %get3A_386 : vector<1x16xf32> to vector<16xf32>
      %get3A_388 = arith.index_cast %add3A_384 : i32 to index
      %get3A_389 = arith.constant 0 : index
      %get3A_390 = tpu.vector_load %arg22[%get3A_388, %get3A_389] {strides = array<i32>} : memref<128x16xf32, #tpu.memory_space<vmem>>, vector<1x16xf32>,
      %get3A_391 = vector.shape_cast %get3A_390 : vector<1x16xf32> to vector<16xf32>
      %mul3A_392 = arith.mulf %get3A_387, %get3A_391 : vector<16xf32>
      %swap3A = arith.index_cast %add3A_384 : i32 to index
      %swap3A_393 = arith.constant 0 : index
      %swap3A_394 = tpu.vector_load %arg14[%swap3A, %swap3A_393] {strides = array<i32>} : memref<128x16xf32, #tpu.memory_space<vmem>>, vector<1x16xf32>,
      %swap3A_395 = vector.shape_cast %swap3A_394 : vector<1x16xf32> to vector<16xf32>
      %swap3A_396 = vector.shape_cast %mul3A_392 : vector<16xf32> to vector<1x16xf32>
      tpu.vector_store %arg14[%swap3A, %swap3A_393], %swap3A_396 {strides = array<i32>} : memref<128x16xf32, #tpu.memory_space<vmem>>, vector<1x16xf32>,
      %scan3A_397 = arith.constant 1 : i32
      %scan3A_398 = arith.addi %scan3A_380, %scan3A_397 : i32
      %mul3A_399 = arith.constant 1 : i32
      %mul3A_400 = arith.muli %scan3A_398, %mul3A_399 : i32
      %add3A_401 = arith.constant 0 : i32
      %add3A_402 = arith.addi %add3A_401, %mul3A_400 : i32
      %get3A_403 = arith.index_cast %add3A_402 : i32 to index
      %get3A_404 = arith.constant 0 : index
      %get3A_405 = tpu.vector_load %arg14[%get3A_403, %get3A_404] {strides = array<i32>} : memref<128x16xf32, #tpu.memory_space<vmem>>, vector<1x16xf32>,
      %get3A_406 = vector.shape_cast %get3A_405 : vector<1x16xf32> to vector<16xf32>
      %get3A_407 = arith.index_cast %add3A_402 : i32 to index
      %get3A_408 = arith.constant 0 : index
      %get3A_409 = tpu.vector_load %arg22[%get3A_407, %get3A_408] {strides = array<i32>} : memref<128x16xf32, #tpu.memory_space<vmem>>, vector<1x16xf32>,
      %get3A_410 = vector.shape_cast %get3A_409 : vector<1x16xf32> to vector<16xf32>
      %mul3A_411 = arith.mulf %get3A_406, %get3A_410 : vector<16xf32>
      %swap3A_412 = arith.index_cast %add3A_402 : i32 to index
      %swap3A_413 = arith.constant 0 : index
      %swap3A_414 = tpu.vector_load %arg14[%swap3A_412, %swap3A_413] {strides = array<i32>} : memref<128x16xf32, #tpu.memory_space<vmem>>, vector<1x16xf32>,
      %swap3A_415 = vector.shape_cast %swap3A_414 : vector<1x16xf32> to vector<16xf32>
      %swap3A_416 = vector.shape_cast %mul3A_411 : vector<16xf32> to vector<1x16xf32>
      tpu.vector_store %arg14[%swap3A_412, %swap3A_413], %swap3A_416 {strides = array<i32>} : memref<128x16xf32, #tpu.memory_space<vmem>>, vector<1x16xf32>,
      %scan3A_417 = arith.constant 2 : i32
      %scan3A_418 = arith.addi %scan3A_380, %scan3A_417 : i32
      %mul3A_419 = arith.constant 1 : i32
      %mul3A_420 = arith.muli %scan3A_418, %mul3A_419 : i32
      %add3A_421 = arith.constant 0 : i32
      %add3A_422 = arith.addi %add3A_421, %mul3A_420 : i32
      %get3A_423 = arith.index_cast %add3A_422 : i32 to index
      %get3A_424 = arith.constant 0 : index
      %get3A_425 = tpu.vector_load %arg14[%get3A_423, %get3A_424] {strides = array<i32>} : memref<128x16xf32, #tpu.memory_space<vmem>>, vector<1x16xf32>,
      %get3A_426 = vector.shape_cast %get3A_425 : vector<1x16xf32> to vector<16xf32>
      %get3A_427 = arith.index_cast %add3A_422 : i32 to index
      %get3A_428 = arith.constant 0 : index
      %get3A_429 = tpu.vector_load %arg22[%get3A_427, %get3A_428] {strides = array<i32>} : memref<128x16xf32, #tpu.memory_space<vmem>>, vector<1x16xf32>,
      %get3A_430 = vector.shape_cast %get3A_429 : vector<1x16xf32> to vector<16xf32>
      %mul3A_431 = arith.mulf %get3A_426, %get3A_430 : vector<16xf32>
      %swap3A_432 = arith.index_cast %add3A_422 : i32 to index
      %swap3A_433 = arith.constant 0 : index
      %swap3A_434 = tpu.vector_load %arg14[%swap3A_432, %swap3A_433] {strides = array<i32>} : memref<128x16xf32, #tpu.memory_space<vmem>>, vector<1x16xf32>,
      %swap3A_435 = vector.shape_cast %swap3A_434 : vector<1x16xf32> to vector<16xf32>
      %swap3A_436 = vector.shape_cast %mul3A_431 : vector<16xf32> to vector<1x16xf32>
      tpu.vector_store %arg14[%swap3A_432, %swap3A_433], %swap3A_436 {strides = array<i32>} : memref<128x16xf32, #tpu.memory_space<vmem>>, vector<1x16xf32>,
      %scan3A_437 = arith.constant 3 : i32
      %scan3A_438 = arith.addi %scan3A_380, %scan3A_437 : i32
      %mul3A_439 = arith.constant 1 : i32
      %mul3A_440 = arith.muli %scan3A_438, %mul3A_439 : i32
      %add3A_441 = arith.constant 0 : i32
      %add3A_442 = arith.addi %add3A_441, %mul3A_440 : i32
      %get3A_443 = arith.index_cast %add3A_442 : i32 to index
      %get3A_444 = arith.constant 0 : index
      %get3A_445 = tpu.vector_load %arg14[%get3A_443, %get3A_444] {strides = array<i32>} : memref<128x16xf32, #tpu.memory_space<vmem>>, vector<1x16xf32>,
      %get3A_446 = vector.shape_cast %get3A_445 : vector<1x16xf32> to vector<16xf32>
      %get3A_447 = arith.index_cast %add3A_442 : i32 to index
      %get3A_448 = arith.constant 0 : index
      %get3A_449 = tpu.vector_load %arg22[%get3A_447, %get3A_448] {strides = array<i32>} : memref<128x16xf32, #tpu.memory_space<vmem>>, vector<1x16xf32>,
      %get3A_450 = vector.shape_cast %get3A_449 : vector<1x16xf32> to vector<16xf32>
      %mul3A_451 = arith.mulf %get3A_446, %get3A_450 : vector<16xf32>
      %swap3A_452 = arith.index_cast %add3A_442 : i32 to index
      %swap3A_453 = arith.constant 0 : index
      %swap3A_454 = tpu.vector_load %arg14[%swap3A_452, %swap3A_453] {strides = array<i32>} : memref<128x16xf32, #tpu.memory_space<vmem>>, vector<1x16xf32>,
      %swap3A_455 = vector.shape_cast %swap3A_454 : vector<1x16xf32> to vector<16xf32>
      %swap3A_456 = vector.shape_cast %mul3A_451 : vector<16xf32> to vector<1x16xf32>
      tpu.vector_store %arg14[%swap3A_452, %swap3A_453], %swap3A_456 {strides = array<i32>} : memref<128x16xf32, #tpu.memory_space<vmem>>, vector<1x16xf32>,
      %scan3A_457 = arith.constant 4 : i32
      %scan3A_458 = arith.addi %scan3A_380, %scan3A_457 : i32
      %mul3A_459 = arith.constant 1 : i32
      %mul3A_460 = arith.muli %scan3A_458, %mul3A_459 : i32
      %add3A_461 = arith.constant 0 : i32
      %add3A_462 = arith.addi %add3A_461, %mul3A_460 : i32
      %get3A_463 = arith.index_cast %add3A_462 : i32 to index
      %get3A_464 = arith.constant 0 : index
      %get3A_465 = tpu.vector_load %arg14[%get3A_463, %get3A_464] {strides = array<i32>} : memref<128x16xf32, #tpu.memory_space<vmem>>, vector<1x16xf32>,
      %get3A_466 = vector.shape_cast %get3A_465 : vector<1x16xf32> to vector<16xf32>
      %get3A_467 = arith.index_cast %add3A_462 : i32 to index
      %get3A_468 = arith.constant 0 : index
      %get3A_469 = tpu.vector_load %arg22[%get3A_467, %get3A_468] {strides = array<i32>} : memref<128x16xf32, #tpu.memory_space<vmem>>, vector<1x16xf32>,
      %get3A_470 = vector.shape_cast %get3A_469 : vector<1x16xf32> to vector<16xf32>
      %mul3A_471 = arith.mulf %get3A_466, %get3A_470 : vector<16xf32>
      %swap3A_472 = arith.index_cast %add3A_462 : i32 to index
      %swap3A_473 = arith.constant 0 : index
      %swap3A_474 = tpu.vector_load %arg14[%swap3A_472, %swap3A_473] {strides = array<i32>} : memref<128x16xf32, #tpu.memory_space<vmem>>, vector<1x16xf32>,
      %swap3A_475 = vector.shape_cast %swap3A_474 : vector<1x16xf32> to vector<16xf32>
      %swap3A_476 = vector.shape_cast %mul3A_471 : vector<16xf32> to vector<1x16xf32>
      tpu.vector_store %arg14[%swap3A_472, %swap3A_473], %swap3A_476 {strides = array<i32>} : memref<128x16xf32, #tpu.memory_space<vmem>>, vector<1x16xf32>,
      %scan3A_477 = arith.constant 5 : i32
      %scan3A_478 = arith.addi %scan3A_380, %scan3A_477 : i32
      %mul3A_479 = arith.constant 1 : i32
      %mul3A_480 = arith.muli %scan3A_478, %mul3A_479 : i32
      %add3A_481 = arith.constant 0 : i32
      %add3A_482 = arith.addi %add3A_481, %mul3A_480 : i32
      %get3A_483 = arith.index_cast %add3A_482 : i32 to index
      %get3A_484 = arith.constant 0 : index
      %get3A_485 = tpu.vector_load %arg14[%get3A_483, %get3A_484] {strides = array<i32>} : memref<128x16xf32, #tpu.memory_space<vmem>>, vector<1x16xf32>,
      %get3A_486 = vector.shape_cast %get3A_485 : vector<1x16xf32> to vector<16xf32>
      %get3A_487 = arith.index_cast %add3A_482 : i32 to index
      %get3A_488 = arith.constant 0 : index
      %get3A_489 = tpu.vector_load %arg22[%get3A_487, %get3A_488] {strides = array<i32>} : memref<128x16xf32, #tpu.memory_space<vmem>>, vector<1x16xf32>,
      %get3A_490 = vector.shape_cast %get3A_489 : vector<1x16xf32> to vector<16xf32>
      %mul3A_491 = arith.mulf %get3A_486, %get3A_490 : vector<16xf32>
      %swap3A_492 = arith.index_cast %add3A_482 : i32 to index
      %swap3A_493 = arith.constant 0 : index
      %swap3A_494 = tpu.vector_load %arg14[%swap3A_492, %swap3A_493] {strides = array<i32>} : memref<128x16xf32, #tpu.memory_space<vmem>>, vector<1x16xf32>,
      %swap3A_495 = vector.shape_cast %swap3A_494 : vector<1x16xf32> to vector<16xf32>
      %swap3A_496 = vector.shape_cast %mul3A_491 : vector<16xf32> to vector<1x16xf32>
      tpu.vector_store %arg14[%swap3A_492, %swap3A_493], %swap3A_496 {strides = array<i32>} : memref<128x16xf32, #tpu.memory_space<vmem>>, vector<1x16xf32>,
      %scan3A_497 = arith.constant 6 : i32
      %scan3A_498 = arith.addi %scan3A_380, %scan3A_497 : i32
      %mul3A_499 = arith.constant 1 : i32
      %mul3A_500 = arith.muli %scan3A_498, %mul3A_499 : i32
      %add3A_501 = arith.constant 0 : i32
      %add3A_502 = arith.addi %add3A_501, %mul3A_500 : i32
      %get3A_503 = arith.index_cast %add3A_502 : i32 to index
      %get3A_504 = arith.constant 0 : index
      %get3A_505 = tpu.vector_load %arg14[%get3A_503, %get3A_504] {strides = array<i32>} : memref<128x16xf32, #tpu.memory_space<vmem>>, vector<1x16xf32>,
      %get3A_506 = vector.shape_cast %get3A_505 : vector<1x16xf32> to vector<16xf32>
      %get3A_507 = arith.index_cast %add3A_502 : i32 to index
      %get3A_508 = arith.constant 0 : index
      %get3A_509 = tpu.vector_load %arg22[%get3A_507, %get3A_508] {strides = array<i32>} : memref<128x16xf32, #tpu.memory_space<vmem>>, vector<1x16xf32>,
      %get3A_510 = vector.shape_cast %get3A_509 : vector<1x16xf32> to vector<16xf32>
      %mul3A_511 = arith.mulf %get3A_506, %get3A_510 : vector<16xf32>
      %swap3A_512 = arith.index_cast %add3A_502 : i32 to index
      %swap3A_513 = arith.constant 0 : index
      %swap3A_514 = tpu.vector_load %arg14[%swap3A_512, %swap3A_513] {strides = array<i32>} : memref<128x16xf32, #tpu.memory_space<vmem>>, vector<1x16xf32>,
      %swap3A_515 = vector.shape_cast %swap3A_514 : vector<1x16xf32> to vector<16xf32>
      %swap3A_516 = vector.shape_cast %mul3A_511 : vector<16xf32> to vector<1x16xf32>
      tpu.vector_store %arg14[%swap3A_512, %swap3A_513], %swap3A_516 {strides = array<i32>} : memref<128x16xf32, #tpu.memory_space<vmem>>, vector<1x16xf32>,
      %scan3A_517 = arith.constant 7 : i32
      %scan3A_518 = arith.addi %scan3A_380, %scan3A_517 : i32
      %mul3A_519 = arith.constant 1 : i32
      %mul3A_520 = arith.muli %scan3A_518, %mul3A_519 : i32
      %add3A_521 = arith.constant 0 : i32
      %add3A_522 = arith.addi %add3A_521, %mul3A_520 : i32
      %get3A_523 = arith.index_cast %add3A_522 : i32 to index
      %get3A_524 = arith.constant 0 : index
      %get3A_525 = tpu.vector_load %arg14[%get3A_523, %get3A_524] {strides = array<i32>} : memref<128x16xf32, #tpu.memory_space<vmem>>, vector<1x16xf32>,
      %get3A_526 = vector.shape_cast %get3A_525 : vector<1x16xf32> to vector<16xf32>
      %get3A_527 = arith.index_cast %add3A_522 : i32 to index
      %get3A_528 = arith.constant 0 : index
      %get3A_529 = tpu.vector_load %arg22[%get3A_527, %get3A_528] {strides = array<i32>} : memref<128x16xf32, #tpu.memory_space<vmem>>, vector<1x16xf32>,
      %get3A_530 = vector.shape_cast %get3A_529 : vector<1x16xf32> to vector<16xf32>
      %mul3A_531 = arith.mulf %get3A_526, %get3A_530 : vector<16xf32>
      %swap3A_532 = arith.index_cast %add3A_522 : i32 to index
      %swap3A_533 = arith.constant 0 : index
      %swap3A_534 = tpu.vector_load %arg14[%swap3A_532, %swap3A_533] {strides = array<i32>} : memref<128x16xf32, #tpu.memory_space<vmem>>, vector<1x16xf32>,
      %swap3A_535 = vector.shape_cast %swap3A_534 : vector<1x16xf32> to vector<16xf32>
      %swap3A_536 = vector.shape_cast %mul3A_531 : vector<16xf32> to vector<1x16xf32>
      tpu.vector_store %arg14[%swap3A_532, %swap3A_533], %swap3A_536 {strides = array<i32>} : memref<128x16xf32, #tpu.memory_space<vmem>>, vector<1x16xf32>,
    }
    %scan3A_331 = arith.constant 128 : i32
    %add3A_332 = arith.constant 78 : i32
    %add3A_333 = arith.addi %mul3A_2, %add3A_332 : i32
    %mul3A_334 = arith.constant 128 : i32
    %mul3A_335 = arith.muli %add3A_333, %mul3A_334 : i32
    %dma_start3A_336 = arith.constant 0 : i32
    %dma_start3A_337 = tpu.memref_slice %arg5[%mul3A_335, %dma_start3A_336] : memref<323584x16xf32, #tpu.memory_space<hbm>> -> memref<128x16xf32, #tpu.memory_space<hbm>>
    %dma_start3A_338 = arith.constant 0 : i32
    %dma_start3A_339 = tpu.memref_slice %arg5[%mul3A_335, %dma_start3A_338] : memref<323584x16xf32, #tpu.memory_space<hbm>> -> memref<128x16xf32, #tpu.memory_space<hbm>>
    tpu.enqueue_dma source(%arg14 : memref<128x16xf32, #tpu.memory_space<vmem>>) target(%dma_start3A_339 : memref<128x16xf32, #tpu.memory_space<hbm>>) target_semaphore(%arg46 : memref<!tpu.dma_semaphore, #tpu.memory_space<semaphore_mem>>)
    %add3A_340 = arith.constant 78 : i32
    %add3A_341 = arith.addi %mul3A_2, %add3A_340 : i32
    %mul3A_342 = arith.constant 128 : i32
    %mul3A_343 = arith.muli %add3A_341, %mul3A_342 : i32
    %dma_wait3A_344 = arith.constant 0 : i32
    %dma_wait3A_345 = tpu.memref_slice %arg5[%mul3A_343, %dma_wait3A_344] : memref<323584x16xf32, #tpu.memory_space<hbm>> -> memref<128x16xf32, #tpu.memory_space<hbm>>
    %dma_wait3A_346 = arith.constant 0 : i32
    %dma_wait3A_347 = tpu.memref_slice %arg5[%mul3A_343, %dma_wait3A_346] : memref<323584x16xf32, #tpu.memory_space<hbm>> -> memref<128x16xf32, #tpu.memory_space<hbm>>
    tpu.wait_dma2 semaphore(%arg42 : memref<!tpu.dma_semaphore, #tpu.memory_space<semaphore_mem>>) src(%arg10 : memref<128x16xf32, #tpu.memory_space<vmem>>) dst(%dma_wait3A_347 : memref<128x16xf32, #tpu.memory_space<hbm>>)
    %add3A_348 = arith.constant 75 : i32
    %add3A_349 = arith.addi %mul3A_2, %add3A_348 : i32
    %mul3A_350 = arith.constant 128 : i32
    %mul3A_351 = arith.muli %add3A_349, %mul3A_350 : i32
    %dma_wait3A_352 = arith.constant 0 : i32
    %dma_wait3A_353 = tpu.memref_slice %arg5[%mul3A_351, %dma_wait3A_352] : memref<323584x16xf32, #tpu.memory_space<hbm>> -> memref<128x16xf32, #tpu.memory_space<hbm>>
    %dma_wait3A_354 = arith.constant 0 : i32
    %dma_wait3A_355 = tpu.memref_slice %arg5[%mul3A_351, %dma_wait3A_354] : memref<323584x16xf32, #tpu.memory_space<hbm>> -> memref<128x16xf32, #tpu.memory_space<hbm>>
    tpu.wait_dma2 semaphore(%arg43 : memref<!tpu.dma_semaphore, #tpu.memory_space<semaphore_mem>>) src(%arg11 : memref<128x16xf32, #tpu.memory_space<vmem>>) dst(%dma_wait3A_355 : memref<128x16xf32, #tpu.memory_space<hbm>>)
    %add3A_356 = arith.constant 76 : i32
    %add3A_357 = arith.addi %mul3A_2, %add3A_356 : i32
    %mul3A_358 = arith.constant 128 : i32
    %mul3A_359 = arith.muli %add3A_357, %mul3A_358 : i32
    %dma_wait3A_360 = arith.constant 0 : i32
    %dma_wait3A_361 = tpu.memref_slice %arg5[%mul3A_359, %dma_wait3A_360] : memref<323584x16xf32, #tpu.memory_space<hbm>> -> memref<128x16xf32, #tpu.memory_space<hbm>>
    %dma_wait3A_362 = arith.constant 0 : i32
    %dma_wait3A_363 = tpu.memref_slice %arg5[%mul3A_359, %dma_wait3A_362] : memref<323584x16xf32, #tpu.memory_space<hbm>> -> memref<128x16xf32, #tpu.memory_space<hbm>>
    tpu.wait_dma2 semaphore(%arg44 : memref<!tpu.dma_semaphore, #tpu.memory_space<semaphore_mem>>) src(%arg12 : memref<128x16xf32, #tpu.memory_space<vmem>>) dst(%dma_wait3A_363 : memref<128x16xf32, #tpu.memory_space<hbm>>)
    %add3A_364 = arith.constant 77 : i32
    %add3A_365 = arith.addi %mul3A_2, %add3A_364 : i32
    %mul3A_366 = arith.constant 128 : i32
    %mul3A_367 = arith.muli %add3A_365, %mul3A_366 : i32
    %dma_wait3A_368 = arith.constant 0 : i32
    %dma_wait3A_369 = tpu.memref_slice %arg5[%mul3A_367, %dma_wait3A_368] : memref<323584x16xf32, #tpu.memory_space<hbm>> -> memref<128x16xf32, #tpu.memory_space<hbm>>
    %dma_wait3A_370 = arith.constant 0 : i32
    %dma_wait3A_371 = tpu.memref_slice %arg5[%mul3A_367, %dma_wait3A_370] : memref<323584x16xf32, #tpu.memory_space<hbm>> -> memref<128x16xf32, #tpu.memory_space<hbm>>
    tpu.wait_dma2 semaphore(%arg45 : memref<!tpu.dma_semaphore, #tpu.memory_space<semaphore_mem>>) src(%arg13 : memref<128x16xf32, #tpu.memory_space<vmem>>) dst(%dma_wait3A_371 : memref<128x16xf32, #tpu.memory_space<hbm>>)
    %add3A_372 = arith.constant 78 : i32
    %add3A_373 = arith.addi %mul3A_2, %add3A_372 : i32
    %mul3A_374 = arith.constant 128 : i32
    %mul3A_375 = arith.muli %add3A_373, %mul3A_374 : i32
    %dma_wait3A_376 = arith.constant 0 : i32
    %dma_wait3A_377 = tpu.memref_slice %arg5[%mul3A_375, %dma_wait3A_376] : memref<323584x16xf32, #tpu.memory_space<hbm>> -> memref<128x16xf32, #tpu.memory_space<hbm>>
    %dma_wait3A_378 = arith.constant 0 : i32
    %dma_wait3A_379 = tpu.memref_slice %arg5[%mul3A_375, %dma_wait3A_378] : memref<323584x16xf32, #tpu.memory_space<hbm>> -> memref<128x16xf32, #tpu.memory_space<hbm>>
    tpu.wait_dma2 semaphore(%arg46 : memref<!tpu.dma_semaphore, #tpu.memory_space<semaphore_mem>>) src(%arg14 : memref<128x16xf32, #tpu.memory_space<vmem>>) dst(%dma_wait3A_379 : memref<128x16xf32, #tpu.memory_space<hbm>>)
    return
  }
}

module attributes {stable_mosaic.version = 14 : i64} {
  func.func @_tc1_body(%arg0: memref<1250x1024xf32, #tpu.memory_space<vmem>>, %arg1: memref<1024x128xf32, #tpu.memory_space<vmem>>, %arg2: memref<1x128xf32, #tpu.memory_space<vmem>>, %arg3: memref<1250x128xf32, #tpu.memory_space<vmem>>) attributes {dimension_semantics = [], scalar_prefetch = 0 : i64, scratch_operands = 0 : i64, tpu.core_type = #tpu.core_type<tc>} {
    %get3A = arith.constant 0 : index
    %get3A_0 = arith.constant 0 : index
    %get3A_1 = vector.load %arg0[%get3A, %get3A_0] : memref<1250x1024xf32, #tpu.memory_space<vmem>>, vector<1250x1024xf32>
    %get3A_2 = arith.constant 0 : index
    %get3A_3 = arith.constant 0 : index
    %get3A_4 = vector.load %arg1[%get3A_2, %get3A_3] : memref<1024x128xf32, #tpu.memory_space<vmem>>, vector<1024x128xf32>
    %dot_general3A = arith.constant dense<0.000000e+00> : vector<1250x128xf32>
    %dot_general3A_5 = tpu.matmul %get3A_1, %get3A_4, %dot_general3A {dimension_numbers = #tpu.dot_dimension_numbers<[1], [0], [0], [1], [0, 0, 1, 1], [], []>, precision = #tpu.contract_precision<fp32>, transpose_lhs_hint = false} : vector<1250x1024xf32>, vector<1024x128xf32>, vector<1250x128xf32> -> vector<1250x128xf32>
    %get3A_6 = arith.constant 0 : index
    %get3A_7 = arith.constant 0 : index
    %get3A_8 = vector.load %arg2[%get3A_6, %get3A_7] : memref<1x128xf32, #tpu.memory_space<vmem>>, vector<1x128xf32>
    %add3A = vector.broadcast %get3A_8 : vector<1x128xf32> to vector<1250x128xf32>
    %add3A_9 = arith.addf %dot_general3A_5, %add3A : vector<1250x128xf32>
    %max3A = arith.constant 0.000000e+00 : f32
    %max3A_10 = vector.broadcast %max3A : f32 to vector<1250x128xf32>
    %max3A_11 = arith.maximumf %add3A_9, %max3A_10 : vector<1250x128xf32>
    %swap3A = arith.constant 0 : index
    %swap3A_12 = arith.constant 0 : index
    %swap3A_13 = vector.load %arg3[%swap3A, %swap3A_12] : memref<1250x128xf32, #tpu.memory_space<vmem>>, vector<1250x128xf32>
    tpu.vector_store %arg3[%swap3A, %swap3A_12], %max3A_11 {strides = array<i32>} : memref<1250x128xf32, #tpu.memory_space<vmem>>, vector<1250x128xf32>,
    return
  }
}

module attributes {stable_mosaic.version = 14 : i64} {
  func.func @_tc2_body(%arg0: memref<1250x128xf32, #tpu.memory_space<vmem>>, %arg1: memref<2x1250x128xf32, #tpu.memory_space<vmem>>, %arg2: memref<128x128xf32, #tpu.memory_space<vmem>>, %arg3: memref<128x128xf32, #tpu.memory_space<vmem>>, %arg4: memref<1x128xf32, #tpu.memory_space<vmem>>, %arg5: memref<1250x128xf32, #tpu.memory_space<vmem>>) attributes {dimension_semantics = [], scalar_prefetch = 0 : i64, scratch_operands = 0 : i64, tpu.core_type = #tpu.core_type<tc>} {
    %get3A = arith.constant 0 : index
    %get3A_0 = arith.constant 0 : index
    %get3A_1 = arith.constant 0 : index
    %get3A_2 = vector.load %arg1[%get3A, %get3A_0, %get3A_1] : memref<2x1250x128xf32, #tpu.memory_space<vmem>>, vector<1x1250x128xf32>
    %get3A_3 = vector.shape_cast %get3A_2 : vector<1x1250x128xf32> to vector<1250x128xf32>
    %get3A_4 = arith.constant 1 : index
    %get3A_5 = arith.constant 0 : index
    %get3A_6 = arith.constant 0 : index
    %get3A_7 = vector.load %arg1[%get3A_4, %get3A_5, %get3A_6] : memref<2x1250x128xf32, #tpu.memory_space<vmem>>, vector<1x1250x128xf32>
    %get3A_8 = vector.shape_cast %get3A_7 : vector<1x1250x128xf32> to vector<1250x128xf32>
    %add3A = arith.addf %get3A_3, %get3A_8 : vector<1250x128xf32>
    %get3A_9 = arith.constant 0 : index
    %get3A_10 = arith.constant 0 : index
    %get3A_11 = vector.load %arg0[%get3A_9, %get3A_10] : memref<1250x128xf32, #tpu.memory_space<vmem>>, vector<1250x128xf32>
    %get3A_12 = arith.constant 0 : index
    %get3A_13 = arith.constant 0 : index
    %get3A_14 = vector.load %arg2[%get3A_12, %get3A_13] : memref<128x128xf32, #tpu.memory_space<vmem>>, vector<128x128xf32>
    %dot_general3A = arith.constant dense<0.000000e+00> : vector<1250x128xf32>
    %dot_general3A_15 = tpu.matmul %get3A_11, %get3A_14, %dot_general3A {dimension_numbers = #tpu.dot_dimension_numbers<[1], [0], [0], [1], [0, 0, 1, 1], [], []>, precision = #tpu.contract_precision<fp32>, transpose_lhs_hint = false} : vector<1250x128xf32>, vector<128x128xf32>, vector<1250x128xf32> -> vector<1250x128xf32>
    %get3A_16 = arith.constant 0 : index
    %get3A_17 = arith.constant 0 : index
    %get3A_18 = vector.load %arg3[%get3A_16, %get3A_17] : memref<128x128xf32, #tpu.memory_space<vmem>>, vector<128x128xf32>
    %dot_general3A_19 = arith.constant dense<0.000000e+00> : vector<1250x128xf32>
    %dot_general3A_20 = tpu.matmul %add3A, %get3A_18, %dot_general3A_19 {dimension_numbers = #tpu.dot_dimension_numbers<[1], [0], [0], [1], [0, 0, 1, 1], [], []>, precision = #tpu.contract_precision<fp32>, transpose_lhs_hint = false} : vector<1250x128xf32>, vector<128x128xf32>, vector<1250x128xf32> -> vector<1250x128xf32>
    %add3A_21 = arith.addf %dot_general3A_15, %dot_general3A_20 : vector<1250x128xf32>
    %get3A_22 = arith.constant 0 : index
    %get3A_23 = arith.constant 0 : index
    %get3A_24 = vector.load %arg4[%get3A_22, %get3A_23] : memref<1x128xf32, #tpu.memory_space<vmem>>, vector<1x128xf32>
    %add3A_25 = vector.broadcast %get3A_24 : vector<1x128xf32> to vector<1250x128xf32>
    %add3A_26 = arith.addf %add3A_21, %add3A_25 : vector<1250x128xf32>
    %swap3A = arith.constant 0 : index
    %swap3A_27 = arith.constant 0 : index
    %swap3A_28 = vector.load %arg5[%swap3A, %swap3A_27] : memref<1250x128xf32, #tpu.memory_space<vmem>>, vector<1250x128xf32>
    tpu.vector_store %arg5[%swap3A, %swap3A_27], %add3A_26 {strides = array<i32>} : memref<1250x128xf32, #tpu.memory_space<vmem>>, vector<1250x128xf32>,
    return
  }
}

module attributes {stable_mosaic.version = 14 : i64} {
  func.func @_tc3_body(%arg0: i32, %arg1: memref<10112x128xf32, #tpu.memory_space<vmem>>, %arg2: memref<128x64xf32, #tpu.memory_space<vmem>>, %arg3: memref<1x64xf32, #tpu.memory_space<vmem>>, %arg4: memref<64x8xf32, #tpu.memory_space<vmem>>, %arg5: memref<1x1xf32, #tpu.memory_space<vmem>>, %arg6: memref<8x10112xf32, #tpu.memory_space<vmem>>) attributes {dimension_semantics = [#tpu.dimension_semantics<arbitrary>], iteration_bounds = array<i64: 4>, scalar_prefetch = 0 : i64, scratch_operands = 0 : i64, tpu.core_type = #tpu.core_type<tc>, window_params = [{transform_indices = @transform_0, window_bounds = array<i64: 10112, 128>}, {pipeline_mode = #tpu.pipeline_mode<synchronous>, transform_indices = @transform_1, window_bounds = array<i64: 128, 64>}, {pipeline_mode = #tpu.pipeline_mode<synchronous>, transform_indices = @transform_2, window_bounds = array<i64: 1, 64>}, {pipeline_mode = #tpu.pipeline_mode<synchronous>, transform_indices = @transform_3, window_bounds = array<i64: 64, 8>}, {pipeline_mode = #tpu.pipeline_mode<synchronous>, transform_indices = @transform_4, window_bounds = array<i64: 1, 1>}, {transform_indices = @transform_5, window_bounds = array<i64: 8, 10112>}]} {
    %get3A = arith.constant 0 : index
    %get3A_0 = arith.constant 0 : index
    %get3A_1 = vector.load %arg1[%get3A, %get3A_0] : memref<10112x128xf32, #tpu.memory_space<vmem>>, vector<10112x128xf32>
    %get3A_2 = arith.constant 0 : index
    %get3A_3 = arith.constant 0 : index
    %get3A_4 = vector.load %arg2[%get3A_2, %get3A_3] : memref<128x64xf32, #tpu.memory_space<vmem>>, vector<128x64xf32>
    %dot_general3A = arith.constant dense<0.000000e+00> : vector<10112x64xf32>
    %dot_general3A_5 = tpu.matmul %get3A_1, %get3A_4, %dot_general3A {dimension_numbers = #tpu.dot_dimension_numbers<[1], [0], [0], [1], [0, 0, 1, 1], [], []>, transpose_lhs_hint = false} : vector<10112x128xf32>, vector<128x64xf32>, vector<10112x64xf32> -> vector<10112x64xf32>
    %get3A_6 = arith.constant 0 : index
    %get3A_7 = arith.constant 0 : index
    %get3A_8 = vector.load %arg3[%get3A_6, %get3A_7] : memref<1x64xf32, #tpu.memory_space<vmem>>, vector<1x64xf32>
    %add3A = vector.broadcast %get3A_8 : vector<1x64xf32> to vector<10112x64xf32>
    %add3A_9 = arith.addf %dot_general3A_5, %add3A : vector<10112x64xf32>
    %max3A = arith.constant 0.000000e+00 : f32
    %max3A_10 = vector.broadcast %max3A : f32 to vector<10112x64xf32>
    %max3A_11 = arith.maximumf %add3A_9, %max3A_10 : vector<10112x64xf32>
    %get3A_12 = arith.constant 0 : index
    %get3A_13 = arith.constant 0 : index
    %get3A_14 = vector.load %arg4[%get3A_12, %get3A_13] : memref<64x8xf32, #tpu.memory_space<vmem>>, vector<64x8xf32>
    %dot_general3A_15 = arith.constant dense<0.000000e+00> : vector<8x10112xf32>
    %dot_general3A_16 = tpu.matmul %get3A_14, %max3A_11, %dot_general3A_15 {dimension_numbers = #tpu.dot_dimension_numbers<[0], [1], [1], [0], [0, 1, 1, 0], [], []>, transpose_lhs_hint = false} : vector<64x8xf32>, vector<10112x64xf32>, vector<8x10112xf32> -> vector<8x10112xf32>
    %get3A_17 = arith.constant 0 : index
    %get3A_18 = arith.constant 0 : index
    %get3A_19 = vector.load %arg5[%get3A_17, %get3A_18] : memref<1x1xf32, #tpu.memory_space<vmem>>, vector<1x1xf32>
    %add3A_20 = vector.broadcast %get3A_19 : vector<1x1xf32> to vector<8x10112xf32>
    %add3A_21 = arith.addf %dot_general3A_16, %add3A_20 : vector<8x10112xf32>
    %swap3A = arith.constant 0 : index
    %swap3A_22 = arith.constant 0 : index
    %swap3A_23 = vector.load %arg6[%swap3A, %swap3A_22] : memref<8x10112xf32, #tpu.memory_space<vmem>>, vector<8x10112xf32>
    tpu.vector_store %arg6[%swap3A, %swap3A_22], %add3A_21 {strides = array<i32>} : memref<8x10112xf32, #tpu.memory_space<vmem>>, vector<8x10112xf32>,
    return
  }
  func.func @transform_0(%arg0: i32) -> (i32, i32) {
    %c0_i32 = arith.constant 0 : i32
    %c0_i32_0 = arith.constant 0 : i32
    return %arg0, %c0_i32 : i32, i32
  }
  func.func @transform_1(%arg0: i32) -> (i32, i32) {
    %c0_i32 = arith.constant 0 : i32
    %c0_i32_0 = arith.constant 0 : i32
    %c0_i32_1 = arith.constant 0 : i32
    return %c0_i32, %c0_i32_0 : i32, i32
  }
  func.func @transform_2(%arg0: i32) -> (i32, i32) {
    %c0_i32 = arith.constant 0 : i32
    %c0_i32_0 = arith.constant 0 : i32
    %c0_i32_1 = arith.constant 0 : i32
    return %c0_i32, %c0_i32_0 : i32, i32
  }
  func.func @transform_3(%arg0: i32) -> (i32, i32) {
    %c0_i32 = arith.constant 0 : i32
    %c0_i32_0 = arith.constant 0 : i32
    %c0_i32_1 = arith.constant 0 : i32
    return %c0_i32, %c0_i32_0 : i32, i32
  }
  func.func @transform_4(%arg0: i32) -> (i32, i32) {
    %c0_i32 = arith.constant 0 : i32
    %c0_i32_0 = arith.constant 0 : i32
    %c0_i32_1 = arith.constant 0 : i32
    return %c0_i32, %c0_i32_0 : i32, i32
  }
  func.func @transform_5(%arg0: i32) -> (i32, i32) {
    %c0_i32 = arith.constant 0 : i32
    %c0_i32_0 = arith.constant 0 : i32
    return %c0_i32, %arg0 : i32, i32
  }
}

</mosaic_0001>

<sc_bundles>
// kernel: kernel.10.cloned.1.call-start
scs
__scs_entry_jumppad:
0x0: {  	(pc) =	sbr.rel $0x88, $3  }
0x1: {  	(tag) =	ssettag $0x0;
	lr =	simm.s32 $0x1  }
0x2: {  	[smem:$0x3F93] =	sst lr;
	_ =	strace $0xD0000000  }
0x3: {  	_ = 	snop  }
0x4: {  	_ = 	snop  }
0x5: {  	_ = 	snop  }
0x6: {  	_ = 	snop  }
0x7: {  	_ = 	snop  }
__scs_overlays_trampoline_lowered:
0x8: {  	[smem:$0x3FA2] =	sst s0  }
0x9: {  	[smem:$0x3FA3] =	sst s1  }
0xa: {  	[smem:$0x3FA4] =	sst s2  }
0xb: {  	[smem:$0x3FA5] =	sst s3  }
0xc: {  	[smem:$0x3FA6] =	sst s4  }
0xd: {  	[smem:$0x3FA7] =	sst s5  }
0xe: {  	[smem:$0x3FA8] =	sst s6  }
0xf: {  	[smem:$0x3FA9] =	sst s7  }
0x10: {  	[smem:$0x3FAA] =	sst s8  }
0x11: {  	[smem:$0x3FAB] =	sst s9;
	s0 =	simm.s32 @!p0 $0x0  }
0x12: {  	s1 =	sld [smem:$0x3F91];
	s0 =	simm.s32 @p0 $0x1  }
0x13: {  	[smem:$0x3FAC] =	sst s0;
	s0 =	simm.s32 @!p1 $0x0  }
0x14: {  	s2 =	sld [smem:$0x3F90];
	s0 =	simm.s32 @p1 $0x1  }
0x15: {  	[smem:$0x3FAD] =	sst s0;
	s0 =	simm.s32 @!p2 $0x0  }
0x16: {  	s3 =	sld [smem:$0x3FDB];
	s0 =	simm.s32 @p2 $0x1  }
0x17: {  	s4 =	simm.s32 $0x1BF5;
	[smem:$0x3FAF] =	sst s0  }
0x18: {  	s0 =	sld [smem:$0x3F92];
	_ =	swait.ge [sflag:s4], $0x0  }
0x19: {  	s7 =	sld [smem:$0x3F93]  }
0x1a: {  	s8 =	sadd.s32 $0xFFFFE003, lr  }
0x1b: {  	s9 =	sadd.s32 $0xFFFFFEF7, lr;
	s5 =	simm.s32 $0xFFFFFFFF;
	p2 =	slt.u32 s8, $0xFFFFF086  }
0x1c: {  	p1 =	slt.u32 s9, $0xF7A;
	s5 =	simm.s32 @!p2 $0x0  }
0x1d: {  	s5 =	simm.s32 @p1 $0x1;
	p0 =	seq.s32 s7, s2  }
0x1e: {  	s7 =	smul.u32 @!p0 $0xF7A, s2;
	p2 =	seq.s32 @!p0 s5, $0x0  }
0x1f: {  	s9 =	smul.u32 $0xF7A, s1;
	s8 =	simm.s32 @!p0 $0x1BF5;
	p2 =	por !p2, p0  }
0x20: {  	[sflag:s8] =	ssyncset.s32 @!p0 $0xFFFFF086;
	s6 =	sadd.s32 @!p0 s3, s7;
	s7 =	simm.s32 @!p0 $0x108  }
0x21: {  	s3 =	sadd.s32 s3, s9;
	s6 =	sadd.s32 @!p0 $0x88, s6;
	s7 =	simm.s32 @p2 $0x1082  }
0x22: {  	[simem:s7], [sflag:s8] =	dma.local @!p0 [hbm:s6], $0xF7A  }
0x23: {  	s9 =	sor.u32 $0xD0000000, s2;
	s6 =	simm.s32 $0x108;
	_ =	swait.ge @!p0 [sflag:s8], $0x0  }
0x24: {  	s3 =	sadd.s32 $0x88, s3;
	s6 =	simm.s32 @!p1 $0x1082;
	[sflag:s4] =	ssyncset.s32 $0xFFFFF086  }
0x25: {  	[simem:s6], [sflag:s4] =	dma.local [hbm:s3], $0xF7A  }
0x26: {  	[smem:$0x3F93] =	sst s1;
	(tag) =	ssettag s2;
	_ =	strace s9  }
0x27: {  	s1 =	sld [smem:$0x3FA3]  }
0x28: {  	s2 =	sld [smem:$0x3FA4]  }
0x29: {  	s4 =	sld [smem:$0x3FA6]  }
0x2a: {  	p0 =	seq.s32 s5, $0x0;
	s5 =	sld [smem:$0x3FA7]  }
0x2b: {  	s6 =	sld [smem:$0x3FA8]  }
0x2c: {  	s7 =	sld [smem:$0x3FA9]  }
0x2d: {  	s3 =	simm.s32 $0x108;
	s8 =	sld [smem:$0x3FAA]  }
0x2e: {  	s3 =	simm.s32 @!p0 $0x1082;
	s9 =	sld [smem:$0x3FAB]  }
0x2f: {  	lr =	sadd.s32 s0, s3;
	s0 =	sld [smem:$0x3FA2]  }
0x30: {  	s3 =	sld [smem:$0x3FA5]  }
0x31: {  	[smem:$0x3FAE] =	sst s10  }
0x32: {  	s10 =	sld [smem:$0x3FAC];
	_ =	sdelay $0x3  }
0x33: {  	p0 =	seq.s32 s10, $0x1;
	s10 =	sld [smem:$0x3FAE];
	_ =	sdelay $0x3  }
0x34: {  	[smem:$0x3FAE] =	sst s10  }
0x35: {  	s10 =	sld [smem:$0x3FAD];
	_ =	sdelay $0x3  }
0x36: {  	p1 =	seq.s32 s10, $0x1;
	s10 =	sld [smem:$0x3FAE];
	_ =	sdelay $0x3  }
0x37: {  	[smem:$0x3FAE] =	sst s10  }
0x38: {  	s10 =	sld [smem:$0x3FAF]  }
0x39: {  	_ = 	snop;
	(pc) =	sbr.ind lr, $3  }
0x3a: {  	_ = 	snop  }
0x3b: {  	_ = 	snop  }
0x3c: {  	p2 =	seq.s32 s10, $0x1;
	s10 =	sld [smem:$0x3FAE]  }
0x3d: {  	_ =	shalt  }
0x3e: {  	_ =	shalt  }
0x3f: {  	_ =	shalt  }
0x40: {  	_ =	shalt  }
0x41: {  	_ =	shalt  }
0x42: {  	_ =	shalt  }
0x43: {  	_ =	shalt  }
0x44: {  	_ =	shalt  }
0x45: {  	_ =	shalt  }
0x46: {  	_ =	shalt  }
0x47: {  	_ =	shalt  }
0x48: {  	_ =	shalt  }
0x49: {  	_ =	shalt  }
0x4a: {  	_ =	shalt  }
0x4b: {  	_ =	shalt  }
0x4c: {  	_ =	shalt  }
0x4d: {  	_ =	shalt  }
0x4e: {  	_ =	shalt  }
0x4f: {  	_ =	shalt  }
0x50: {  	_ =	shalt  }
0x51: {  	_ =	shalt  }
0x52: {  	_ =	shalt  }
0x53: {  	_ =	shalt  }
0x54: {  	_ =	shalt  }
0x55: {  	_ =	shalt  }
0x56: {  	_ =	shalt  }
0x57: {  	_ =	shalt  }
0x58: {  	_ =	shalt  }
0x59: {  	_ =	shalt  }
0x5a: {  	_ =	shalt  }
0x5b: {  	_ =	shalt  }
0x5c: {  	_ =	shalt  }
0x5d: {  	_ =	shalt  }
0x5e: {  	_ =	shalt  }
0x5f: {  	_ =	shalt  }
0x60: {  	_ =	shalt  }
0x61: {  	_ =	shalt  }
0x62: {  	_ =	shalt  }
0x63: {  	_ =	shalt  }
0x64: {  	_ =	shalt  }
0x65: {  	_ =	shalt  }
0x66: {  	_ =	shalt  }
0x67: {  	_ =	shalt  }
0x68: {  	_ =	shalt  }
0x69: {  	_ =	shalt  }
0x6a: {  	_ =	shalt  }
0x6b: {  	_ =	shalt  }
0x6c: {  	_ =	shalt  }
0x6d: {  	_ =	shalt  }
0x6e: {  	_ =	shalt  }
0x6f: {  	_ =	shalt  }
0x70: {  	_ =	shalt  }
0x71: {  	_ =	shalt  }
0x72: {  	_ =	shalt  }
0x73: {  	_ =	shalt  }
0x74: {  	_ =	shalt  }
0x75: {  	_ =	shalt  }
0x76: {  	_ =	shalt  }
0x77: {  	_ =	shalt  }
0x78: {  	_ =	shalt  }
0x79: {  	_ =	shalt  }
0x7a: {  	_ =	shalt  }
0x7b: {  	_ =	shalt  }
0x7c: {  	_ =	shalt  }
0x7d: {  	_ =	shalt  }
0x7e: {  	_ =	shalt  }
0x7f: {  	_ =	shalt  }
0x80: {  	_ =	shalt  }
0x81: {  	_ =	shalt  }
0x82: {  	_ =	shalt  }
0x83: {  	_ =	shalt  }
0x84: {  	_ =	shalt  }
0x85: {  	_ =	shalt  }
0x86: {  	_ =	shalt  }
0x87: {  	_ =	shalt  }
.Lfunc_end0:
.L_simem_size_0:
called_computation.1_lowered:
.L_overlay_start_0:
0x88: {  	s2 =	sld [smem:$0x3FD9]  }
0x89: {  	s3 =	sld [smem:$0x3FFE];
	_ =	sdelay $0x1  }
0x8a: {  	s1 =	srdreg.scid  }
0x8b: {  	s0 =	sand.u32 $0x1, s1  }
0x8c: {  	s17 =	sshll.u32 s0, $0xA;
	s2 =	sadd.s32 s3, s2  }
0x8d: {  	s2 =	sadd.s32 s2, s17  }
0x8e: {  	[smem:$0x3FBA] =	sst s2  }
0x8f: {  	_ = 	snop  }
0x90: {  	s2 =	sld [smem:$0x3FD0];
	(tm) =	ssettm $0x1  }
0x91: {  	s18 =	sld [smem:$0x3FFB];
	_ =	sdelay $0x3  }
0x92: {  	_ =	strace s18  }
0x93: {  	s3 =	sld [smem:$0x3FFC];
	_ =	sdelay $0x3  }
0x94: {  	_ =	strace s3  }
0x95: {  	s3 =	sld [smem:$0x3FFD];
	_ =	sdelay $0x3  }
0x96: {  	_ =	strace s3  }
0x97: {  	_ =	strace $0x8FFFFFFF  }
0x98: {  	s19 =	sld [smem:$0x3FDB];
	_ =	sdelay $0x1  }
0x99: {  	s4 =	simm.s32 $_scs_section_size  }
0x9a: {  	s5 =	simm.s32 $_size__tile_overlayer_lowered;
	s6 =	simm.s32 $_tile_overlayer_lowered  }
0x9b: {  	s22 =	simm.s32 $0x1BFF;
	s21 =	sshll.u32 s6, $0x1;
	s3 =	sadd.s32 s4, s19  }
0x9c: {  	s7 =	simm.s32 $0x0;
	s20 =	sshll.u32 s5, $0x1;
	s5 =	sadd.s32 s21, s3  }
0x9d: {  	[timem:s7], [sflag:s22] =	dma.local [hbm:s5], s20  }
0x9e: {  	_ =	swait.ge [sflag:s22], s20  }
0x9f: {  	s4 =	ssub.s32 $0x0, s20;
	[sflag:s22] =	ssyncset.done $0x0  }
0xa0: {  	[sflag:s22] =	ssyncadd.s32 s4;
	_ =	sdelay $0x1  }
0xa1: {  	s23 =	simm.s32 $0x1B8B  }
0xa2: {  	_ =	swait.ge [sflag:s23], $0x1  }
0xa3: {  	[sflag:s23] =	ssyncset.done $0x0  }
0xa4: {  	s25 =	simm.s32 $0x1B8E;
	s24 =	sld [smem:$0x3FFE];
	[sflag:s23] =	ssyncadd.s32 $0xFFFFFFFF  }
0xa5: {  	s26 =	simm.s32 $execute0_lowered;
	[smem:$0x3FD2] =	sst s25  }
0xa6: {  	s5 =	sshll.u32 s26, $0x1;
	_ =	strace $0x80000049;
	[dreg:$0x1] =	wrdreg $0xFFFFFFFF  }
0xa7: {  	s28 =	simm.s32 $_size_execute0_lowered;
	s3 =	sadd.s32 s3, s5;
	[dreg:$0x0] =	wrdreg $0x0  }
0xa8: {  	s5 =	sshll.u32 s28, $0x1;
	[dreg:$0x2] =	wrdreg s3  }
0xa9: {  	[dreg:$0x3] =	wrdreg s5  }
0xaa: {  	[dreg:$0x4] =	wrdreg $0xC0  }
0xab: {  	_ =	task [dreg:s7], $0x5FFFF  }
0xac: {  	[dreg:$0x1] =	wrdreg $0xFFFFFFFF  }
0xad: {  	[dreg:$0x0] =	wrdreg $0x60  }
0xae: {  	[dreg:$0x2] =	wrdreg s2  }
0xaf: {  	[dreg:$0x3] =	wrdreg s24  }
0xb0: {  	[dreg:$0x4] =	wrdreg $0x9  }
0xb1: {  	_ =	task.clear_ibuf [dreg:s7], $0x5FFFF;
	_ =	strace $0x90000049  }
0xb2: {  	s29 =	simm.s32 $0x9;
	_ =	strace $0x8000004B  }
0xb3: {  	_ =	swait.ge [sflag:s29], $0x1  }
0xb4: {  	[sflag:s29] =	ssyncadd.s32 $0xFFFFFFFF  }
0xb5: {  	_ =	strace $0x9000004B  }
0xb6: {  	_ =	sfence  }
0xb7: {  	s30 =	sld [smem:$0x0];
	_ =	sdelay $0x2  }
0xb8: {  	s31 =	sshll.u32 s1, $0xD;
	s1 =	sshrl.u32 s1, $0x2  }
0xb9: {  	s3 =	sand.u32 $0x4000, s31;
	s1 =	sadd.s32 s1, s30  }
0xba: {  	s0 =	sor.u32 s3, s0;
	s1 =	sshll.u32 s1, $0x11  }
0xbb: {  	s0 =	sor.u32 s1, s0  }
0xbc: {  	s0 =	sadd.s32 $0x8F2B, s0  }
0xbd: {  	[sflag:s0] =	ssyncadd.remote.s32 $0x1  }
0xbe: {  	_ =	sfence.sel $0xFFFF  }
0xbf: {  	[dreg:$0x0] =	wrdreg $0xFFFFFFFF;
	(pc) =	sbr.abs _section_cstart, $3  }
0xc0: {  	[dreg:$0x1] =	wrdreg $0xFFFFFFFF  }
0xc1: {  	_ =	task.clear_ibuf [dreg:s7], $0x2FFFF;
	_ =	strace $0x9FFFFFFF  }
0xc2: {  	(tm) =	ssettm $0x7FFFFFFF  }
0xc3: {  	_ =	shalt  }
tec
execute0_lowered:
.L_overlay_start_1:
0x0: {  	(tag) =	ssettag $0x1  }
0x1: {  	s2 =	rddreg [dreg:$0x0]  }
0x2: {  	s0 =	srdreg.scid;
	s3 =	stileid.u32  }
0x3: {  	s1 =	rddreg [dreg:$0x1];
	s30 =	simm.s32 $0x5700;
	s13 =	simm.s32 $0x3  }
0x4: {  	s14 =	simm.s32 $0xB;
	s31 =	simm.s32 $0x11;
	s28 =	simm.s32 $0x6  }
0x5: {  	s12 =	simm.s32 $0x12;
	s0 =	sand.u32 $0x1, s0;
	s4 =	sshll.u32 s3, $0x1  }
0x6: {  	s9 =	simm.s32 $0x13;
	s3 =	simm.s32 $0x0;
	s5 =	sor.u32 s0, s4  }
0x7: {  	s10 =	simm.s32 $0x0;
	[smem:$0x7FF] =	sst s3;
	s4 =	smul.u32 $0x4F, s5  }
0x8: {  	s0 =	ssub.s32 $0x2, s0;
	s6 =	smul.u32 $0x4F0, s5;
	_ =	strace $0x8000004A  }
0x9: {  	s7 =	sshrl.u32 s0, $0x1;
	s8 =	smul.u32 $0x27800, s5;
	s18 =	sadd.s32 $0x1, s4  }
0xa: {  	s5 =	sadd.s32 $0x1FE00, s1;
	s20 =	sadd.s32 $0x2, s4;
	[dreg:$0x5] =	wrdreg s18  }
0xb: {  	s0 =	ssub.s32 s0, s7;
	s21 =	sadd.s32 $0x3, s4;
	[dreg:$0x6] =	wrdreg s20  }
0xc: {  	s6 =	sadd.s32 s6, s1;
	s0 =	smax.u32 s0, $0x1;
	[dreg:$0x7] =	wrdreg s21  }
0xd: {  	s19 =	sshrl.u32 s8, $0x3;
	s16 =	sadd.s32 $0x16000, s6;
	[dreg:$0xf] =	wrdreg s0  }
0xe: {  	s17 =	sadd.s32 $0xC200, s6;
	s1 =	sadd.s32 s5, s19;
	[dreg:$0x3] =	wrdreg s16  }
0xf: {  	s7 =	simm.s32 $0xA;
	[dreg:$0x4] =	wrdreg s17;
	s22 =	sadd.s32 $0x4800, s1  }
0x10: {  	s8 =	simm.s32 $0xF;
	s23 =	sadd.s32 $0x4900, s1;
	[dreg:$0x8] =	wrdreg s22  }
0x11: {  	s21 =	simm.s32 $0x80;
	s24 =	sadd.s32 $0x4A00, s1;
	[dreg:$0x9] =	wrdreg s23  }
0x12: {  	s6 =	simm.s32 $0x2;
	s25 =	sadd.s32 $0x4B00, s1;
	[dreg:$0xa] =	wrdreg s24  }
0x13: {  	s18 =	simm.s32 $0xC;
	s26 =	sadd.s32 $0x4C00, s1;
	[dreg:$0xb] =	wrdreg s25  }
0x14: {  	s20 =	simm.s32 $0xE;
	s29 =	sadd.s32 $0x4D00, s1;
	[dreg:$0xc] =	wrdreg s26  }
0x15: {  	s1 =	sadd.s32 $0x4E00, s1;
	s17 =	simm.s32 $0x4;
	[dreg:$0xd] =	wrdreg s29  }
0x16: {  	s16 =	simm.s32 $0x7;
	[dreg:$0xe] =	wrdreg s1;
	s1 =	simm.s32 $0x9  }
0x17: {  	s23 =	simm.s32 $0x5;
	s26 =	simm.s32 $0xD;
	s22 =	simm.s32 $0x14  }
.LBB2_1:
0x18: {  	[dreg:$0x10] =	wrdreg s10  }
0x19: {  	s0 =	rddreg [dreg:$0x3];
	s25 =	simm.s32 $0x19  }
0x1a: {  	[tilespmem:s3], [sflag:$0x19] =	stream.linear.gather [hbm4b:s0+s3], $0x2780, $0x38;
	[tilespmem:$0xCF00] =	vst v63  }
0x1b: {  	_ =	swait.ge [sflag:s25], $0x2780  }
0x1c: {  	[sflag:s25] =	ssyncset.done $0x0  }
0x1d: {  	s11 =	simm.s32 $0x2780;
	s29 =	rddreg [dreg:$0x4];
	[sflag:s25] =	ssyncadd.s32 $0xFFFFD880  }
0x1e: {  	[tilespmem:s11], [sflag:$0x19] =	stream.linear.gather [hbm4b:s29+s3], $0x2780, $0x38;
	[tilespmem:$0xCF00] =	vst v63  }
0x1f: {  	_ =	swait.ge [sflag:s25], $0x2780  }
0x20: {  	[sflag:s25] =	ssyncset.done $0x0  }
0x21: {  	s10 =	simm.s32 $0x4F00;
	[sflag:s25] =	ssyncadd.s32 $0xFFFFD880  }
0x22: {  	[tilespmem:s10], [sflag:$0x1] =	stream.indirect.gather [hbm4b:s2+s21], $0x10, s3, s21, $0xb8;
	[tilespmem:$0xCF00] =	vst v63  }
0x23: {  	s15 =	simm.s32 $0x8F00  }
0x24: {  	[tilespmem:s15], [sflag:$0x9] =	stream.indirect.gather [hbm4b:s2+s21], $0x10, s11, s21, $0xb8;
	[tilespmem:$0xCF00] =	vst v63  }
0x25: {  	_ = 	snop  }
0x26: {  	[tilespmem:s30], [sflag:$0x2] =	stream.indirect.gather [hbm4b:s2+s21], $0x10, s21, s21, $0xb8;
	[tilespmem:$0xCF00] =	vst v63  }
0x27: {  	s19 =	simm.s32 $0x2800;
	s24 =	simm.s32 $0x9700  }
0x28: {  	[tilespmem:s24], [sflag:$0xA] =	stream.indirect.gather [hbm4b:s2+s21], $0x10, s19, s21, $0xb8;
	[tilespmem:$0xCF00] =	vst v63  }
0x29: {  	s29 =	simm.s32 $0x5F00;
	s25 =	simm.s32 $0x100  }
0x2a: {  	[tilespmem:s29], [sflag:$0x3] =	stream.indirect.gather [hbm4b:s2+s21], $0x10, s25, s21, $0xb8;
	[tilespmem:$0xCF00] =	vst v63  }
0x2b: {  	s11 =	simm.s32 $0x2880;
	s15 =	simm.s32 $0x9F00  }
0x2c: {  	[tilespmem:s15], [sflag:$0xB] =	stream.indirect.gather [hbm4b:s2+s21], $0x10, s11, s21, $0xb8;
	[tilespmem:$0xCF00] =	vst v63  }
0x2d: {  	s19 =	simm.s32 $0x180;
	s24 =	simm.s32 $0x6700  }
0x2e: {  	[tilespmem:s24], [sflag:$0x4] =	stream.indirect.gather [hbm4b:s2+s21], $0x10, s19, s21, $0xb8;
	[tilespmem:$0xCF00] =	vst v63  }
0x2f: {  	s25 =	simm.s32 $0x2900;
	s29 =	simm.s32 $0xA700;
	s24 =	simm.s32 $0x0  }
0x30: {  	[tilespmem:s29], [sflag:$0xC] =	stream.indirect.gather [hbm4b:s2+s21], $0x10, s25, s21, $0xb8;
	[tilespmem:$0xCF00] =	vst v63  }
.LBB2_2:
0x31: {  	s0 =	simm.s32 $0x1  }
0x32: {  	_ =	swait.ge [sflag:s0], $0x800  }
0x33: {  	[sflag:s0] =	ssyncset.done $0x0  }
0x34: {  	[sflag:s0] =	ssyncadd.s32 $0xFFFFF800  }
0x35: {  	_ =	swait.ge [sflag:s1], $0x800  }
0x36: {  	[sflag:s1] =	ssyncset.done $0x0  }
0x37: {  	s0 =	simm.s32 $0x4F40;
	[sflag:s1] =	ssyncadd.s32 $0xFFFFF800  }
0x38: {  	s11 =	simm.s32 $0x8F40;
	v0 =	vld [tilespmem:s0+$0xFFFFFFC0]  }
0x39: {  	v1 =	vld [tilespmem:s11+$0xFFFFFFC0];
	_ =	sdelay $0x4  }
0x3a: {  	v0 =	vmul.f32 v1, v0;
	_ =	sdelay $0x1  }
0x3b: {  	[tilespmem:s0+$0xFFFFFFC0] =	vst v0;
	v0 =	vld [tilespmem:s0+$0xFFFFFFD0]  }
0x3c: {  	v1 =	vld [tilespmem:s11+$0xFFFFFFD0];
	_ =	sdelay $0x4  }
0x3d: {  	v0 =	vmul.f32 v1, v0;
	_ =	sdelay $0x1  }
0x3e: {  	[tilespmem:s0+$0xFFFFFFD0] =	vst v0;
	v0 =	vld [tilespmem:s0+$0xFFFFFFE0]  }
0x3f: {  	v1 =	vld [tilespmem:s11+$0xFFFFFFE0];
	_ =	sdelay $0x4  }
0x40: {  	v0 =	vmul.f32 v1, v0;
	_ =	sdelay $0x1  }
0x41: {  	[tilespmem:s0+$0xFFFFFFE0] =	vst v0;
	v0 =	vld [tilespmem:s0+$0xFFFFFFF0]  }
0x42: {  	v1 =	vld [tilespmem:s11+$0xFFFFFFF0];
	_ =	sdelay $0x4  }
0x43: {  	v0 =	vmul.f32 v1, v0;
	_ =	sdelay $0x1  }
0x44: {  	[tilespmem:s0+$0xFFFFFFF0] =	vst v0;
	v0 =	vld [tilespmem:s0+$0x0]  }
0x45: {  	v1 =	vld [tilespmem:s11+$0x0];
	_ =	sdelay $0x4  }
0x46: {  	v0 =	vmul.f32 v1, v0;
	_ =	sdelay $0x1  }
0x47: {  	[tilespmem:s0+$0x0] =	vst v0;
	v0 =	vld [tilespmem:s0+$0x10]  }
0x48: {  	v1 =	vld [tilespmem:s11+$0x10];
	_ =	sdelay $0x4  }
0x49: {  	v0 =	vmul.f32 v1, v0;
	_ =	sdelay $0x1  }
0x4a: {  	[tilespmem:s0+$0x10] =	vst v0;
	v0 =	vld [tilespmem:s0+$0x20]  }
0x4b: {  	v1 =	vld [tilespmem:s11+$0x20];
	_ =	sdelay $0x4  }
0x4c: {  	v0 =	vmul.f32 v1, v0;
	_ =	sdelay $0x1  }
0x4d: {  	[tilespmem:s0+$0x20] =	vst v0;
	v0 =	vld [tilespmem:s0+$0x30]  }
0x4e: {  	v1 =	vld [tilespmem:s11+$0x30];
	_ =	sdelay $0x4  }
0x4f: {  	v0 =	vmul.f32 v1, v0  }
0x50: {  	s10 =	simm.s32 $0x0;
	s15 =	simm.s32 $0x4FC0  }
.LBB2_3:
0x51: {  	v1 =	vld [tilespmem:s15+$0xFFFFFFC0];
	[tilespmem:s0+$0x30] =	vst v0;
	s11 =	sadd.s32 $0x80, s11;
	s0 =	smov.u32 s15  }
0x52: {  	s10 =	sadd.s32 $0x8, s10;
	v0 =	vld [tilespmem:s11+$0xFFFFFFC0]  }
0x53: {  	p0 =	slt.u32 s10, $0x78;
	_ =	sdelay $0x3  }
0x54: {  	v0 =	vmul.f32 v0, v1;
	_ =	sdelay $0x1  }
0x55: {  	[tilespmem:s15+$0xFFFFFFC0] =	vst v0;
	v0 =	vld [tilespmem:s15+$0xFFFFFFD0]  }
0x56: {  	v1 =	vld [tilespmem:s11+$0xFFFFFFD0];
	_ =	sdelay $0x4  }
0x57: {  	v0 =	vmul.f32 v1, v0;
	_ =	sdelay $0x1  }
0x58: {  	[tilespmem:s15+$0xFFFFFFD0] =	vst v0;
	v0 =	vld [tilespmem:s15+$0xFFFFFFE0]  }
0x59: {  	v1 =	vld [tilespmem:s11+$0xFFFFFFE0];
	_ =	sdelay $0x4  }
0x5a: {  	v0 =	vmul.f32 v1, v0;
	_ =	sdelay $0x1  }
0x5b: {  	[tilespmem:s15+$0xFFFFFFE0] =	vst v0;
	v0 =	vld [tilespmem:s15+$0xFFFFFFF0]  }
0x5c: {  	v1 =	vld [tilespmem:s11+$0xFFFFFFF0];
	_ =	sdelay $0x4  }
0x5d: {  	v0 =	vmul.f32 v1, v0;
	_ =	sdelay $0x1  }
0x5e: {  	[tilespmem:s15+$0xFFFFFFF0] =	vst v0;
	v0 =	vld [tilespmem:s15+$0x0]  }
0x5f: {  	v1 =	vld [tilespmem:s11+$0x0];
	_ =	sdelay $0x4  }
0x60: {  	v0 =	vmul.f32 v1, v0;
	_ =	sdelay $0x1  }
0x61: {  	[tilespmem:s15+$0x0] =	vst v0;
	v0 =	vld [tilespmem:s15+$0x10]  }
0x62: {  	v1 =	vld [tilespmem:s11+$0x10];
	_ =	sdelay $0x4  }
0x63: {  	v0 =	vmul.f32 v1, v0;
	_ =	sdelay $0x1  }
0x64: {  	[tilespmem:s15+$0x10] =	vst v0;
	v0 =	vld [tilespmem:s15+$0x20]  }
0x65: {  	v1 =	vld [tilespmem:s11+$0x20];
	_ =	sdelay $0x4  }
0x66: {  	v0 =	vmul.f32 v1, v0;
	_ =	sdelay $0x1  }
0x67: {  	[tilespmem:s15+$0x20] =	vst v0;
	v0 =	vld [tilespmem:s15+$0x30]  }
0x68: {  	v1 =	vld [tilespmem:s11+$0x30];
	_ =	sdelay $0x1  }
.Ltmp0:
0x69: {  	(pc) =	sbr.rel @p0 .LBB2_3-.Ltmp0, $3  }
0x6a: {  	_ =	sdelay $0x1  }
0x6b: {  	v0 =	vmul.f32 v1, v0  }
0x6c: {  	s15 =	sadd.s32 $0x80, s15  }
0x6d: {  	s11 =	sshll.u32 s24, $0x3  }
0x6e: {  	s10 =	sadd.s32 s4, s11  }
0x6f: {  	p0 =	seq.s32 s24, $0x0;
	s10 =	sshll.u32 s10, $0x8  }
0x70: {  	[tilespmem:s0+$0x30] =	vst v0;
	s25 =	simm.s32 $0x4F00;
	s0 =	simm.s32 @!p0 $0x15;
	s19 =	sadd.s32 s5, s10  }
0x71: {  	[hbm4b:s19+s3] =	stream.linear.scatter [tilespmem:s25], [sflag:$0x11], $0x800, $0x38;
	[tilespmem:$0xCF00] =	vst v63  }
0x72: {  	_ =	swait.ge @!p0 [sflag:s0], $0x800  }
0x73: {  	s29 =	sor.u32 $0x4, s11;
	[sflag:s0] =	ssyncset.done @!p0 $0x0  }
0x74: {  	s15 =	sshll.u32 s29, $0x7;
	s19 =	simm.s32 $0x6F00;
	[sflag:s0] =	ssyncadd.s32 @!p0 $0xFFFFF800  }
0x75: {  	[tilespmem:s19], [sflag:$0x5] =	stream.indirect.gather [hbm4b:s2+s21], $0x10, s15, s21, $0xb8;
	[tilespmem:$0xCF00] =	vst v63  }
0x76: {  	s25 =	simm.s32 $0xAF00;
	s0 =	sadd.s32 $0x2780, s15  }
0x77: {  	[tilespmem:s25], [sflag:$0xD] =	stream.indirect.gather [hbm4b:s2+s21], $0x10, s0, s21, $0xb8;
	[tilespmem:$0xCF00] =	vst v63  }
0x78: {  	_ =	swait.ge [sflag:s6], $0x800  }
0x79: {  	[sflag:s6] =	ssyncset.done $0x0  }
0x7a: {  	[sflag:s6] =	ssyncadd.s32 $0xFFFFF800  }
0x7b: {  	_ =	swait.ge [sflag:s7], $0x800  }
0x7c: {  	[sflag:s7] =	ssyncset.done $0x0  }
0x7d: {  	s0 =	simm.s32 $0x5740;
	[sflag:s7] =	ssyncadd.s32 $0xFFFFF800  }
0x7e: {  	s15 =	simm.s32 $0x9740;
	v0 =	vld [tilespmem:s0+$0xFFFFFFC0]  }
0x7f: {  	v1 =	vld [tilespmem:s15+$0xFFFFFFC0];
	_ =	sdelay $0x4  }
0x80: {  	v0 =	vmul.f32 v1, v0;
	_ =	sdelay $0x1  }
0x81: {  	[tilespmem:s0+$0xFFFFFFC0] =	vst v0;
	v0 =	vld [tilespmem:s0+$0xFFFFFFD0]  }
0x82: {  	v1 =	vld [tilespmem:s15+$0xFFFFFFD0];
	_ =	sdelay $0x4  }
0x83: {  	v0 =	vmul.f32 v1, v0;
	_ =	sdelay $0x1  }
0x84: {  	[tilespmem:s0+$0xFFFFFFD0] =	vst v0;
	v0 =	vld [tilespmem:s0+$0xFFFFFFE0]  }
0x85: {  	v1 =	vld [tilespmem:s15+$0xFFFFFFE0];
	_ =	sdelay $0x4  }
0x86: {  	v0 =	vmul.f32 v1, v0;
	_ =	sdelay $0x1  }
0x87: {  	[tilespmem:s0+$0xFFFFFFE0] =	vst v0;
	v0 =	vld [tilespmem:s0+$0xFFFFFFF0]  }
0x88: {  	v1 =	vld [tilespmem:s15+$0xFFFFFFF0];
	_ =	sdelay $0x4  }
0x89: {  	v0 =	vmul.f32 v1, v0;
	_ =	sdelay $0x1  }
0x8a: {  	[tilespmem:s0+$0xFFFFFFF0] =	vst v0;
	v0 =	vld [tilespmem:s0+$0x0]  }
0x8b: {  	v1 =	vld [tilespmem:s15+$0x0];
	_ =	sdelay $0x4  }
0x8c: {  	v0 =	vmul.f32 v1, v0;
	_ =	sdelay $0x1  }
0x8d: {  	[tilespmem:s0+$0x0] =	vst v0;
	v0 =	vld [tilespmem:s0+$0x10]  }
0x8e: {  	v1 =	vld [tilespmem:s15+$0x10];
	_ =	sdelay $0x4  }
0x8f: {  	v0 =	vmul.f32 v1, v0;
	_ =	sdelay $0x1  }
0x90: {  	[tilespmem:s0+$0x10] =	vst v0;
	v0 =	vld [tilespmem:s0+$0x20]  }
0x91: {  	v1 =	vld [tilespmem:s15+$0x20];
	_ =	sdelay $0x4  }
0x92: {  	v0 =	vmul.f32 v1, v0;
	_ =	sdelay $0x1  }
0x93: {  	[tilespmem:s0+$0x20] =	vst v0;
	v0 =	vld [tilespmem:s0+$0x30]  }
0x94: {  	v1 =	vld [tilespmem:s15+$0x30];
	_ =	sdelay $0x4  }
0x95: {  	v0 =	vmul.f32 v1, v0  }
0x96: {  	s10 =	simm.s32 $0x0;
	s19 =	simm.s32 $0x57C0  }
.LBB2_5:
0x97: {  	v1 =	vld [tilespmem:s19+$0xFFFFFFC0];
	[tilespmem:s0+$0x30] =	vst v0;
	s15 =	sadd.s32 $0x80, s15;
	s0 =	smov.u32 s19  }
0x98: {  	s10 =	sadd.s32 $0x8, s10;
	v0 =	vld [tilespmem:s15+$0xFFFFFFC0]  }
0x99: {  	p1 =	slt.u32 s10, $0x78;
	_ =	sdelay $0x3  }
0x9a: {  	v0 =	vmul.f32 v0, v1;
	_ =	sdelay $0x1  }
0x9b: {  	[tilespmem:s19+$0xFFFFFFC0] =	vst v0;
	v0 =	vld [tilespmem:s19+$0xFFFFFFD0]  }
0x9c: {  	v1 =	vld [tilespmem:s15+$0xFFFFFFD0];
	_ =	sdelay $0x4  }
0x9d: {  	v0 =	vmul.f32 v1, v0;
	_ =	sdelay $0x1  }
0x9e: {  	[tilespmem:s19+$0xFFFFFFD0] =	vst v0;
	v0 =	vld [tilespmem:s19+$0xFFFFFFE0]  }
0x9f: {  	v1 =	vld [tilespmem:s15+$0xFFFFFFE0];
	_ =	sdelay $0x4  }
0xa0: {  	v0 =	vmul.f32 v1, v0;
	_ =	sdelay $0x1  }
0xa1: {  	[tilespmem:s19+$0xFFFFFFE0] =	vst v0;
	v0 =	vld [tilespmem:s19+$0xFFFFFFF0]  }
0xa2: {  	v1 =	vld [tilespmem:s15+$0xFFFFFFF0];
	_ =	sdelay $0x4  }
0xa3: {  	v0 =	vmul.f32 v1, v0;
	_ =	sdelay $0x1  }
0xa4: {  	[tilespmem:s19+$0xFFFFFFF0] =	vst v0;
	v0 =	vld [tilespmem:s19+$0x0]  }
0xa5: {  	v1 =	vld [tilespmem:s15+$0x0];
	_ =	sdelay $0x4  }
0xa6: {  	v0 =	vmul.f32 v1, v0;
	_ =	sdelay $0x1  }
0xa7: {  	[tilespmem:s19+$0x0] =	vst v0;
	v0 =	vld [tilespmem:s19+$0x10]  }
0xa8: {  	v1 =	vld [tilespmem:s15+$0x10];
	_ =	sdelay $0x4  }
0xa9: {  	v0 =	vmul.f32 v1, v0;
	_ =	sdelay $0x1  }
0xaa: {  	[tilespmem:s19+$0x10] =	vst v0;
	v0 =	vld [tilespmem:s19+$0x20]  }
0xab: {  	v1 =	vld [tilespmem:s15+$0x20];
	_ =	sdelay $0x4  }
0xac: {  	v0 =	vmul.f32 v1, v0;
	_ =	sdelay $0x1  }
0xad: {  	[tilespmem:s19+$0x20] =	vst v0;
	v0 =	vld [tilespmem:s19+$0x30]  }
0xae: {  	v1 =	vld [tilespmem:s15+$0x30];
	_ =	sdelay $0x1  }
.Ltmp1:
0xaf: {  	(pc) =	sbr.rel @p1 .LBB2_5-.Ltmp1, $3  }
0xb0: {  	_ =	sdelay $0x1  }
0xb1: {  	v0 =	vmul.f32 v1, v0  }
0xb2: {  	s19 =	sadd.s32 $0x80, s19  }
0xb3: {  	s10 =	rddreg [dreg:$0x5]  }
0xb4: {  	s10 =	sadd.s32 s11, s10  }
0xb5: {  	s10 =	sshll.u32 s10, $0x8  }
0xb6: {  	s10 =	sand.u32 $0x1FFFFF00, s10  }
0xb7: {  	[tilespmem:s0+$0x30] =	vst v0;
	s19 =	sadd.s32 s5, s10;
	s10 =	simm.s32 @!p0 $0x16  }
0xb8: {  	[hbm4b:s19+s3] =	stream.linear.scatter [tilespmem:s30], [sflag:$0x12], $0x800, $0x38;
	[tilespmem:$0xCF00] =	vst v63  }
0xb9: {  	_ =	swait.ge @!p0 [sflag:s10], $0x800  }
0xba: {  	s0 =	sor.u32 $0x5, s11;
	[sflag:s10] =	ssyncset.done @!p0 $0x0  }
0xbb: {  	s15 =	simm.s32 $0x7700;
	s25 =	sshll.u32 s0, $0x7;
	[sflag:s10] =	ssyncadd.s32 @!p0 $0xFFFFF800  }
0xbc: {  	[tilespmem:s15], [sflag:$0x6] =	stream.indirect.gather [hbm4b:s2+s21], $0x10, s25, s21, $0xb8;
	[tilespmem:$0xCF00] =	vst v63  }
0xbd: {  	s30 =	simm.s32 $0xB700;
	s10 =	sadd.s32 $0x2780, s25  }
0xbe: {  	[tilespmem:s30], [sflag:$0xE] =	stream.indirect.gather [hbm4b:s2+s21], $0x10, s10, s21, $0xb8;
	[tilespmem:$0xCF00] =	vst v63  }
0xbf: {  	_ =	swait.ge [sflag:s13], $0x800  }
0xc0: {  	[sflag:s13] =	ssyncset.done $0x0  }
0xc1: {  	[sflag:s13] =	ssyncadd.s32 $0xFFFFF800  }
0xc2: {  	_ =	swait.ge [sflag:s14], $0x800  }
0xc3: {  	[sflag:s14] =	ssyncset.done $0x0  }
0xc4: {  	s25 =	simm.s32 $0x5F40;
	[sflag:s14] =	ssyncadd.s32 $0xFFFFF800  }
0xc5: {  	s15 =	simm.s32 $0x9F40;
	v0 =	vld [tilespmem:s25+$0xFFFFFFC0]  }
0xc6: {  	v1 =	vld [tilespmem:s15+$0xFFFFFFC0];
	_ =	sdelay $0x4  }
0xc7: {  	v0 =	vmul.f32 v1, v0;
	_ =	sdelay $0x1  }
0xc8: {  	[tilespmem:s25+$0xFFFFFFC0] =	vst v0;
	v0 =	vld [tilespmem:s25+$0xFFFFFFD0]  }
0xc9: {  	v1 =	vld [tilespmem:s15+$0xFFFFFFD0];
	_ =	sdelay $0x4  }
0xca: {  	v0 =	vmul.f32 v1, v0;
	_ =	sdelay $0x1  }
0xcb: {  	[tilespmem:s25+$0xFFFFFFD0] =	vst v0;
	v0 =	vld [tilespmem:s25+$0xFFFFFFE0]  }
0xcc: {  	v1 =	vld [tilespmem:s15+$0xFFFFFFE0];
	_ =	sdelay $0x4  }
0xcd: {  	v0 =	vmul.f32 v1, v0;
	_ =	sdelay $0x1  }
0xce: {  	[tilespmem:s25+$0xFFFFFFE0] =	vst v0;
	v0 =	vld [tilespmem:s25+$0xFFFFFFF0]  }
0xcf: {  	v1 =	vld [tilespmem:s15+$0xFFFFFFF0];
	_ =	sdelay $0x4  }
0xd0: {  	v0 =	vmul.f32 v1, v0;
	_ =	sdelay $0x1  }
0xd1: {  	[tilespmem:s25+$0xFFFFFFF0] =	vst v0;
	v0 =	vld [tilespmem:s25+$0x0]  }
0xd2: {  	v1 =	vld [tilespmem:s15+$0x0];
	_ =	sdelay $0x4  }
0xd3: {  	v0 =	vmul.f32 v1, v0;
	_ =	sdelay $0x1  }
0xd4: {  	[tilespmem:s25+$0x0] =	vst v0;
	v0 =	vld [tilespmem:s25+$0x10]  }
0xd5: {  	v1 =	vld [tilespmem:s15+$0x10];
	_ =	sdelay $0x4  }
0xd6: {  	v0 =	vmul.f32 v1, v0;
	_ =	sdelay $0x1  }
0xd7: {  	[tilespmem:s25+$0x10] =	vst v0;
	v0 =	vld [tilespmem:s25+$0x20]  }
0xd8: {  	v1 =	vld [tilespmem:s15+$0x20];
	_ =	sdelay $0x4  }
0xd9: {  	v0 =	vmul.f32 v1, v0;
	_ =	sdelay $0x1  }
0xda: {  	[tilespmem:s25+$0x20] =	vst v0;
	v0 =	vld [tilespmem:s25+$0x30]  }
0xdb: {  	v1 =	vld [tilespmem:s15+$0x30];
	_ =	sdelay $0x4  }
0xdc: {  	v0 =	vmul.f32 v1, v0  }
0xdd: {  	s19 =	simm.s32 $0x5FC0;
	s10 =	simm.s32 $0x0  }
.LBB2_7:
0xde: {  	v1 =	vld [tilespmem:s19+$0xFFFFFFC0];
	[tilespmem:s25+$0x30] =	vst v0;
	s15 =	sadd.s32 $0x80, s15;
	s25 =	smov.u32 s19  }
0xdf: {  	s10 =	sadd.s32 $0x8, s10;
	v0 =	vld [tilespmem:s15+$0xFFFFFFC0]  }
0xe0: {  	p1 =	slt.u32 s10, $0x78;
	_ =	sdelay $0x3  }
0xe1: {  	v0 =	vmul.f32 v0, v1;
	_ =	sdelay $0x1  }
0xe2: {  	[tilespmem:s19+$0xFFFFFFC0] =	vst v0;
	v0 =	vld [tilespmem:s19+$0xFFFFFFD0]  }
0xe3: {  	v1 =	vld [tilespmem:s15+$0xFFFFFFD0];
	_ =	sdelay $0x4  }
0xe4: {  	v0 =	vmul.f32 v1, v0;
	_ =	sdelay $0x1  }
0xe5: {  	[tilespmem:s19+$0xFFFFFFD0] =	vst v0;
	v0 =	vld [tilespmem:s19+$0xFFFFFFE0]  }
0xe6: {  	v1 =	vld [tilespmem:s15+$0xFFFFFFE0];
	_ =	sdelay $0x4  }
0xe7: {  	v0 =	vmul.f32 v1, v0;
	_ =	sdelay $0x1  }
0xe8: {  	[tilespmem:s19+$0xFFFFFFE0] =	vst v0;
	v0 =	vld [tilespmem:s19+$0xFFFFFFF0]  }
0xe9: {  	v1 =	vld [tilespmem:s15+$0xFFFFFFF0];
	_ =	sdelay $0x4  }
0xea: {  	v0 =	vmul.f32 v1, v0;
	_ =	sdelay $0x1  }
0xeb: {  	[tilespmem:s19+$0xFFFFFFF0] =	vst v0;
	v0 =	vld [tilespmem:s19+$0x0]  }
0xec: {  	v1 =	vld [tilespmem:s15+$0x0];
	_ =	sdelay $0x4  }
0xed: {  	v0 =	vmul.f32 v1, v0;
	_ =	sdelay $0x1  }
0xee: {  	[tilespmem:s19+$0x0] =	vst v0;
	v0 =	vld [tilespmem:s19+$0x10]  }
0xef: {  	v1 =	vld [tilespmem:s15+$0x10];
	_ =	sdelay $0x4  }
0xf0: {  	v0 =	vmul.f32 v1, v0;
	_ =	sdelay $0x1  }
0xf1: {  	[tilespmem:s19+$0x10] =	vst v0;
	v0 =	vld [tilespmem:s19+$0x20]  }
0xf2: {  	v1 =	vld [tilespmem:s15+$0x20];
	_ =	sdelay $0x4  }
0xf3: {  	v0 =	vmul.f32 v1, v0;
	_ =	sdelay $0x1  }
0xf4: {  	[tilespmem:s19+$0x20] =	vst v0;
	v0 =	vld [tilespmem:s19+$0x30]  }
0xf5: {  	v1 =	vld [tilespmem:s15+$0x30];
	_ =	sdelay $0x1  }
.Ltmp2:
0xf6: {  	(pc) =	sbr.rel @p1 .LBB2_7-.Ltmp2, $3  }
0xf7: {  	_ =	sdelay $0x1  }
0xf8: {  	v0 =	vmul.f32 v1, v0  }
0xf9: {  	s19 =	sadd.s32 $0x80, s19  }
0xfa: {  	s10 =	rddreg [dreg:$0x6]  }
0xfb: {  	s10 =	sadd.s32 s11, s10  }
0xfc: {  	s10 =	sshll.u32 s10, $0x8  }
0xfd: {  	s10 =	sand.u32 $0x1FFFFF00, s10  }
0xfe: {  	[tilespmem:s25+$0x30] =	vst v0;
	s15 =	simm.s32 $0x5F00;
	s10 =	sadd.s32 s5, s10  }
0xff: {  	[hbm4b:s10+s3] =	stream.linear.scatter [tilespmem:s15], [sflag:$0x13], $0x800, $0x38;
	[tilespmem:$0xCF00] =	vst v63  }
0x100: {  	s10 =	simm.s32 @!p0 $0x17  }
0x101: {  	_ =	swait.ge @!p0 [sflag:s10], $0x800  }
0x102: {  	s25 =	sor.u32 $0x6, s11;
	[sflag:s10] =	ssyncset.done @!p0 $0x0  }
0x103: {  	s19 =	simm.s32 $0x7F00;
	[sflag:s10] =	ssyncadd.s32 @!p0 $0xFFFFF800;
	s10 =	sshll.u32 s25, $0x7  }
0x104: {  	[tilespmem:s19], [sflag:$0x7] =	stream.indirect.gather [hbm4b:s2+s21], $0x10, s10, s21, $0xb8;
	[tilespmem:$0xCF00] =	vst v63  }
0x105: {  	s10 =	sadd.s32 $0x2780, s10;
	s19 =	simm.s32 $0xBF00  }
0x106: {  	[tilespmem:s19], [sflag:$0xF] =	stream.indirect.gather [hbm4b:s2+s21], $0x10, s10, s21, $0xb8;
	[tilespmem:$0xCF00] =	vst v63  }
0x107: {  	_ =	swait.ge [sflag:s17], $0x800  }
0x108: {  	[sflag:s17] =	ssyncset.done $0x0  }
0x109: {  	[sflag:s17] =	ssyncadd.s32 $0xFFFFF800  }
0x10a: {  	_ =	swait.ge [sflag:s18], $0x800  }
0x10b: {  	[sflag:s18] =	ssyncset.done $0x0  }
0x10c: {  	s15 =	simm.s32 $0x6740;
	[sflag:s18] =	ssyncadd.s32 $0xFFFFF800  }
0x10d: {  	s10 =	simm.s32 $0xA740;
	v0 =	vld [tilespmem:s15+$0xFFFFFFC0]  }
0x10e: {  	v1 =	vld [tilespmem:s10+$0xFFFFFFC0];
	_ =	sdelay $0x4  }
0x10f: {  	v0 =	vmul.f32 v1, v0;
	_ =	sdelay $0x1  }
0x110: {  	[tilespmem:s15+$0xFFFFFFC0] =	vst v0;
	v0 =	vld [tilespmem:s15+$0xFFFFFFD0]  }
0x111: {  	v1 =	vld [tilespmem:s10+$0xFFFFFFD0];
	_ =	sdelay $0x4  }
0x112: {  	v0 =	vmul.f32 v1, v0;
	_ =	sdelay $0x1  }
0x113: {  	[tilespmem:s15+$0xFFFFFFD0] =	vst v0;
	v0 =	vld [tilespmem:s15+$0xFFFFFFE0]  }
0x114: {  	v1 =	vld [tilespmem:s10+$0xFFFFFFE0];
	_ =	sdelay $0x4  }
0x115: {  	v0 =	vmul.f32 v1, v0;
	_ =	sdelay $0x1  }
0x116: {  	[tilespmem:s15+$0xFFFFFFE0] =	vst v0;
	v0 =	vld [tilespmem:s15+$0xFFFFFFF0]  }
0x117: {  	v1 =	vld [tilespmem:s10+$0xFFFFFFF0];
	_ =	sdelay $0x4  }
0x118: {  	v0 =	vmul.f32 v1, v0;
	_ =	sdelay $0x1  }
0x119: {  	[tilespmem:s15+$0xFFFFFFF0] =	vst v0;
	v0 =	vld [tilespmem:s15+$0x0]  }
0x11a: {  	v1 =	vld [tilespmem:s10+$0x0];
	_ =	sdelay $0x4  }
0x11b: {  	v0 =	vmul.f32 v1, v0;
	_ =	sdelay $0x1  }
0x11c: {  	[tilespmem:s15+$0x0] =	vst v0;
	v0 =	vld [tilespmem:s15+$0x10]  }
0x11d: {  	v1 =	vld [tilespmem:s10+$0x10];
	_ =	sdelay $0x4  }
0x11e: {  	v0 =	vmul.f32 v1, v0;
	_ =	sdelay $0x1  }
0x11f: {  	[tilespmem:s15+$0x10] =	vst v0;
	v0 =	vld [tilespmem:s15+$0x20]  }
0x120: {  	v1 =	vld [tilespmem:s10+$0x20];
	_ =	sdelay $0x4  }
0x121: {  	v0 =	vmul.f32 v1, v0;
	_ =	sdelay $0x1  }
0x122: {  	[tilespmem:s15+$0x20] =	vst v0;
	v0 =	vld [tilespmem:s15+$0x30]  }
0x123: {  	v1 =	vld [tilespmem:s10+$0x30];
	_ =	sdelay $0x4  }
0x124: {  	v0 =	vmul.f32 v1, v0  }
0x125: {  	s30 =	simm.s32 $0x67C0;
	s19 =	simm.s32 $0x0  }
.LBB2_9:
0x126: {  	v1 =	vld [tilespmem:s30+$0xFFFFFFC0];
	[tilespmem:s15+$0x30] =	vst v0;
	s10 =	sadd.s32 $0x80, s10;
	s15 =	smov.u32 s30  }
0x127: {  	s19 =	sadd.s32 $0x8, s19;
	v0 =	vld [tilespmem:s10+$0xFFFFFFC0]  }
0x128: {  	p1 =	slt.u32 s19, $0x78;
	_ =	sdelay $0x3  }
0x129: {  	v0 =	vmul.f32 v0, v1;
	_ =	sdelay $0x1  }
0x12a: {  	[tilespmem:s30+$0xFFFFFFC0] =	vst v0;
	v0 =	vld [tilespmem:s30+$0xFFFFFFD0]  }
0x12b: {  	v1 =	vld [tilespmem:s10+$0xFFFFFFD0];
	_ =	sdelay $0x4  }
0x12c: {  	v0 =	vmul.f32 v1, v0;
	_ =	sdelay $0x1  }
0x12d: {  	[tilespmem:s30+$0xFFFFFFD0] =	vst v0;
	v0 =	vld [tilespmem:s30+$0xFFFFFFE0]  }
0x12e: {  	v1 =	vld [tilespmem:s10+$0xFFFFFFE0];
	_ =	sdelay $0x4  }
0x12f: {  	v0 =	vmul.f32 v1, v0;
	_ =	sdelay $0x1  }
0x130: {  	[tilespmem:s30+$0xFFFFFFE0] =	vst v0;
	v0 =	vld [tilespmem:s30+$0xFFFFFFF0]  }
0x131: {  	v1 =	vld [tilespmem:s10+$0xFFFFFFF0];
	_ =	sdelay $0x4  }
0x132: {  	v0 =	vmul.f32 v1, v0;
	_ =	sdelay $0x1  }
0x133: {  	[tilespmem:s30+$0xFFFFFFF0] =	vst v0;
	v0 =	vld [tilespmem:s30+$0x0]  }
0x134: {  	v1 =	vld [tilespmem:s10+$0x0];
	_ =	sdelay $0x4  }
0x135: {  	v0 =	vmul.f32 v1, v0;
	_ =	sdelay $0x1  }
0x136: {  	[tilespmem:s30+$0x0] =	vst v0;
	v0 =	vld [tilespmem:s30+$0x10]  }
0x137: {  	v1 =	vld [tilespmem:s10+$0x10];
	_ =	sdelay $0x4  }
0x138: {  	v0 =	vmul.f32 v1, v0;
	_ =	sdelay $0x1  }
0x139: {  	[tilespmem:s30+$0x10] =	vst v0;
	v0 =	vld [tilespmem:s30+$0x20]  }
0x13a: {  	v1 =	vld [tilespmem:s10+$0x20];
	_ =	sdelay $0x4  }
0x13b: {  	v0 =	vmul.f32 v1, v0;
	_ =	sdelay $0x1  }
0x13c: {  	[tilespmem:s30+$0x20] =	vst v0;
	v0 =	vld [tilespmem:s30+$0x30]  }
0x13d: {  	v1 =	vld [tilespmem:s10+$0x30];
	_ =	sdelay $0x1  }
.Ltmp3:
0x13e: {  	(pc) =	sbr.rel @p1 .LBB2_9-.Ltmp3, $3  }
0x13f: {  	_ =	sdelay $0x1  }
0x140: {  	v0 =	vmul.f32 v1, v0  }
0x141: {  	s30 =	sadd.s32 $0x80, s30  }
0x142: {  	s10 =	rddreg [dreg:$0x7]  }
0x143: {  	s10 =	sadd.s32 s11, s10  }
0x144: {  	s10 =	sshll.u32 s10, $0x8  }
0x145: {  	s10 =	sand.u32 $0x1FFFFF00, s10  }
0x146: {  	[tilespmem:s15+$0x30] =	vst v0;
	s19 =	simm.s32 $0x6700;
	s10 =	sadd.s32 s5, s10  }
0x147: {  	[hbm4b:s10+s3] =	stream.linear.scatter [tilespmem:s19], [sflag:$0x14], $0x800, $0x38;
	[tilespmem:$0xCF00] =	vst v63  }
0x148: {  	s10 =	simm.s32 @!p0 $0x18  }
0x149: {  	_ =	swait.ge @!p0 [sflag:s10], $0x800  }
0x14a: {  	s11 =	sor.u32 $0x7, s11;
	[sflag:s10] =	ssyncset.done @!p0 $0x0  }
0x14b: {  	s19 =	simm.s32 $0x8700;
	[sflag:s10] =	ssyncadd.s32 @!p0 $0xFFFFF800;
	s10 =	sshll.u32 s11, $0x7  }
0x14c: {  	[tilespmem:s19], [sflag:$0x8] =	stream.indirect.gather [hbm4b:s2+s21], $0x10, s10, s21, $0xb8;
	[tilespmem:$0xCF00] =	vst v63  }
0x14d: {  	s10 =	sadd.s32 $0x2780, s10;
	s19 =	simm.s32 $0xC700  }
0x14e: {  	[tilespmem:s19], [sflag:$0x10] =	stream.indirect.gather [hbm4b:s2+s21], $0x10, s10, s21, $0xb8;
	[tilespmem:$0xCF00] =	vst v63  }
0x14f: {  	_ =	swait.ge [sflag:s23], $0x800  }
0x150: {  	[sflag:s23] =	ssyncset.done $0x0  }
0x151: {  	[sflag:s23] =	ssyncadd.s32 $0xFFFFF800  }
0x152: {  	_ =	swait.ge [sflag:s26], $0x800  }
0x153: {  	[sflag:s26] =	ssyncset.done $0x0  }
0x154: {  	s15 =	simm.s32 $0x6F40;
	[sflag:s26] =	ssyncadd.s32 $0xFFFFF800  }
0x155: {  	s10 =	simm.s32 $0xAF40;
	v0 =	vld [tilespmem:s15+$0xFFFFFFC0]  }
0x156: {  	v1 =	vld [tilespmem:s10+$0xFFFFFFC0];
	_ =	sdelay $0x4  }
0x157: {  	v0 =	vmul.f32 v1, v0;
	_ =	sdelay $0x1  }
0x158: {  	[tilespmem:s15+$0xFFFFFFC0] =	vst v0;
	v0 =	vld [tilespmem:s15+$0xFFFFFFD0]  }
0x159: {  	v1 =	vld [tilespmem:s10+$0xFFFFFFD0];
	_ =	sdelay $0x4  }
0x15a: {  	v0 =	vmul.f32 v1, v0;
	_ =	sdelay $0x1  }
0x15b: {  	[tilespmem:s15+$0xFFFFFFD0] =	vst v0;
	v0 =	vld [tilespmem:s15+$0xFFFFFFE0]  }
0x15c: {  	v1 =	vld [tilespmem:s10+$0xFFFFFFE0];
	_ =	sdelay $0x4  }
0x15d: {  	v0 =	vmul.f32 v1, v0;
	_ =	sdelay $0x1  }
0x15e: {  	[tilespmem:s15+$0xFFFFFFE0] =	vst v0;
	v0 =	vld [tilespmem:s15+$0xFFFFFFF0]  }
0x15f: {  	v1 =	vld [tilespmem:s10+$0xFFFFFFF0];
	_ =	sdelay $0x4  }
0x160: {  	v0 =	vmul.f32 v1, v0;
	_ =	sdelay $0x1  }
0x161: {  	[tilespmem:s15+$0xFFFFFFF0] =	vst v0;
	v0 =	vld [tilespmem:s15+$0x0]  }
0x162: {  	v1 =	vld [tilespmem:s10+$0x0];
	_ =	sdelay $0x4  }
0x163: {  	v0 =	vmul.f32 v1, v0;
	_ =	sdelay $0x1  }
0x164: {  	[tilespmem:s15+$0x0] =	vst v0;
	v0 =	vld [tilespmem:s15+$0x10]  }
0x165: {  	v1 =	vld [tilespmem:s10+$0x10];
	_ =	sdelay $0x4  }
0x166: {  	v0 =	vmul.f32 v1, v0;
	_ =	sdelay $0x1  }
0x167: {  	[tilespmem:s15+$0x10] =	vst v0;
	v0 =	vld [tilespmem:s15+$0x20]  }
0x168: {  	v1 =	vld [tilespmem:s10+$0x20];
	_ =	sdelay $0x4  }
0x169: {  	v0 =	vmul.f32 v1, v0;
	_ =	sdelay $0x1  }
0x16a: {  	[tilespmem:s15+$0x20] =	vst v0;
	v0 =	vld [tilespmem:s15+$0x30]  }
0x16b: {  	v1 =	vld [tilespmem:s10+$0x30];
	_ =	sdelay $0x4  }
0x16c: {  	v0 =	vmul.f32 v1, v0  }
0x16d: {  	s30 =	simm.s32 $0x6FC0;
	s19 =	simm.s32 $0x0  }
.LBB2_11:
0x16e: {  	v1 =	vld [tilespmem:s30+$0xFFFFFFC0];
	[tilespmem:s15+$0x30] =	vst v0;
	s10 =	sadd.s32 $0x80, s10;
	s15 =	smov.u32 s30  }
0x16f: {  	s19 =	sadd.s32 $0x8, s19;
	v0 =	vld [tilespmem:s10+$0xFFFFFFC0]  }
0x170: {  	p0 =	slt.u32 s19, $0x78;
	_ =	sdelay $0x3  }
0x171: {  	v0 =	vmul.f32 v0, v1;
	_ =	sdelay $0x1  }
0x172: {  	[tilespmem:s30+$0xFFFFFFC0] =	vst v0;
	v0 =	vld [tilespmem:s30+$0xFFFFFFD0]  }
0x173: {  	v1 =	vld [tilespmem:s10+$0xFFFFFFD0];
	_ =	sdelay $0x4  }
0x174: {  	v0 =	vmul.f32 v1, v0;
	_ =	sdelay $0x1  }
0x175: {  	[tilespmem:s30+$0xFFFFFFD0] =	vst v0;
	v0 =	vld [tilespmem:s30+$0xFFFFFFE0]  }
0x176: {  	v1 =	vld [tilespmem:s10+$0xFFFFFFE0];
	_ =	sdelay $0x4  }
0x177: {  	v0 =	vmul.f32 v1, v0;
	_ =	sdelay $0x1  }
0x178: {  	[tilespmem:s30+$0xFFFFFFE0] =	vst v0;
	v0 =	vld [tilespmem:s30+$0xFFFFFFF0]  }
0x179: {  	v1 =	vld [tilespmem:s10+$0xFFFFFFF0];
	_ =	sdelay $0x4  }
0x17a: {  	v0 =	vmul.f32 v1, v0;
	_ =	sdelay $0x1  }
0x17b: {  	[tilespmem:s30+$0xFFFFFFF0] =	vst v0;
	v0 =	vld [tilespmem:s30+$0x0]  }
0x17c: {  	v1 =	vld [tilespmem:s10+$0x0];
	_ =	sdelay $0x4  }
0x17d: {  	v0 =	vmul.f32 v1, v0;
	_ =	sdelay $0x1  }
0x17e: {  	[tilespmem:s30+$0x0] =	vst v0;
	v0 =	vld [tilespmem:s30+$0x10]  }
0x17f: {  	v1 =	vld [tilespmem:s10+$0x10];
	_ =	sdelay $0x4  }
0x180: {  	v0 =	vmul.f32 v1, v0;
	_ =	sdelay $0x1  }
0x181: {  	[tilespmem:s30+$0x10] =	vst v0;
	v0 =	vld [tilespmem:s30+$0x20]  }
0x182: {  	v1 =	vld [tilespmem:s10+$0x20];
	_ =	sdelay $0x4  }
0x183: {  	v0 =	vmul.f32 v1, v0;
	_ =	sdelay $0x1  }
0x184: {  	[tilespmem:s30+$0x20] =	vst v0;
	v0 =	vld [tilespmem:s30+$0x30]  }
0x185: {  	v1 =	vld [tilespmem:s10+$0x30];
	_ =	sdelay $0x1  }
.Ltmp4:
0x186: {  	(pc) =	sbr.rel @p0 .LBB2_11-.Ltmp4, $3  }
0x187: {  	_ =	sdelay $0x1  }
0x188: {  	v0 =	vmul.f32 v1, v0  }
0x189: {  	s30 =	sadd.s32 $0x80, s30  }
0x18a: {  	s10 =	sadd.s32 s4, s29  }
0x18b: {  	s10 =	sshll.u32 s10, $0x8  }
0x18c: {  	s10 =	sand.u32 $0x1FFFFF00, s10  }
0x18d: {  	[tilespmem:s15+$0x30] =	vst v0;
	s19 =	simm.s32 $0x6F00;
	s10 =	sadd.s32 s5, s10  }
0x18e: {  	[hbm4b:s10+s3] =	stream.linear.scatter [tilespmem:s19], [sflag:$0x15], $0x800, $0x38;
	[tilespmem:$0xCF00] =	vst v63  }
0x18f: {  	_ =	swait.ge [sflag:s31], $0x800  }
0x190: {  	s29 =	sshll.u32 s24, $0xA;
	[sflag:s31] =	ssyncset.done $0x0  }
0x191: {  	s15 =	sadd.s32 $0x400, s29;
	s19 =	simm.s32 $0x4F00;
	[sflag:s31] =	ssyncadd.s32 $0xFFFFF800  }
0x192: {  	[tilespmem:s19], [sflag:$0x1] =	stream.indirect.gather [hbm4b:s2+s21], $0x10, s15, s21, $0xb8;
	[tilespmem:$0xCF00] =	vst v63  }
0x193: {  	s15 =	sadd.s32 $0x2B80, s29;
	s19 =	simm.s32 $0x8F00  }
0x194: {  	[tilespmem:s19], [sflag:$0x9] =	stream.indirect.gather [hbm4b:s2+s21], $0x10, s15, s21, $0xb8;
	[tilespmem:$0xCF00] =	vst v63  }
0x195: {  	_ =	swait.ge [sflag:s28], $0x800  }
0x196: {  	[sflag:s28] =	ssyncset.done $0x0  }
0x197: {  	[sflag:s28] =	ssyncadd.s32 $0xFFFFF800  }
0x198: {  	_ =	swait.ge [sflag:s20], $0x800  }
0x199: {  	[sflag:s20] =	ssyncset.done $0x0  }
0x19a: {  	s15 =	simm.s32 $0x7740;
	[sflag:s20] =	ssyncadd.s32 $0xFFFFF800  }
0x19b: {  	s10 =	simm.s32 $0xB740;
	v0 =	vld [tilespmem:s15+$0xFFFFFFC0]  }
0x19c: {  	v1 =	vld [tilespmem:s10+$0xFFFFFFC0];
	_ =	sdelay $0x4  }
0x19d: {  	v0 =	vmul.f32 v1, v0;
	_ =	sdelay $0x1  }
0x19e: {  	[tilespmem:s15+$0xFFFFFFC0] =	vst v0;
	v0 =	vld [tilespmem:s15+$0xFFFFFFD0]  }
0x19f: {  	v1 =	vld [tilespmem:s10+$0xFFFFFFD0];
	_ =	sdelay $0x4  }
0x1a0: {  	v0 =	vmul.f32 v1, v0;
	_ =	sdelay $0x1  }
0x1a1: {  	[tilespmem:s15+$0xFFFFFFD0] =	vst v0;
	v0 =	vld [tilespmem:s15+$0xFFFFFFE0]  }
0x1a2: {  	v1 =	vld [tilespmem:s10+$0xFFFFFFE0];
	_ =	sdelay $0x4  }
0x1a3: {  	v0 =	vmul.f32 v1, v0;
	_ =	sdelay $0x1  }
0x1a4: {  	[tilespmem:s15+$0xFFFFFFE0] =	vst v0;
	v0 =	vld [tilespmem:s15+$0xFFFFFFF0]  }
0x1a5: {  	v1 =	vld [tilespmem:s10+$0xFFFFFFF0];
	_ =	sdelay $0x4  }
0x1a6: {  	v0 =	vmul.f32 v1, v0;
	_ =	sdelay $0x1  }
0x1a7: {  	[tilespmem:s15+$0xFFFFFFF0] =	vst v0;
	v0 =	vld [tilespmem:s15+$0x0]  }
0x1a8: {  	v1 =	vld [tilespmem:s10+$0x0];
	_ =	sdelay $0x4  }
0x1a9: {  	v0 =	vmul.f32 v1, v0;
	_ =	sdelay $0x1  }
0x1aa: {  	[tilespmem:s15+$0x0] =	vst v0;
	v0 =	vld [tilespmem:s15+$0x10]  }
0x1ab: {  	v1 =	vld [tilespmem:s10+$0x10];
	_ =	sdelay $0x4  }
0x1ac: {  	v0 =	vmul.f32 v1, v0;
	_ =	sdelay $0x1  }
0x1ad: {  	[tilespmem:s15+$0x10] =	vst v0;
	v0 =	vld [tilespmem:s15+$0x20]  }
0x1ae: {  	v1 =	vld [tilespmem:s10+$0x20];
	_ =	sdelay $0x4  }
0x1af: {  	v0 =	vmul.f32 v1, v0;
	_ =	sdelay $0x1  }
0x1b0: {  	[tilespmem:s15+$0x20] =	vst v0;
	v0 =	vld [tilespmem:s15+$0x30]  }
0x1b1: {  	v1 =	vld [tilespmem:s10+$0x30];
	_ =	sdelay $0x4  }
0x1b2: {  	v0 =	vmul.f32 v1, v0  }
0x1b3: {  	s30 =	simm.s32 $0x77C0;
	s19 =	simm.s32 $0x0  }
.LBB2_13:
0x1b4: {  	v1 =	vld [tilespmem:s30+$0xFFFFFFC0];
	[tilespmem:s15+$0x30] =	vst v0;
	s10 =	sadd.s32 $0x80, s10;
	s15 =	smov.u32 s30  }
0x1b5: {  	s19 =	sadd.s32 $0x8, s19;
	v0 =	vld [tilespmem:s10+$0xFFFFFFC0]  }
0x1b6: {  	p0 =	slt.u32 s19, $0x78;
	_ =	sdelay $0x3  }
0x1b7: {  	v0 =	vmul.f32 v0, v1;
	_ =	sdelay $0x1  }
0x1b8: {  	[tilespmem:s30+$0xFFFFFFC0] =	vst v0;
	v0 =	vld [tilespmem:s30+$0xFFFFFFD0]  }
0x1b9: {  	v1 =	vld [tilespmem:s10+$0xFFFFFFD0];
	_ =	sdelay $0x4  }
0x1ba: {  	v0 =	vmul.f32 v1, v0;
	_ =	sdelay $0x1  }
0x1bb: {  	[tilespmem:s30+$0xFFFFFFD0] =	vst v0;
	v0 =	vld [tilespmem:s30+$0xFFFFFFE0]  }
0x1bc: {  	v1 =	vld [tilespmem:s10+$0xFFFFFFE0];
	_ =	sdelay $0x4  }
0x1bd: {  	v0 =	vmul.f32 v1, v0;
	_ =	sdelay $0x1  }
0x1be: {  	[tilespmem:s30+$0xFFFFFFE0] =	vst v0;
	v0 =	vld [tilespmem:s30+$0xFFFFFFF0]  }
0x1bf: {  	v1 =	vld [tilespmem:s10+$0xFFFFFFF0];
	_ =	sdelay $0x4  }
0x1c0: {  	v0 =	vmul.f32 v1, v0;
	_ =	sdelay $0x1  }
0x1c1: {  	[tilespmem:s30+$0xFFFFFFF0] =	vst v0;
	v0 =	vld [tilespmem:s30+$0x0]  }
0x1c2: {  	v1 =	vld [tilespmem:s10+$0x0];
	_ =	sdelay $0x4  }
0x1c3: {  	v0 =	vmul.f32 v1, v0;
	_ =	sdelay $0x1  }
0x1c4: {  	[tilespmem:s30+$0x0] =	vst v0;
	v0 =	vld [tilespmem:s30+$0x10]  }
0x1c5: {  	v1 =	vld [tilespmem:s10+$0x10];
	_ =	sdelay $0x4  }
0x1c6: {  	v0 =	vmul.f32 v1, v0;
	_ =	sdelay $0x1  }
0x1c7: {  	[tilespmem:s30+$0x10] =	vst v0;
	v0 =	vld [tilespmem:s30+$0x20]  }
0x1c8: {  	v1 =	vld [tilespmem:s10+$0x20];
	_ =	sdelay $0x4  }
0x1c9: {  	v0 =	vmul.f32 v1, v0;
	_ =	sdelay $0x1  }
0x1ca: {  	[tilespmem:s30+$0x20] =	vst v0;
	v0 =	vld [tilespmem:s30+$0x30]  }
0x1cb: {  	v1 =	vld [tilespmem:s10+$0x30];
	_ =	sdelay $0x1  }
.Ltmp5:
0x1cc: {  	(pc) =	sbr.rel @p0 .LBB2_13-.Ltmp5, $3  }
0x1cd: {  	_ =	sdelay $0x1  }
0x1ce: {  	v0 =	vmul.f32 v1, v0  }
0x1cf: {  	s30 =	sadd.s32 $0x80, s30  }
0x1d0: {  	s0 =	sadd.s32 s4, s0  }
0x1d1: {  	s0 =	sshll.u32 s0, $0x8  }
0x1d2: {  	s0 =	sand.u32 $0x1FFFFF00, s0  }
0x1d3: {  	[tilespmem:s15+$0x30] =	vst v0;
	s10 =	simm.s32 $0x7700;
	s0 =	sadd.s32 s5, s0  }
0x1d4: {  	[hbm4b:s0+s3] =	stream.linear.scatter [tilespmem:s10], [sflag:$0x16], $0x800, $0x38;
	[tilespmem:$0xCF00] =	vst v63  }
0x1d5: {  	_ =	swait.ge [sflag:s12], $0x800  }
0x1d6: {  	[sflag:s12] =	ssyncset.done $0x0  }
0x1d7: {  	s30 =	simm.s32 $0x5700;
	s10 =	sadd.s32 $0x480, s29;
	[sflag:s12] =	ssyncadd.s32 $0xFFFFF800  }
0x1d8: {  	[tilespmem:s30], [sflag:$0x2] =	stream.indirect.gather [hbm4b:s2+s21], $0x10, s10, s21, $0xb8;
	[tilespmem:$0xCF00] =	vst v63  }
0x1d9: {  	s15 =	sadd.s32 $0x2C00, s29;
	s19 =	simm.s32 $0x9700  }
0x1da: {  	[tilespmem:s19], [sflag:$0xA] =	stream.indirect.gather [hbm4b:s2+s21], $0x10, s15, s21, $0xb8;
	[tilespmem:$0xCF00] =	vst v63  }
0x1db: {  	_ =	swait.ge [sflag:s16], $0x800  }
0x1dc: {  	[sflag:s16] =	ssyncset.done $0x0  }
0x1dd: {  	[sflag:s16] =	ssyncadd.s32 $0xFFFFF800  }
0x1de: {  	_ =	swait.ge [sflag:s8], $0x800  }
0x1df: {  	[sflag:s8] =	ssyncset.done $0x0  }
0x1e0: {  	s0 =	simm.s32 $0x7F40;
	[sflag:s8] =	ssyncadd.s32 $0xFFFFF800  }
0x1e1: {  	s10 =	simm.s32 $0xBF40;
	v0 =	vld [tilespmem:s0+$0xFFFFFFC0]  }
0x1e2: {  	v1 =	vld [tilespmem:s10+$0xFFFFFFC0];
	_ =	sdelay $0x4  }
0x1e3: {  	v0 =	vmul.f32 v1, v0;
	_ =	sdelay $0x1  }
0x1e4: {  	[tilespmem:s0+$0xFFFFFFC0] =	vst v0;
	v0 =	vld [tilespmem:s0+$0xFFFFFFD0]  }
0x1e5: {  	v1 =	vld [tilespmem:s10+$0xFFFFFFD0];
	_ =	sdelay $0x4  }
0x1e6: {  	v0 =	vmul.f32 v1, v0;
	_ =	sdelay $0x1  }
0x1e7: {  	[tilespmem:s0+$0xFFFFFFD0] =	vst v0;
	v0 =	vld [tilespmem:s0+$0xFFFFFFE0]  }
0x1e8: {  	v1 =	vld [tilespmem:s10+$0xFFFFFFE0];
	_ =	sdelay $0x4  }
0x1e9: {  	v0 =	vmul.f32 v1, v0;
	_ =	sdelay $0x1  }
0x1ea: {  	[tilespmem:s0+$0xFFFFFFE0] =	vst v0;
	v0 =	vld [tilespmem:s0+$0xFFFFFFF0]  }
0x1eb: {  	v1 =	vld [tilespmem:s10+$0xFFFFFFF0];
	_ =	sdelay $0x4  }
0x1ec: {  	v0 =	vmul.f32 v1, v0;
	_ =	sdelay $0x1  }
0x1ed: {  	[tilespmem:s0+$0xFFFFFFF0] =	vst v0;
	v0 =	vld [tilespmem:s0+$0x0]  }
0x1ee: {  	v1 =	vld [tilespmem:s10+$0x0];
	_ =	sdelay $0x4  }
0x1ef: {  	v0 =	vmul.f32 v1, v0;
	_ =	sdelay $0x1  }
0x1f0: {  	[tilespmem:s0+$0x0] =	vst v0;
	v0 =	vld [tilespmem:s0+$0x10]  }
0x1f1: {  	v1 =	vld [tilespmem:s10+$0x10];
	_ =	sdelay $0x4  }
0x1f2: {  	v0 =	vmul.f32 v1, v0;
	_ =	sdelay $0x1  }
0x1f3: {  	[tilespmem:s0+$0x10] =	vst v0;
	v0 =	vld [tilespmem:s0+$0x20]  }
0x1f4: {  	v1 =	vld [tilespmem:s10+$0x20];
	_ =	sdelay $0x4  }
0x1f5: {  	v0 =	vmul.f32 v1, v0;
	_ =	sdelay $0x1  }
0x1f6: {  	[tilespmem:s0+$0x20] =	vst v0;
	v0 =	vld [tilespmem:s0+$0x30]  }
0x1f7: {  	v1 =	vld [tilespmem:s10+$0x30];
	_ =	sdelay $0x4  }
0x1f8: {  	v0 =	vmul.f32 v1, v0  }
0x1f9: {  	s15 =	simm.s32 $0x0;
	s19 =	simm.s32 $0x7FC0  }
.LBB2_15:
0x1fa: {  	v1 =	vld [tilespmem:s19+$0xFFFFFFC0];
	[tilespmem:s0+$0x30] =	vst v0;
	s10 =	sadd.s32 $0x80, s10;
	s0 =	smov.u32 s19  }
0x1fb: {  	s15 =	sadd.s32 $0x8, s15;
	v0 =	vld [tilespmem:s10+$0xFFFFFFC0]  }
0x1fc: {  	p0 =	slt.u32 s15, $0x78;
	_ =	sdelay $0x3  }
0x1fd: {  	v0 =	vmul.f32 v0, v1;
	_ =	sdelay $0x1  }
0x1fe: {  	[tilespmem:s19+$0xFFFFFFC0] =	vst v0;
	v0 =	vld [tilespmem:s19+$0xFFFFFFD0]  }
0x1ff: {  	v1 =	vld [tilespmem:s10+$0xFFFFFFD0];
	_ =	sdelay $0x4  }
0x200: {  	v0 =	vmul.f32 v1, v0;
	_ =	sdelay $0x1  }
0x201: {  	[tilespmem:s19+$0xFFFFFFD0] =	vst v0;
	v0 =	vld [tilespmem:s19+$0xFFFFFFE0]  }
0x202: {  	v1 =	vld [tilespmem:s10+$0xFFFFFFE0];
	_ =	sdelay $0x4  }
0x203: {  	v0 =	vmul.f32 v1, v0;
	_ =	sdelay $0x1  }
0x204: {  	[tilespmem:s19+$0xFFFFFFE0] =	vst v0;
	v0 =	vld [tilespmem:s19+$0xFFFFFFF0]  }
0x205: {  	v1 =	vld [tilespmem:s10+$0xFFFFFFF0];
	_ =	sdelay $0x4  }
0x206: {  	v0 =	vmul.f32 v1, v0;
	_ =	sdelay $0x1  }
0x207: {  	[tilespmem:s19+$0xFFFFFFF0] =	vst v0;
	v0 =	vld [tilespmem:s19+$0x0]  }
0x208: {  	v1 =	vld [tilespmem:s10+$0x0];
	_ =	sdelay $0x4  }
0x209: {  	v0 =	vmul.f32 v1, v0;
	_ =	sdelay $0x1  }
0x20a: {  	[tilespmem:s19+$0x0] =	vst v0;
	v0 =	vld [tilespmem:s19+$0x10]  }
0x20b: {  	v1 =	vld [tilespmem:s10+$0x10];
	_ =	sdelay $0x4  }
0x20c: {  	v0 =	vmul.f32 v1, v0;
	_ =	sdelay $0x1  }
0x20d: {  	[tilespmem:s19+$0x10] =	vst v0;
	v0 =	vld [tilespmem:s19+$0x20]  }
0x20e: {  	v1 =	vld [tilespmem:s10+$0x20];
	_ =	sdelay $0x4  }
0x20f: {  	v0 =	vmul.f32 v1, v0;
	_ =	sdelay $0x1  }
0x210: {  	[tilespmem:s19+$0x20] =	vst v0;
	v0 =	vld [tilespmem:s19+$0x30]  }
0x211: {  	v1 =	vld [tilespmem:s10+$0x30];
	_ =	sdelay $0x1  }
.Ltmp6:
0x212: {  	(pc) =	sbr.rel @p0 .LBB2_15-.Ltmp6, $3  }
0x213: {  	_ =	sdelay $0x1  }
0x214: {  	v0 =	vmul.f32 v1, v0  }
0x215: {  	s19 =	sadd.s32 $0x80, s19  }
0x216: {  	s10 =	sadd.s32 s4, s25  }
0x217: {  	s10 =	sshll.u32 s10, $0x8  }
0x218: {  	s10 =	sand.u32 $0x1FFFFF00, s10  }
0x219: {  	[tilespmem:s0+$0x30] =	vst v0;
	s15 =	simm.s32 $0x7F00;
	s10 =	sadd.s32 s5, s10  }
0x21a: {  	[hbm4b:s10+s3] =	stream.linear.scatter [tilespmem:s15], [sflag:$0x17], $0x800, $0x38;
	[tilespmem:$0xCF00] =	vst v63  }
0x21b: {  	_ =	swait.ge [sflag:s9], $0x800  }
0x21c: {  	[sflag:s9] =	ssyncset.done $0x0  }
0x21d: {  	s19 =	sadd.s32 $0x500, s29;
	s25 =	simm.s32 $0x5F00;
	[sflag:s9] =	ssyncadd.s32 $0xFFFFF800  }
0x21e: {  	[tilespmem:s25], [sflag:$0x3] =	stream.indirect.gather [hbm4b:s2+s21], $0x10, s19, s21, $0xb8;
	[tilespmem:$0xCF00] =	vst v63  }
0x21f: {  	s10 =	sadd.s32 $0x2C80, s29;
	s15 =	simm.s32 $0x9F00;
	s19 =	simm.s32 $0x8  }
0x220: {  	[tilespmem:s15], [sflag:$0xB] =	stream.indirect.gather [hbm4b:s2+s21], $0x10, s10, s21, $0xb8;
	[tilespmem:$0xCF00] =	vst v63  }
0x221: {  	_ =	swait.ge [sflag:s19], $0x800  }
0x222: {  	[sflag:s19] =	ssyncset.done $0x0  }
0x223: {  	s25 =	simm.s32 $0x10;
	[sflag:s19] =	ssyncadd.s32 $0xFFFFF800  }
0x224: {  	_ =	swait.ge [sflag:s25], $0x800  }
0x225: {  	[sflag:s25] =	ssyncset.done $0x0  }
0x226: {  	s0 =	simm.s32 $0x8740;
	[sflag:s25] =	ssyncadd.s32 $0xFFFFF800  }
0x227: {  	s10 =	simm.s32 $0xC740;
	v0 =	vld [tilespmem:s0+$0xFFFFFFC0]  }
0x228: {  	v1 =	vld [tilespmem:s10+$0xFFFFFFC0];
	_ =	sdelay $0x4  }
0x229: {  	v0 =	vmul.f32 v1, v0;
	_ =	sdelay $0x1  }
0x22a: {  	[tilespmem:s0+$0xFFFFFFC0] =	vst v0;
	v0 =	vld [tilespmem:s0+$0xFFFFFFD0]  }
0x22b: {  	v1 =	vld [tilespmem:s10+$0xFFFFFFD0];
	_ =	sdelay $0x4  }
0x22c: {  	v0 =	vmul.f32 v1, v0;
	_ =	sdelay $0x1  }
0x22d: {  	[tilespmem:s0+$0xFFFFFFD0] =	vst v0;
	v0 =	vld [tilespmem:s0+$0xFFFFFFE0]  }
0x22e: {  	v1 =	vld [tilespmem:s10+$0xFFFFFFE0];
	_ =	sdelay $0x4  }
0x22f: {  	v0 =	vmul.f32 v1, v0;
	_ =	sdelay $0x1  }
0x230: {  	[tilespmem:s0+$0xFFFFFFE0] =	vst v0;
	v0 =	vld [tilespmem:s0+$0xFFFFFFF0]  }
0x231: {  	v1 =	vld [tilespmem:s10+$0xFFFFFFF0];
	_ =	sdelay $0x4  }
0x232: {  	v0 =	vmul.f32 v1, v0;
	_ =	sdelay $0x1  }
0x233: {  	[tilespmem:s0+$0xFFFFFFF0] =	vst v0;
	v0 =	vld [tilespmem:s0+$0x0]  }
0x234: {  	v1 =	vld [tilespmem:s10+$0x0];
	_ =	sdelay $0x4  }
0x235: {  	v0 =	vmul.f32 v1, v0;
	_ =	sdelay $0x1  }
0x236: {  	[tilespmem:s0+$0x0] =	vst v0;
	v0 =	vld [tilespmem:s0+$0x10]  }
0x237: {  	v1 =	vld [tilespmem:s10+$0x10];
	_ =	sdelay $0x4  }
0x238: {  	v0 =	vmul.f32 v1, v0;
	_ =	sdelay $0x1  }
0x239: {  	[tilespmem:s0+$0x10] =	vst v0;
	v0 =	vld [tilespmem:s0+$0x20]  }
0x23a: {  	v1 =	vld [tilespmem:s10+$0x20];
	_ =	sdelay $0x4  }
0x23b: {  	v0 =	vmul.f32 v1, v0;
	_ =	sdelay $0x1  }
0x23c: {  	[tilespmem:s0+$0x20] =	vst v0;
	v0 =	vld [tilespmem:s0+$0x30]  }
0x23d: {  	v1 =	vld [tilespmem:s10+$0x30];
	_ =	sdelay $0x4  }
0x23e: {  	v0 =	vmul.f32 v1, v0  }
0x23f: {  	s15 =	simm.s32 $0x0;
	s19 =	simm.s32 $0x87C0  }
.LBB2_17:
0x240: {  	v1 =	vld [tilespmem:s19+$0xFFFFFFC0];
	[tilespmem:s0+$0x30] =	vst v0;
	s10 =	sadd.s32 $0x80, s10;
	s0 =	smov.u32 s19  }
0x241: {  	s15 =	sadd.s32 $0x8, s15;
	v0 =	vld [tilespmem:s10+$0xFFFFFFC0]  }
0x242: {  	p0 =	slt.u32 s15, $0x78;
	_ =	sdelay $0x3  }
0x243: {  	v0 =	vmul.f32 v0, v1;
	_ =	sdelay $0x1  }
0x244: {  	[tilespmem:s19+$0xFFFFFFC0] =	vst v0;
	v0 =	vld [tilespmem:s19+$0xFFFFFFD0]  }
0x245: {  	v1 =	vld [tilespmem:s10+$0xFFFFFFD0];
	_ =	sdelay $0x4  }
0x246: {  	v0 =	vmul.f32 v1, v0;
	_ =	sdelay $0x1  }
0x247: {  	[tilespmem:s19+$0xFFFFFFD0] =	vst v0;
	v0 =	vld [tilespmem:s19+$0xFFFFFFE0]  }
0x248: {  	v1 =	vld [tilespmem:s10+$0xFFFFFFE0];
	_ =	sdelay $0x4  }
0x249: {  	v0 =	vmul.f32 v1, v0;
	_ =	sdelay $0x1  }
0x24a: {  	[tilespmem:s19+$0xFFFFFFE0] =	vst v0;
	v0 =	vld [tilespmem:s19+$0xFFFFFFF0]  }
0x24b: {  	v1 =	vld [tilespmem:s10+$0xFFFFFFF0];
	_ =	sdelay $0x4  }
0x24c: {  	v0 =	vmul.f32 v1, v0;
	_ =	sdelay $0x1  }
0x24d: {  	[tilespmem:s19+$0xFFFFFFF0] =	vst v0;
	v0 =	vld [tilespmem:s19+$0x0]  }
0x24e: {  	v1 =	vld [tilespmem:s10+$0x0];
	_ =	sdelay $0x4  }
0x24f: {  	v0 =	vmul.f32 v1, v0;
	_ =	sdelay $0x1  }
0x250: {  	[tilespmem:s19+$0x0] =	vst v0;
	v0 =	vld [tilespmem:s19+$0x10]  }
0x251: {  	v1 =	vld [tilespmem:s10+$0x10];
	_ =	sdelay $0x4  }
0x252: {  	v0 =	vmul.f32 v1, v0;
	_ =	sdelay $0x1  }
0x253: {  	[tilespmem:s19+$0x10] =	vst v0;
	v0 =	vld [tilespmem:s19+$0x20]  }
0x254: {  	v1 =	vld [tilespmem:s10+$0x20];
	_ =	sdelay $0x4  }
0x255: {  	v0 =	vmul.f32 v1, v0;
	_ =	sdelay $0x1  }
0x256: {  	[tilespmem:s19+$0x20] =	vst v0;
	v0 =	vld [tilespmem:s19+$0x30]  }
0x257: {  	v1 =	vld [tilespmem:s10+$0x30];
	_ =	sdelay $0x1  }
.Ltmp7:
0x258: {  	(pc) =	sbr.rel @p0 .LBB2_17-.Ltmp7, $3  }
0x259: {  	_ =	sdelay $0x1  }
0x25a: {  	v0 =	vmul.f32 v1, v0  }
0x25b: {  	s19 =	sadd.s32 $0x80, s19  }
0x25c: {  	s10 =	sadd.s32 s4, s11  }
0x25d: {  	s10 =	sshll.u32 s10, $0x8  }
0x25e: {  	s10 =	sand.u32 $0x1FFFFF00, s10  }
0x25f: {  	[tilespmem:s0+$0x30] =	vst v0;
	s11 =	simm.s32 $0x8700;
	s24 =	sadd.s32 $0x1, s24;
	s10 =	sadd.s32 s5, s10  }
0x260: {  	[hbm4b:s10+s3] =	stream.linear.scatter [tilespmem:s11], [sflag:$0x18], $0x800, $0x38;
	[tilespmem:$0xCF00] =	vst v63  }
0x261: {  	p0 =	sne.s32 s24, $0x9;
	_ =	swait.ge [sflag:s22], $0x800  }
.Ltmp8:
0x262: {  	[sflag:s22] =	ssyncset.done $0x0;
	(pc) =	sbr.rel @p0 .LBB2_2-.Ltmp8, $4  }
0x263: {  	s15 =	sadd.s32 $0x580, s29;
	s19 =	simm.s32 $0x6700;
	[sflag:s22] =	ssyncadd.s32 $0xFFFFF800  }
0x264: {  	[tilespmem:s19], [sflag:$0x4] =	stream.indirect.gather [hbm4b:s2+s21], $0x10, s15, s21, $0xb8;
	[tilespmem:$0xCF00] =	vst v63  }
0x265: {  	s25 =	sadd.s32 $0x2D00, s29;
	s29 =	simm.s32 $0xA700  }
0x266: {  	[tilespmem:s29], [sflag:$0xC] =	stream.indirect.gather [hbm4b:s2+s21], $0x10, s25, s21, $0xb8;
	[tilespmem:$0xCF00] =	vst v63  }
0x267: {  	s0 =	simm.s32 $0x1  }
0x268: {  	_ =	swait.ge [sflag:s0], $0x800  }
0x269: {  	[sflag:s0] =	ssyncset.done $0x0  }
0x26a: {  	[sflag:s0] =	ssyncadd.s32 $0xFFFFF800  }
0x26b: {  	_ =	swait.ge [sflag:s1], $0x800  }
0x26c: {  	[sflag:s1] =	ssyncset.done $0x0  }
0x26d: {  	s0 =	simm.s32 $0x4F40;
	[sflag:s1] =	ssyncadd.s32 $0xFFFFF800  }
0x26e: {  	s10 =	simm.s32 $0x8F40;
	v0 =	vld [tilespmem:s0+$0xFFFFFFC0]  }
0x26f: {  	v1 =	vld [tilespmem:s10+$0xFFFFFFC0];
	_ =	sdelay $0x4  }
0x270: {  	v0 =	vmul.f32 v1, v0;
	_ =	sdelay $0x1  }
0x271: {  	[tilespmem:s0+$0xFFFFFFC0] =	vst v0;
	v0 =	vld [tilespmem:s0+$0xFFFFFFD0]  }
0x272: {  	v1 =	vld [tilespmem:s10+$0xFFFFFFD0];
	_ =	sdelay $0x4  }
0x273: {  	v0 =	vmul.f32 v1, v0;
	_ =	sdelay $0x1  }
0x274: {  	[tilespmem:s0+$0xFFFFFFD0] =	vst v0;
	v0 =	vld [tilespmem:s0+$0xFFFFFFE0]  }
0x275: {  	v1 =	vld [tilespmem:s10+$0xFFFFFFE0];
	_ =	sdelay $0x4  }
0x276: {  	v0 =	vmul.f32 v1, v0;
	_ =	sdelay $0x1  }
0x277: {  	[tilespmem:s0+$0xFFFFFFE0] =	vst v0;
	v0 =	vld [tilespmem:s0+$0xFFFFFFF0]  }
0x278: {  	v1 =	vld [tilespmem:s10+$0xFFFFFFF0];
	_ =	sdelay $0x4  }
0x279: {  	v0 =	vmul.f32 v1, v0;
	_ =	sdelay $0x1  }
0x27a: {  	[tilespmem:s0+$0xFFFFFFF0] =	vst v0;
	v0 =	vld [tilespmem:s0+$0x0]  }
0x27b: {  	v1 =	vld [tilespmem:s10+$0x0];
	_ =	sdelay $0x4  }
0x27c: {  	v0 =	vmul.f32 v1, v0;
	_ =	sdelay $0x1  }
0x27d: {  	[tilespmem:s0+$0x0] =	vst v0;
	v0 =	vld [tilespmem:s0+$0x10]  }
0x27e: {  	v1 =	vld [tilespmem:s10+$0x10];
	_ =	sdelay $0x4  }
0x27f: {  	v0 =	vmul.f32 v1, v0;
	_ =	sdelay $0x1  }
0x280: {  	[tilespmem:s0+$0x10] =	vst v0;
	v0 =	vld [tilespmem:s0+$0x20]  }
0x281: {  	v1 =	vld [tilespmem:s10+$0x20];
	_ =	sdelay $0x4  }
0x282: {  	v0 =	vmul.f32 v1, v0;
	_ =	sdelay $0x1  }
0x283: {  	[tilespmem:s0+$0x20] =	vst v0;
	v0 =	vld [tilespmem:s0+$0x30]  }
0x284: {  	v1 =	vld [tilespmem:s10+$0x30];
	_ =	sdelay $0x4  }
0x285: {  	v0 =	vmul.f32 v1, v0  }
0x286: {  	s11 =	simm.s32 $0x0;
	s15 =	simm.s32 $0x4FC0  }
.LBB2_20:
0x287: {  	v1 =	vld [tilespmem:s15+$0xFFFFFFC0];
	[tilespmem:s0+$0x30] =	vst v0;
	s10 =	sadd.s32 $0x80, s10;
	s0 =	smov.u32 s15  }
0x288: {  	s11 =	sadd.s32 $0x8, s11;
	v0 =	vld [tilespmem:s10+$0xFFFFFFC0]  }
0x289: {  	p0 =	slt.u32 s11, $0x78;
	_ =	sdelay $0x3  }
0x28a: {  	v0 =	vmul.f32 v0, v1;
	_ =	sdelay $0x1  }
0x28b: {  	[tilespmem:s15+$0xFFFFFFC0] =	vst v0;
	v0 =	vld [tilespmem:s15+$0xFFFFFFD0]  }
0x28c: {  	v1 =	vld [tilespmem:s10+$0xFFFFFFD0];
	_ =	sdelay $0x4  }
0x28d: {  	v0 =	vmul.f32 v1, v0;
	_ =	sdelay $0x1  }
0x28e: {  	[tilespmem:s15+$0xFFFFFFD0] =	vst v0;
	v0 =	vld [tilespmem:s15+$0xFFFFFFE0]  }
0x28f: {  	v1 =	vld [tilespmem:s10+$0xFFFFFFE0];
	_ =	sdelay $0x4  }
0x290: {  	v0 =	vmul.f32 v1, v0;
	_ =	sdelay $0x1  }
0x291: {  	[tilespmem:s15+$0xFFFFFFE0] =	vst v0;
	v0 =	vld [tilespmem:s15+$0xFFFFFFF0]  }
0x292: {  	v1 =	vld [tilespmem:s10+$0xFFFFFFF0];
	_ =	sdelay $0x4  }
0x293: {  	v0 =	vmul.f32 v1, v0;
	_ =	sdelay $0x1  }
0x294: {  	[tilespmem:s15+$0xFFFFFFF0] =	vst v0;
	v0 =	vld [tilespmem:s15+$0x0]  }
0x295: {  	v1 =	vld [tilespmem:s10+$0x0];
	_ =	sdelay $0x4  }
0x296: {  	v0 =	vmul.f32 v1, v0;
	_ =	sdelay $0x1  }
0x297: {  	[tilespmem:s15+$0x0] =	vst v0;
	v0 =	vld [tilespmem:s15+$0x10]  }
0x298: {  	v1 =	vld [tilespmem:s10+$0x10];
	_ =	sdelay $0x4  }
0x299: {  	v0 =	vmul.f32 v1, v0;
	_ =	sdelay $0x1  }
0x29a: {  	[tilespmem:s15+$0x10] =	vst v0;
	v0 =	vld [tilespmem:s15+$0x20]  }
0x29b: {  	v1 =	vld [tilespmem:s10+$0x20];
	_ =	sdelay $0x4  }
0x29c: {  	v0 =	vmul.f32 v1, v0;
	_ =	sdelay $0x1  }
0x29d: {  	[tilespmem:s15+$0x20] =	vst v0;
	v0 =	vld [tilespmem:s15+$0x30]  }
0x29e: {  	v1 =	vld [tilespmem:s10+$0x30];
	_ =	sdelay $0x1  }
.Ltmp9:
0x29f: {  	(pc) =	sbr.rel @p0 .LBB2_20-.Ltmp9, $3  }
0x2a0: {  	_ =	sdelay $0x1  }
0x2a1: {  	v0 =	vmul.f32 v1, v0  }
0x2a2: {  	s15 =	sadd.s32 $0x80, s15  }
0x2a3: {  	[tilespmem:s0+$0x30] =	vst v0;
	s11 =	rddreg [dreg:$0x8];
	s10 =	simm.s32 $0x4F00;
	s19 =	simm.s32 $0x15  }
0x2a4: {  	[hbm4b:s11+s3] =	stream.linear.scatter [tilespmem:s10], [sflag:$0x11], $0x800, $0x38;
	[tilespmem:$0xCF00] =	vst v63  }
0x2a5: {  	_ =	swait.ge [sflag:s19], $0x800  }
0x2a6: {  	[sflag:s19] =	ssyncset.done $0x0  }
0x2a7: {  	s15 =	simm.s32 $0x6F00;
	s24 =	simm.s32 $0x2600;
	[sflag:s19] =	ssyncadd.s32 $0xFFFFF800  }
0x2a8: {  	[tilespmem:s15], [sflag:$0x5] =	stream.indirect.gather [hbm4b:s2+s21], $0x10, s24, s21, $0xb8;
	[tilespmem:$0xCF00] =	vst v63  }
0x2a9: {  	s25 =	simm.s32 $0xAF00;
	s29 =	simm.s32 $0x4D80  }
0x2aa: {  	[tilespmem:s25], [sflag:$0xD] =	stream.indirect.gather [hbm4b:s2+s21], $0x10, s29, s21, $0xb8;
	[tilespmem:$0xCF00] =	vst v63  }
0x2ab: {  	_ =	swait.ge [sflag:s6], $0x800  }
0x2ac: {  	[sflag:s6] =	ssyncset.done $0x0  }
0x2ad: {  	[sflag:s6] =	ssyncadd.s32 $0xFFFFF800  }
0x2ae: {  	_ =	swait.ge [sflag:s7], $0x800  }
0x2af: {  	[sflag:s7] =	ssyncset.done $0x0  }
0x2b0: {  	s0 =	simm.s32 $0x5740;
	[sflag:s7] =	ssyncadd.s32 $0xFFFFF800  }
0x2b1: {  	s10 =	simm.s32 $0x9740;
	v0 =	vld [tilespmem:s0+$0xFFFFFFC0]  }
0x2b2: {  	v1 =	vld [tilespmem:s10+$0xFFFFFFC0];
	_ =	sdelay $0x4  }
0x2b3: {  	v0 =	vmul.f32 v1, v0;
	_ =	sdelay $0x1  }
0x2b4: {  	[tilespmem:s0+$0xFFFFFFC0] =	vst v0;
	v0 =	vld [tilespmem:s0+$0xFFFFFFD0]  }
0x2b5: {  	v1 =	vld [tilespmem:s10+$0xFFFFFFD0];
	_ =	sdelay $0x4  }
0x2b6: {  	v0 =	vmul.f32 v1, v0;
	_ =	sdelay $0x1  }
0x2b7: {  	[tilespmem:s0+$0xFFFFFFD0] =	vst v0;
	v0 =	vld [tilespmem:s0+$0xFFFFFFE0]  }
0x2b8: {  	v1 =	vld [tilespmem:s10+$0xFFFFFFE0];
	_ =	sdelay $0x4  }
0x2b9: {  	v0 =	vmul.f32 v1, v0;
	_ =	sdelay $0x1  }
0x2ba: {  	[tilespmem:s0+$0xFFFFFFE0] =	vst v0;
	v0 =	vld [tilespmem:s0+$0xFFFFFFF0]  }
0x2bb: {  	v1 =	vld [tilespmem:s10+$0xFFFFFFF0];
	_ =	sdelay $0x4  }
0x2bc: {  	v0 =	vmul.f32 v1, v0;
	_ =	sdelay $0x1  }
0x2bd: {  	[tilespmem:s0+$0xFFFFFFF0] =	vst v0;
	v0 =	vld [tilespmem:s0+$0x0]  }
0x2be: {  	v1 =	vld [tilespmem:s10+$0x0];
	_ =	sdelay $0x4  }
0x2bf: {  	v0 =	vmul.f32 v1, v0;
	_ =	sdelay $0x1  }
0x2c0: {  	[tilespmem:s0+$0x0] =	vst v0;
	v0 =	vld [tilespmem:s0+$0x10]  }
0x2c1: {  	v1 =	vld [tilespmem:s10+$0x10];
	_ =	sdelay $0x4  }
0x2c2: {  	v0 =	vmul.f32 v1, v0;
	_ =	sdelay $0x1  }
0x2c3: {  	[tilespmem:s0+$0x10] =	vst v0;
	v0 =	vld [tilespmem:s0+$0x20]  }
0x2c4: {  	v1 =	vld [tilespmem:s10+$0x20];
	_ =	sdelay $0x4  }
0x2c5: {  	v0 =	vmul.f32 v1, v0;
	_ =	sdelay $0x1  }
0x2c6: {  	[tilespmem:s0+$0x20] =	vst v0;
	v0 =	vld [tilespmem:s0+$0x30]  }
0x2c7: {  	v1 =	vld [tilespmem:s10+$0x30];
	_ =	sdelay $0x4  }
0x2c8: {  	s11 =	simm.s32 $0x0;
	v0 =	vmul.f32 v1, v0  }
0x2c9: {  	s15 =	simm.s32 $0x57C0;
	s24 =	simm.s32 $0x16;
	s25 =	simm.s32 $0x17  }
.LBB2_22:
0x2ca: {  	v1 =	vld [tilespmem:s15+$0xFFFFFFC0];
	[tilespmem:s0+$0x30] =	vst v0;
	s10 =	sadd.s32 $0x80, s10;
	s0 =	smov.u32 s15  }
0x2cb: {  	s11 =	sadd.s32 $0x8, s11;
	v0 =	vld [tilespmem:s10+$0xFFFFFFC0]  }
0x2cc: {  	p0 =	slt.u32 s11, $0x78;
	_ =	sdelay $0x3  }
0x2cd: {  	v0 =	vmul.f32 v0, v1;
	_ =	sdelay $0x1  }
0x2ce: {  	[tilespmem:s15+$0xFFFFFFC0] =	vst v0;
	v0 =	vld [tilespmem:s15+$0xFFFFFFD0]  }
0x2cf: {  	v1 =	vld [tilespmem:s10+$0xFFFFFFD0];
	_ =	sdelay $0x4  }
0x2d0: {  	v0 =	vmul.f32 v1, v0;
	_ =	sdelay $0x1  }
0x2d1: {  	[tilespmem:s15+$0xFFFFFFD0] =	vst v0;
	v0 =	vld [tilespmem:s15+$0xFFFFFFE0]  }
0x2d2: {  	v1 =	vld [tilespmem:s10+$0xFFFFFFE0];
	_ =	sdelay $0x4  }
0x2d3: {  	v0 =	vmul.f32 v1, v0;
	_ =	sdelay $0x1  }
0x2d4: {  	[tilespmem:s15+$0xFFFFFFE0] =	vst v0;
	v0 =	vld [tilespmem:s15+$0xFFFFFFF0]  }
0x2d5: {  	v1 =	vld [tilespmem:s10+$0xFFFFFFF0];
	_ =	sdelay $0x4  }
0x2d6: {  	v0 =	vmul.f32 v1, v0;
	_ =	sdelay $0x1  }
0x2d7: {  	[tilespmem:s15+$0xFFFFFFF0] =	vst v0;
	v0 =	vld [tilespmem:s15+$0x0]  }
0x2d8: {  	v1 =	vld [tilespmem:s10+$0x0];
	_ =	sdelay $0x4  }
0x2d9: {  	v0 =	vmul.f32 v1, v0;
	_ =	sdelay $0x1  }
0x2da: {  	[tilespmem:s15+$0x0] =	vst v0;
	v0 =	vld [tilespmem:s15+$0x10]  }
0x2db: {  	v1 =	vld [tilespmem:s10+$0x10];
	_ =	sdelay $0x4  }
0x2dc: {  	v0 =	vmul.f32 v1, v0;
	_ =	sdelay $0x1  }
0x2dd: {  	[tilespmem:s15+$0x10] =	vst v0;
	v0 =	vld [tilespmem:s15+$0x20]  }
0x2de: {  	v1 =	vld [tilespmem:s10+$0x20];
	_ =	sdelay $0x4  }
0x2df: {  	v0 =	vmul.f32 v1, v0;
	_ =	sdelay $0x1  }
0x2e0: {  	[tilespmem:s15+$0x20] =	vst v0;
	v0 =	vld [tilespmem:s15+$0x30]  }
0x2e1: {  	v1 =	vld [tilespmem:s10+$0x30];
	_ =	sdelay $0x1  }
.Ltmp10:
0x2e2: {  	(pc) =	sbr.rel @p0 .LBB2_22-.Ltmp10, $3  }
0x2e3: {  	_ =	sdelay $0x1  }
0x2e4: {  	v0 =	vmul.f32 v1, v0  }
0x2e5: {  	s15 =	sadd.s32 $0x80, s15  }
0x2e6: {  	[tilespmem:s0+$0x30] =	vst v0;
	s10 =	rddreg [dreg:$0x9]  }
0x2e7: {  	[hbm4b:s10+s3] =	stream.linear.scatter [tilespmem:s30], [sflag:$0x12], $0x800, $0x38;
	[tilespmem:$0xCF00] =	vst v63  }
0x2e8: {  	_ =	swait.ge [sflag:s24], $0x800  }
0x2e9: {  	[sflag:s24] =	ssyncset.done $0x0  }
0x2ea: {  	s11 =	simm.s32 $0x7700;
	s10 =	simm.s32 $0x2680;
	[sflag:s24] =	ssyncadd.s32 $0xFFFFF800  }
0x2eb: {  	[tilespmem:s11], [sflag:$0x6] =	stream.indirect.gather [hbm4b:s2+s21], $0x10, s10, s21, $0xb8;
	[tilespmem:$0xCF00] =	vst v63  }
0x2ec: {  	s15 =	simm.s32 $0xB700;
	s29 =	simm.s32 $0x4E00  }
0x2ed: {  	[tilespmem:s15], [sflag:$0xE] =	stream.indirect.gather [hbm4b:s2+s21], $0x10, s29, s21, $0xb8;
	[tilespmem:$0xCF00] =	vst v63  }
0x2ee: {  	_ =	swait.ge [sflag:s13], $0x800  }
0x2ef: {  	[sflag:s13] =	ssyncset.done $0x0  }
0x2f0: {  	[sflag:s13] =	ssyncadd.s32 $0xFFFFF800  }
0x2f1: {  	_ =	swait.ge [sflag:s14], $0x800  }
0x2f2: {  	[sflag:s14] =	ssyncset.done $0x0  }
0x2f3: {  	s0 =	simm.s32 $0x5F40;
	[sflag:s14] =	ssyncadd.s32 $0xFFFFF800  }
0x2f4: {  	s10 =	simm.s32 $0x9F40;
	v0 =	vld [tilespmem:s0+$0xFFFFFFC0]  }
0x2f5: {  	v1 =	vld [tilespmem:s10+$0xFFFFFFC0];
	_ =	sdelay $0x4  }
0x2f6: {  	v0 =	vmul.f32 v1, v0;
	_ =	sdelay $0x1  }
0x2f7: {  	[tilespmem:s0+$0xFFFFFFC0] =	vst v0;
	v0 =	vld [tilespmem:s0+$0xFFFFFFD0]  }
0x2f8: {  	v1 =	vld [tilespmem:s10+$0xFFFFFFD0];
	_ =	sdelay $0x4  }
0x2f9: {  	v0 =	vmul.f32 v1, v0;
	_ =	sdelay $0x1  }
0x2fa: {  	[tilespmem:s0+$0xFFFFFFD0] =	vst v0;
	v0 =	vld [tilespmem:s0+$0xFFFFFFE0]  }
0x2fb: {  	v1 =	vld [tilespmem:s10+$0xFFFFFFE0];
	_ =	sdelay $0x4  }
0x2fc: {  	v0 =	vmul.f32 v1, v0;
	_ =	sdelay $0x1  }
0x2fd: {  	[tilespmem:s0+$0xFFFFFFE0] =	vst v0;
	v0 =	vld [tilespmem:s0+$0xFFFFFFF0]  }
0x2fe: {  	v1 =	vld [tilespmem:s10+$0xFFFFFFF0];
	_ =	sdelay $0x4  }
0x2ff: {  	v0 =	vmul.f32 v1, v0;
	_ =	sdelay $0x1  }
0x300: {  	[tilespmem:s0+$0xFFFFFFF0] =	vst v0;
	v0 =	vld [tilespmem:s0+$0x0]  }
0x301: {  	v1 =	vld [tilespmem:s10+$0x0];
	_ =	sdelay $0x4  }
0x302: {  	v0 =	vmul.f32 v1, v0;
	_ =	sdelay $0x1  }
0x303: {  	[tilespmem:s0+$0x0] =	vst v0;
	v0 =	vld [tilespmem:s0+$0x10]  }
0x304: {  	v1 =	vld [tilespmem:s10+$0x10];
	_ =	sdelay $0x4  }
0x305: {  	v0 =	vmul.f32 v1, v0;
	_ =	sdelay $0x1  }
0x306: {  	[tilespmem:s0+$0x10] =	vst v0;
	v0 =	vld [tilespmem:s0+$0x20]  }
0x307: {  	v1 =	vld [tilespmem:s10+$0x20];
	_ =	sdelay $0x4  }
0x308: {  	v0 =	vmul.f32 v1, v0;
	_ =	sdelay $0x1  }
0x309: {  	[tilespmem:s0+$0x20] =	vst v0;
	v0 =	vld [tilespmem:s0+$0x30]  }
0x30a: {  	v1 =	vld [tilespmem:s10+$0x30];
	_ =	sdelay $0x4  }
0x30b: {  	v0 =	vmul.f32 v1, v0  }
0x30c: {  	s11 =	simm.s32 $0x0;
	s15 =	simm.s32 $0x5FC0  }
.LBB2_24:
0x30d: {  	v1 =	vld [tilespmem:s15+$0xFFFFFFC0];
	[tilespmem:s0+$0x30] =	vst v0;
	s10 =	sadd.s32 $0x80, s10;
	s0 =	smov.u32 s15  }
0x30e: {  	s11 =	sadd.s32 $0x8, s11;
	v0 =	vld [tilespmem:s10+$0xFFFFFFC0]  }
0x30f: {  	p0 =	slt.u32 s11, $0x78;
	_ =	sdelay $0x3  }
0x310: {  	v0 =	vmul.f32 v0, v1;
	_ =	sdelay $0x1  }
0x311: {  	[tilespmem:s15+$0xFFFFFFC0] =	vst v0;
	v0 =	vld [tilespmem:s15+$0xFFFFFFD0]  }
0x312: {  	v1 =	vld [tilespmem:s10+$0xFFFFFFD0];
	_ =	sdelay $0x4  }
0x313: {  	v0 =	vmul.f32 v1, v0;
	_ =	sdelay $0x1  }
0x314: {  	[tilespmem:s15+$0xFFFFFFD0] =	vst v0;
	v0 =	vld [tilespmem:s15+$0xFFFFFFE0]  }
0x315: {  	v1 =	vld [tilespmem:s10+$0xFFFFFFE0];
	_ =	sdelay $0x4  }
0x316: {  	v0 =	vmul.f32 v1, v0;
	_ =	sdelay $0x1  }
0x317: {  	[tilespmem:s15+$0xFFFFFFE0] =	vst v0;
	v0 =	vld [tilespmem:s15+$0xFFFFFFF0]  }
0x318: {  	v1 =	vld [tilespmem:s10+$0xFFFFFFF0];
	_ =	sdelay $0x4  }
0x319: {  	v0 =	vmul.f32 v1, v0;
	_ =	sdelay $0x1  }
0x31a: {  	[tilespmem:s15+$0xFFFFFFF0] =	vst v0;
	v0 =	vld [tilespmem:s15+$0x0]  }
0x31b: {  	v1 =	vld [tilespmem:s10+$0x0];
	_ =	sdelay $0x4  }
0x31c: {  	v0 =	vmul.f32 v1, v0;
	_ =	sdelay $0x1  }
0x31d: {  	[tilespmem:s15+$0x0] =	vst v0;
	v0 =	vld [tilespmem:s15+$0x10]  }
0x31e: {  	v1 =	vld [tilespmem:s10+$0x10];
	_ =	sdelay $0x4  }
0x31f: {  	v0 =	vmul.f32 v1, v0;
	_ =	sdelay $0x1  }
0x320: {  	[tilespmem:s15+$0x10] =	vst v0;
	v0 =	vld [tilespmem:s15+$0x20]  }
0x321: {  	v1 =	vld [tilespmem:s10+$0x20];
	_ =	sdelay $0x4  }
0x322: {  	v0 =	vmul.f32 v1, v0;
	_ =	sdelay $0x1  }
0x323: {  	[tilespmem:s15+$0x20] =	vst v0;
	v0 =	vld [tilespmem:s15+$0x30]  }
0x324: {  	v1 =	vld [tilespmem:s10+$0x30];
	_ =	sdelay $0x1  }
.Ltmp11:
0x325: {  	(pc) =	sbr.rel @p0 .LBB2_24-.Ltmp11, $3  }
0x326: {  	_ =	sdelay $0x1  }
0x327: {  	v0 =	vmul.f32 v1, v0  }
0x328: {  	s15 =	sadd.s32 $0x80, s15  }
0x329: {  	[tilespmem:s0+$0x30] =	vst v0;
	s29 =	rddreg [dreg:$0xa];
	s10 =	simm.s32 $0x5F00  }
0x32a: {  	[hbm4b:s29+s3] =	stream.linear.scatter [tilespmem:s10], [sflag:$0x13], $0x800, $0x38;
	[tilespmem:$0xCF00] =	vst v63  }
0x32b: {  	_ =	swait.ge [sflag:s25], $0x800  }
0x32c: {  	[sflag:s25] =	ssyncset.done $0x0  }
0x32d: {  	s11 =	simm.s32 $0x2700;
	s10 =	simm.s32 $0x7F00;
	[sflag:s25] =	ssyncadd.s32 $0xFFFFF800  }
0x32e: {  	[tilespmem:s10], [sflag:$0x7] =	stream.indirect.gather [hbm4b:s2+s21], $0x10, s11, s21, $0xb8;
	[tilespmem:$0xCF00] =	vst v63  }
0x32f: {  	s15 =	simm.s32 $0xBF00;
	s29 =	simm.s32 $0x4E80  }
0x330: {  	[tilespmem:s15], [sflag:$0xF] =	stream.indirect.gather [hbm4b:s2+s21], $0x10, s29, s21, $0xb8;
	[tilespmem:$0xCF00] =	vst v63  }
0x331: {  	_ =	swait.ge [sflag:s17], $0x800  }
0x332: {  	[sflag:s17] =	ssyncset.done $0x0  }
0x333: {  	[sflag:s17] =	ssyncadd.s32 $0xFFFFF800  }
0x334: {  	_ =	swait.ge [sflag:s18], $0x800  }
0x335: {  	[sflag:s18] =	ssyncset.done $0x0  }
0x336: {  	s0 =	simm.s32 $0x6740;
	[sflag:s18] =	ssyncadd.s32 $0xFFFFF800  }
0x337: {  	s10 =	simm.s32 $0xA740;
	v0 =	vld [tilespmem:s0+$0xFFFFFFC0]  }
0x338: {  	v1 =	vld [tilespmem:s10+$0xFFFFFFC0];
	_ =	sdelay $0x4  }
0x339: {  	v0 =	vmul.f32 v1, v0;
	_ =	sdelay $0x1  }
0x33a: {  	[tilespmem:s0+$0xFFFFFFC0] =	vst v0;
	v0 =	vld [tilespmem:s0+$0xFFFFFFD0]  }
0x33b: {  	v1 =	vld [tilespmem:s10+$0xFFFFFFD0];
	_ =	sdelay $0x4  }
0x33c: {  	v0 =	vmul.f32 v1, v0;
	_ =	sdelay $0x1  }
0x33d: {  	[tilespmem:s0+$0xFFFFFFD0] =	vst v0;
	v0 =	vld [tilespmem:s0+$0xFFFFFFE0]  }
0x33e: {  	v1 =	vld [tilespmem:s10+$0xFFFFFFE0];
	_ =	sdelay $0x4  }
0x33f: {  	v0 =	vmul.f32 v1, v0;
	_ =	sdelay $0x1  }
0x340: {  	[tilespmem:s0+$0xFFFFFFE0] =	vst v0;
	v0 =	vld [tilespmem:s0+$0xFFFFFFF0]  }
0x341: {  	v1 =	vld [tilespmem:s10+$0xFFFFFFF0];
	_ =	sdelay $0x4  }
0x342: {  	v0 =	vmul.f32 v1, v0;
	_ =	sdelay $0x1  }
0x343: {  	[tilespmem:s0+$0xFFFFFFF0] =	vst v0;
	v0 =	vld [tilespmem:s0+$0x0]  }
0x344: {  	v1 =	vld [tilespmem:s10+$0x0];
	_ =	sdelay $0x4  }
0x345: {  	v0 =	vmul.f32 v1, v0;
	_ =	sdelay $0x1  }
0x346: {  	[tilespmem:s0+$0x0] =	vst v0;
	v0 =	vld [tilespmem:s0+$0x10]  }
0x347: {  	v1 =	vld [tilespmem:s10+$0x10];
	_ =	sdelay $0x4  }
0x348: {  	v0 =	vmul.f32 v1, v0;
	_ =	sdelay $0x1  }
0x349: {  	[tilespmem:s0+$0x10] =	vst v0;
	v0 =	vld [tilespmem:s0+$0x20]  }
0x34a: {  	v1 =	vld [tilespmem:s10+$0x20];
	_ =	sdelay $0x4  }
0x34b: {  	v0 =	vmul.f32 v1, v0;
	_ =	sdelay $0x1  }
0x34c: {  	[tilespmem:s0+$0x20] =	vst v0;
	v0 =	vld [tilespmem:s0+$0x30]  }
0x34d: {  	v1 =	vld [tilespmem:s10+$0x30];
	_ =	sdelay $0x4  }
0x34e: {  	v0 =	vmul.f32 v1, v0  }
0x34f: {  	s11 =	simm.s32 $0x0;
	s15 =	simm.s32 $0x67C0  }
.LBB2_26:
0x350: {  	v1 =	vld [tilespmem:s15+$0xFFFFFFC0];
	[tilespmem:s0+$0x30] =	vst v0;
	s10 =	sadd.s32 $0x80, s10;
	s0 =	smov.u32 s15  }
0x351: {  	s11 =	sadd.s32 $0x8, s11;
	v0 =	vld [tilespmem:s10+$0xFFFFFFC0]  }
0x352: {  	p0 =	slt.u32 s11, $0x78;
	_ =	sdelay $0x3  }
0x353: {  	v0 =	vmul.f32 v0, v1;
	_ =	sdelay $0x1  }
0x354: {  	[tilespmem:s15+$0xFFFFFFC0] =	vst v0;
	v0 =	vld [tilespmem:s15+$0xFFFFFFD0]  }
0x355: {  	v1 =	vld [tilespmem:s10+$0xFFFFFFD0];
	_ =	sdelay $0x4  }
0x356: {  	v0 =	vmul.f32 v1, v0;
	_ =	sdelay $0x1  }
0x357: {  	[tilespmem:s15+$0xFFFFFFD0] =	vst v0;
	v0 =	vld [tilespmem:s15+$0xFFFFFFE0]  }
0x358: {  	v1 =	vld [tilespmem:s10+$0xFFFFFFE0];
	_ =	sdelay $0x4  }
0x359: {  	v0 =	vmul.f32 v1, v0;
	_ =	sdelay $0x1  }
0x35a: {  	[tilespmem:s15+$0xFFFFFFE0] =	vst v0;
	v0 =	vld [tilespmem:s15+$0xFFFFFFF0]  }
0x35b: {  	v1 =	vld [tilespmem:s10+$0xFFFFFFF0];
	_ =	sdelay $0x4  }
0x35c: {  	v0 =	vmul.f32 v1, v0;
	_ =	sdelay $0x1  }
0x35d: {  	[tilespmem:s15+$0xFFFFFFF0] =	vst v0;
	v0 =	vld [tilespmem:s15+$0x0]  }
0x35e: {  	v1 =	vld [tilespmem:s10+$0x0];
	_ =	sdelay $0x4  }
0x35f: {  	v0 =	vmul.f32 v1, v0;
	_ =	sdelay $0x1  }
0x360: {  	[tilespmem:s15+$0x0] =	vst v0;
	v0 =	vld [tilespmem:s15+$0x10]  }
0x361: {  	v1 =	vld [tilespmem:s10+$0x10];
	_ =	sdelay $0x4  }
0x362: {  	v0 =	vmul.f32 v1, v0;
	_ =	sdelay $0x1  }
0x363: {  	[tilespmem:s15+$0x10] =	vst v0;
	v0 =	vld [tilespmem:s15+$0x20]  }
0x364: {  	v1 =	vld [tilespmem:s10+$0x20];
	_ =	sdelay $0x4  }
0x365: {  	v0 =	vmul.f32 v1, v0;
	_ =	sdelay $0x1  }
0x366: {  	[tilespmem:s15+$0x20] =	vst v0;
	v0 =	vld [tilespmem:s15+$0x30]  }
0x367: {  	v1 =	vld [tilespmem:s10+$0x30];
	_ =	sdelay $0x1  }
.Ltmp12:
0x368: {  	(pc) =	sbr.rel @p0 .LBB2_26-.Ltmp12, $3  }
0x369: {  	_ =	sdelay $0x1  }
0x36a: {  	v0 =	vmul.f32 v1, v0  }
0x36b: {  	s15 =	sadd.s32 $0x80, s15  }
0x36c: {  	[tilespmem:s0+$0x30] =	vst v0;
	s15 =	rddreg [dreg:$0xb];
	s10 =	simm.s32 $0x6700;
	s29 =	simm.s32 $0x18  }
0x36d: {  	[hbm4b:s15+s3] =	stream.linear.scatter [tilespmem:s10], [sflag:$0x14], $0x800, $0x38;
	[tilespmem:$0xCF00] =	vst v63  }
0x36e: {  	_ =	swait.ge [sflag:s29], $0x800  }
0x36f: {  	[sflag:s29] =	ssyncset.done $0x0  }
0x370: {  	[sflag:s29] =	ssyncadd.s32 $0xFFFFF800  }
0x371: {  	_ =	swait.ge [sflag:s23], $0x800  }
0x372: {  	[sflag:s23] =	ssyncset.done $0x0  }
0x373: {  	[sflag:s23] =	ssyncadd.s32 $0xFFFFF800  }
0x374: {  	_ =	swait.ge [sflag:s26], $0x800  }
0x375: {  	[sflag:s26] =	ssyncset.done $0x0  }
0x376: {  	s0 =	simm.s32 $0x6F40;
	[sflag:s26] =	ssyncadd.s32 $0xFFFFF800  }
0x377: {  	s10 =	simm.s32 $0xAF40;
	v0 =	vld [tilespmem:s0+$0xFFFFFFC0]  }
0x378: {  	v1 =	vld [tilespmem:s10+$0xFFFFFFC0];
	_ =	sdelay $0x4  }
0x379: {  	v0 =	vmul.f32 v1, v0;
	_ =	sdelay $0x1  }
0x37a: {  	[tilespmem:s0+$0xFFFFFFC0] =	vst v0;
	v0 =	vld [tilespmem:s0+$0xFFFFFFD0]  }
0x37b: {  	v1 =	vld [tilespmem:s10+$0xFFFFFFD0];
	_ =	sdelay $0x4  }
0x37c: {  	v0 =	vmul.f32 v1, v0;
	_ =	sdelay $0x1  }
0x37d: {  	[tilespmem:s0+$0xFFFFFFD0] =	vst v0;
	v0 =	vld [tilespmem:s0+$0xFFFFFFE0]  }
0x37e: {  	v1 =	vld [tilespmem:s10+$0xFFFFFFE0];
	_ =	sdelay $0x4  }
0x37f: {  	v0 =	vmul.f32 v1, v0;
	_ =	sdelay $0x1  }
0x380: {  	[tilespmem:s0+$0xFFFFFFE0] =	vst v0;
	v0 =	vld [tilespmem:s0+$0xFFFFFFF0]  }
0x381: {  	v1 =	vld [tilespmem:s10+$0xFFFFFFF0];
	_ =	sdelay $0x4  }
0x382: {  	v0 =	vmul.f32 v1, v0;
	_ =	sdelay $0x1  }
0x383: {  	[tilespmem:s0+$0xFFFFFFF0] =	vst v0;
	v0 =	vld [tilespmem:s0+$0x0]  }
0x384: {  	v1 =	vld [tilespmem:s10+$0x0];
	_ =	sdelay $0x4  }
0x385: {  	v0 =	vmul.f32 v1, v0;
	_ =	sdelay $0x1  }
0x386: {  	[tilespmem:s0+$0x0] =	vst v0;
	v0 =	vld [tilespmem:s0+$0x10]  }
0x387: {  	v1 =	vld [tilespmem:s10+$0x10];
	_ =	sdelay $0x4  }
0x388: {  	v0 =	vmul.f32 v1, v0;
	_ =	sdelay $0x1  }
0x389: {  	[tilespmem:s0+$0x10] =	vst v0;
	v0 =	vld [tilespmem:s0+$0x20]  }
0x38a: {  	v1 =	vld [tilespmem:s10+$0x20];
	_ =	sdelay $0x4  }
0x38b: {  	v0 =	vmul.f32 v1, v0;
	_ =	sdelay $0x1  }
0x38c: {  	[tilespmem:s0+$0x20] =	vst v0;
	v0 =	vld [tilespmem:s0+$0x30]  }
0x38d: {  	v1 =	vld [tilespmem:s10+$0x30];
	_ =	sdelay $0x4  }
0x38e: {  	v0 =	vmul.f32 v1, v0  }
0x38f: {  	s11 =	simm.s32 $0x0;
	s15 =	simm.s32 $0x6FC0  }
.LBB2_28:
0x390: {  	v1 =	vld [tilespmem:s15+$0xFFFFFFC0];
	[tilespmem:s0+$0x30] =	vst v0;
	s10 =	sadd.s32 $0x80, s10;
	s0 =	smov.u32 s15  }
0x391: {  	s11 =	sadd.s32 $0x8, s11;
	v0 =	vld [tilespmem:s10+$0xFFFFFFC0]  }
0x392: {  	p0 =	slt.u32 s11, $0x78;
	_ =	sdelay $0x3  }
0x393: {  	v0 =	vmul.f32 v0, v1;
	_ =	sdelay $0x1  }
0x394: {  	[tilespmem:s15+$0xFFFFFFC0] =	vst v0;
	v0 =	vld [tilespmem:s15+$0xFFFFFFD0]  }
0x395: {  	v1 =	vld [tilespmem:s10+$0xFFFFFFD0];
	_ =	sdelay $0x4  }
0x396: {  	v0 =	vmul.f32 v1, v0;
	_ =	sdelay $0x1  }
0x397: {  	[tilespmem:s15+$0xFFFFFFD0] =	vst v0;
	v0 =	vld [tilespmem:s15+$0xFFFFFFE0]  }
0x398: {  	v1 =	vld [tilespmem:s10+$0xFFFFFFE0];
	_ =	sdelay $0x4  }
0x399: {  	v0 =	vmul.f32 v1, v0;
	_ =	sdelay $0x1  }
0x39a: {  	[tilespmem:s15+$0xFFFFFFE0] =	vst v0;
	v0 =	vld [tilespmem:s15+$0xFFFFFFF0]  }
0x39b: {  	v1 =	vld [tilespmem:s10+$0xFFFFFFF0];
	_ =	sdelay $0x4  }
0x39c: {  	v0 =	vmul.f32 v1, v0;
	_ =	sdelay $0x1  }
0x39d: {  	[tilespmem:s15+$0xFFFFFFF0] =	vst v0;
	v0 =	vld [tilespmem:s15+$0x0]  }
0x39e: {  	v1 =	vld [tilespmem:s10+$0x0];
	_ =	sdelay $0x4  }
0x39f: {  	v0 =	vmul.f32 v1, v0;
	_ =	sdelay $0x1  }
0x3a0: {  	[tilespmem:s15+$0x0] =	vst v0;
	v0 =	vld [tilespmem:s15+$0x10]  }
0x3a1: {  	v1 =	vld [tilespmem:s10+$0x10];
	_ =	sdelay $0x4  }
0x3a2: {  	v0 =	vmul.f32 v1, v0;
	_ =	sdelay $0x1  }
0x3a3: {  	[tilespmem:s15+$0x10] =	vst v0;
	v0 =	vld [tilespmem:s15+$0x20]  }
0x3a4: {  	v1 =	vld [tilespmem:s10+$0x20];
	_ =	sdelay $0x4  }
0x3a5: {  	v0 =	vmul.f32 v1, v0;
	_ =	sdelay $0x1  }
0x3a6: {  	[tilespmem:s15+$0x20] =	vst v0;
	v0 =	vld [tilespmem:s15+$0x30]  }
0x3a7: {  	v1 =	vld [tilespmem:s10+$0x30];
	_ =	sdelay $0x1  }
.Ltmp13:
0x3a8: {  	(pc) =	sbr.rel @p0 .LBB2_28-.Ltmp13, $3  }
0x3a9: {  	_ =	sdelay $0x1  }
0x3aa: {  	v0 =	vmul.f32 v1, v0  }
0x3ab: {  	s15 =	sadd.s32 $0x80, s15  }
0x3ac: {  	[tilespmem:s0+$0x30] =	vst v0;
	s29 =	rddreg [dreg:$0xc];
	s10 =	simm.s32 $0x6F00  }
0x3ad: {  	[hbm4b:s29+s3] =	stream.linear.scatter [tilespmem:s10], [sflag:$0x15], $0x800, $0x38;
	[tilespmem:$0xCF00] =	vst v63  }
0x3ae: {  	_ =	swait.ge [sflag:s31], $0x800  }
0x3af: {  	[sflag:s31] =	ssyncset.done $0x0  }
0x3b0: {  	[sflag:s31] =	ssyncadd.s32 $0xFFFFF800  }
0x3b1: {  	_ =	swait.ge [sflag:s28], $0x800  }
0x3b2: {  	[sflag:s28] =	ssyncset.done $0x0  }
0x3b3: {  	[sflag:s28] =	ssyncadd.s32 $0xFFFFF800  }
0x3b4: {  	_ =	swait.ge [sflag:s20], $0x800  }
0x3b5: {  	[sflag:s20] =	ssyncset.done $0x0  }
0x3b6: {  	s0 =	simm.s32 $0x7740;
	[sflag:s20] =	ssyncadd.s32 $0xFFFFF800  }
0x3b7: {  	s10 =	simm.s32 $0xB740;
	v0 =	vld [tilespmem:s0+$0xFFFFFFC0]  }
0x3b8: {  	v1 =	vld [tilespmem:s10+$0xFFFFFFC0];
	_ =	sdelay $0x4  }
0x3b9: {  	v0 =	vmul.f32 v1, v0;
	_ =	sdelay $0x1  }
0x3ba: {  	[tilespmem:s0+$0xFFFFFFC0] =	vst v0;
	v0 =	vld [tilespmem:s0+$0xFFFFFFD0]  }
0x3bb: {  	v1 =	vld [tilespmem:s10+$0xFFFFFFD0];
	_ =	sdelay $0x4  }
0x3bc: {  	v0 =	vmul.f32 v1, v0;
	_ =	sdelay $0x1  }
0x3bd: {  	[tilespmem:s0+$0xFFFFFFD0] =	vst v0;
	v0 =	vld [tilespmem:s0+$0xFFFFFFE0]  }
0x3be: {  	v1 =	vld [tilespmem:s10+$0xFFFFFFE0];
	_ =	sdelay $0x4  }
0x3bf: {  	v0 =	vmul.f32 v1, v0;
	_ =	sdelay $0x1  }
0x3c0: {  	[tilespmem:s0+$0xFFFFFFE0] =	vst v0;
	v0 =	vld [tilespmem:s0+$0xFFFFFFF0]  }
0x3c1: {  	v1 =	vld [tilespmem:s10+$0xFFFFFFF0];
	_ =	sdelay $0x4  }
0x3c2: {  	v0 =	vmul.f32 v1, v0;
	_ =	sdelay $0x1  }
0x3c3: {  	[tilespmem:s0+$0xFFFFFFF0] =	vst v0;
	v0 =	vld [tilespmem:s0+$0x0]  }
0x3c4: {  	v1 =	vld [tilespmem:s10+$0x0];
	_ =	sdelay $0x4  }
0x3c5: {  	v0 =	vmul.f32 v1, v0;
	_ =	sdelay $0x1  }
0x3c6: {  	[tilespmem:s0+$0x0] =	vst v0;
	v0 =	vld [tilespmem:s0+$0x10]  }
0x3c7: {  	v1 =	vld [tilespmem:s10+$0x10];
	_ =	sdelay $0x4  }
0x3c8: {  	v0 =	vmul.f32 v1, v0;
	_ =	sdelay $0x1  }
0x3c9: {  	[tilespmem:s0+$0x10] =	vst v0;
	v0 =	vld [tilespmem:s0+$0x20]  }
0x3ca: {  	v1 =	vld [tilespmem:s10+$0x20];
	_ =	sdelay $0x4  }
0x3cb: {  	v0 =	vmul.f32 v1, v0;
	_ =	sdelay $0x1  }
0x3cc: {  	[tilespmem:s0+$0x20] =	vst v0;
	v0 =	vld [tilespmem:s0+$0x30]  }
0x3cd: {  	v1 =	vld [tilespmem:s10+$0x30];
	_ =	sdelay $0x4  }
0x3ce: {  	v0 =	vmul.f32 v1, v0  }
0x3cf: {  	s11 =	simm.s32 $0x0;
	s15 =	simm.s32 $0x77C0  }
.LBB2_30:
0x3d0: {  	v1 =	vld [tilespmem:s15+$0xFFFFFFC0];
	[tilespmem:s0+$0x30] =	vst v0;
	s10 =	sadd.s32 $0x80, s10;
	s0 =	smov.u32 s15  }
0x3d1: {  	s11 =	sadd.s32 $0x8, s11;
	v0 =	vld [tilespmem:s10+$0xFFFFFFC0]  }
0x3d2: {  	p0 =	slt.u32 s11, $0x78;
	_ =	sdelay $0x3  }
0x3d3: {  	v0 =	vmul.f32 v0, v1;
	_ =	sdelay $0x1  }
0x3d4: {  	[tilespmem:s15+$0xFFFFFFC0] =	vst v0;
	v0 =	vld [tilespmem:s15+$0xFFFFFFD0]  }
0x3d5: {  	v1 =	vld [tilespmem:s10+$0xFFFFFFD0];
	_ =	sdelay $0x4  }
0x3d6: {  	v0 =	vmul.f32 v1, v0;
	_ =	sdelay $0x1  }
0x3d7: {  	[tilespmem:s15+$0xFFFFFFD0] =	vst v0;
	v0 =	vld [tilespmem:s15+$0xFFFFFFE0]  }
0x3d8: {  	v1 =	vld [tilespmem:s10+$0xFFFFFFE0];
	_ =	sdelay $0x4  }
0x3d9: {  	v0 =	vmul.f32 v1, v0;
	_ =	sdelay $0x1  }
0x3da: {  	[tilespmem:s15+$0xFFFFFFE0] =	vst v0;
	v0 =	vld [tilespmem:s15+$0xFFFFFFF0]  }
0x3db: {  	v1 =	vld [tilespmem:s10+$0xFFFFFFF0];
	_ =	sdelay $0x4  }
0x3dc: {  	v0 =	vmul.f32 v1, v0;
	_ =	sdelay $0x1  }
0x3dd: {  	[tilespmem:s15+$0xFFFFFFF0] =	vst v0;
	v0 =	vld [tilespmem:s15+$0x0]  }
0x3de: {  	v1 =	vld [tilespmem:s10+$0x0];
	_ =	sdelay $0x4  }
0x3df: {  	v0 =	vmul.f32 v1, v0;
	_ =	sdelay $0x1  }
0x3e0: {  	[tilespmem:s15+$0x0] =	vst v0;
	v0 =	vld [tilespmem:s15+$0x10]  }
0x3e1: {  	v1 =	vld [tilespmem:s10+$0x10];
	_ =	sdelay $0x4  }
0x3e2: {  	v0 =	vmul.f32 v1, v0;
	_ =	sdelay $0x1  }
0x3e3: {  	[tilespmem:s15+$0x10] =	vst v0;
	v0 =	vld [tilespmem:s15+$0x20]  }
0x3e4: {  	v1 =	vld [tilespmem:s10+$0x20];
	_ =	sdelay $0x4  }
0x3e5: {  	v0 =	vmul.f32 v1, v0;
	_ =	sdelay $0x1  }
0x3e6: {  	[tilespmem:s15+$0x20] =	vst v0;
	v0 =	vld [tilespmem:s15+$0x30]  }
0x3e7: {  	v1 =	vld [tilespmem:s10+$0x30];
	_ =	sdelay $0x1  }
.Ltmp14:
0x3e8: {  	(pc) =	sbr.rel @p0 .LBB2_30-.Ltmp14, $3  }
0x3e9: {  	_ =	sdelay $0x1  }
0x3ea: {  	v0 =	vmul.f32 v1, v0  }
0x3eb: {  	s15 =	sadd.s32 $0x80, s15  }
0x3ec: {  	[tilespmem:s0+$0x30] =	vst v0;
	s29 =	rddreg [dreg:$0xd];
	s10 =	simm.s32 $0x7700  }
0x3ed: {  	[hbm4b:s29+s3] =	stream.linear.scatter [tilespmem:s10], [sflag:$0x16], $0x800, $0x38;
	[tilespmem:$0xCF00] =	vst v63  }
0x3ee: {  	_ =	swait.ge [sflag:s12], $0x800  }
0x3ef: {  	[sflag:s12] =	ssyncset.done $0x0  }
0x3f0: {  	[sflag:s12] =	ssyncadd.s32 $0xFFFFF800  }
0x3f1: {  	_ =	swait.ge [sflag:s16], $0x800  }
0x3f2: {  	[sflag:s16] =	ssyncset.done $0x0  }
0x3f3: {  	[sflag:s16] =	ssyncadd.s32 $0xFFFFF800  }
0x3f4: {  	_ =	swait.ge [sflag:s8], $0x800  }
0x3f5: {  	[sflag:s8] =	ssyncset.done $0x0  }
0x3f6: {  	s0 =	simm.s32 $0x7F40;
	[sflag:s8] =	ssyncadd.s32 $0xFFFFF800  }
0x3f7: {  	s10 =	simm.s32 $0xBF40;
	v0 =	vld [tilespmem:s0+$0xFFFFFFC0]  }
0x3f8: {  	v1 =	vld [tilespmem:s10+$0xFFFFFFC0];
	_ =	sdelay $0x4  }
0x3f9: {  	v0 =	vmul.f32 v1, v0;
	_ =	sdelay $0x1  }
0x3fa: {  	[tilespmem:s0+$0xFFFFFFC0] =	vst v0;
	v0 =	vld [tilespmem:s0+$0xFFFFFFD0]  }
0x3fb: {  	v1 =	vld [tilespmem:s10+$0xFFFFFFD0];
	_ =	sdelay $0x4  }
0x3fc: {  	v0 =	vmul.f32 v1, v0;
	_ =	sdelay $0x1  }
0x3fd: {  	[tilespmem:s0+$0xFFFFFFD0] =	vst v0;
	v0 =	vld [tilespmem:s0+$0xFFFFFFE0]  }
0x3fe: {  	v1 =	vld [tilespmem:s10+$0xFFFFFFE0];
	_ =	sdelay $0x4  }
0x3ff: {  	v0 =	vmul.f32 v1, v0;
	_ =	sdelay $0x1  }
0x400: {  	[tilespmem:s0+$0xFFFFFFE0] =	vst v0;
	v0 =	vld [tilespmem:s0+$0xFFFFFFF0]  }
0x401: {  	v1 =	vld [tilespmem:s10+$0xFFFFFFF0];
	_ =	sdelay $0x4  }
0x402: {  	v0 =	vmul.f32 v1, v0;
	_ =	sdelay $0x1  }
0x403: {  	[tilespmem:s0+$0xFFFFFFF0] =	vst v0;
	v0 =	vld [tilespmem:s0+$0x0]  }
0x404: {  	v1 =	vld [tilespmem:s10+$0x0];
	_ =	sdelay $0x4  }
0x405: {  	v0 =	vmul.f32 v1, v0;
	_ =	sdelay $0x1  }
0x406: {  	[tilespmem:s0+$0x0] =	vst v0;
	v0 =	vld [tilespmem:s0+$0x10]  }
0x407: {  	v1 =	vld [tilespmem:s10+$0x10];
	_ =	sdelay $0x4  }
0x408: {  	v0 =	vmul.f32 v1, v0;
	_ =	sdelay $0x1  }
0x409: {  	[tilespmem:s0+$0x10] =	vst v0;
	v0 =	vld [tilespmem:s0+$0x20]  }
0x40a: {  	v1 =	vld [tilespmem:s10+$0x20];
	_ =	sdelay $0x4  }
0x40b: {  	v0 =	vmul.f32 v1, v0;
	_ =	sdelay $0x1  }
0x40c: {  	[tilespmem:s0+$0x20] =	vst v0;
	v0 =	vld [tilespmem:s0+$0x30]  }
0x40d: {  	v1 =	vld [tilespmem:s10+$0x30];
	_ =	sdelay $0x4  }
0x40e: {  	v0 =	vmul.f32 v1, v0  }
0x40f: {  	s11 =	simm.s32 $0x0;
	s15 =	simm.s32 $0x7FC0  }
.LBB2_32:
0x410: {  	v1 =	vld [tilespmem:s15+$0xFFFFFFC0];
	[tilespmem:s0+$0x30] =	vst v0;
	s10 =	sadd.s32 $0x80, s10;
	s0 =	smov.u32 s15  }
0x411: {  	s11 =	sadd.s32 $0x8, s11;
	v0 =	vld [tilespmem:s10+$0xFFFFFFC0]  }
0x412: {  	p0 =	slt.u32 s11, $0x78;
	_ =	sdelay $0x3  }
0x413: {  	v0 =	vmul.f32 v0, v1;
	_ =	sdelay $0x1  }
0x414: {  	[tilespmem:s15+$0xFFFFFFC0] =	vst v0;
	v0 =	vld [tilespmem:s15+$0xFFFFFFD0]  }
0x415: {  	v1 =	vld [tilespmem:s10+$0xFFFFFFD0];
	_ =	sdelay $0x4  }
0x416: {  	v0 =	vmul.f32 v1, v0;
	_ =	sdelay $0x1  }
0x417: {  	[tilespmem:s15+$0xFFFFFFD0] =	vst v0;
	v0 =	vld [tilespmem:s15+$0xFFFFFFE0]  }
0x418: {  	v1 =	vld [tilespmem:s10+$0xFFFFFFE0];
	_ =	sdelay $0x4  }
0x419: {  	v0 =	vmul.f32 v1, v0;
	_ =	sdelay $0x1  }
0x41a: {  	[tilespmem:s15+$0xFFFFFFE0] =	vst v0;
	v0 =	vld [tilespmem:s15+$0xFFFFFFF0]  }
0x41b: {  	v1 =	vld [tilespmem:s10+$0xFFFFFFF0];
	_ =	sdelay $0x4  }
0x41c: {  	v0 =	vmul.f32 v1, v0;
	_ =	sdelay $0x1  }
0x41d: {  	[tilespmem:s15+$0xFFFFFFF0] =	vst v0;
	v0 =	vld [tilespmem:s15+$0x0]  }
0x41e: {  	v1 =	vld [tilespmem:s10+$0x0];
	_ =	sdelay $0x4  }
0x41f: {  	v0 =	vmul.f32 v1, v0;
	_ =	sdelay $0x1  }
0x420: {  	[tilespmem:s15+$0x0] =	vst v0;
	v0 =	vld [tilespmem:s15+$0x10]  }
0x421: {  	v1 =	vld [tilespmem:s10+$0x10];
	_ =	sdelay $0x4  }
0x422: {  	v0 =	vmul.f32 v1, v0;
	_ =	sdelay $0x1  }
0x423: {  	[tilespmem:s15+$0x10] =	vst v0;
	v0 =	vld [tilespmem:s15+$0x20]  }
0x424: {  	v1 =	vld [tilespmem:s10+$0x20];
	_ =	sdelay $0x4  }
0x425: {  	v0 =	vmul.f32 v1, v0;
	_ =	sdelay $0x1  }
0x426: {  	[tilespmem:s15+$0x20] =	vst v0;
	v0 =	vld [tilespmem:s15+$0x30]  }
0x427: {  	v1 =	vld [tilespmem:s10+$0x30];
	_ =	sdelay $0x1  }
.Ltmp15:
0x428: {  	(pc) =	sbr.rel @p0 .LBB2_32-.Ltmp15, $3  }
0x429: {  	_ =	sdelay $0x1  }
0x42a: {  	v0 =	vmul.f32 v1, v0  }
0x42b: {  	s15 =	sadd.s32 $0x80, s15  }
0x42c: {  	[tilespmem:s0+$0x30] =	vst v0;
	s15 =	rddreg [dreg:$0xe];
	s10 =	simm.s32 $0x7F00  }
0x42d: {  	[hbm4b:s15+s3] =	stream.linear.scatter [tilespmem:s10], [sflag:$0x17], $0x800, $0x38;
	[tilespmem:$0xCF00] =	vst v63  }
0x42e: {  	_ =	swait.ge [sflag:s9], $0x800  }
0x42f: {  	[sflag:s9] =	ssyncset.done $0x0  }
0x430: {  	[sflag:s9] =	ssyncadd.s32 $0xFFFFF800  }
0x431: {  	_ =	swait.ge [sflag:s22], $0x800  }
0x432: {  	[sflag:s22] =	ssyncset.done $0x0  }
0x433: {  	[sflag:s22] =	ssyncadd.s32 $0xFFFFF800  }
0x434: {  	_ =	swait.ge [sflag:s19], $0x800  }
0x435: {  	[sflag:s19] =	ssyncset.done $0x0  }
0x436: {  	[sflag:s19] =	ssyncadd.s32 $0xFFFFF800  }
0x437: {  	_ =	swait.ge [sflag:s24], $0x800  }
0x438: {  	[sflag:s24] =	ssyncset.done $0x0  }
0x439: {  	[sflag:s24] =	ssyncadd.s32 $0xFFFFF800  }
0x43a: {  	_ =	swait.ge [sflag:s25], $0x800  }
0x43b: {  	s24 =	rddreg [dreg:$0x10]  }
0x43c: {  	s29 =	rddreg [dreg:$0xf];
	s10 =	sadd.s32 $0x1, s24  }
0x43d: {  	p0 =	sne.s32 s10, s29  }
.Ltmp16:
0x43e: {  	_ = 	snop;
	(pc) =	sbr.rel @p0 .LBB2_1-.Ltmp16, $3  }
0x43f: {  	_ =	sdelay $0x1  }
0x440: {  	[sflag:s25] =	ssyncset.done $0x0  }
0x441: {  	[sflag:s25] =	ssyncadd.s32 $0xFFFFF800  }
0x442: {  	_ =	sfence.sel $0x180000  }
0x443: {  	[bflag:$0x0] =	sbarrier.arrive $0xFFFF  }
0x444: {  	_ =	strace $0x9000004A  }
0x445: {  	s0 =	stileid.u32;
	[bflag:$0x2] =	sbarrier.arrive $0xFFFF  }
0x446: {  	p0 =	sne.s32 s0, $0x0;
	s0 =	rddreg [dreg:$0x2]  }
0x447: {  	s0 =	sadd.s32 @!p0 $0x100000, s0  }
0x448: {  	[sflag:s0] =	ssyncadd.tile.s32 @!p0 $0x1;
	_ =	shalt  }
.Lfunc_end2:
_tile_overlayer_lowered:
.L_overlay_start_2:
0x449: {  	(tag) =	ssettag $0x2  }
0x44a: {  	s0 =	rddreg [dreg:$0x0];
	s2 =	stileid.u32  }
0x44b: {  	s1 =	rddreg [dreg:$0x1];
	p0 =	sne.s32 s2, $0x0  }
0x44c: {  	s3 =	rddreg [dreg:$0x2];
	[bflag:$0x3] =	sbarrier.arrive $0xFFFF;
	s2 =	simm.s32 @!p0 $0x1C19  }
0x44d: {  	[timem:s3], [sflag:s2] =	dma.local @!p0 [hbm:s0], s1  }
0x44e: {  	s0 =	simm.s32 @!p0 $0x19  }
0x44f: {  	_ =	swait.ge @!p0 [sflag:s0], s1  }
0x450: {  	s1 =	ssub.s32 @!p0 $0x0, s1;
	[sflag:s0] =	ssyncset.done @!p0 $0x0  }
0x451: {  	[sflag:s0] =	ssyncadd.s32 @!p0 s1  }
0x452: {  	[bflag:$0x3] =	sbarrier.arrive $0xFFFF  }
0x453: {  	_ =	shalt  }

// kernel: kernel.7.cloned.1.call-start
scs
__scs_entry_jumppad:
0x0: {  	(pc) =	sbr.rel $0x88, $3  }
0x1: {  	(tag) =	ssettag $0x0;
	lr =	simm.s32 $0x1  }
0x2: {  	[smem:$0x3F93] =	sst lr;
	_ =	strace $0xD0000000  }
0x3: {  	_ = 	snop  }
0x4: {  	_ = 	snop  }
0x5: {  	_ = 	snop  }
0x6: {  	_ = 	snop  }
0x7: {  	_ = 	snop  }
__scs_overlays_trampoline_lowered:
0x8: {  	[smem:$0x3FA2] =	sst s0  }
0x9: {  	[smem:$0x3FA3] =	sst s1  }
0xa: {  	[smem:$0x3FA4] =	sst s2  }
0xb: {  	[smem:$0x3FA5] =	sst s3  }
0xc: {  	[smem:$0x3FA6] =	sst s4  }
0xd: {  	[smem:$0x3FA7] =	sst s5  }
0xe: {  	[smem:$0x3FA8] =	sst s6  }
0xf: {  	[smem:$0x3FA9] =	sst s7  }
0x10: {  	[smem:$0x3FAA] =	sst s8  }
0x11: {  	[smem:$0x3FAB] =	sst s9;
	s0 =	simm.s32 @!p0 $0x0  }
0x12: {  	s1 =	sld [smem:$0x3F91];
	s0 =	simm.s32 @p0 $0x1  }
0x13: {  	[smem:$0x3FAC] =	sst s0;
	s0 =	simm.s32 @!p1 $0x0  }
0x14: {  	s2 =	sld [smem:$0x3F90];
	s0 =	simm.s32 @p1 $0x1  }
0x15: {  	[smem:$0x3FAD] =	sst s0;
	s0 =	simm.s32 @!p2 $0x0  }
0x16: {  	s3 =	sld [smem:$0x3FDB];
	s0 =	simm.s32 @p2 $0x1  }
0x17: {  	s4 =	simm.s32 $0x1BF5;
	[smem:$0x3FAF] =	sst s0  }
0x18: {  	s0 =	sld [smem:$0x3F92];
	_ =	swait.ge [sflag:s4], $0x0  }
0x19: {  	s7 =	sld [smem:$0x3F93]  }
0x1a: {  	s8 =	sadd.s32 $0xFFFFE003, lr  }
0x1b: {  	s9 =	sadd.s32 $0xFFFFFEF7, lr;
	s5 =	simm.s32 $0xFFFFFFFF;
	p2 =	slt.u32 s8, $0xFFFFF086  }
0x1c: {  	p1 =	slt.u32 s9, $0xF7A;
	s5 =	simm.s32 @!p2 $0x0  }
0x1d: {  	s5 =	simm.s32 @p1 $0x1;
	p0 =	seq.s32 s7, s2  }
0x1e: {  	s7 =	smul.u32 @!p0 $0xF7A, s2;
	p2 =	seq.s32 @!p0 s5, $0x0  }
0x1f: {  	s9 =	smul.u32 $0xF7A, s1;
	s8 =	simm.s32 @!p0 $0x1BF5;
	p2 =	por !p2, p0  }
0x20: {  	[sflag:s8] =	ssyncset.s32 @!p0 $0xFFFFF086;
	s6 =	sadd.s32 @!p0 s3, s7;
	s7 =	simm.s32 @!p0 $0x108  }
0x21: {  	s3 =	sadd.s32 s3, s9;
	s6 =	sadd.s32 @!p0 $0x88, s6;
	s7 =	simm.s32 @p2 $0x1082  }
0x22: {  	[simem:s7], [sflag:s8] =	dma.local @!p0 [hbm:s6], $0xF7A  }
0x23: {  	s9 =	sor.u32 $0xD0000000, s2;
	s6 =	simm.s32 $0x108;
	_ =	swait.ge @!p0 [sflag:s8], $0x0  }
0x24: {  	s3 =	sadd.s32 $0x88, s3;
	s6 =	simm.s32 @!p1 $0x1082;
	[sflag:s4] =	ssyncset.s32 $0xFFFFF086  }
0x25: {  	[simem:s6], [sflag:s4] =	dma.local [hbm:s3], $0xF7A  }
0x26: {  	[smem:$0x3F93] =	sst s1;
	(tag) =	ssettag s2;
	_ =	strace s9  }
0x27: {  	s1 =	sld [smem:$0x3FA3]  }
0x28: {  	s2 =	sld [smem:$0x3FA4]  }
0x29: {  	s4 =	sld [smem:$0x3FA6]  }
0x2a: {  	p0 =	seq.s32 s5, $0x0;
	s5 =	sld [smem:$0x3FA7]  }
0x2b: {  	s6 =	sld [smem:$0x3FA8]  }
0x2c: {  	s7 =	sld [smem:$0x3FA9]  }
0x2d: {  	s3 =	simm.s32 $0x108;
	s8 =	sld [smem:$0x3FAA]  }
0x2e: {  	s3 =	simm.s32 @!p0 $0x1082;
	s9 =	sld [smem:$0x3FAB]  }
0x2f: {  	lr =	sadd.s32 s0, s3;
	s0 =	sld [smem:$0x3FA2]  }
0x30: {  	s3 =	sld [smem:$0x3FA5]  }
0x31: {  	[smem:$0x3FAE] =	sst s10  }
0x32: {  	s10 =	sld [smem:$0x3FAC];
	_ =	sdelay $0x3  }
0x33: {  	p0 =	seq.s32 s10, $0x1;
	s10 =	sld [smem:$0x3FAE];
	_ =	sdelay $0x3  }
0x34: {  	[smem:$0x3FAE] =	sst s10  }
0x35: {  	s10 =	sld [smem:$0x3FAD];
	_ =	sdelay $0x3  }
0x36: {  	p1 =	seq.s32 s10, $0x1;
	s10 =	sld [smem:$0x3FAE];
	_ =	sdelay $0x3  }
0x37: {  	[smem:$0x3FAE] =	sst s10  }
0x38: {  	s10 =	sld [smem:$0x3FAF]  }
0x39: {  	_ = 	snop;
	(pc) =	sbr.ind lr, $3  }
0x3a: {  	_ = 	snop  }
0x3b: {  	_ = 	snop  }
0x3c: {  	p2 =	seq.s32 s10, $0x1;
	s10 =	sld [smem:$0x3FAE]  }
0x3d: {  	_ =	shalt  }
0x3e: {  	_ =	shalt  }
0x3f: {  	_ =	shalt  }
0x40: {  	_ =	shalt  }
0x41: {  	_ =	shalt  }
0x42: {  	_ =	shalt  }
0x43: {  	_ =	shalt  }
0x44: {  	_ =	shalt  }
0x45: {  	_ =	shalt  }
0x46: {  	_ =	shalt  }
0x47: {  	_ =	shalt  }
0x48: {  	_ =	shalt  }
0x49: {  	_ =	shalt  }
0x4a: {  	_ =	shalt  }
0x4b: {  	_ =	shalt  }
0x4c: {  	_ =	shalt  }
0x4d: {  	_ =	shalt  }
0x4e: {  	_ =	shalt  }
0x4f: {  	_ =	shalt  }
0x50: {  	_ =	shalt  }
0x51: {  	_ =	shalt  }
0x52: {  	_ =	shalt  }
0x53: {  	_ =	shalt  }
0x54: {  	_ =	shalt  }
0x55: {  	_ =	shalt  }
0x56: {  	_ =	shalt  }
0x57: {  	_ =	shalt  }
0x58: {  	_ =	shalt  }
0x59: {  	_ =	shalt  }
0x5a: {  	_ =	shalt  }
0x5b: {  	_ =	shalt  }
0x5c: {  	_ =	shalt  }
0x5d: {  	_ =	shalt  }
0x5e: {  	_ =	shalt  }
0x5f: {  	_ =	shalt  }
0x60: {  	_ =	shalt  }
0x61: {  	_ =	shalt  }
0x62: {  	_ =	shalt  }
0x63: {  	_ =	shalt  }
0x64: {  	_ =	shalt  }
0x65: {  	_ =	shalt  }
0x66: {  	_ =	shalt  }
0x67: {  	_ =	shalt  }
0x68: {  	_ =	shalt  }
0x69: {  	_ =	shalt  }
0x6a: {  	_ =	shalt  }
0x6b: {  	_ =	shalt  }
0x6c: {  	_ =	shalt  }
0x6d: {  	_ =	shalt  }
0x6e: {  	_ =	shalt  }
0x6f: {  	_ =	shalt  }
0x70: {  	_ =	shalt  }
0x71: {  	_ =	shalt  }
0x72: {  	_ =	shalt  }
0x73: {  	_ =	shalt  }
0x74: {  	_ =	shalt  }
0x75: {  	_ =	shalt  }
0x76: {  	_ =	shalt  }
0x77: {  	_ =	shalt  }
0x78: {  	_ =	shalt  }
0x79: {  	_ =	shalt  }
0x7a: {  	_ =	shalt  }
0x7b: {  	_ =	shalt  }
0x7c: {  	_ =	shalt  }
0x7d: {  	_ =	shalt  }
0x7e: {  	_ =	shalt  }
0x7f: {  	_ =	shalt  }
0x80: {  	_ =	shalt  }
0x81: {  	_ =	shalt  }
0x82: {  	_ =	shalt  }
0x83: {  	_ =	shalt  }
0x84: {  	_ =	shalt  }
0x85: {  	_ =	shalt  }
0x86: {  	_ =	shalt  }
0x87: {  	_ =	shalt  }
.Lfunc_end0:
.L_simem_size_0:
called_computation_lowered:
.L_overlay_start_0:
0x88: {  	s2 =	sld [smem:$0x3FD9]  }
0x89: {  	s3 =	sld [smem:$0x3FFE];
	_ =	sdelay $0x1  }
0x8a: {  	s1 =	srdreg.scid  }
0x8b: {  	s0 =	sand.u32 $0x1, s1  }
0x8c: {  	s17 =	sshll.u32 s0, $0xA;
	s2 =	sadd.s32 s3, s2  }
0x8d: {  	s2 =	sadd.s32 s2, s17  }
0x8e: {  	[smem:$0x3FBA] =	sst s2  }
0x8f: {  	_ = 	snop  }
0x90: {  	s2 =	sld [smem:$0x3FD0];
	(tm) =	ssettm $0x1  }
0x91: {  	s18 =	sld [smem:$0x3FFB];
	_ =	sdelay $0x3  }
0x92: {  	_ =	strace s18  }
0x93: {  	s3 =	sld [smem:$0x3FFC];
	_ =	sdelay $0x3  }
0x94: {  	_ =	strace s3  }
0x95: {  	s3 =	sld [smem:$0x3FFD];
	_ =	sdelay $0x3  }
0x96: {  	_ =	strace s3  }
0x97: {  	_ =	strace $0x8FFFFFFF  }
0x98: {  	s19 =	sld [smem:$0x3FDB];
	_ =	sdelay $0x1  }
0x99: {  	s4 =	simm.s32 $_scs_section_size  }
0x9a: {  	s5 =	simm.s32 $_size__tile_overlayer_lowered;
	s6 =	simm.s32 $_tile_overlayer_lowered  }
0x9b: {  	s22 =	simm.s32 $0x1BFF;
	s21 =	sshll.u32 s6, $0x1;
	s3 =	sadd.s32 s4, s19  }
0x9c: {  	s7 =	simm.s32 $0x0;
	s20 =	sshll.u32 s5, $0x1;
	s5 =	sadd.s32 s21, s3  }
0x9d: {  	[timem:s7], [sflag:s22] =	dma.local [hbm:s5], s20  }
0x9e: {  	_ =	swait.ge [sflag:s22], s20  }
0x9f: {  	s4 =	ssub.s32 $0x0, s20;
	[sflag:s22] =	ssyncset.done $0x0  }
0xa0: {  	[sflag:s22] =	ssyncadd.s32 s4;
	_ =	sdelay $0x1  }
0xa1: {  	s23 =	simm.s32 $0x1B8B  }
0xa2: {  	_ =	swait.ge [sflag:s23], $0x1  }
0xa3: {  	[sflag:s23] =	ssyncset.done $0x0  }
0xa4: {  	s25 =	simm.s32 $0x1B8E;
	s24 =	sld [smem:$0x3FFE];
	[sflag:s23] =	ssyncadd.s32 $0xFFFFFFFF  }
0xa5: {  	s26 =	simm.s32 $execute0_lowered;
	[smem:$0x3FD2] =	sst s25  }
0xa6: {  	s5 =	sshll.u32 s26, $0x1;
	_ =	strace $0x80000046;
	[dreg:$0x1] =	wrdreg $0xFFFFFFFF  }
0xa7: {  	s28 =	simm.s32 $_size_execute0_lowered;
	s3 =	sadd.s32 s3, s5;
	[dreg:$0x0] =	wrdreg $0x0  }
0xa8: {  	s5 =	sshll.u32 s28, $0x1;
	[dreg:$0x2] =	wrdreg s3  }
0xa9: {  	[dreg:$0x3] =	wrdreg s5  }
0xaa: {  	[dreg:$0x4] =	wrdreg $0xC0  }
0xab: {  	_ =	task [dreg:s7], $0x5FFFF  }
0xac: {  	[dreg:$0x1] =	wrdreg $0xFFFFFFFF  }
0xad: {  	[dreg:$0x0] =	wrdreg $0x60  }
0xae: {  	[dreg:$0x2] =	wrdreg s24  }
0xaf: {  	[dreg:$0x3] =	wrdreg s2  }
0xb0: {  	[dreg:$0x4] =	wrdreg $0x98E00  }
0xb1: {  	[dreg:$0x5] =	wrdreg $0x9  }
0xb2: {  	_ =	task.clear_ibuf [dreg:s7], $0x6FFFF;
	_ =	strace $0x90000046  }
0xb3: {  	s29 =	simm.s32 $0x9;
	_ =	strace $0x80000048  }
0xb4: {  	_ =	swait.ge [sflag:s29], $0x1  }
0xb5: {  	[sflag:s29] =	ssyncadd.s32 $0xFFFFFFFF  }
0xb6: {  	_ =	strace $0x90000048  }
0xb7: {  	_ =	sfence  }
0xb8: {  	s30 =	sld [smem:$0x0];
	_ =	sdelay $0x2  }
0xb9: {  	s31 =	sshll.u32 s1, $0xD;
	s1 =	sshrl.u32 s1, $0x2  }
0xba: {  	s3 =	sand.u32 $0x4000, s31;
	s1 =	sadd.s32 s1, s30  }
0xbb: {  	s0 =	sor.u32 s3, s0;
	s1 =	sshll.u32 s1, $0x11  }
0xbc: {  	s0 =	sor.u32 s1, s0  }
0xbd: {  	s0 =	sadd.s32 $0x8F2B, s0  }
0xbe: {  	[sflag:s0] =	ssyncadd.remote.s32 $0x1  }
0xbf: {  	_ =	sfence.sel $0xFFFF  }
0xc0: {  	[dreg:$0x0] =	wrdreg $0xFFFFFFFF;
	(pc) =	sbr.abs _section_cstart, $3  }
0xc1: {  	[dreg:$0x1] =	wrdreg $0xFFFFFFFF  }
0xc2: {  	_ =	task.clear_ibuf [dreg:s7], $0x2FFFF;
	_ =	strace $0x9FFFFFFF  }
0xc3: {  	(tm) =	ssettm $0x7FFFFFFF  }
tec
execute0_lowered:
.L_overlay_start_1:
0x0: {  	(tag) =	ssettag $0x1  }
0x1: {  	s0 =	rddreg [dreg:$0x0]  }
0x2: {  	s1 =	srdreg.scid;
	s5 =	rddreg [dreg:$0x1]  }
0x3: {  	s10 =	stileid.u32;
	s2 =	rddreg [dreg:$0x2]  }
0x4: {  	s15 =	simm.s32 $0x11;
	s17 =	simm.s32 $0x80;
	s28 =	simm.s32 $0x6F00  }
0x5: {  	s29 =	simm.s32 $0x2;
	s30 =	simm.s32 $0x7700;
	s31 =	simm.s32 $0x3  }
0x6: {  	s16 =	simm.s32 $0x4;
	s11 =	simm.s32 $0xC;
	s13 =	simm.s32 $0xE  }
0x7: {  	s1 =	sand.u32 $0x1, s1;
	s3 =	sshll.u32 s10, $0x1;
	s9 =	smul.u32 $0x2780, s10  }
0x8: {  	s21 =	smul.u32 $0x9E00, s10;
	p0 =	seq.s32 s10, $0xF;
	s4 =	sor.u32 s1, s3  }
0x9: {  	s3 =	simm.s32 $0x0;
	s7 =	ssub.s32 $0x2, s1;
	s1 =	smul.u32 $0x27100, s1  }
0xa: {  	s10 =	simm.s32 $0x8;
	s6 =	smul.u32 $0x4F0, s4;
	[smem:$0x7FF] =	sst s3  }
0xb: {  	s8 =	sshrl.u32 s7, $0x1;
	s4 =	sadd.s32 $0x1FE00, s0;
	s24 =	sshrl.u32 s21, $0x2  }
0xc: {  	s21 =	simm.s32 $0x5F00;
	_ =	strace $0x80000047;
	s18 =	ssub.s32 s7, s8  }
0xd: {  	s20 =	sadd.s32 s9, s1;
	s1 =	sshrl.u32 s1, $0x3;
	s7 =	simm.s32 $0x7  }
0xe: {  	s8 =	simm.s32 $0xB;
	s0 =	sadd.s32 s6, s0;
	s6 =	smax.u32 s18, $0x1  }
0xf: {  	s23 =	sadd.s32 s5, s1;
	s1 =	sadd.s32 s24, s2;
	[dreg:$0x9] =	wrdreg s6  }
0x10: {  	s22 =	sshrl.u32 s20, $0x3;
	s19 =	sadd.s32 $0x16000, s0;
	[dreg:$0x8] =	wrdreg s1  }
0x11: {  	s18 =	simm.s32 $0x4F00;
	s0 =	sadd.s32 $0x2400, s0;
	[dreg:$0x4] =	wrdreg s19  }
0x12: {  	s20 =	simm.s32 $0x8700;
	s25 =	sadd.s32 $0x9E0, s1;
	[dreg:$0x5] =	wrdreg s0  }
0x13: {  	s24 =	simm.s32 $0xF;
	s26 =	sadd.s32 $0x13C0, s1;
	[dreg:$0xa] =	wrdreg s25  }
0x14: {  	s1 =	sadd.s32 $0x1DA0, s1;
	s6 =	simm.s32 $0xA;
	[dreg:$0xb] =	wrdreg s26  }
0x15: {  	s0 =	sadd.s32 s5, s22;
	s5 =	sadd.s32 s9, s2;
	[dreg:$0xc] =	wrdreg s1  }
0x16: {  	s19 =	simm.s32 $0x5700;
	[dreg:$0x6] =	wrdreg s0;
	s0 =	sadd.s32 $0x4A10, s23  }
0x17: {  	s26 =	simm.s32 $0x1;
	[dreg:$0x7] =	wrdreg s0;
	s0 =	sadd.s32 $0x25080, s2  }
0x18: {  	s1 =	simm.s32 $0x7F00;
	s22 =	simm.s32 $0x5;
	s0 =	sshrl.u32 @p0 s0, $0x3  }
0x19: {  	s23 =	simm.s32 $0x6700;
	[dreg:$0xd] =	wrdreg s0;
	s0 =	sshrl.u32 @!p0 s5, $0x3  }
0x1a: {  	v0 =	vimm.f32 $0.0e+00;
	s5 =	simm.s32 $0x6;
	[dreg:$0xe] =	wrdreg s0;
	s0 =	simm.s32 $0x9  }
.LBB2_1:
0x1b: {  	s9 =	simm.s32 $0x40;
	s25 =	simm.s32 $0x0  }
.LBB2_2:
0x1c: {  	p1 =	sne.s32 s9, $0x2740;
	[tilespmem:s25+$0x8F00] =	vst v0;
	s25 =	smov.u32 s9;
	s9 =	sadd.s32 $0x40, s9  }
.Ltmp0:
0x1d: {  	(pc) =	sbr.rel @p1 .LBB2_2-.Ltmp0, $2  }
0x1e: {  	_ =	sdelay $0x2  }
0x1f: {  	s25 =	sshra.s32 s25, $0x2  }
0x20: {  	[tilespmem:s25+$0x8F00] =	vst v0;
	s9 =	rddreg [dreg:$0x8];
	s12 =	simm.s32 $0x8F00  }
0x21: {  	[spmem:s9] =	stream.linear.scatter [tilespmem:s12], [sflag:$0x11], $0x9E0, $0x38;
	[tilespmem:$0xC060] =	vst v63  }
0x22: {  	_ =	swait.ge [sflag:s15], $0x9E0  }
0x23: {  	[sflag:s15] =	ssyncset.done $0x0  }
0x24: {  	s25 =	rddreg [dreg:$0xa];
	[sflag:s15] =	ssyncadd.s32 $0xFFFFF620  }
0x25: {  	[spmem:s25] =	stream.linear.scatter [tilespmem:s12], [sflag:$0x11], $0x9E0, $0x38;
	[tilespmem:$0xC060] =	vst v63  }
0x26: {  	_ =	swait.ge [sflag:s15], $0x9E0  }
0x27: {  	[sflag:s15] =	ssyncset.done $0x0  }
0x28: {  	s14 =	rddreg [dreg:$0xb];
	[sflag:s15] =	ssyncadd.s32 $0xFFFFF620  }
0x29: {  	[spmem:s14] =	stream.linear.scatter [tilespmem:s12], [sflag:$0x11], $0x9E0, $0x38;
	[tilespmem:$0xC060] =	vst v63  }
0x2a: {  	_ =	swait.ge [sflag:s15], $0x9E0  }
0x2b: {  	[sflag:s15] =	ssyncset.done $0x0  }
0x2c: {  	s25 =	rddreg [dreg:$0xc];
	[sflag:s15] =	ssyncadd.s32 $0xFFFFF620  }
0x2d: {  	[spmem:s25] =	stream.linear.scatter [tilespmem:s12], [sflag:$0x11], $0x9E0, $0x38;
	[tilespmem:$0xC060] =	vst v63  }
0x2e: {  	_ =	swait.ge [sflag:s15], $0x9E0  }
0x2f: {  	[sflag:s15] =	ssyncset.done $0x0  }
0x30: {  	s9 =	simm.s32 $0x0;
	s14 =	rddreg [dreg:$0x4];
	[sflag:s15] =	ssyncadd.s32 $0xFFFFF620  }
0x31: {  	[tilespmem:s9], [sflag:$0x11] =	stream.linear.gather [hbm4b:s14+s9], $0x2780, $0x38;
	[tilespmem:$0xC060] =	vst v63  }
0x32: {  	_ =	swait.ge [sflag:s15], $0x2780  }
0x33: {  	[sflag:s15] =	ssyncset.done $0x0  }
0x34: {  	s14 =	simm.s32 $0x2780;
	s25 =	rddreg [dreg:$0x5];
	[sflag:s15] =	ssyncadd.s32 $0xFFFFD880  }
0x35: {  	[tilespmem:s14], [sflag:$0x11] =	stream.linear.gather [hbm4b:s25+s9], $0x2780, $0x38;
	[tilespmem:$0xC060] =	vst v63  }
0x36: {  	_ =	swait.ge [sflag:s15], $0x2780  }
0x37: {  	[sflag:s15] =	ssyncset.done $0x0  }
0x38: {  	[sflag:s15] =	ssyncadd.s32 $0xFFFFD880  }
0x39: {  	[bflag:$0x0] =	sbarrier.arrive $0xFFFF  }
0x3a: {  	[tilespmem:s18], [sflag:$0x1] =	stream.indirect.gather [hbm4b:s4+s17], $0x10, s9, s17, $0xb8;
	[tilespmem:$0xC060] =	vst v63  }
0x3b: {  	_ = 	snop  }
0x3c: {  	[tilespmem:s19], [sflag:$0x2] =	stream.indirect.gather [hbm4b:s4+s17], $0x10, s17, s17, $0xb8;
	[tilespmem:$0xC060] =	vst v63  }
0x3d: {  	s14 =	simm.s32 $0x100  }
0x3e: {  	[tilespmem:s21], [sflag:$0x3] =	stream.indirect.gather [hbm4b:s4+s17], $0x10, s14, s17, $0xb8;
	[tilespmem:$0xC060] =	vst v63  }
0x3f: {  	s25 =	simm.s32 $0x180  }
0x40: {  	[tilespmem:s23], [sflag:$0x4] =	stream.indirect.gather [hbm4b:s4+s17], $0x10, s25, s17, $0xb8;
	[tilespmem:$0xC060] =	vst v63  }
0x41: {  	_ =	swait.ge [sflag:s26], $0x800  }
0x42: {  	p1 =	por $0x1, $0x1;
	[sflag:s26] =	ssyncset.done $0x0  }
0x43: {  	s12 =	simm.s32 $0x2780;
	s25 =	simm.s32 @!p1 $0xD;
	[sflag:s26] =	ssyncadd.s32 $0xFFFFF800  }
0x44: {  	[spmem:s2] =	stream.indirect.scatter.add.f32 [tilespmem:s18], [sflag:$0x9], $0x10, s12, s17, $0xb8;
	[tilespmem:$0xC060] =	vst v63  }
0x45: {  	_ =	swait.ge @!p1 [sflag:s25], $0x800  }
0x46: {  	[sflag:s25] =	ssyncset.done @!p1 $0x0  }
0x47: {  	s14 =	simm.s32 $0x200;
	[sflag:s25] =	ssyncadd.s32 @!p1 $0xFFFFF800  }
0x48: {  	[tilespmem:s28], [sflag:$0x5] =	stream.indirect.gather [hbm4b:s4+s17], $0x10, s14, s17, $0xb8;
	[tilespmem:$0xC060] =	vst v63  }
0x49: {  	_ =	swait.ge [sflag:s29], $0x800  }
0x4a: {  	[sflag:s29] =	ssyncset.done $0x0  }
0x4b: {  	s12 =	simm.s32 $0x2800;
	s25 =	simm.s32 @!p1 $0xE;
	[sflag:s29] =	ssyncadd.s32 $0xFFFFF800  }
0x4c: {  	[spmem:s2] =	stream.indirect.scatter.add.f32 [tilespmem:s19], [sflag:$0xA], $0x10, s12, s17, $0xb8;
	[tilespmem:$0xC060] =	vst v63  }
0x4d: {  	_ =	swait.ge @!p1 [sflag:s25], $0x800  }
0x4e: {  	[sflag:s25] =	ssyncset.done @!p1 $0x0  }
0x4f: {  	s14 =	simm.s32 $0x280;
	[sflag:s25] =	ssyncadd.s32 @!p1 $0xFFFFF800  }
0x50: {  	[tilespmem:s30], [sflag:$0x6] =	stream.indirect.gather [hbm4b:s4+s17], $0x10, s14, s17, $0xb8;
	[tilespmem:$0xC060] =	vst v63  }
0x51: {  	_ =	swait.ge [sflag:s31], $0x800  }
0x52: {  	[sflag:s31] =	ssyncset.done $0x0  }
0x53: {  	s12 =	simm.s32 $0x2880;
	s25 =	simm.s32 @!p1 $0xF;
	[sflag:s31] =	ssyncadd.s32 $0xFFFFF800  }
0x54: {  	[spmem:s2] =	stream.indirect.scatter.add.f32 [tilespmem:s21], [sflag:$0xB], $0x10, s12, s17, $0xb8;
	[tilespmem:$0xC060] =	vst v63  }
0x55: {  	_ =	swait.ge @!p1 [sflag:s25], $0x800  }
0x56: {  	[sflag:s25] =	ssyncset.done @!p1 $0x0  }
0x57: {  	s14 =	simm.s32 $0x300;
	[sflag:s25] =	ssyncadd.s32 @!p1 $0xFFFFF800  }
0x58: {  	[tilespmem:s1], [sflag:$0x7] =	stream.indirect.gather [hbm4b:s4+s17], $0x10, s14, s17, $0xb8;
	[tilespmem:$0xC060] =	vst v63  }
0x59: {  	_ =	swait.ge [sflag:s16], $0x800  }
0x5a: {  	[sflag:s16] =	ssyncset.done $0x0  }
0x5b: {  	s12 =	simm.s32 $0x2900;
	s25 =	simm.s32 @!p1 $0x10;
	[sflag:s16] =	ssyncadd.s32 $0xFFFFF800  }
0x5c: {  	[spmem:s2] =	stream.indirect.scatter.add.f32 [tilespmem:s23], [sflag:$0xC], $0x10, s12, s17, $0xb8;
	[tilespmem:$0xC060] =	vst v63  }
0x5d: {  	_ =	swait.ge @!p1 [sflag:s25], $0x800  }
0x5e: {  	[sflag:s25] =	ssyncset.done @!p1 $0x0  }
0x5f: {  	s14 =	simm.s32 $0x380;
	[sflag:s25] =	ssyncadd.s32 @!p1 $0xFFFFF800  }
0x60: {  	[tilespmem:s20], [sflag:$0x8] =	stream.indirect.gather [hbm4b:s4+s17], $0x10, s14, s17, $0xb8;
	[tilespmem:$0xC060] =	vst v63  }
0x61: {  	_ =	swait.ge [sflag:s22], $0x800  }
0x62: {  	[sflag:s22] =	ssyncset.done $0x0  }
0x63: {  	s25 =	simm.s32 $0x2980;
	[sflag:s22] =	ssyncadd.s32 $0xFFFFF800  }
0x64: {  	[spmem:s2] =	stream.indirect.scatter.add.f32 [tilespmem:s28], [sflag:$0xD], $0x10, s25, s17, $0xb8;
	[tilespmem:$0xC060] =	vst v63  }
0x65: {  	_ =	swait.ge [sflag:s0], $0x800  }
0x66: {  	[sflag:s0] =	ssyncset.done $0x0  }
0x67: {  	s12 =	simm.s32 $0x400;
	[sflag:s0] =	ssyncadd.s32 $0xFFFFF800  }
0x68: {  	[tilespmem:s18], [sflag:$0x1] =	stream.indirect.gather [hbm4b:s4+s17], $0x10, s12, s17, $0xb8;
	[tilespmem:$0xC060] =	vst v63  }
0x69: {  	_ =	swait.ge [sflag:s5], $0x800  }
0x6a: {  	[sflag:s5] =	ssyncset.done $0x0  }
0x6b: {  	s14 =	simm.s32 $0x2A00;
	[sflag:s5] =	ssyncadd.s32 $0xFFFFF800  }
0x6c: {  	[spmem:s2] =	stream.indirect.scatter.add.f32 [tilespmem:s30], [sflag:$0xE], $0x10, s14, s17, $0xb8;
	[tilespmem:$0xC060] =	vst v63  }
0x6d: {  	_ =	swait.ge [sflag:s6], $0x800  }
0x6e: {  	[sflag:s6] =	ssyncset.done $0x0  }
0x6f: {  	s25 =	simm.s32 $0x480;
	[sflag:s6] =	ssyncadd.s32 $0xFFFFF800  }
0x70: {  	[tilespmem:s19], [sflag:$0x2] =	stream.indirect.gather [hbm4b:s4+s17], $0x10, s25, s17, $0xb8;
	[tilespmem:$0xC060] =	vst v63  }
0x71: {  	_ =	swait.ge [sflag:s7], $0x800  }
0x72: {  	[sflag:s7] =	ssyncset.done $0x0  }
0x73: {  	s12 =	simm.s32 $0x2A80;
	[sflag:s7] =	ssyncadd.s32 $0xFFFFF800  }
0x74: {  	[spmem:s2] =	stream.indirect.scatter.add.f32 [tilespmem:s1], [sflag:$0xF], $0x10, s12, s17, $0xb8;
	[tilespmem:$0xC060] =	vst v63  }
0x75: {  	_ =	swait.ge [sflag:s8], $0x800  }
0x76: {  	[sflag:s8] =	ssyncset.done $0x0  }
0x77: {  	s14 =	simm.s32 $0x500;
	[sflag:s8] =	ssyncadd.s32 $0xFFFFF800  }
0x78: {  	[tilespmem:s21], [sflag:$0x3] =	stream.indirect.gather [hbm4b:s4+s17], $0x10, s14, s17, $0xb8;
	[tilespmem:$0xC060] =	vst v63  }
0x79: {  	_ =	swait.ge [sflag:s10], $0x800  }
0x7a: {  	[sflag:s10] =	ssyncset.done $0x0  }
0x7b: {  	s25 =	simm.s32 $0x2B00;
	[sflag:s10] =	ssyncadd.s32 $0xFFFFF800  }
0x7c: {  	[spmem:s2] =	stream.indirect.scatter.add.f32 [tilespmem:s20], [sflag:$0x10], $0x10, s25, s17, $0xb8;
	[tilespmem:$0xC060] =	vst v63  }
0x7d: {  	_ =	swait.ge [sflag:s11], $0x800  }
0x7e: {  	s9 =	simm.s32 $0x1000;
	s25 =	simm.s32 $0x580;
	[sflag:s11] =	ssyncset.done $0x0  }
.LBB2_4:
0x7f: {  	[sflag:s11] =	ssyncadd.s32 $0xFFFFF800;
	s14 =	smov.u32 s9;
	s9 =	sadd.s32 $0x1000, s9  }
0x80: {  	[tilespmem:s23], [sflag:$0x4] =	stream.indirect.gather [hbm4b:s4+s17], $0x10, s25, s17, $0xb8;
	[tilespmem:$0xC060] =	vst v63  }
0x81: {  	s25 =	sshra.s32 s14, $0x2;
	p1 =	sne.s32 s9, $0x9000;
	_ =	swait.ge [sflag:s26], $0x800  }
0x82: {  	p2 =	seq.s32 s14, $0x0;
	s12 =	sadd.s32 $0x2780, s25;
	[sflag:s26] =	ssyncset.done $0x0  }
0x83: {  	s14 =	simm.s32 @!p2 $0xD;
	[sflag:s26] =	ssyncadd.s32 $0xFFFFF800  }
0x84: {  	[spmem:s2] =	stream.indirect.scatter.add.f32 [tilespmem:s18], [sflag:$0x9], $0x10, s12, s17, $0xb8;
	[tilespmem:$0xC060] =	vst v63  }
0x85: {  	_ =	swait.ge @!p2 [sflag:s14], $0x800  }
0x86: {  	s12 =	sadd.s32 $0x200, s25;
	[sflag:s14] =	ssyncset.done @!p2 $0x0  }
0x87: {  	[sflag:s14] =	ssyncadd.s32 @!p2 $0xFFFFF800  }
0x88: {  	[tilespmem:s28], [sflag:$0x5] =	stream.indirect.gather [hbm4b:s4+s17], $0x10, s12, s17, $0xb8;
	[tilespmem:$0xC060] =	vst v63  }
0x89: {  	_ =	swait.ge [sflag:s29], $0x800  }
0x8a: {  	s12 =	sadd.s32 $0x2800, s25;
	[sflag:s29] =	ssyncset.done $0x0  }
0x8b: {  	s14 =	simm.s32 @!p2 $0xE;
	[sflag:s29] =	ssyncadd.s32 $0xFFFFF800  }
0x8c: {  	[spmem:s2] =	stream.indirect.scatter.add.f32 [tilespmem:s19], [sflag:$0xA], $0x10, s12, s17, $0xb8;
	[tilespmem:$0xC060] =	vst v63  }
0x8d: {  	_ =	swait.ge @!p2 [sflag:s14], $0x800  }
0x8e: {  	s12 =	sadd.s32 $0x280, s25;
	[sflag:s14] =	ssyncset.done @!p2 $0x0  }
0x8f: {  	[sflag:s14] =	ssyncadd.s32 @!p2 $0xFFFFF800  }
0x90: {  	[tilespmem:s30], [sflag:$0x6] =	stream.indirect.gather [hbm4b:s4+s17], $0x10, s12, s17, $0xb8;
	[tilespmem:$0xC060] =	vst v63  }
0x91: {  	_ =	swait.ge [sflag:s31], $0x800  }
0x92: {  	s12 =	sadd.s32 $0x2880, s25;
	[sflag:s31] =	ssyncset.done $0x0  }
0x93: {  	s14 =	simm.s32 @!p2 $0xF;
	[sflag:s31] =	ssyncadd.s32 $0xFFFFF800  }
0x94: {  	[spmem:s2] =	stream.indirect.scatter.add.f32 [tilespmem:s21], [sflag:$0xB], $0x10, s12, s17, $0xb8;
	[tilespmem:$0xC060] =	vst v63  }
0x95: {  	_ =	swait.ge @!p2 [sflag:s14], $0x800  }
0x96: {  	s12 =	sadd.s32 $0x300, s25;
	[sflag:s14] =	ssyncset.done @!p2 $0x0  }
0x97: {  	[sflag:s14] =	ssyncadd.s32 @!p2 $0xFFFFF800  }
0x98: {  	[tilespmem:s1], [sflag:$0x7] =	stream.indirect.gather [hbm4b:s4+s17], $0x10, s12, s17, $0xb8;
	[tilespmem:$0xC060] =	vst v63  }
0x99: {  	_ =	swait.ge [sflag:s16], $0x800  }
0x9a: {  	s12 =	sadd.s32 $0x2900, s25;
	[sflag:s16] =	ssyncset.done $0x0  }
0x9b: {  	s14 =	simm.s32 @!p2 $0x10;
	[sflag:s16] =	ssyncadd.s32 $0xFFFFF800  }
0x9c: {  	[spmem:s2] =	stream.indirect.scatter.add.f32 [tilespmem:s23], [sflag:$0xC], $0x10, s12, s17, $0xb8;
	[tilespmem:$0xC060] =	vst v63  }
0x9d: {  	_ =	swait.ge @!p2 [sflag:s14], $0x800  }
0x9e: {  	s12 =	sadd.s32 $0x380, s25;
	[sflag:s14] =	ssyncset.done @!p2 $0x0  }
0x9f: {  	[sflag:s14] =	ssyncadd.s32 @!p2 $0xFFFFF800  }
0xa0: {  	[tilespmem:s20], [sflag:$0x8] =	stream.indirect.gather [hbm4b:s4+s17], $0x10, s12, s17, $0xb8;
	[tilespmem:$0xC060] =	vst v63  }
0xa1: {  	_ =	swait.ge [sflag:s22], $0x800  }
0xa2: {  	s12 =	sadd.s32 $0x2980, s25;
	[sflag:s22] =	ssyncset.done $0x0  }
0xa3: {  	[sflag:s22] =	ssyncadd.s32 $0xFFFFF800  }
0xa4: {  	[spmem:s2] =	stream.indirect.scatter.add.f32 [tilespmem:s28], [sflag:$0xD], $0x10, s12, s17, $0xb8;
	[tilespmem:$0xC060] =	vst v63  }
0xa5: {  	_ =	swait.ge [sflag:s0], $0x800  }
0xa6: {  	s12 =	sadd.s32 $0x400, s25;
	[sflag:s0] =	ssyncset.done $0x0  }
0xa7: {  	[sflag:s0] =	ssyncadd.s32 $0xFFFFF800  }
0xa8: {  	[tilespmem:s18], [sflag:$0x1] =	stream.indirect.gather [hbm4b:s4+s17], $0x10, s12, s17, $0xb8;
	[tilespmem:$0xC060] =	vst v63  }
0xa9: {  	_ =	swait.ge [sflag:s5], $0x800  }
0xaa: {  	s12 =	sadd.s32 $0x2A00, s25;
	[sflag:s5] =	ssyncset.done $0x0  }
0xab: {  	[sflag:s5] =	ssyncadd.s32 $0xFFFFF800  }
0xac: {  	[spmem:s2] =	stream.indirect.scatter.add.f32 [tilespmem:s30], [sflag:$0xE], $0x10, s12, s17, $0xb8;
	[tilespmem:$0xC060] =	vst v63  }
0xad: {  	_ =	swait.ge [sflag:s6], $0x800  }
0xae: {  	s12 =	sadd.s32 $0x480, s25;
	[sflag:s6] =	ssyncset.done $0x0  }
0xaf: {  	[sflag:s6] =	ssyncadd.s32 $0xFFFFF800  }
0xb0: {  	[tilespmem:s19], [sflag:$0x2] =	stream.indirect.gather [hbm4b:s4+s17], $0x10, s12, s17, $0xb8;
	[tilespmem:$0xC060] =	vst v63  }
0xb1: {  	_ =	swait.ge [sflag:s7], $0x800  }
0xb2: {  	s12 =	sadd.s32 $0x2A80, s25;
	[sflag:s7] =	ssyncset.done $0x0  }
0xb3: {  	[sflag:s7] =	ssyncadd.s32 $0xFFFFF800  }
0xb4: {  	[spmem:s2] =	stream.indirect.scatter.add.f32 [tilespmem:s1], [sflag:$0xF], $0x10, s12, s17, $0xb8;
	[tilespmem:$0xC060] =	vst v63  }
0xb5: {  	_ =	swait.ge [sflag:s8], $0x800  }
0xb6: {  	s12 =	sadd.s32 $0x500, s25;
	[sflag:s8] =	ssyncset.done $0x0  }
0xb7: {  	[sflag:s8] =	ssyncadd.s32 $0xFFFFF800  }
0xb8: {  	[tilespmem:s21], [sflag:$0x3] =	stream.indirect.gather [hbm4b:s4+s17], $0x10, s12, s17, $0xb8;
	[tilespmem:$0xC060] =	vst v63  }
0xb9: {  	_ =	swait.ge [sflag:s10], $0x800  }
.Ltmp1:
0xba: {  	s12 =	sadd.s32 $0x2B00, s25;
	[sflag:s10] =	ssyncset.done $0x0;
	(pc) =	sbr.rel @p1 .LBB2_4-.Ltmp1, $4  }
0xbb: {  	[sflag:s10] =	ssyncadd.s32 $0xFFFFF800  }
0xbc: {  	[spmem:s2] =	stream.indirect.scatter.add.f32 [tilespmem:s20], [sflag:$0x10], $0x10, s12, s17, $0xb8;
	[tilespmem:$0xC060] =	vst v63  }
0xbd: {  	_ =	swait.ge [sflag:s11], $0x800  }
0xbe: {  	s25 =	sadd.s32 $0x580, s25;
	[sflag:s11] =	ssyncset.done $0x0  }
0xbf: {  	[sflag:s11] =	ssyncadd.s32 $0xFFFFF800  }
0xc0: {  	[tilespmem:s23], [sflag:$0x4] =	stream.indirect.gather [hbm4b:s4+s17], $0x10, s25, s17, $0xb8;
	[tilespmem:$0xC060] =	vst v63  }
0xc1: {  	_ =	swait.ge [sflag:s26], $0x800  }
0xc2: {  	[sflag:s26] =	ssyncset.done $0x0  }
0xc3: {  	s9 =	simm.s32 $0x4B80;
	[sflag:s26] =	ssyncadd.s32 $0xFFFFF800  }
0xc4: {  	[spmem:s2] =	stream.indirect.scatter.add.f32 [tilespmem:s18], [sflag:$0x9], $0x10, s9, s17, $0xb8;
	[tilespmem:$0xC060] =	vst v63  }
0xc5: {  	s9 =	simm.s32 $0xD  }
0xc6: {  	_ =	swait.ge [sflag:s9], $0x800  }
0xc7: {  	[sflag:s9] =	ssyncset.done $0x0  }
0xc8: {  	s12 =	simm.s32 $0x2600;
	[sflag:s9] =	ssyncadd.s32 $0xFFFFF800  }
0xc9: {  	[tilespmem:s28], [sflag:$0x5] =	stream.indirect.gather [hbm4b:s4+s17], $0x10, s12, s17, $0xb8;
	[tilespmem:$0xC060] =	vst v63  }
0xca: {  	_ =	swait.ge [sflag:s29], $0x800  }
0xcb: {  	[sflag:s29] =	ssyncset.done $0x0  }
0xcc: {  	s14 =	simm.s32 $0x4C00;
	[sflag:s29] =	ssyncadd.s32 $0xFFFFF800  }
0xcd: {  	[spmem:s2] =	stream.indirect.scatter.add.f32 [tilespmem:s19], [sflag:$0xA], $0x10, s14, s17, $0xb8;
	[tilespmem:$0xC060] =	vst v63  }
0xce: {  	_ =	swait.ge [sflag:s13], $0x800  }
0xcf: {  	[sflag:s13] =	ssyncset.done $0x0  }
0xd0: {  	s25 =	simm.s32 $0x2680;
	[sflag:s13] =	ssyncadd.s32 $0xFFFFF800  }
0xd1: {  	[tilespmem:s30], [sflag:$0x6] =	stream.indirect.gather [hbm4b:s4+s17], $0x10, s25, s17, $0xb8;
	[tilespmem:$0xC060] =	vst v63  }
0xd2: {  	_ =	swait.ge [sflag:s31], $0x800  }
0xd3: {  	[sflag:s31] =	ssyncset.done $0x0  }
0xd4: {  	s14 =	simm.s32 $0x4C80;
	[sflag:s31] =	ssyncadd.s32 $0xFFFFF800  }
0xd5: {  	[spmem:s2] =	stream.indirect.scatter.add.f32 [tilespmem:s21], [sflag:$0xB], $0x10, s14, s17, $0xb8;
	[tilespmem:$0xC060] =	vst v63  }
0xd6: {  	_ =	swait.ge [sflag:s24], $0x800  }
0xd7: {  	[sflag:s24] =	ssyncset.done $0x0  }
0xd8: {  	s25 =	simm.s32 $0x2700;
	[sflag:s24] =	ssyncadd.s32 $0xFFFFF800  }
0xd9: {  	[tilespmem:s1], [sflag:$0x7] =	stream.indirect.gather [hbm4b:s4+s17], $0x10, s25, s17, $0xb8;
	[tilespmem:$0xC060] =	vst v63  }
0xda: {  	_ =	swait.ge [sflag:s16], $0x800  }
0xdb: {  	[sflag:s16] =	ssyncset.done $0x0  }
0xdc: {  	s14 =	simm.s32 $0x4D00;
	s25 =	simm.s32 $0x10;
	[sflag:s16] =	ssyncadd.s32 $0xFFFFF800  }
0xdd: {  	[spmem:s2] =	stream.indirect.scatter.add.f32 [tilespmem:s23], [sflag:$0xC], $0x10, s14, s17, $0xb8;
	[tilespmem:$0xC060] =	vst v63  }
0xde: {  	_ =	swait.ge [sflag:s25], $0x800  }
0xdf: {  	[sflag:s25] =	ssyncset.done $0x0  }
0xe0: {  	[sflag:s25] =	ssyncadd.s32 $0xFFFFF800  }
0xe1: {  	_ =	swait.ge [sflag:s22], $0x800  }
0xe2: {  	[sflag:s22] =	ssyncset.done $0x0  }
0xe3: {  	s14 =	simm.s32 $0x4D80;
	[sflag:s22] =	ssyncadd.s32 $0xFFFFF800  }
0xe4: {  	[spmem:s2] =	stream.indirect.scatter.add.f32 [tilespmem:s28], [sflag:$0xD], $0x10, s14, s17, $0xb8;
	[tilespmem:$0xC060] =	vst v63  }
0xe5: {  	_ =	swait.ge [sflag:s0], $0x800  }
0xe6: {  	[sflag:s0] =	ssyncset.done $0x0  }
0xe7: {  	[sflag:s0] =	ssyncadd.s32 $0xFFFFF800  }
0xe8: {  	_ =	swait.ge [sflag:s5], $0x800  }
0xe9: {  	[sflag:s5] =	ssyncset.done $0x0  }
0xea: {  	s25 =	simm.s32 $0x4E00;
	[sflag:s5] =	ssyncadd.s32 $0xFFFFF800  }
0xeb: {  	[spmem:s2] =	stream.indirect.scatter.add.f32 [tilespmem:s30], [sflag:$0xE], $0x10, s25, s17, $0xb8;
	[tilespmem:$0xC060] =	vst v63  }
0xec: {  	_ =	swait.ge [sflag:s6], $0x800  }
0xed: {  	[sflag:s6] =	ssyncset.done $0x0  }
0xee: {  	[sflag:s6] =	ssyncadd.s32 $0xFFFFF800  }
0xef: {  	_ =	swait.ge [sflag:s7], $0x800  }
0xf0: {  	[sflag:s7] =	ssyncset.done $0x0  }
0xf1: {  	s14 =	simm.s32 $0x4E80;
	[sflag:s7] =	ssyncadd.s32 $0xFFFFF800  }
0xf2: {  	[spmem:s2] =	stream.indirect.scatter.add.f32 [tilespmem:s1], [sflag:$0xF], $0x10, s14, s17, $0xb8;
	[tilespmem:$0xC060] =	vst v63  }
0xf3: {  	_ =	swait.ge [sflag:s8], $0x800  }
0xf4: {  	[sflag:s8] =	ssyncset.done $0x0  }
0xf5: {  	[sflag:s8] =	ssyncadd.s32 $0xFFFFF800  }
0xf6: {  	_ =	swait.ge [sflag:s11], $0x800  }
0xf7: {  	[sflag:s11] =	ssyncset.done $0x0  }
0xf8: {  	[sflag:s11] =	ssyncadd.s32 $0xFFFFF800  }
0xf9: {  	_ =	swait.ge [sflag:s9], $0x800  }
0xfa: {  	[sflag:s9] =	ssyncset.done $0x0  }
0xfb: {  	[sflag:s9] =	ssyncadd.s32 $0xFFFFF800  }
0xfc: {  	_ =	swait.ge [sflag:s13], $0x800  }
0xfd: {  	[sflag:s13] =	ssyncset.done $0x0  }
0xfe: {  	[sflag:s13] =	ssyncadd.s32 $0xFFFFF800  }
0xff: {  	_ =	swait.ge [sflag:s24], $0x800  }
0x100: {  	[sflag:s24] =	ssyncset.done $0x0  }
0x101: {  	[sflag:s24] =	ssyncadd.s32 $0xFFFFF800  }
0x102: {  	[bflag:$0x0] =	sbarrier.arrive $0xFFFF  }
0x103: {  	s12 =	rddreg [dreg:$0x7]  }
0x104: {  	s9 =	simm.s32 @p0 $0x1FD1;
	s14 =	rddreg [dreg:$0xd]  }
0x105: {  	[hbm:s12], [sflag:s9] =	dma.local @p0 [spmem:s14], $0x410  }
0x106: {  	s9 =	simm.s32 @p0 $0x11  }
0x107: {  	s12 =	stileid.u32;
	_ =	swait.ge @p0 [sflag:s9], $0x410  }
0x108: {  	s12 =	sshll.u32 @!p0 s12, $0x6;
	[sflag:s9] =	ssyncset.done @p0 $0x0;
	s14 =	rddreg [dreg:$0xe]  }
0x109: {  	[sflag:s9] =	ssyncadd.s32 @p0 $0xFFFFFBF0;
	s9 =	sor.u32 @!p0 $0x1C11, s12;
	s12 =	rddreg [dreg:$0x6]  }
0x10a: {  	[hbm:s12], [sflag:s9] =	dma.local @!p0 [spmem:s14], $0x4F0  }
0x10b: {  	s9 =	simm.s32 @!p0 $0x11  }
0x10c: {  	_ =	swait.ge @!p0 [sflag:s9], $0x4F0  }
0x10d: {  	s3 =	sadd.s32 $0x1, s3;
	s25 =	rddreg [dreg:$0x9]  }
0x10e: {  	p1 =	sne.s32 s3, s25  }
.Ltmp2:
0x10f: {  	_ = 	snop;
	(pc) =	sbr.rel @p1 .LBB2_1-.Ltmp2, $3  }
0x110: {  	_ =	sdelay $0x1  }
0x111: {  	[sflag:s9] =	ssyncset.done @!p0 $0x0  }
0x112: {  	[sflag:s9] =	ssyncadd.s32 @!p0 $0xFFFFFB10  }
0x113: {  	_ =	sfence.sel $0x180000  }
0x114: {  	[bflag:$0x0] =	sbarrier.arrive $0xFFFF  }
0x115: {  	_ =	strace $0x90000047  }
0x116: {  	s0 =	stileid.u32;
	[bflag:$0x2] =	sbarrier.arrive $0xFFFF  }
0x117: {  	p0 =	sne.s32 s0, $0x0;
	s0 =	rddreg [dreg:$0x3]  }
0x118: {  	s0 =	sadd.s32 @!p0 $0x100000, s0  }
0x119: {  	[sflag:s0] =	ssyncadd.tile.s32 @!p0 $0x1;
	_ =	shalt  }
.Lfunc_end2:
_tile_overlayer_lowered:
.L_overlay_start_2:
0x11a: {  	(tag) =	ssettag $0x2  }
0x11b: {  	s0 =	rddreg [dreg:$0x0];
	s2 =	stileid.u32  }
0x11c: {  	s1 =	rddreg [dreg:$0x1];
	p0 =	sne.s32 s2, $0x0  }
0x11d: {  	s3 =	rddreg [dreg:$0x2];
	[bflag:$0x3] =	sbarrier.arrive $0xFFFF;
	s2 =	simm.s32 @!p0 $0x1C11  }
0x11e: {  	[timem:s3], [sflag:s2] =	dma.local @!p0 [hbm:s0], s1  }
0x11f: {  	s0 =	simm.s32 @!p0 $0x11  }
0x120: {  	_ =	swait.ge @!p0 [sflag:s0], s1  }
0x121: {  	s1 =	ssub.s32 @!p0 $0x0, s1;
	[sflag:s0] =	ssyncset.done @!p0 $0x0  }
0x122: {  	[sflag:s0] =	ssyncadd.s32 @!p0 s1  }
0x123: {  	[bflag:$0x3] =	sbarrier.arrive $0xFFFF  }
0x124: {  	_ =	shalt  }

</sc_bundles>
